<compile_context>
chip_gen: v7x
topology: tpu7x:2x2x1
jax: 0.10.2.dev20260603
libtpu: 0.0.44.dev20260713+nightly
codegen_flags: <defaults>
</compile_context>

<pallas_src>
import functools

import jax
import jax.numpy as jnp
from jax import lax
from jax.experimental import pallas as pl
from jax.experimental.pallas import tpu as pltpu
from jax.experimental.pallas import tpu_sc as plsc

N = 10000
E = 320000
H = 128

NC = 2
NS = 16
NW = NC * NS
CHUNK = 128
NCHUNKS = E // CHUNK
T0 = 79
T1_BASE = (NCHUNKS - NS * T0) // NS
T1_EXTRA = NCHUNKS - NS * T0 - NS * T1_BASE
TMAX = max(T0, T1_BASE + 1)
DG_BASE = NCHUNKS // NW
DG_EXTRA = NCHUNKS - NW * DG_BASE
NPAD = 10112
ROWS_PER_TILE = NPAD // NS

_mesh = plsc.VectorSubcoreMesh(core_axis_name="c", subcore_axis_name="s")


@functools.partial(
    pl.kernel, mesh=_mesh,
    out_type=[jax.ShapeDtypeStruct((NC * NPAD, H), jnp.float32)],
    scratch_types=(
        [pltpu.VMEM((CHUNK,), jnp.int32) for _ in range(8)]
        + [pltpu.VMEM((CHUNK, H), jnp.float32),
           pltpu.VMEM((CHUNK, H), jnp.float32),
           pltpu.VMEM_SHARED((NPAD, H), jnp.float32)]
        + [pltpu.SemaphoreType.DMA for _ in range(6)]
    ))
def _sc_spmm(src_hbm, dst_hbm, hv_hbm, zh_hbm, s_out, *refs):
    srcs = refs[0:8:2]
    dsts = refs[1:8:2]
    rows = [refs[8], refs[9]]
    s_sh = refs[10]
    gsems = [refs[11], refs[12]]
    isems = refs[13:17]
    cid = lax.axis_index("c")
    sid = lax.axis_index("s")
    wid = cid * NS + sid
    r0 = sid * ROWS_PER_TILE
    nsub = (ROWS_PER_TILE + CHUNK - 1) // CHUNK
    pltpu.sync_copy(zh_hbm, rows[0])
    for k in range(nsub):
        nr = min(CHUNK, ROWS_PER_TILE - k * CHUNK)
        pltpu.sync_copy(rows[0].at[pl.ds(0, nr)],
                        s_sh.at[pl.ds(r0 + k * CHUNK, nr)])
    plsc.subcore_barrier()

    my_t = jnp.where(cid == 0, T0,
                     T1_BASE + jnp.where(sid < T1_EXTRA, 1, 0))
    base = jnp.where(cid == 0, sid * T0,
                     NS * T0 + sid * T1_BASE + jnp.minimum(sid, T1_EXTRA)) * CHUNK

    def start_idx(c, p):
        off = base + c * CHUNK
        pltpu.async_copy(src_hbm.at[pl.ds(off, CHUNK)], srcs[p], isems[p])
        pltpu.async_copy(dst_hbm.at[pl.ds(off, CHUNK)], dsts[p], isems[p])

    def wait_idx(p):
        pltpu.make_async_copy(src_hbm.at[pl.ds(0, CHUNK)], srcs[p], isems[p]).wait()
        pltpu.make_async_copy(dst_hbm.at[pl.ds(0, CHUNK)], dsts[p], isems[p]).wait()

    def start_gather(p, r):
        pltpu.async_copy(hv_hbm.at[srcs[p]], rows[r], gsems[r])

    def finish_chunk(p, r):
        pltpu.make_async_copy(hv_hbm.at[srcs[p]], rows[r], gsems[r]).wait()
        pltpu.sync_copy(rows[r], s_sh.at[dsts[p]], add=True)

    for p in range(4):
        @pl.when(p < my_t)
        def _():
            start_idx(p, p)

    @pl.when(0 < my_t)
    def _():
        wait_idx(0)
        start_gather(0, 0)

    def chunk_body(jj, carry):
        c0 = jj * 4
        for k in range(4):
            c = c0 + k
            p = k
            pn = (k + 1) % 4
            r = k % 2
            rn = (k + 1) % 2

            @pl.when(c + 1 < my_t)
            def _():
                wait_idx(pn)
                start_gather(pn, rn)

            @pl.when(c < my_t)
            def _():
                finish_chunk(p, r)

            @pl.when(c + 4 < my_t)
            def _():
                start_idx(c + 4, p)
        return carry

    lax.fori_loop(0, (TMAX + 3) // 4, chunk_body, 0)
    plsc.subcore_barrier()
    for k in range(nsub):
        nr = min(CHUNK, ROWS_PER_TILE - k * CHUNK)
        off = r0 + k * CHUNK
        pltpu.sync_copy(s_sh.at[pl.ds(off, nr)], rows[0].at[pl.ds(0, nr)])
        pltpu.sync_copy(rows[0].at[pl.ds(0, nr)],
                        s_out.at[pl.ds(cid * NPAD + off, nr)])


@functools.partial(
    pl.kernel, mesh=_mesh,
    out_type=[jax.ShapeDtypeStruct((NC * NPAD, H), jnp.float32)],
    scratch_types=[
        pltpu.VMEM((CHUNK,), jnp.int32),
        pltpu.VMEM((CHUNK,), jnp.int32),
        pltpu.VMEM((CHUNK, H), jnp.float32),
        pltpu.VMEM_SHARED((NPAD, H), jnp.float32),
        pltpu.SemaphoreType.DMA,
        pltpu.SemaphoreType.DMA,
    ])
def _sc_deg(dst_hbm, ones_hbm, zh_hbm, d_out, dst_vA, dst_vB, rows_v, d_sh,
            isemA, isemB):
    cid = lax.axis_index("c")
    sid = lax.axis_index("s")
    wid = cid * NS + sid
    r0 = sid * ROWS_PER_TILE
    nsub = (ROWS_PER_TILE + CHUNK - 1) // CHUNK
    pltpu.sync_copy(zh_hbm, rows_v)
    for k in range(nsub):
        rows = min(CHUNK, ROWS_PER_TILE - k * CHUNK)
        pltpu.sync_copy(rows_v.at[pl.ds(0, rows)],
                        d_sh.at[pl.ds(r0 + k * CHUNK, rows)])
    pltpu.sync_copy(ones_hbm, rows_v)
    plsc.subcore_barrier()

    my_t = DG_BASE + jnp.where(wid < DG_EXTRA, 1, 0)
    base = (wid * DG_BASE + jnp.minimum(wid, DG_EXTRA)) * CHUNK

    def start_idx(c, dst_v, isem):
        pltpu.async_copy(dst_hbm.at[pl.ds(base + c * CHUNK, CHUNK)], dst_v, isem)

    def wait_idx(dst_v, isem):
        pltpu.make_async_copy(dst_hbm.at[pl.ds(0, CHUNK)], dst_v, isem).wait()

    start_idx(0, dst_vA, isemA)

    def chunk_body(jj, carry):
        c0 = jj * 2
        c1 = c0 + 1

        @pl.when(c1 < my_t)
        def _():
            start_idx(c1, dst_vB, isemB)

        @pl.when(c0 < my_t)
        def _():
            wait_idx(dst_vA, isemA)
            pltpu.sync_copy(rows_v, d_sh.at[dst_vA], add=True)

        @pl.when(c0 + 2 < my_t)
        def _():
            start_idx(c0 + 2, dst_vA, isemA)

        @pl.when(c1 < my_t)
        def _():
            wait_idx(dst_vB, isemB)
            pltpu.sync_copy(rows_v, d_sh.at[dst_vB], add=True)

        return carry

    lax.fori_loop(0, (DG_BASE + 2) // 2, chunk_body, 0)
    plsc.subcore_barrier()
    for k in range(nsub):
        rows = min(CHUNK, ROWS_PER_TILE - k * CHUNK)
        off = r0 + k * CHUNK
        pltpu.sync_copy(d_sh.at[pl.ds(off, rows)], rows_v.at[pl.ds(0, rows)])
        pltpu.sync_copy(rows_v.at[pl.ds(0, rows)],
                        d_out.at[pl.ds(cid * NPAD + off, rows)])


_B = 2000


def _gru_update(hv, s_ref, d_ref, Wd_ref, Ws_ref, cb_ref,
                Wih_ref, Whh_ref, bih_ref, bhh_ref):
    S = s_ref[0] + s_ref[1]
    deg = d_ref[0][:, 0:1] + d_ref[1][:, 0:1]
    a = (jnp.dot(deg * hv, Wd_ref[...], preferred_element_type=jnp.float32)
         + jnp.dot(S, Ws_ref[...], preferred_element_type=jnp.float32)
         + deg * cb_ref[...])
    gi = jnp.dot(a, Wih_ref[...], preferred_element_type=jnp.float32) + bih_ref[...]
    gh = jnp.dot(hv, Whh_ref[...], preferred_element_type=jnp.float32) + bhh_ref[...]
    r = jax.nn.sigmoid(gi[:, :H] + gh[:, :H])
    z = jax.nn.sigmoid(gi[:, H:2 * H] + gh[:, H:2 * H])
    nn = jnp.tanh(gi[:, 2 * H:] + r * gh[:, 2 * H:])
    return (1.0 - z) * nn + z * hv


def _tc_round_body(hv_ref, s_ref, d_ref, Wd_ref, Ws_ref, cb_ref,
                   Wih_ref, Whh_ref, bih_ref, bhh_ref, out_ref):
    out_ref[...] = _gru_update(hv_ref[...], s_ref, d_ref, Wd_ref, Ws_ref,
                               cb_ref, Wih_ref, Whh_ref, bih_ref, bhh_ref)


def _tc_embed_body(hv_ref, s_ref, d_ref, Wd_ref, Ws_ref, cb_ref,
                   Wih_ref, Whh_ref, bih_ref, bhh_ref,
                   wg_ref, bg_ref, Wntg_ref, bntg_ref, out_ref):
    hv2 = _gru_update(hv_ref[...], s_ref, d_ref, Wd_ref, Ws_ref, cb_ref,
                      Wih_ref, Whh_ref, bih_ref, bhh_ref)
    gate = jax.nn.sigmoid(
        jnp.sum(hv2 * wg_ref[...], axis=1, keepdims=True) + bg_ref[...])
    y = jnp.dot(hv2, Wntg_ref[...], preferred_element_type=jnp.float32) + bntg_ref[...]
    part = jnp.sum(gate * y, axis=0, keepdims=True)
    i = pl.program_id(0)

    @pl.when(i == 0)
    def _():
        out_ref[...] = part

    @pl.when(i != 0)
    def _():
        out_ref[...] += part


_COMMON_SPECS = [
    pl.BlockSpec((_B, H), lambda i: (i, 0)),
    pl.BlockSpec((NC, _B, H), lambda i: (0, i, 0)),
    pl.BlockSpec((NC, _B, H), lambda i: (0, i, 0)),
    pl.BlockSpec((H, 2 * H), lambda i: (0, 0)),
    pl.BlockSpec((H, 2 * H), lambda i: (0, 0)),
    pl.BlockSpec((1, 2 * H), lambda i: (0, 0)),
    pl.BlockSpec((2 * H, 3 * H), lambda i: (0, 0)),
    pl.BlockSpec((H, 3 * H), lambda i: (0, 0)),
    pl.BlockSpec((1, 3 * H), lambda i: (0, 0)),
    pl.BlockSpec((1, 3 * H), lambda i: (0, 0)),
]

_tc_round = pl.pallas_call(
    _tc_round_body,
    grid=(N // _B,),
    in_specs=_COMMON_SPECS,
    out_specs=pl.BlockSpec((_B, H), lambda i: (i, 0)),
    out_shape=jax.ShapeDtypeStruct((N, H), jnp.float32),
)

_tc_embed = pl.pallas_call(
    _tc_embed_body,
    grid=(N // _B,),
    in_specs=_COMMON_SPECS + [
        pl.BlockSpec((1, H), lambda i: (0, 0)),
        pl.BlockSpec((1, 1), lambda i: (0, 0)),
        pl.BlockSpec((H, 2 * H), lambda i: (0, 0)),
        pl.BlockSpec((1, 2 * H), lambda i: (0, 0)),
    ],
    out_specs=pl.BlockSpec((1, 2 * H), lambda i: (0, 0)),
    out_shape=jax.ShapeDtypeStruct((1, 2 * H), jnp.float32),
)


def kernel(hv, edge_index, he, W_msg, b_msg, W_ih, W_hh, b_ih, b_hh,
           W_gate, b_gate, W_ntg, b_ntg):
    del he
    src_p = edge_index[0]
    dst_p = edge_index[1]
    zh = jnp.zeros((CHUNK, H), jnp.float32)
    ones_rows = jnp.ones((CHUNK, H), jnp.float32)

    Wd = W_msg[:, :H]
    Ws = W_msg[:, H:2 * H]
    cb = (W_msg[:, 2 * H] + b_msg)[:, None, :]
    bih = b_ih[:, None, :]
    bhh = b_hh[:, None, :]

    (d0,) = _sc_deg(dst_p, ones_rows, zh)
    d0 = d0.reshape(NC, NPAD, H)
    (s0,) = _sc_spmm(src_p, dst_p, hv, zh)
    s0 = s0.reshape(NC, NPAD, H)
    hv1 = _tc_round(hv, s0, d0, Wd[0], Ws[0], cb[0], W_ih[0], W_hh[0],
                    bih[0], bhh[0])
    (s1,) = _sc_spmm(src_p, dst_p, hv1, zh)
    s1 = s1.reshape(NC, NPAD, H)
    return _tc_embed(hv1, s1, d0, Wd[1], Ws[1], cb[1], W_ih[1], W_hh[1],
                     bih[1], bhh[1], W_gate.T, b_gate.reshape(1, 1),
                     W_ntg, b_ntg.reshape(1, 2 * H))

# --- scband reference (transcript-rebuilt; emitter-appended) ---
"""Pipeline reference for scband-dgmg-10565619548255 (READ-ONLY COPY).

The authoritative reference and input builder live on the scoring server;
editing this copy changes nothing except your own understanding.
"""

import jax, jax.numpy as jnp
import numpy as np

N_NODES = 10000
N_EDGES = 320000
H = 128
ROUNDS = 2


def setup_inputs(seed: int = 0):
    key = jax.random.key(seed)
    k = jax.random.split(key, 8)
    hv = jax.random.normal(k[0], (N_NODES, H), dtype=jnp.float32)
    edge_index = jax.random.randint(k[1], (2, N_EDGES), 0, N_NODES, dtype=jnp.int32)
    he = jnp.ones((N_EDGES, 1), dtype=jnp.float32)
    # GraphProp params per round: message Linear(2H+1 -> 2H), GRUCell(2H -> H)
    W_msg = jax.random.normal(k[2], (ROUNDS, 2 * H + 1, 2 * H), dtype=jnp.float32) * 0.05
    b_msg = jnp.zeros((ROUNDS, 2 * H), dtype=jnp.float32)
    W_ih = jax.random.normal(k[3], (ROUNDS, 2 * H, 3 * H), dtype=jnp.float32) * 0.05
    W_hh = jax.random.normal(k[4], (ROUNDS, H, 3 * H), dtype=jnp.float32) * 0.05
    b_ih = jnp.zeros((ROUNDS, 3 * H), dtype=jnp.float32)
    b_hh = jnp.zeros((ROUNDS, 3 * H), dtype=jnp.float32)
    # GraphEmbed params: gating Linear(H->1), node_to_graph Linear(H->2H)
    W_gate = jax.random.normal(k[5], (H, 1), dtype=jnp.float32) * 0.05
    b_gate = jnp.zeros((1,), dtype=jnp.float32)
    W_ntg = jax.random.normal(k[6], (H, 2 * H), dtype=jnp.float32) * 0.05
    b_ntg = jnp.zeros((2 * H,), dtype=jnp.float32)
    return {"hv": hv, "edge_index": edge_index, "he": he,
            "W_msg": W_msg, "b_msg": b_msg, "W_ih": W_ih, "W_hh": W_hh,
            "b_ih": b_ih, "b_hh": b_hh, "W_gate": W_gate, "b_gate": b_gate,
            "W_ntg": W_ntg, "b_ntg": b_ntg}


def _gru_cell(x, h, W_ih, W_hh, b_ih, b_hh):
    gi = x @ W_ih + b_ih
    gh = h @ W_hh + b_hh
    i_r, i_z, i_n = jnp.split(gi, 3, axis=1)
    h_r, h_z, h_n = jnp.split(gh, 3, axis=1)
    r = jax.nn.sigmoid(i_r + h_r)
    z = jax.nn.sigmoid(i_z + h_z)
    n = jnp.tanh(i_n + r * h_n)
    return (1.0 - z) * n + z * h


def reference(hv, edge_index, he, W_msg, b_msg, W_ih, W_hh, b_ih, b_hh, W_gate, b_gate, W_ntg, b_ntg):
    # DGMG GraphProp rounds (dgmg_msg + dgmg_reduce + GRU update), then GraphEmbed
    src = edge_index[0]
    dst = edge_index[1]
    n = hv.shape[0]
    for t in range(ROUNDS):
        h_src = jnp.take(hv, src, axis=0)
        h_dst = jnp.take(hv, dst, axis=0)
        # message = Linear([hv_dst, m]) where m = [hv_src, he]
        msg_in = jnp.concatenate([h_dst, h_src, he], axis=1)
        msg = msg_in @ W_msg[t] + b_msg[t]
        # sum messages per destination node -> node activation 'a'
        a = jax.ops.segment_sum(msg, dst, num_segments=n)
        # GRUCell(a, hv)
        hv = _gru_cell(a, hv, W_ih[t], W_hh[t], b_ih[t], b_hh[t])
    # GraphEmbed: gated sum over nodes -> [1, 2H]
    gate = jax.nn.sigmoid(hv @ W_gate + b_gate)
    graph_embed = jnp.sum(gate * (hv @ W_ntg + b_ntg), axis=0, keepdims=True)
    return graph_embed

if __name__ == "__main__":
    import jax
    _d = setup_inputs()
    print(jax.jit(kernel)(*tuple(_d.values())))

</pallas_src>

<mosaic_0001>
#map = affine_map<(d0, d1) -> (0)>
#map1 = affine_map<(d0, d1) -> (0, 0)>
module attributes {stable_mosaic.version = 14 : i64} {
  func.func @_sc_spmm(%arg0: i32, %arg1: i32, %arg2: memref<320000xi32, #tpu.memory_space<hbm>>, %arg3: memref<320000xi32, #tpu.memory_space<hbm>>, %arg4: memref<10000x128xf32, #tpu.memory_space<hbm>>, %arg5: memref<128x128xf32, #tpu.memory_space<hbm>>, %arg6: memref<20224x128xf32, #tpu.memory_space<hbm>>, %arg7: memref<128xi32, #tpu.memory_space<vmem>>, %arg8: memref<128xi32, #tpu.memory_space<vmem>>, %arg9: memref<128xi32, #tpu.memory_space<vmem>>, %arg10: memref<128xi32, #tpu.memory_space<vmem>>, %arg11: memref<128xi32, #tpu.memory_space<vmem>>, %arg12: memref<128xi32, #tpu.memory_space<vmem>>, %arg13: memref<128xi32, #tpu.memory_space<vmem>>, %arg14: memref<128xi32, #tpu.memory_space<vmem>>, %arg15: memref<128x128xf32, #tpu.memory_space<vmem>>, %arg16: memref<128x128xf32, #tpu.memory_space<vmem>>, %arg17: memref<10112x128xf32, #tpu.memory_space<vmem_shared>>, %arg18: memref<!tpu.dma_semaphore, #tpu.memory_space<semaphore_mem>>, %arg19: memref<!tpu.dma_semaphore, #tpu.memory_space<semaphore_mem>>, %arg20: memref<!tpu.dma_semaphore, #tpu.memory_space<semaphore_mem>>, %arg21: memref<!tpu.dma_semaphore, #tpu.memory_space<semaphore_mem>>, %arg22: memref<!tpu.dma_semaphore, #tpu.memory_space<semaphore_mem>>, %arg23: memref<!tpu.dma_semaphore, #tpu.memory_space<semaphore_mem>>) attributes {dimension_semantics = [#tpu.dimension_semantics<core_parallel>, #tpu.dimension_semantics<subcore_parallel>], iteration_bounds = array<i64: 2, 16>, scalar_prefetch = 0 : i64, scratch_operands = 17 : i64, tpu.core_type = #tpu.core_type<sc_vector_subcore>, window_params = [{transform_indices = #map}, {transform_indices = #map}, {transform_indices = #map1}, {transform_indices = #map1}, {transform_indices = #map1}]} {
    %mul3A = arith.constant 16 : i32
    %mul3A_0 = arith.muli %arg0, %mul3A : i32
    %add3A = arith.addi %mul3A_0, %arg1 : i32
    %mul3A_1 = arith.constant 632 : i32
    %mul3A_2 = arith.muli %arg1, %mul3A_1 : i32
    "tpu.region"() ({
      %run_scoped3A = tpu.sem_alloc : memref<!tpu.dma_semaphore, #tpu.memory_space<semaphore_mem>>
      tpu.enqueue_dma source(%arg5 : memref<128x128xf32, #tpu.memory_space<hbm>>) target(%arg15 : memref<128x128xf32, #tpu.memory_space<vmem>>) target_semaphore(%run_scoped3A : memref<!tpu.dma_semaphore, #tpu.memory_space<semaphore_mem>>)
      tpu.wait_dma2 semaphore(%run_scoped3A : memref<!tpu.dma_semaphore, #tpu.memory_space<semaphore_mem>>) src(%arg5 : memref<128x128xf32, #tpu.memory_space<hbm>>) dst(%arg15 : memref<128x128xf32, #tpu.memory_space<vmem>>)
      tpu.yield
    }) : () -> ()
    %add3A_3 = arith.constant 0 : i32
    %add3A_4 = arith.addi %mul3A_2, %add3A_3 : i32
    "tpu.region"() ({
      %run_scoped3A = tpu.sem_alloc : memref<!tpu.dma_semaphore, #tpu.memory_space<semaphore_mem>>
      %dma_start3A = arith.constant 0 : i32
      %dma_start3A_86 = arith.constant 0 : i32
      %dma_start3A_87 = tpu.memref_slice %arg15[%dma_start3A, %dma_start3A_86] : memref<128x128xf32, #tpu.memory_space<vmem>> -> memref<128x128xf32, #tpu.memory_space<vmem>>
      %dma_start3A_88 = arith.constant 0 : i32
      %dma_start3A_89 = tpu.memref_slice %arg17[%add3A_4, %dma_start3A_88] : memref<10112x128xf32, #tpu.memory_space<vmem_shared>> -> memref<128x128xf32, #tpu.memory_space<vmem_shared>>
      %dma_start3A_90 = arith.constant 0 : i32
      %dma_start3A_91 = tpu.memref_slice %arg17[%add3A_4, %dma_start3A_90] : memref<10112x128xf32, #tpu.memory_space<vmem_shared>> -> memref<128x128xf32, #tpu.memory_space<vmem_shared>>
      %dma_start3A_92 = arith.constant 0 : i32
      %dma_start3A_93 = arith.constant 0 : i32
      %dma_start3A_94 = tpu.memref_slice %arg15[%dma_start3A_92, %dma_start3A_93] : memref<128x128xf32, #tpu.memory_space<vmem>> -> memref<128x128xf32, #tpu.memory_space<vmem>>
      tpu.enqueue_dma source(%dma_start3A_94 : memref<128x128xf32, #tpu.memory_space<vmem>>) target(%dma_start3A_91 : memref<128x128xf32, #tpu.memory_space<vmem_shared>>) target_semaphore(%run_scoped3A : memref<!tpu.dma_semaphore, #tpu.memory_space<semaphore_mem>>)
      %dma_wait3A = arith.constant 0 : i32
      %dma_wait3A_95 = arith.constant 0 : i32
      %dma_wait3A_96 = tpu.memref_slice %arg15[%dma_wait3A, %dma_wait3A_95] : memref<128x128xf32, #tpu.memory_space<vmem>> -> memref<128x128xf32, #tpu.memory_space<vmem>>
      %dma_wait3A_97 = arith.constant 0 : i32
      %dma_wait3A_98 = tpu.memref_slice %arg17[%add3A_4, %dma_wait3A_97] : memref<10112x128xf32, #tpu.memory_space<vmem_shared>> -> memref<128x128xf32, #tpu.memory_space<vmem_shared>>
      %dma_wait3A_99 = arith.constant 0 : i32
      %dma_wait3A_100 = tpu.memref_slice %arg17[%add3A_4, %dma_wait3A_99] : memref<10112x128xf32, #tpu.memory_space<vmem_shared>> -> memref<128x128xf32, #tpu.memory_space<vmem_shared>>
      %dma_wait3A_101 = arith.constant 0 : i32
      %dma_wait3A_102 = arith.constant 0 : i32
      %dma_wait3A_103 = tpu.memref_slice %arg15[%dma_wait3A_101, %dma_wait3A_102] : memref<128x128xf32, #tpu.memory_space<vmem>> -> memref<128x128xf32, #tpu.memory_space<vmem>>
      tpu.wait_dma2 semaphore(%run_scoped3A : memref<!tpu.dma_semaphore, #tpu.memory_space<semaphore_mem>>) src(%dma_wait3A_103 : memref<128x128xf32, #tpu.memory_space<vmem>>) dst(%dma_wait3A_100 : memref<128x128xf32, #tpu.memory_space<vmem_shared>>)
      tpu.yield
    }) : () -> ()
    %add3A_5 = arith.constant 128 : i32
    %add3A_6 = arith.addi %mul3A_2, %add3A_5 : i32
    "tpu.region"() ({
      %run_scoped3A = tpu.sem_alloc : memref<!tpu.dma_semaphore, #tpu.memory_space<semaphore_mem>>
      %dma_start3A = arith.constant 0 : i32
      %dma_start3A_86 = arith.constant 0 : i32
      %dma_start3A_87 = tpu.memref_slice %arg15[%dma_start3A, %dma_start3A_86] : memref<128x128xf32, #tpu.memory_space<vmem>> -> memref<128x128xf32, #tpu.memory_space<vmem>>
      %dma_start3A_88 = arith.constant 0 : i32
      %dma_start3A_89 = tpu.memref_slice %arg17[%add3A_6, %dma_start3A_88] : memref<10112x128xf32, #tpu.memory_space<vmem_shared>> -> memref<128x128xf32, #tpu.memory_space<vmem_shared>>
      %dma_start3A_90 = arith.constant 0 : i32
      %dma_start3A_91 = tpu.memref_slice %arg17[%add3A_6, %dma_start3A_90] : memref<10112x128xf32, #tpu.memory_space<vmem_shared>> -> memref<128x128xf32, #tpu.memory_space<vmem_shared>>
      %dma_start3A_92 = arith.constant 0 : i32
      %dma_start3A_93 = arith.constant 0 : i32
      %dma_start3A_94 = tpu.memref_slice %arg15[%dma_start3A_92, %dma_start3A_93] : memref<128x128xf32, #tpu.memory_space<vmem>> -> memref<128x128xf32, #tpu.memory_space<vmem>>
      tpu.enqueue_dma source(%dma_start3A_94 : memref<128x128xf32, #tpu.memory_space<vmem>>) target(%dma_start3A_91 : memref<128x128xf32, #tpu.memory_space<vmem_shared>>) target_semaphore(%run_scoped3A : memref<!tpu.dma_semaphore, #tpu.memory_space<semaphore_mem>>)
      %dma_wait3A = arith.constant 0 : i32
      %dma_wait3A_95 = arith.constant 0 : i32
      %dma_wait3A_96 = tpu.memref_slice %arg15[%dma_wait3A, %dma_wait3A_95] : memref<128x128xf32, #tpu.memory_space<vmem>> -> memref<128x128xf32, #tpu.memory_space<vmem>>
      %dma_wait3A_97 = arith.constant 0 : i32
      %dma_wait3A_98 = tpu.memref_slice %arg17[%add3A_6, %dma_wait3A_97] : memref<10112x128xf32, #tpu.memory_space<vmem_shared>> -> memref<128x128xf32, #tpu.memory_space<vmem_shared>>
      %dma_wait3A_99 = arith.constant 0 : i32
      %dma_wait3A_100 = tpu.memref_slice %arg17[%add3A_6, %dma_wait3A_99] : memref<10112x128xf32, #tpu.memory_space<vmem_shared>> -> memref<128x128xf32, #tpu.memory_space<vmem_shared>>
      %dma_wait3A_101 = arith.constant 0 : i32
      %dma_wait3A_102 = arith.constant 0 : i32
      %dma_wait3A_103 = tpu.memref_slice %arg15[%dma_wait3A_101, %dma_wait3A_102] : memref<128x128xf32, #tpu.memory_space<vmem>> -> memref<128x128xf32, #tpu.memory_space<vmem>>
      tpu.wait_dma2 semaphore(%run_scoped3A : memref<!tpu.dma_semaphore, #tpu.memory_space<semaphore_mem>>) src(%dma_wait3A_103 : memref<128x128xf32, #tpu.memory_space<vmem>>) dst(%dma_wait3A_100 : memref<128x128xf32, #tpu.memory_space<vmem_shared>>)
      tpu.yield
    }) : () -> ()
    %add3A_7 = arith.constant 256 : i32
    %add3A_8 = arith.addi %mul3A_2, %add3A_7 : i32
    "tpu.region"() ({
      %run_scoped3A = tpu.sem_alloc : memref<!tpu.dma_semaphore, #tpu.memory_space<semaphore_mem>>
      %dma_start3A = arith.constant 0 : i32
      %dma_start3A_86 = arith.constant 0 : i32
      %dma_start3A_87 = tpu.memref_slice %arg15[%dma_start3A, %dma_start3A_86] : memref<128x128xf32, #tpu.memory_space<vmem>> -> memref<128x128xf32, #tpu.memory_space<vmem>>
      %dma_start3A_88 = arith.constant 0 : i32
      %dma_start3A_89 = tpu.memref_slice %arg17[%add3A_8, %dma_start3A_88] : memref<10112x128xf32, #tpu.memory_space<vmem_shared>> -> memref<128x128xf32, #tpu.memory_space<vmem_shared>>
      %dma_start3A_90 = arith.constant 0 : i32
      %dma_start3A_91 = tpu.memref_slice %arg17[%add3A_8, %dma_start3A_90] : memref<10112x128xf32, #tpu.memory_space<vmem_shared>> -> memref<128x128xf32, #tpu.memory_space<vmem_shared>>
      %dma_start3A_92 = arith.constant 0 : i32
      %dma_start3A_93 = arith.constant 0 : i32
      %dma_start3A_94 = tpu.memref_slice %arg15[%dma_start3A_92, %dma_start3A_93] : memref<128x128xf32, #tpu.memory_space<vmem>> -> memref<128x128xf32, #tpu.memory_space<vmem>>
      tpu.enqueue_dma source(%dma_start3A_94 : memref<128x128xf32, #tpu.memory_space<vmem>>) target(%dma_start3A_91 : memref<128x128xf32, #tpu.memory_space<vmem_shared>>) target_semaphore(%run_scoped3A : memref<!tpu.dma_semaphore, #tpu.memory_space<semaphore_mem>>)
      %dma_wait3A = arith.constant 0 : i32
      %dma_wait3A_95 = arith.constant 0 : i32
      %dma_wait3A_96 = tpu.memref_slice %arg15[%dma_wait3A, %dma_wait3A_95] : memref<128x128xf32, #tpu.memory_space<vmem>> -> memref<128x128xf32, #tpu.memory_space<vmem>>
      %dma_wait3A_97 = arith.constant 0 : i32
      %dma_wait3A_98 = tpu.memref_slice %arg17[%add3A_8, %dma_wait3A_97] : memref<10112x128xf32, #tpu.memory_space<vmem_shared>> -> memref<128x128xf32, #tpu.memory_space<vmem_shared>>
      %dma_wait3A_99 = arith.constant 0 : i32
      %dma_wait3A_100 = tpu.memref_slice %arg17[%add3A_8, %dma_wait3A_99] : memref<10112x128xf32, #tpu.memory_space<vmem_shared>> -> memref<128x128xf32, #tpu.memory_space<vmem_shared>>
      %dma_wait3A_101 = arith.constant 0 : i32
      %dma_wait3A_102 = arith.constant 0 : i32
      %dma_wait3A_103 = tpu.memref_slice %arg15[%dma_wait3A_101, %dma_wait3A_102] : memref<128x128xf32, #tpu.memory_space<vmem>> -> memref<128x128xf32, #tpu.memory_space<vmem>>
      tpu.wait_dma2 semaphore(%run_scoped3A : memref<!tpu.dma_semaphore, #tpu.memory_space<semaphore_mem>>) src(%dma_wait3A_103 : memref<128x128xf32, #tpu.memory_space<vmem>>) dst(%dma_wait3A_100 : memref<128x128xf32, #tpu.memory_space<vmem_shared>>)
      tpu.yield
    }) : () -> ()
    %add3A_9 = arith.constant 384 : i32
    %add3A_10 = arith.addi %mul3A_2, %add3A_9 : i32
    "tpu.region"() ({
      %run_scoped3A = tpu.sem_alloc : memref<!tpu.dma_semaphore, #tpu.memory_space<semaphore_mem>>
      %dma_start3A = arith.constant 0 : i32
      %dma_start3A_86 = arith.constant 0 : i32
      %dma_start3A_87 = tpu.memref_slice %arg15[%dma_start3A, %dma_start3A_86] : memref<128x128xf32, #tpu.memory_space<vmem>> -> memref<128x128xf32, #tpu.memory_space<vmem>>
      %dma_start3A_88 = arith.constant 0 : i32
      %dma_start3A_89 = tpu.memref_slice %arg17[%add3A_10, %dma_start3A_88] : memref<10112x128xf32, #tpu.memory_space<vmem_shared>> -> memref<128x128xf32, #tpu.memory_space<vmem_shared>>
      %dma_start3A_90 = arith.constant 0 : i32
      %dma_start3A_91 = tpu.memref_slice %arg17[%add3A_10, %dma_start3A_90] : memref<10112x128xf32, #tpu.memory_space<vmem_shared>> -> memref<128x128xf32, #tpu.memory_space<vmem_shared>>
      %dma_start3A_92 = arith.constant 0 : i32
      %dma_start3A_93 = arith.constant 0 : i32
      %dma_start3A_94 = tpu.memref_slice %arg15[%dma_start3A_92, %dma_start3A_93] : memref<128x128xf32, #tpu.memory_space<vmem>> -> memref<128x128xf32, #tpu.memory_space<vmem>>
      tpu.enqueue_dma source(%dma_start3A_94 : memref<128x128xf32, #tpu.memory_space<vmem>>) target(%dma_start3A_91 : memref<128x128xf32, #tpu.memory_space<vmem_shared>>) target_semaphore(%run_scoped3A : memref<!tpu.dma_semaphore, #tpu.memory_space<semaphore_mem>>)
      %dma_wait3A = arith.constant 0 : i32
      %dma_wait3A_95 = arith.constant 0 : i32
      %dma_wait3A_96 = tpu.memref_slice %arg15[%dma_wait3A, %dma_wait3A_95] : memref<128x128xf32, #tpu.memory_space<vmem>> -> memref<128x128xf32, #tpu.memory_space<vmem>>
      %dma_wait3A_97 = arith.constant 0 : i32
      %dma_wait3A_98 = tpu.memref_slice %arg17[%add3A_10, %dma_wait3A_97] : memref<10112x128xf32, #tpu.memory_space<vmem_shared>> -> memref<128x128xf32, #tpu.memory_space<vmem_shared>>
      %dma_wait3A_99 = arith.constant 0 : i32
      %dma_wait3A_100 = tpu.memref_slice %arg17[%add3A_10, %dma_wait3A_99] : memref<10112x128xf32, #tpu.memory_space<vmem_shared>> -> memref<128x128xf32, #tpu.memory_space<vmem_shared>>
      %dma_wait3A_101 = arith.constant 0 : i32
      %dma_wait3A_102 = arith.constant 0 : i32
      %dma_wait3A_103 = tpu.memref_slice %arg15[%dma_wait3A_101, %dma_wait3A_102] : memref<128x128xf32, #tpu.memory_space<vmem>> -> memref<128x128xf32, #tpu.memory_space<vmem>>
      tpu.wait_dma2 semaphore(%run_scoped3A : memref<!tpu.dma_semaphore, #tpu.memory_space<semaphore_mem>>) src(%dma_wait3A_103 : memref<128x128xf32, #tpu.memory_space<vmem>>) dst(%dma_wait3A_100 : memref<128x128xf32, #tpu.memory_space<vmem_shared>>)
      tpu.yield
    }) : () -> ()
    %add3A_11 = arith.constant 512 : i32
    %add3A_12 = arith.addi %mul3A_2, %add3A_11 : i32
    "tpu.region"() ({
      %run_scoped3A = tpu.sem_alloc : memref<!tpu.dma_semaphore, #tpu.memory_space<semaphore_mem>>
      %dma_start3A = arith.constant 0 : i32
      %dma_start3A_86 = arith.constant 0 : i32
      %dma_start3A_87 = tpu.memref_slice %arg15[%dma_start3A, %dma_start3A_86] : memref<128x128xf32, #tpu.memory_space<vmem>> -> memref<120x128xf32, #tpu.memory_space<vmem>>
      %dma_start3A_88 = arith.constant 0 : i32
      %dma_start3A_89 = tpu.memref_slice %arg17[%add3A_12, %dma_start3A_88] : memref<10112x128xf32, #tpu.memory_space<vmem_shared>> -> memref<120x128xf32, #tpu.memory_space<vmem_shared>>
      %dma_start3A_90 = arith.constant 0 : i32
      %dma_start3A_91 = tpu.memref_slice %arg17[%add3A_12, %dma_start3A_90] : memref<10112x128xf32, #tpu.memory_space<vmem_shared>> -> memref<120x128xf32, #tpu.memory_space<vmem_shared>>
      %dma_start3A_92 = arith.constant 0 : i32
      %dma_start3A_93 = arith.constant 0 : i32
      %dma_start3A_94 = tpu.memref_slice %arg15[%dma_start3A_92, %dma_start3A_93] : memref<128x128xf32, #tpu.memory_space<vmem>> -> memref<120x128xf32, #tpu.memory_space<vmem>>
      tpu.enqueue_dma source(%dma_start3A_94 : memref<120x128xf32, #tpu.memory_space<vmem>>) target(%dma_start3A_91 : memref<120x128xf32, #tpu.memory_space<vmem_shared>>) target_semaphore(%run_scoped3A : memref<!tpu.dma_semaphore, #tpu.memory_space<semaphore_mem>>)
      %dma_wait3A = arith.constant 0 : i32
      %dma_wait3A_95 = arith.constant 0 : i32
      %dma_wait3A_96 = tpu.memref_slice %arg15[%dma_wait3A, %dma_wait3A_95] : memref<128x128xf32, #tpu.memory_space<vmem>> -> memref<120x128xf32, #tpu.memory_space<vmem>>
      %dma_wait3A_97 = arith.constant 0 : i32
      %dma_wait3A_98 = tpu.memref_slice %arg17[%add3A_12, %dma_wait3A_97] : memref<10112x128xf32, #tpu.memory_space<vmem_shared>> -> memref<120x128xf32, #tpu.memory_space<vmem_shared>>
      %dma_wait3A_99 = arith.constant 0 : i32
      %dma_wait3A_100 = tpu.memref_slice %arg17[%add3A_12, %dma_wait3A_99] : memref<10112x128xf32, #tpu.memory_space<vmem_shared>> -> memref<120x128xf32, #tpu.memory_space<vmem_shared>>
      %dma_wait3A_101 = arith.constant 0 : i32
      %dma_wait3A_102 = arith.constant 0 : i32
      %dma_wait3A_103 = tpu.memref_slice %arg15[%dma_wait3A_101, %dma_wait3A_102] : memref<128x128xf32, #tpu.memory_space<vmem>> -> memref<120x128xf32, #tpu.memory_space<vmem>>
      tpu.wait_dma2 semaphore(%run_scoped3A : memref<!tpu.dma_semaphore, #tpu.memory_space<semaphore_mem>>) src(%dma_wait3A_103 : memref<120x128xf32, #tpu.memory_space<vmem>>) dst(%dma_wait3A_100 : memref<120x128xf32, #tpu.memory_space<vmem_shared>>)
      tpu.yield
    }) : () -> ()
    %barrier3A = arith.constant 0 : index
    tpu.barrier barrier_id(%barrier3A)
    %eq3A = arith.constant 0 : i32
    %eq3A_13 = arith.cmpi eq, %arg0, %eq3A : i32
    %lt3A = arith.constant 4 : i32
    %lt3A_14 = arith.cmpi slt, %arg1, %lt3A : i32
    %jit3A = arith.constant 1 : i32
    %jit3A_15 = arith.constant 0 : i32
    %select_n3A = arith.select %lt3A_14, %jit3A, %jit3A_15 : i32
    %add3A_16 = arith.constant 77 : i32
    %add3A_17 = arith.addi %add3A_16, %select_n3A : i32
    %jit3A_18 = arith.constant 79 : i32
    %select_n3A_19 = arith.select %eq3A_13, %jit3A_18, %add3A_17 : i32
    %eq3A_20 = arith.constant 0 : i32
    %eq3A_21 = arith.cmpi eq, %arg0, %eq3A_20 : i32
    %mul3A_22 = arith.constant 79 : i32
    %mul3A_23 = arith.muli %arg1, %mul3A_22 : i32
    %mul3A_24 = arith.constant 77 : i32
    %mul3A_25 = arith.muli %arg1, %mul3A_24 : i32
    %add3A_26 = arith.constant 1264 : i32
    %add3A_27 = arith.addi %add3A_26, %mul3A_25 : i32
    %min3A = arith.constant 4 : i32
    %min3A_28 = arith.minsi %arg1, %min3A : i32
    %add3A_29 = arith.addi %add3A_27, %min3A_28 : i32
    %select_n3A_30 = arith.select %eq3A_21, %mul3A_23, %add3A_29 : i32
    %mul3A_31 = arith.constant 128 : i32
    %mul3A_32 = arith.muli %select_n3A_30, %mul3A_31 : i32
    %gt3A = arith.constant 0 : i32
    %gt3A_33 = arith.cmpi sgt, %select_n3A_19, %gt3A : i32
    %convert_element_type3A = arith.extui %gt3A_33 : i1 to i32
    %cond3A = arith.constant 0 : i32
    %cond3A_34 = arith.cmpi ne, %convert_element_type3A, %cond3A : i32
    scf.if %cond3A_34 {
      %add3A_86 = arith.constant 0 : i32
      %add3A_87 = arith.addi %mul3A_32, %add3A_86 : i32
      %dma_start3A = tpu.memref_slice %arg2[%add3A_87] : memref<320000xi32, #tpu.memory_space<hbm>> -> memref<128xi32, #tpu.memory_space<hbm>>
      %dma_start3A_88 = tpu.memref_slice %arg2[%add3A_87] : memref<320000xi32, #tpu.memory_space<hbm>> -> memref<128xi32, #tpu.memory_space<hbm>>
      tpu.enqueue_dma source(%dma_start3A_88 : memref<128xi32, #tpu.memory_space<hbm>>) target(%arg7 : memref<128xi32, #tpu.memory_space<vmem>>) target_semaphore(%arg20 : memref<!tpu.dma_semaphore, #tpu.memory_space<semaphore_mem>>)
      %dma_start3A_89 = tpu.memref_slice %arg3[%add3A_87] : memref<320000xi32, #tpu.memory_space<hbm>> -> memref<128xi32, #tpu.memory_space<hbm>>
      %dma_start3A_90 = tpu.memref_slice %arg3[%add3A_87] : memref<320000xi32, #tpu.memory_space<hbm>> -> memref<128xi32, #tpu.memory_space<hbm>>
      tpu.enqueue_dma source(%dma_start3A_90 : memref<128xi32, #tpu.memory_space<hbm>>) target(%arg8 : memref<128xi32, #tpu.memory_space<vmem>>) target_semaphore(%arg20 : memref<!tpu.dma_semaphore, #tpu.memory_space<semaphore_mem>>)
    } else {
    }
    %gt3A_35 = arith.constant 1 : i32
    %gt3A_36 = arith.cmpi sgt, %select_n3A_19, %gt3A_35 : i32
    %convert_element_type3A_37 = arith.extui %gt3A_36 : i1 to i32
    %cond3A_38 = arith.constant 0 : i32
    %cond3A_39 = arith.cmpi ne, %convert_element_type3A_37, %cond3A_38 : i32
    scf.if %cond3A_39 {
      %add3A_86 = arith.constant 128 : i32
      %add3A_87 = arith.addi %mul3A_32, %add3A_86 : i32
      %dma_start3A = tpu.memref_slice %arg2[%add3A_87] : memref<320000xi32, #tpu.memory_space<hbm>> -> memref<128xi32, #tpu.memory_space<hbm>>
      %dma_start3A_88 = tpu.memref_slice %arg2[%add3A_87] : memref<320000xi32, #tpu.memory_space<hbm>> -> memref<128xi32, #tpu.memory_space<hbm>>
      tpu.enqueue_dma source(%dma_start3A_88 : memref<128xi32, #tpu.memory_space<hbm>>) target(%arg9 : memref<128xi32, #tpu.memory_space<vmem>>) target_semaphore(%arg21 : memref<!tpu.dma_semaphore, #tpu.memory_space<semaphore_mem>>)
      %dma_start3A_89 = tpu.memref_slice %arg3[%add3A_87] : memref<320000xi32, #tpu.memory_space<hbm>> -> memref<128xi32, #tpu.memory_space<hbm>>
      %dma_start3A_90 = tpu.memref_slice %arg3[%add3A_87] : memref<320000xi32, #tpu.memory_space<hbm>> -> memref<128xi32, #tpu.memory_space<hbm>>
      tpu.enqueue_dma source(%dma_start3A_90 : memref<128xi32, #tpu.memory_space<hbm>>) target(%arg10 : memref<128xi32, #tpu.memory_space<vmem>>) target_semaphore(%arg21 : memref<!tpu.dma_semaphore, #tpu.memory_space<semaphore_mem>>)
    } else {
    }
    %gt3A_40 = arith.constant 2 : i32
    %gt3A_41 = arith.cmpi sgt, %select_n3A_19, %gt3A_40 : i32
    %convert_element_type3A_42 = arith.extui %gt3A_41 : i1 to i32
    %cond3A_43 = arith.constant 0 : i32
    %cond3A_44 = arith.cmpi ne, %convert_element_type3A_42, %cond3A_43 : i32
    scf.if %cond3A_44 {
      %add3A_86 = arith.constant 256 : i32
      %add3A_87 = arith.addi %mul3A_32, %add3A_86 : i32
      %dma_start3A = tpu.memref_slice %arg2[%add3A_87] : memref<320000xi32, #tpu.memory_space<hbm>> -> memref<128xi32, #tpu.memory_space<hbm>>
      %dma_start3A_88 = tpu.memref_slice %arg2[%add3A_87] : memref<320000xi32, #tpu.memory_space<hbm>> -> memref<128xi32, #tpu.memory_space<hbm>>
      tpu.enqueue_dma source(%dma_start3A_88 : memref<128xi32, #tpu.memory_space<hbm>>) target(%arg11 : memref<128xi32, #tpu.memory_space<vmem>>) target_semaphore(%arg22 : memref<!tpu.dma_semaphore, #tpu.memory_space<semaphore_mem>>)
      %dma_start3A_89 = tpu.memref_slice %arg3[%add3A_87] : memref<320000xi32, #tpu.memory_space<hbm>> -> memref<128xi32, #tpu.memory_space<hbm>>
      %dma_start3A_90 = tpu.memref_slice %arg3[%add3A_87] : memref<320000xi32, #tpu.memory_space<hbm>> -> memref<128xi32, #tpu.memory_space<hbm>>
      tpu.enqueue_dma source(%dma_start3A_90 : memref<128xi32, #tpu.memory_space<hbm>>) target(%arg12 : memref<128xi32, #tpu.memory_space<vmem>>) target_semaphore(%arg22 : memref<!tpu.dma_semaphore, #tpu.memory_space<semaphore_mem>>)
    } else {
    }
    %gt3A_45 = arith.constant 3 : i32
    %gt3A_46 = arith.cmpi sgt, %select_n3A_19, %gt3A_45 : i32
    %convert_element_type3A_47 = arith.extui %gt3A_46 : i1 to i32
    %cond3A_48 = arith.constant 0 : i32
    %cond3A_49 = arith.cmpi ne, %convert_element_type3A_47, %cond3A_48 : i32
    scf.if %cond3A_49 {
      %add3A_86 = arith.constant 384 : i32
      %add3A_87 = arith.addi %mul3A_32, %add3A_86 : i32
      %dma_start3A = tpu.memref_slice %arg2[%add3A_87] : memref<320000xi32, #tpu.memory_space<hbm>> -> memref<128xi32, #tpu.memory_space<hbm>>
      %dma_start3A_88 = tpu.memref_slice %arg2[%add3A_87] : memref<320000xi32, #tpu.memory_space<hbm>> -> memref<128xi32, #tpu.memory_space<hbm>>
      tpu.enqueue_dma source(%dma_start3A_88 : memref<128xi32, #tpu.memory_space<hbm>>) target(%arg13 : memref<128xi32, #tpu.memory_space<vmem>>) target_semaphore(%arg23 : memref<!tpu.dma_semaphore, #tpu.memory_space<semaphore_mem>>)
      %dma_start3A_89 = tpu.memref_slice %arg3[%add3A_87] : memref<320000xi32, #tpu.memory_space<hbm>> -> memref<128xi32, #tpu.memory_space<hbm>>
      %dma_start3A_90 = tpu.memref_slice %arg3[%add3A_87] : memref<320000xi32, #tpu.memory_space<hbm>> -> memref<128xi32, #tpu.memory_space<hbm>>
      tpu.enqueue_dma source(%dma_start3A_90 : memref<128xi32, #tpu.memory_space<hbm>>) target(%arg14 : memref<128xi32, #tpu.memory_space<vmem>>) target_semaphore(%arg23 : memref<!tpu.dma_semaphore, #tpu.memory_space<semaphore_mem>>)
    } else {
    }
    %gt3A_50 = arith.constant 0 : i32
    %gt3A_51 = arith.cmpi sgt, %select_n3A_19, %gt3A_50 : i32
    %convert_element_type3A_52 = arith.extui %gt3A_51 : i1 to i32
    %cond3A_53 = arith.constant 0 : i32
    %cond3A_54 = arith.cmpi ne, %convert_element_type3A_52, %cond3A_53 : i32
    scf.if %cond3A_54 {
      %dma_wait3A = arith.constant 0 : i32
      %dma_wait3A_86 = tpu.memref_slice %arg2[%dma_wait3A] : memref<320000xi32, #tpu.memory_space<hbm>> -> memref<128xi32, #tpu.memory_space<hbm>>
      %dma_wait3A_87 = arith.constant 0 : i32
      %dma_wait3A_88 = tpu.memref_slice %arg2[%dma_wait3A_87] : memref<320000xi32, #tpu.memory_space<hbm>> -> memref<128xi32, #tpu.memory_space<hbm>>
      tpu.wait_dma2 semaphore(%arg20 : memref<!tpu.dma_semaphore, #tpu.memory_space<semaphore_mem>>) src(%dma_wait3A_88 : memref<128xi32, #tpu.memory_space<hbm>>) dst(%arg7 : memref<128xi32, #tpu.memory_space<vmem>>)
      %dma_wait3A_89 = arith.constant 0 : i32
      %dma_wait3A_90 = tpu.memref_slice %arg3[%dma_wait3A_89] : memref<320000xi32, #tpu.memory_space<hbm>> -> memref<128xi32, #tpu.memory_space<hbm>>
      %dma_wait3A_91 = arith.constant 0 : i32
      %dma_wait3A_92 = tpu.memref_slice %arg3[%dma_wait3A_91] : memref<320000xi32, #tpu.memory_space<hbm>> -> memref<128xi32, #tpu.memory_space<hbm>>
      tpu.wait_dma2 semaphore(%arg20 : memref<!tpu.dma_semaphore, #tpu.memory_space<semaphore_mem>>) src(%dma_wait3A_92 : memref<128xi32, #tpu.memory_space<hbm>>) dst(%arg8 : memref<128xi32, #tpu.memory_space<vmem>>)
      %dma_start3A = arith.constant 0 : i32
      %dma_start3A_93 = arith.constant 0 : i32
      %dma_start3A_94 = tpu.memref_slice %arg4[%dma_start3A, %dma_start3A_93] : memref<10000x128xf32, #tpu.memory_space<hbm>> -> memref<10000x128xf32, #tpu.memory_space<hbm>>
      tpu.enqueue_indirect_dma source(%dma_start3A_94 : memref<10000x128xf32, #tpu.memory_space<hbm>>) target(%arg15 : memref<128x128xf32, #tpu.memory_space<vmem>>) offsets(%arg7 : memref<128xi32, #tpu.memory_space<vmem>>) semaphore(%arg18 : memref<!tpu.dma_semaphore, #tpu.memory_space<semaphore_mem>>)
    } else {
    }
    %scan3A = arith.constant 0 : i32
    %scan3A_55 = arith.constant 0 : i32
    %scan3A_56 = arith.constant 20 : i32
    %scan3A_57 = arith.addi %scan3A_55, %scan3A_56 : i32
    %scan3A_58 = arith.constant 1 : i32
    scf.for %scan3A_86 = %scan3A_55 to %scan3A_57 step %scan3A_58  : i32 {
      %mul3A_87 = arith.constant 4 : i32
      %mul3A_88 = arith.muli %scan3A_86, %mul3A_87 : i32
      %add3A_89 = arith.constant 0 : i32
      %add3A_90 = arith.addi %mul3A_88, %add3A_89 : i32
      %add3A_91 = arith.constant 1 : i32
      %add3A_92 = arith.addi %add3A_90, %add3A_91 : i32
      %lt3A_93 = arith.cmpi slt, %add3A_92, %select_n3A_19 : i32
      %convert_element_type3A_94 = arith.extui %lt3A_93 : i1 to i32
      %cond3A_95 = arith.constant 0 : i32
      %cond3A_96 = arith.cmpi ne, %convert_element_type3A_94, %cond3A_95 : i32
      scf.if %cond3A_96 {
        %dma_wait3A = arith.constant 0 : i32
        %dma_wait3A_161 = tpu.memref_slice %arg2[%dma_wait3A] : memref<320000xi32, #tpu.memory_space<hbm>> -> memref<128xi32, #tpu.memory_space<hbm>>
        %dma_wait3A_162 = arith.constant 0 : i32
        %dma_wait3A_163 = tpu.memref_slice %arg2[%dma_wait3A_162] : memref<320000xi32, #tpu.memory_space<hbm>> -> memref<128xi32, #tpu.memory_space<hbm>>
        tpu.wait_dma2 semaphore(%arg21 : memref<!tpu.dma_semaphore, #tpu.memory_space<semaphore_mem>>) src(%dma_wait3A_163 : memref<128xi32, #tpu.memory_space<hbm>>) dst(%arg9 : memref<128xi32, #tpu.memory_space<vmem>>)
        %dma_wait3A_164 = arith.constant 0 : i32
        %dma_wait3A_165 = tpu.memref_slice %arg3[%dma_wait3A_164] : memref<320000xi32, #tpu.memory_space<hbm>> -> memref<128xi32, #tpu.memory_space<hbm>>
        %dma_wait3A_166 = arith.constant 0 : i32
        %dma_wait3A_167 = tpu.memref_slice %arg3[%dma_wait3A_166] : memref<320000xi32, #tpu.memory_space<hbm>> -> memref<128xi32, #tpu.memory_space<hbm>>
        tpu.wait_dma2 semaphore(%arg21 : memref<!tpu.dma_semaphore, #tpu.memory_space<semaphore_mem>>) src(%dma_wait3A_167 : memref<128xi32, #tpu.memory_space<hbm>>) dst(%arg10 : memref<128xi32, #tpu.memory_space<vmem>>)
        %dma_start3A = arith.constant 0 : i32
        %dma_start3A_168 = arith.constant 0 : i32
        %dma_start3A_169 = tpu.memref_slice %arg4[%dma_start3A, %dma_start3A_168] : memref<10000x128xf32, #tpu.memory_space<hbm>> -> memref<10000x128xf32, #tpu.memory_space<hbm>>
        tpu.enqueue_indirect_dma source(%dma_start3A_169 : memref<10000x128xf32, #tpu.memory_space<hbm>>) target(%arg16 : memref<128x128xf32, #tpu.memory_space<vmem>>) offsets(%arg9 : memref<128xi32, #tpu.memory_space<vmem>>) semaphore(%arg19 : memref<!tpu.dma_semaphore, #tpu.memory_space<semaphore_mem>>)
      } else {
      }
      %lt3A_97 = arith.cmpi slt, %add3A_90, %select_n3A_19 : i32
      %convert_element_type3A_98 = arith.extui %lt3A_97 : i1 to i32
      %cond3A_99 = arith.constant 0 : i32
      %cond3A_100 = arith.cmpi ne, %convert_element_type3A_98, %cond3A_99 : i32
      scf.if %cond3A_100 {
        %dma_wait3A = arith.constant 0 : i32
        %dma_wait3A_161 = arith.constant 0 : i32
        %dma_wait3A_162 = tpu.memref_slice %arg4[%dma_wait3A, %dma_wait3A_161] : memref<10000x128xf32, #tpu.memory_space<hbm>> -> memref<10000x128xf32, #tpu.memory_space<hbm>>
        tpu.wait_indirect_dma semaphore(%arg18 : memref<!tpu.dma_semaphore, #tpu.memory_space<semaphore_mem>>) src(%dma_wait3A_162 : memref<10000x128xf32, #tpu.memory_space<hbm>>) dst(%arg15 : memref<128x128xf32, #tpu.memory_space<vmem>>)
        "tpu.region"() ({
          %run_scoped3A = tpu.sem_alloc : memref<!tpu.dma_semaphore, #tpu.memory_space<semaphore_mem>>
          %dma_start3A = arith.constant 0 : i32
          %dma_start3A_163 = arith.constant 0 : i32
          %dma_start3A_164 = tpu.memref_slice %arg17[%dma_start3A, %dma_start3A_163] : memref<10112x128xf32, #tpu.memory_space<vmem_shared>> -> memref<10112x128xf32, #tpu.memory_space<vmem_shared>>
          tpu.enqueue_indirect_dma source(%arg15 : memref<128x128xf32, #tpu.memory_space<vmem>>) target(%dma_start3A_164 : memref<10112x128xf32, #tpu.memory_space<vmem_shared>>) offsets(%arg8 : memref<128xi32, #tpu.memory_space<vmem>>) semaphore(%run_scoped3A : memref<!tpu.dma_semaphore, #tpu.memory_space<semaphore_mem>>) {add = true}
          %dma_wait3A_165 = arith.constant 0 : i32
          %dma_wait3A_166 = arith.constant 0 : i32
          %dma_wait3A_167 = tpu.memref_slice %arg17[%dma_wait3A_165, %dma_wait3A_166] : memref<10112x128xf32, #tpu.memory_space<vmem_shared>> -> memref<10112x128xf32, #tpu.memory_space<vmem_shared>>
          tpu.wait_indirect_dma semaphore(%run_scoped3A : memref<!tpu.dma_semaphore, #tpu.memory_space<semaphore_mem>>) src(%arg15 : memref<128x128xf32, #tpu.memory_space<vmem>>) dst(%dma_wait3A_167 : memref<10112x128xf32, #tpu.memory_space<vmem_shared>>)
          tpu.yield
        }) : () -> ()
      } else {
      }
      %add3A_101 = arith.constant 4 : i32
      %add3A_102 = arith.addi %add3A_90, %add3A_101 : i32
      %lt3A_103 = arith.cmpi slt, %add3A_102, %select_n3A_19 : i32
      %convert_element_type3A_104 = arith.extui %lt3A_103 : i1 to i32
      %cond3A_105 = arith.constant 0 : i32
      %cond3A_106 = arith.cmpi ne, %convert_element_type3A_104, %cond3A_105 : i32
      scf.if %cond3A_106 {
        %add3A_161 = arith.constant 4 : i32
        %add3A_162 = arith.addi %add3A_90, %add3A_161 : i32
        %mul3A_163 = arith.constant 128 : i32
        %mul3A_164 = arith.muli %add3A_162, %mul3A_163 : i32
        %add3A_165 = arith.addi %mul3A_32, %mul3A_164 : i32
        %dma_start3A = tpu.memref_slice %arg2[%add3A_165] : memref<320000xi32, #tpu.memory_space<hbm>> -> memref<128xi32, #tpu.memory_space<hbm>>
        %dma_start3A_166 = tpu.memref_slice %arg2[%add3A_165] : memref<320000xi32, #tpu.memory_space<hbm>> -> memref<128xi32, #tpu.memory_space<hbm>>
        tpu.enqueue_dma source(%dma_start3A_166 : memref<128xi32, #tpu.memory_space<hbm>>) target(%arg7 : memref<128xi32, #tpu.memory_space<vmem>>) target_semaphore(%arg20 : memref<!tpu.dma_semaphore, #tpu.memory_space<semaphore_mem>>)
        %dma_start3A_167 = tpu.memref_slice %arg3[%add3A_165] : memref<320000xi32, #tpu.memory_space<hbm>> -> memref<128xi32, #tpu.memory_space<hbm>>
        %dma_start3A_168 = tpu.memref_slice %arg3[%add3A_165] : memref<320000xi32, #tpu.memory_space<hbm>> -> memref<128xi32, #tpu.memory_space<hbm>>
        tpu.enqueue_dma source(%dma_start3A_168 : memref<128xi32, #tpu.memory_space<hbm>>) target(%arg8 : memref<128xi32, #tpu.memory_space<vmem>>) target_semaphore(%arg20 : memref<!tpu.dma_semaphore, #tpu.memory_space<semaphore_mem>>)
      } else {
      }
      %add3A_107 = arith.constant 1 : i32
      %add3A_108 = arith.addi %mul3A_88, %add3A_107 : i32
      %add3A_109 = arith.constant 1 : i32
      %add3A_110 = arith.addi %add3A_108, %add3A_109 : i32
      %lt3A_111 = arith.cmpi slt, %add3A_110, %select_n3A_19 : i32
      %convert_element_type3A_112 = arith.extui %lt3A_111 : i1 to i32
      %cond3A_113 = arith.constant 0 : i32
      %cond3A_114 = arith.cmpi ne, %convert_element_type3A_112, %cond3A_113 : i32
      scf.if %cond3A_114 {
        %dma_wait3A = arith.constant 0 : i32
        %dma_wait3A_161 = tpu.memref_slice %arg2[%dma_wait3A] : memref<320000xi32, #tpu.memory_space<hbm>> -> memref<128xi32, #tpu.memory_space<hbm>>
        %dma_wait3A_162 = arith.constant 0 : i32
        %dma_wait3A_163 = tpu.memref_slice %arg2[%dma_wait3A_162] : memref<320000xi32, #tpu.memory_space<hbm>> -> memref<128xi32, #tpu.memory_space<hbm>>
        tpu.wait_dma2 semaphore(%arg22 : memref<!tpu.dma_semaphore, #tpu.memory_space<semaphore_mem>>) src(%dma_wait3A_163 : memref<128xi32, #tpu.memory_space<hbm>>) dst(%arg11 : memref<128xi32, #tpu.memory_space<vmem>>)
        %dma_wait3A_164 = arith.constant 0 : i32
        %dma_wait3A_165 = tpu.memref_slice %arg3[%dma_wait3A_164] : memref<320000xi32, #tpu.memory_space<hbm>> -> memref<128xi32, #tpu.memory_space<hbm>>
        %dma_wait3A_166 = arith.constant 0 : i32
        %dma_wait3A_167 = tpu.memref_slice %arg3[%dma_wait3A_166] : memref<320000xi32, #tpu.memory_space<hbm>> -> memref<128xi32, #tpu.memory_space<hbm>>
        tpu.wait_dma2 semaphore(%arg22 : memref<!tpu.dma_semaphore, #tpu.memory_space<semaphore_mem>>) src(%dma_wait3A_167 : memref<128xi32, #tpu.memory_space<hbm>>) dst(%arg12 : memref<128xi32, #tpu.memory_space<vmem>>)
        %dma_start3A = arith.constant 0 : i32
        %dma_start3A_168 = arith.constant 0 : i32
        %dma_start3A_169 = tpu.memref_slice %arg4[%dma_start3A, %dma_start3A_168] : memref<10000x128xf32, #tpu.memory_space<hbm>> -> memref<10000x128xf32, #tpu.memory_space<hbm>>
        tpu.enqueue_indirect_dma source(%dma_start3A_169 : memref<10000x128xf32, #tpu.memory_space<hbm>>) target(%arg15 : memref<128x128xf32, #tpu.memory_space<vmem>>) offsets(%arg11 : memref<128xi32, #tpu.memory_space<vmem>>) semaphore(%arg18 : memref<!tpu.dma_semaphore, #tpu.memory_space<semaphore_mem>>)
      } else {
      }
      %lt3A_115 = arith.cmpi slt, %add3A_108, %select_n3A_19 : i32
      %convert_element_type3A_116 = arith.extui %lt3A_115 : i1 to i32
      %cond3A_117 = arith.constant 0 : i32
      %cond3A_118 = arith.cmpi ne, %convert_element_type3A_116, %cond3A_117 : i32
      scf.if %cond3A_118 {
        %dma_wait3A = arith.constant 0 : i32
        %dma_wait3A_161 = arith.constant 0 : i32
        %dma_wait3A_162 = tpu.memref_slice %arg4[%dma_wait3A, %dma_wait3A_161] : memref<10000x128xf32, #tpu.memory_space<hbm>> -> memref<10000x128xf32, #tpu.memory_space<hbm>>
        tpu.wait_indirect_dma semaphore(%arg19 : memref<!tpu.dma_semaphore, #tpu.memory_space<semaphore_mem>>) src(%dma_wait3A_162 : memref<10000x128xf32, #tpu.memory_space<hbm>>) dst(%arg16 : memref<128x128xf32, #tpu.memory_space<vmem>>)
        "tpu.region"() ({
          %run_scoped3A = tpu.sem_alloc : memref<!tpu.dma_semaphore, #tpu.memory_space<semaphore_mem>>
          %dma_start3A = arith.constant 0 : i32
          %dma_start3A_163 = arith.constant 0 : i32
          %dma_start3A_164 = tpu.memref_slice %arg17[%dma_start3A, %dma_start3A_163] : memref<10112x128xf32, #tpu.memory_space<vmem_shared>> -> memref<10112x128xf32, #tpu.memory_space<vmem_shared>>
          tpu.enqueue_indirect_dma source(%arg16 : memref<128x128xf32, #tpu.memory_space<vmem>>) target(%dma_start3A_164 : memref<10112x128xf32, #tpu.memory_space<vmem_shared>>) offsets(%arg10 : memref<128xi32, #tpu.memory_space<vmem>>) semaphore(%run_scoped3A : memref<!tpu.dma_semaphore, #tpu.memory_space<semaphore_mem>>) {add = true}
          %dma_wait3A_165 = arith.constant 0 : i32
          %dma_wait3A_166 = arith.constant 0 : i32
          %dma_wait3A_167 = tpu.memref_slice %arg17[%dma_wait3A_165, %dma_wait3A_166] : memref<10112x128xf32, #tpu.memory_space<vmem_shared>> -> memref<10112x128xf32, #tpu.memory_space<vmem_shared>>
          tpu.wait_indirect_dma semaphore(%run_scoped3A : memref<!tpu.dma_semaphore, #tpu.memory_space<semaphore_mem>>) src(%arg16 : memref<128x128xf32, #tpu.memory_space<vmem>>) dst(%dma_wait3A_167 : memref<10112x128xf32, #tpu.memory_space<vmem_shared>>)
          tpu.yield
        }) : () -> ()
      } else {
      }
      %add3A_119 = arith.constant 4 : i32
      %add3A_120 = arith.addi %add3A_108, %add3A_119 : i32
      %lt3A_121 = arith.cmpi slt, %add3A_120, %select_n3A_19 : i32
      %convert_element_type3A_122 = arith.extui %lt3A_121 : i1 to i32
      %cond3A_123 = arith.constant 0 : i32
      %cond3A_124 = arith.cmpi ne, %convert_element_type3A_122, %cond3A_123 : i32
      scf.if %cond3A_124 {
        %add3A_161 = arith.constant 4 : i32
        %add3A_162 = arith.addi %add3A_108, %add3A_161 : i32
        %mul3A_163 = arith.constant 128 : i32
        %mul3A_164 = arith.muli %add3A_162, %mul3A_163 : i32
        %add3A_165 = arith.addi %mul3A_32, %mul3A_164 : i32
        %dma_start3A = tpu.memref_slice %arg2[%add3A_165] : memref<320000xi32, #tpu.memory_space<hbm>> -> memref<128xi32, #tpu.memory_space<hbm>>
        %dma_start3A_166 = tpu.memref_slice %arg2[%add3A_165] : memref<320000xi32, #tpu.memory_space<hbm>> -> memref<128xi32, #tpu.memory_space<hbm>>
        tpu.enqueue_dma source(%dma_start3A_166 : memref<128xi32, #tpu.memory_space<hbm>>) target(%arg9 : memref<128xi32, #tpu.memory_space<vmem>>) target_semaphore(%arg21 : memref<!tpu.dma_semaphore, #tpu.memory_space<semaphore_mem>>)
        %dma_start3A_167 = tpu.memref_slice %arg3[%add3A_165] : memref<320000xi32, #tpu.memory_space<hbm>> -> memref<128xi32, #tpu.memory_space<hbm>>
        %dma_start3A_168 = tpu.memref_slice %arg3[%add3A_165] : memref<320000xi32, #tpu.memory_space<hbm>> -> memref<128xi32, #tpu.memory_space<hbm>>
        tpu.enqueue_dma source(%dma_start3A_168 : memref<128xi32, #tpu.memory_space<hbm>>) target(%arg10 : memref<128xi32, #tpu.memory_space<vmem>>) target_semaphore(%arg21 : memref<!tpu.dma_semaphore, #tpu.memory_space<semaphore_mem>>)
      } else {
      }
      %add3A_125 = arith.constant 2 : i32
      %add3A_126 = arith.addi %mul3A_88, %add3A_125 : i32
      %add3A_127 = arith.constant 1 : i32
      %add3A_128 = arith.addi %add3A_126, %add3A_127 : i32
      %lt3A_129 = arith.cmpi slt, %add3A_128, %select_n3A_19 : i32
      %convert_element_type3A_130 = arith.extui %lt3A_129 : i1 to i32
      %cond3A_131 = arith.constant 0 : i32
      %cond3A_132 = arith.cmpi ne, %convert_element_type3A_130, %cond3A_131 : i32
      scf.if %cond3A_132 {
        %dma_wait3A = arith.constant 0 : i32
        %dma_wait3A_161 = tpu.memref_slice %arg2[%dma_wait3A] : memref<320000xi32, #tpu.memory_space<hbm>> -> memref<128xi32, #tpu.memory_space<hbm>>
        %dma_wait3A_162 = arith.constant 0 : i32
        %dma_wait3A_163 = tpu.memref_slice %arg2[%dma_wait3A_162] : memref<320000xi32, #tpu.memory_space<hbm>> -> memref<128xi32, #tpu.memory_space<hbm>>
        tpu.wait_dma2 semaphore(%arg23 : memref<!tpu.dma_semaphore, #tpu.memory_space<semaphore_mem>>) src(%dma_wait3A_163 : memref<128xi32, #tpu.memory_space<hbm>>) dst(%arg13 : memref<128xi32, #tpu.memory_space<vmem>>)
        %dma_wait3A_164 = arith.constant 0 : i32
        %dma_wait3A_165 = tpu.memref_slice %arg3[%dma_wait3A_164] : memref<320000xi32, #tpu.memory_space<hbm>> -> memref<128xi32, #tpu.memory_space<hbm>>
        %dma_wait3A_166 = arith.constant 0 : i32
        %dma_wait3A_167 = tpu.memref_slice %arg3[%dma_wait3A_166] : memref<320000xi32, #tpu.memory_space<hbm>> -> memref<128xi32, #tpu.memory_space<hbm>>
        tpu.wait_dma2 semaphore(%arg23 : memref<!tpu.dma_semaphore, #tpu.memory_space<semaphore_mem>>) src(%dma_wait3A_167 : memref<128xi32, #tpu.memory_space<hbm>>) dst(%arg14 : memref<128xi32, #tpu.memory_space<vmem>>)
        %dma_start3A = arith.constant 0 : i32
        %dma_start3A_168 = arith.constant 0 : i32
        %dma_start3A_169 = tpu.memref_slice %arg4[%dma_start3A, %dma_start3A_168] : memref<10000x128xf32, #tpu.memory_space<hbm>> -> memref<10000x128xf32, #tpu.memory_space<hbm>>
        tpu.enqueue_indirect_dma source(%dma_start3A_169 : memref<10000x128xf32, #tpu.memory_space<hbm>>) target(%arg16 : memref<128x128xf32, #tpu.memory_space<vmem>>) offsets(%arg13 : memref<128xi32, #tpu.memory_space<vmem>>) semaphore(%arg19 : memref<!tpu.dma_semaphore, #tpu.memory_space<semaphore_mem>>)
      } else {
      }
      %lt3A_133 = arith.cmpi slt, %add3A_126, %select_n3A_19 : i32
      %convert_element_type3A_134 = arith.extui %lt3A_133 : i1 to i32
      %cond3A_135 = arith.constant 0 : i32
      %cond3A_136 = arith.cmpi ne, %convert_element_type3A_134, %cond3A_135 : i32
      scf.if %cond3A_136 {
        %dma_wait3A = arith.constant 0 : i32
        %dma_wait3A_161 = arith.constant 0 : i32
        %dma_wait3A_162 = tpu.memref_slice %arg4[%dma_wait3A, %dma_wait3A_161] : memref<10000x128xf32, #tpu.memory_space<hbm>> -> memref<10000x128xf32, #tpu.memory_space<hbm>>
        tpu.wait_indirect_dma semaphore(%arg18 : memref<!tpu.dma_semaphore, #tpu.memory_space<semaphore_mem>>) src(%dma_wait3A_162 : memref<10000x128xf32, #tpu.memory_space<hbm>>) dst(%arg15 : memref<128x128xf32, #tpu.memory_space<vmem>>)
        "tpu.region"() ({
          %run_scoped3A = tpu.sem_alloc : memref<!tpu.dma_semaphore, #tpu.memory_space<semaphore_mem>>
          %dma_start3A = arith.constant 0 : i32
          %dma_start3A_163 = arith.constant 0 : i32
          %dma_start3A_164 = tpu.memref_slice %arg17[%dma_start3A, %dma_start3A_163] : memref<10112x128xf32, #tpu.memory_space<vmem_shared>> -> memref<10112x128xf32, #tpu.memory_space<vmem_shared>>
          tpu.enqueue_indirect_dma source(%arg15 : memref<128x128xf32, #tpu.memory_space<vmem>>) target(%dma_start3A_164 : memref<10112x128xf32, #tpu.memory_space<vmem_shared>>) offsets(%arg12 : memref<128xi32, #tpu.memory_space<vmem>>) semaphore(%run_scoped3A : memref<!tpu.dma_semaphore, #tpu.memory_space<semaphore_mem>>) {add = true}
          %dma_wait3A_165 = arith.constant 0 : i32
          %dma_wait3A_166 = arith.constant 0 : i32
          %dma_wait3A_167 = tpu.memref_slice %arg17[%dma_wait3A_165, %dma_wait3A_166] : memref<10112x128xf32, #tpu.memory_space<vmem_shared>> -> memref<10112x128xf32, #tpu.memory_space<vmem_shared>>
          tpu.wait_indirect_dma semaphore(%run_scoped3A : memref<!tpu.dma_semaphore, #tpu.memory_space<semaphore_mem>>) src(%arg15 : memref<128x128xf32, #tpu.memory_space<vmem>>) dst(%dma_wait3A_167 : memref<10112x128xf32, #tpu.memory_space<vmem_shared>>)
          tpu.yield
        }) : () -> ()
      } else {
      }
      %add3A_137 = arith.constant 4 : i32
      %add3A_138 = arith.addi %add3A_126, %add3A_137 : i32
      %lt3A_139 = arith.cmpi slt, %add3A_138, %select_n3A_19 : i32
      %convert_element_type3A_140 = arith.extui %lt3A_139 : i1 to i32
      %cond3A_141 = arith.constant 0 : i32
      %cond3A_142 = arith.cmpi ne, %convert_element_type3A_140, %cond3A_141 : i32
      scf.if %cond3A_142 {
        %add3A_161 = arith.constant 4 : i32
        %add3A_162 = arith.addi %add3A_126, %add3A_161 : i32
        %mul3A_163 = arith.constant 128 : i32
        %mul3A_164 = arith.muli %add3A_162, %mul3A_163 : i32
        %add3A_165 = arith.addi %mul3A_32, %mul3A_164 : i32
        %dma_start3A = tpu.memref_slice %arg2[%add3A_165] : memref<320000xi32, #tpu.memory_space<hbm>> -> memref<128xi32, #tpu.memory_space<hbm>>
        %dma_start3A_166 = tpu.memref_slice %arg2[%add3A_165] : memref<320000xi32, #tpu.memory_space<hbm>> -> memref<128xi32, #tpu.memory_space<hbm>>
        tpu.enqueue_dma source(%dma_start3A_166 : memref<128xi32, #tpu.memory_space<hbm>>) target(%arg11 : memref<128xi32, #tpu.memory_space<vmem>>) target_semaphore(%arg22 : memref<!tpu.dma_semaphore, #tpu.memory_space<semaphore_mem>>)
        %dma_start3A_167 = tpu.memref_slice %arg3[%add3A_165] : memref<320000xi32, #tpu.memory_space<hbm>> -> memref<128xi32, #tpu.memory_space<hbm>>
        %dma_start3A_168 = tpu.memref_slice %arg3[%add3A_165] : memref<320000xi32, #tpu.memory_space<hbm>> -> memref<128xi32, #tpu.memory_space<hbm>>
        tpu.enqueue_dma source(%dma_start3A_168 : memref<128xi32, #tpu.memory_space<hbm>>) target(%arg12 : memref<128xi32, #tpu.memory_space<vmem>>) target_semaphore(%arg22 : memref<!tpu.dma_semaphore, #tpu.memory_space<semaphore_mem>>)
      } else {
      }
      %add3A_143 = arith.constant 3 : i32
      %add3A_144 = arith.addi %mul3A_88, %add3A_143 : i32
      %add3A_145 = arith.constant 1 : i32
      %add3A_146 = arith.addi %add3A_144, %add3A_145 : i32
      %lt3A_147 = arith.cmpi slt, %add3A_146, %select_n3A_19 : i32
      %convert_element_type3A_148 = arith.extui %lt3A_147 : i1 to i32
      %cond3A_149 = arith.constant 0 : i32
      %cond3A_150 = arith.cmpi ne, %convert_element_type3A_148, %cond3A_149 : i32
      scf.if %cond3A_150 {
        %dma_wait3A = arith.constant 0 : i32
        %dma_wait3A_161 = tpu.memref_slice %arg2[%dma_wait3A] : memref<320000xi32, #tpu.memory_space<hbm>> -> memref<128xi32, #tpu.memory_space<hbm>>
        %dma_wait3A_162 = arith.constant 0 : i32
        %dma_wait3A_163 = tpu.memref_slice %arg2[%dma_wait3A_162] : memref<320000xi32, #tpu.memory_space<hbm>> -> memref<128xi32, #tpu.memory_space<hbm>>
        tpu.wait_dma2 semaphore(%arg20 : memref<!tpu.dma_semaphore, #tpu.memory_space<semaphore_mem>>) src(%dma_wait3A_163 : memref<128xi32, #tpu.memory_space<hbm>>) dst(%arg7 : memref<128xi32, #tpu.memory_space<vmem>>)
        %dma_wait3A_164 = arith.constant 0 : i32
        %dma_wait3A_165 = tpu.memref_slice %arg3[%dma_wait3A_164] : memref<320000xi32, #tpu.memory_space<hbm>> -> memref<128xi32, #tpu.memory_space<hbm>>
        %dma_wait3A_166 = arith.constant 0 : i32
        %dma_wait3A_167 = tpu.memref_slice %arg3[%dma_wait3A_166] : memref<320000xi32, #tpu.memory_space<hbm>> -> memref<128xi32, #tpu.memory_space<hbm>>
        tpu.wait_dma2 semaphore(%arg20 : memref<!tpu.dma_semaphore, #tpu.memory_space<semaphore_mem>>) src(%dma_wait3A_167 : memref<128xi32, #tpu.memory_space<hbm>>) dst(%arg8 : memref<128xi32, #tpu.memory_space<vmem>>)
        %dma_start3A = arith.constant 0 : i32
        %dma_start3A_168 = arith.constant 0 : i32
        %dma_start3A_169 = tpu.memref_slice %arg4[%dma_start3A, %dma_start3A_168] : memref<10000x128xf32, #tpu.memory_space<hbm>> -> memref<10000x128xf32, #tpu.memory_space<hbm>>
        tpu.enqueue_indirect_dma source(%dma_start3A_169 : memref<10000x128xf32, #tpu.memory_space<hbm>>) target(%arg15 : memref<128x128xf32, #tpu.memory_space<vmem>>) offsets(%arg7 : memref<128xi32, #tpu.memory_space<vmem>>) semaphore(%arg18 : memref<!tpu.dma_semaphore, #tpu.memory_space<semaphore_mem>>)
      } else {
      }
      %lt3A_151 = arith.cmpi slt, %add3A_144, %select_n3A_19 : i32
      %convert_element_type3A_152 = arith.extui %lt3A_151 : i1 to i32
      %cond3A_153 = arith.constant 0 : i32
      %cond3A_154 = arith.cmpi ne, %convert_element_type3A_152, %cond3A_153 : i32
      scf.if %cond3A_154 {
        %dma_wait3A = arith.constant 0 : i32
        %dma_wait3A_161 = arith.constant 0 : i32
        %dma_wait3A_162 = tpu.memref_slice %arg4[%dma_wait3A, %dma_wait3A_161] : memref<10000x128xf32, #tpu.memory_space<hbm>> -> memref<10000x128xf32, #tpu.memory_space<hbm>>
        tpu.wait_indirect_dma semaphore(%arg19 : memref<!tpu.dma_semaphore, #tpu.memory_space<semaphore_mem>>) src(%dma_wait3A_162 : memref<10000x128xf32, #tpu.memory_space<hbm>>) dst(%arg16 : memref<128x128xf32, #tpu.memory_space<vmem>>)
        "tpu.region"() ({
          %run_scoped3A = tpu.sem_alloc : memref<!tpu.dma_semaphore, #tpu.memory_space<semaphore_mem>>
          %dma_start3A = arith.constant 0 : i32
          %dma_start3A_163 = arith.constant 0 : i32
          %dma_start3A_164 = tpu.memref_slice %arg17[%dma_start3A, %dma_start3A_163] : memref<10112x128xf32, #tpu.memory_space<vmem_shared>> -> memref<10112x128xf32, #tpu.memory_space<vmem_shared>>
          tpu.enqueue_indirect_dma source(%arg16 : memref<128x128xf32, #tpu.memory_space<vmem>>) target(%dma_start3A_164 : memref<10112x128xf32, #tpu.memory_space<vmem_shared>>) offsets(%arg14 : memref<128xi32, #tpu.memory_space<vmem>>) semaphore(%run_scoped3A : memref<!tpu.dma_semaphore, #tpu.memory_space<semaphore_mem>>) {add = true}
          %dma_wait3A_165 = arith.constant 0 : i32
          %dma_wait3A_166 = arith.constant 0 : i32
          %dma_wait3A_167 = tpu.memref_slice %arg17[%dma_wait3A_165, %dma_wait3A_166] : memref<10112x128xf32, #tpu.memory_space<vmem_shared>> -> memref<10112x128xf32, #tpu.memory_space<vmem_shared>>
          tpu.wait_indirect_dma semaphore(%run_scoped3A : memref<!tpu.dma_semaphore, #tpu.memory_space<semaphore_mem>>) src(%arg16 : memref<128x128xf32, #tpu.memory_space<vmem>>) dst(%dma_wait3A_167 : memref<10112x128xf32, #tpu.memory_space<vmem_shared>>)
          tpu.yield
        }) : () -> ()
      } else {
      }
      %add3A_155 = arith.constant 4 : i32
      %add3A_156 = arith.addi %add3A_144, %add3A_155 : i32
      %lt3A_157 = arith.cmpi slt, %add3A_156, %select_n3A_19 : i32
      %convert_element_type3A_158 = arith.extui %lt3A_157 : i1 to i32
      %cond3A_159 = arith.constant 0 : i32
      %cond3A_160 = arith.cmpi ne, %convert_element_type3A_158, %cond3A_159 : i32
      scf.if %cond3A_160 {
        %add3A_161 = arith.constant 4 : i32
        %add3A_162 = arith.addi %add3A_144, %add3A_161 : i32
        %mul3A_163 = arith.constant 128 : i32
        %mul3A_164 = arith.muli %add3A_162, %mul3A_163 : i32
        %add3A_165 = arith.addi %mul3A_32, %mul3A_164 : i32
        %dma_start3A = tpu.memref_slice %arg2[%add3A_165] : memref<320000xi32, #tpu.memory_space<hbm>> -> memref<128xi32, #tpu.memory_space<hbm>>
        %dma_start3A_166 = tpu.memref_slice %arg2[%add3A_165] : memref<320000xi32, #tpu.memory_space<hbm>> -> memref<128xi32, #tpu.memory_space<hbm>>
        tpu.enqueue_dma source(%dma_start3A_166 : memref<128xi32, #tpu.memory_space<hbm>>) target(%arg13 : memref<128xi32, #tpu.memory_space<vmem>>) target_semaphore(%arg23 : memref<!tpu.dma_semaphore, #tpu.memory_space<semaphore_mem>>)
        %dma_start3A_167 = tpu.memref_slice %arg3[%add3A_165] : memref<320000xi32, #tpu.memory_space<hbm>> -> memref<128xi32, #tpu.memory_space<hbm>>
        %dma_start3A_168 = tpu.memref_slice %arg3[%add3A_165] : memref<320000xi32, #tpu.memory_space<hbm>> -> memref<128xi32, #tpu.memory_space<hbm>>
        tpu.enqueue_dma source(%dma_start3A_168 : memref<128xi32, #tpu.memory_space<hbm>>) target(%arg14 : memref<128xi32, #tpu.memory_space<vmem>>) target_semaphore(%arg23 : memref<!tpu.dma_semaphore, #tpu.memory_space<semaphore_mem>>)
      } else {
      }
    }
    %scan3A_59 = arith.constant 20 : i32
    %barrier3A_60 = arith.constant 0 : index
    tpu.barrier barrier_id(%barrier3A_60)
    %add3A_61 = arith.constant 0 : i32
    %add3A_62 = arith.addi %mul3A_2, %add3A_61 : i32
    "tpu.region"() ({
      %run_scoped3A = tpu.sem_alloc : memref<!tpu.dma_semaphore, #tpu.memory_space<semaphore_mem>>
      %dma_start3A = arith.constant 0 : i32
      %dma_start3A_86 = arith.constant 0 : i32
      %dma_start3A_87 = tpu.memref_slice %arg15[%dma_start3A, %dma_start3A_86] : memref<128x128xf32, #tpu.memory_space<vmem>> -> memref<128x128xf32, #tpu.memory_space<vmem>>
      %dma_start3A_88 = arith.constant 0 : i32
      %dma_start3A_89 = tpu.memref_slice %arg17[%add3A_62, %dma_start3A_88] : memref<10112x128xf32, #tpu.memory_space<vmem_shared>> -> memref<128x128xf32, #tpu.memory_space<vmem_shared>>
      %dma_start3A_90 = arith.constant 0 : i32
      %dma_start3A_91 = arith.constant 0 : i32
      %dma_start3A_92 = tpu.memref_slice %arg15[%dma_start3A_90, %dma_start3A_91] : memref<128x128xf32, #tpu.memory_space<vmem>> -> memref<128x128xf32, #tpu.memory_space<vmem>>
      %dma_start3A_93 = arith.constant 0 : i32
      %dma_start3A_94 = tpu.memref_slice %arg17[%add3A_62, %dma_start3A_93] : memref<10112x128xf32, #tpu.memory_space<vmem_shared>> -> memref<128x128xf32, #tpu.memory_space<vmem_shared>>
      tpu.enqueue_dma source(%dma_start3A_94 : memref<128x128xf32, #tpu.memory_space<vmem_shared>>) target(%dma_start3A_92 : memref<128x128xf32, #tpu.memory_space<vmem>>) target_semaphore(%run_scoped3A : memref<!tpu.dma_semaphore, #tpu.memory_space<semaphore_mem>>)
      %dma_wait3A = arith.constant 0 : i32
      %dma_wait3A_95 = arith.constant 0 : i32
      %dma_wait3A_96 = tpu.memref_slice %arg15[%dma_wait3A, %dma_wait3A_95] : memref<128x128xf32, #tpu.memory_space<vmem>> -> memref<128x128xf32, #tpu.memory_space<vmem>>
      %dma_wait3A_97 = arith.constant 0 : i32
      %dma_wait3A_98 = tpu.memref_slice %arg17[%add3A_62, %dma_wait3A_97] : memref<10112x128xf32, #tpu.memory_space<vmem_shared>> -> memref<128x128xf32, #tpu.memory_space<vmem_shared>>
      %dma_wait3A_99 = arith.constant 0 : i32
      %dma_wait3A_100 = arith.constant 0 : i32
      %dma_wait3A_101 = tpu.memref_slice %arg15[%dma_wait3A_99, %dma_wait3A_100] : memref<128x128xf32, #tpu.memory_space<vmem>> -> memref<128x128xf32, #tpu.memory_space<vmem>>
      %dma_wait3A_102 = arith.constant 0 : i32
      %dma_wait3A_103 = tpu.memref_slice %arg17[%add3A_62, %dma_wait3A_102] : memref<10112x128xf32, #tpu.memory_space<vmem_shared>> -> memref<128x128xf32, #tpu.memory_space<vmem_shared>>
      tpu.wait_dma2 semaphore(%run_scoped3A : memref<!tpu.dma_semaphore, #tpu.memory_space<semaphore_mem>>) src(%dma_wait3A_103 : memref<128x128xf32, #tpu.memory_space<vmem_shared>>) dst(%dma_wait3A_101 : memref<128x128xf32, #tpu.memory_space<vmem>>)
      tpu.yield
    }) : () -> ()
    %mul3A_63 = arith.constant 10112 : i32
    %mul3A_64 = arith.muli %arg0, %mul3A_63 : i32
    %add3A_65 = arith.addi %mul3A_64, %add3A_62 : i32
    "tpu.region"() ({
      %run_scoped3A = tpu.sem_alloc : memref<!tpu.dma_semaphore, #tpu.memory_space<semaphore_mem>>
      %dma_start3A = arith.constant 0 : i32
      %dma_start3A_86 = arith.constant 0 : i32
      %dma_start3A_87 = tpu.memref_slice %arg15[%dma_start3A, %dma_start3A_86] : memref<128x128xf32, #tpu.memory_space<vmem>> -> memref<128x128xf32, #tpu.memory_space<vmem>>
      %dma_start3A_88 = arith.constant 0 : i32
      %dma_start3A_89 = tpu.memref_slice %arg6[%add3A_65, %dma_start3A_88] : memref<20224x128xf32, #tpu.memory_space<hbm>> -> memref<128x128xf32, #tpu.memory_space<hbm>>
      %dma_start3A_90 = arith.constant 0 : i32
      %dma_start3A_91 = tpu.memref_slice %arg6[%add3A_65, %dma_start3A_90] : memref<20224x128xf32, #tpu.memory_space<hbm>> -> memref<128x128xf32, #tpu.memory_space<hbm>>
      %dma_start3A_92 = arith.constant 0 : i32
      %dma_start3A_93 = arith.constant 0 : i32
      %dma_start3A_94 = tpu.memref_slice %arg15[%dma_start3A_92, %dma_start3A_93] : memref<128x128xf32, #tpu.memory_space<vmem>> -> memref<128x128xf32, #tpu.memory_space<vmem>>
      tpu.enqueue_dma source(%dma_start3A_94 : memref<128x128xf32, #tpu.memory_space<vmem>>) target(%dma_start3A_91 : memref<128x128xf32, #tpu.memory_space<hbm>>) target_semaphore(%run_scoped3A : memref<!tpu.dma_semaphore, #tpu.memory_space<semaphore_mem>>)
      %dma_wait3A = arith.constant 0 : i32
      %dma_wait3A_95 = arith.constant 0 : i32
      %dma_wait3A_96 = tpu.memref_slice %arg15[%dma_wait3A, %dma_wait3A_95] : memref<128x128xf32, #tpu.memory_space<vmem>> -> memref<128x128xf32, #tpu.memory_space<vmem>>
      %dma_wait3A_97 = arith.constant 0 : i32
      %dma_wait3A_98 = tpu.memref_slice %arg6[%add3A_65, %dma_wait3A_97] : memref<20224x128xf32, #tpu.memory_space<hbm>> -> memref<128x128xf32, #tpu.memory_space<hbm>>
      %dma_wait3A_99 = arith.constant 0 : i32
      %dma_wait3A_100 = tpu.memref_slice %arg6[%add3A_65, %dma_wait3A_99] : memref<20224x128xf32, #tpu.memory_space<hbm>> -> memref<128x128xf32, #tpu.memory_space<hbm>>
      %dma_wait3A_101 = arith.constant 0 : i32
      %dma_wait3A_102 = arith.constant 0 : i32
      %dma_wait3A_103 = tpu.memref_slice %arg15[%dma_wait3A_101, %dma_wait3A_102] : memref<128x128xf32, #tpu.memory_space<vmem>> -> memref<128x128xf32, #tpu.memory_space<vmem>>
      tpu.wait_dma2 semaphore(%run_scoped3A : memref<!tpu.dma_semaphore, #tpu.memory_space<semaphore_mem>>) src(%dma_wait3A_103 : memref<128x128xf32, #tpu.memory_space<vmem>>) dst(%dma_wait3A_100 : memref<128x128xf32, #tpu.memory_space<hbm>>)
      tpu.yield
    }) : () -> ()
    %add3A_66 = arith.constant 128 : i32
    %add3A_67 = arith.addi %mul3A_2, %add3A_66 : i32
    "tpu.region"() ({
      %run_scoped3A = tpu.sem_alloc : memref<!tpu.dma_semaphore, #tpu.memory_space<semaphore_mem>>
      %dma_start3A = arith.constant 0 : i32
      %dma_start3A_86 = arith.constant 0 : i32
      %dma_start3A_87 = tpu.memref_slice %arg15[%dma_start3A, %dma_start3A_86] : memref<128x128xf32, #tpu.memory_space<vmem>> -> memref<128x128xf32, #tpu.memory_space<vmem>>
      %dma_start3A_88 = arith.constant 0 : i32
      %dma_start3A_89 = tpu.memref_slice %arg17[%add3A_67, %dma_start3A_88] : memref<10112x128xf32, #tpu.memory_space<vmem_shared>> -> memref<128x128xf32, #tpu.memory_space<vmem_shared>>
      %dma_start3A_90 = arith.constant 0 : i32
      %dma_start3A_91 = arith.constant 0 : i32
      %dma_start3A_92 = tpu.memref_slice %arg15[%dma_start3A_90, %dma_start3A_91] : memref<128x128xf32, #tpu.memory_space<vmem>> -> memref<128x128xf32, #tpu.memory_space<vmem>>
      %dma_start3A_93 = arith.constant 0 : i32
      %dma_start3A_94 = tpu.memref_slice %arg17[%add3A_67, %dma_start3A_93] : memref<10112x128xf32, #tpu.memory_space<vmem_shared>> -> memref<128x128xf32, #tpu.memory_space<vmem_shared>>
      tpu.enqueue_dma source(%dma_start3A_94 : memref<128x128xf32, #tpu.memory_space<vmem_shared>>) target(%dma_start3A_92 : memref<128x128xf32, #tpu.memory_space<vmem>>) target_semaphore(%run_scoped3A : memref<!tpu.dma_semaphore, #tpu.memory_space<semaphore_mem>>)
      %dma_wait3A = arith.constant 0 : i32
      %dma_wait3A_95 = arith.constant 0 : i32
      %dma_wait3A_96 = tpu.memref_slice %arg15[%dma_wait3A, %dma_wait3A_95] : memref<128x128xf32, #tpu.memory_space<vmem>> -> memref<128x128xf32, #tpu.memory_space<vmem>>
      %dma_wait3A_97 = arith.constant 0 : i32
      %dma_wait3A_98 = tpu.memref_slice %arg17[%add3A_67, %dma_wait3A_97] : memref<10112x128xf32, #tpu.memory_space<vmem_shared>> -> memref<128x128xf32, #tpu.memory_space<vmem_shared>>
      %dma_wait3A_99 = arith.constant 0 : i32
      %dma_wait3A_100 = arith.constant 0 : i32
      %dma_wait3A_101 = tpu.memref_slice %arg15[%dma_wait3A_99, %dma_wait3A_100] : memref<128x128xf32, #tpu.memory_space<vmem>> -> memref<128x128xf32, #tpu.memory_space<vmem>>
      %dma_wait3A_102 = arith.constant 0 : i32
      %dma_wait3A_103 = tpu.memref_slice %arg17[%add3A_67, %dma_wait3A_102] : memref<10112x128xf32, #tpu.memory_space<vmem_shared>> -> memref<128x128xf32, #tpu.memory_space<vmem_shared>>
      tpu.wait_dma2 semaphore(%run_scoped3A : memref<!tpu.dma_semaphore, #tpu.memory_space<semaphore_mem>>) src(%dma_wait3A_103 : memref<128x128xf32, #tpu.memory_space<vmem_shared>>) dst(%dma_wait3A_101 : memref<128x128xf32, #tpu.memory_space<vmem>>)
      tpu.yield
    }) : () -> ()
    %mul3A_68 = arith.constant 10112 : i32
    %mul3A_69 = arith.muli %arg0, %mul3A_68 : i32
    %add3A_70 = arith.addi %mul3A_69, %add3A_67 : i32
    "tpu.region"() ({
      %run_scoped3A = tpu.sem_alloc : memref<!tpu.dma_semaphore, #tpu.memory_space<semaphore_mem>>
      %dma_start3A = arith.constant 0 : i32
      %dma_start3A_86 = arith.constant 0 : i32
      %dma_start3A_87 = tpu.memref_slice %arg15[%dma_start3A, %dma_start3A_86] : memref<128x128xf32, #tpu.memory_space<vmem>> -> memref<128x128xf32, #tpu.memory_space<vmem>>
      %dma_start3A_88 = arith.constant 0 : i32
      %dma_start3A_89 = tpu.memref_slice %arg6[%add3A_70, %dma_start3A_88] : memref<20224x128xf32, #tpu.memory_space<hbm>> -> memref<128x128xf32, #tpu.memory_space<hbm>>
      %dma_start3A_90 = arith.constant 0 : i32
      %dma_start3A_91 = tpu.memref_slice %arg6[%add3A_70, %dma_start3A_90] : memref<20224x128xf32, #tpu.memory_space<hbm>> -> memref<128x128xf32, #tpu.memory_space<hbm>>
      %dma_start3A_92 = arith.constant 0 : i32
      %dma_start3A_93 = arith.constant 0 : i32
      %dma_start3A_94 = tpu.memref_slice %arg15[%dma_start3A_92, %dma_start3A_93] : memref<128x128xf32, #tpu.memory_space<vmem>> -> memref<128x128xf32, #tpu.memory_space<vmem>>
      tpu.enqueue_dma source(%dma_start3A_94 : memref<128x128xf32, #tpu.memory_space<vmem>>) target(%dma_start3A_91 : memref<128x128xf32, #tpu.memory_space<hbm>>) target_semaphore(%run_scoped3A : memref<!tpu.dma_semaphore, #tpu.memory_space<semaphore_mem>>)
      %dma_wait3A = arith.constant 0 : i32
      %dma_wait3A_95 = arith.constant 0 : i32
      %dma_wait3A_96 = tpu.memref_slice %arg15[%dma_wait3A, %dma_wait3A_95] : memref<128x128xf32, #tpu.memory_space<vmem>> -> memref<128x128xf32, #tpu.memory_space<vmem>>
      %dma_wait3A_97 = arith.constant 0 : i32
      %dma_wait3A_98 = tpu.memref_slice %arg6[%add3A_70, %dma_wait3A_97] : memref<20224x128xf32, #tpu.memory_space<hbm>> -> memref<128x128xf32, #tpu.memory_space<hbm>>
      %dma_wait3A_99 = arith.constant 0 : i32
      %dma_wait3A_100 = tpu.memref_slice %arg6[%add3A_70, %dma_wait3A_99] : memref<20224x128xf32, #tpu.memory_space<hbm>> -> memref<128x128xf32, #tpu.memory_space<hbm>>
      %dma_wait3A_101 = arith.constant 0 : i32
      %dma_wait3A_102 = arith.constant 0 : i32
      %dma_wait3A_103 = tpu.memref_slice %arg15[%dma_wait3A_101, %dma_wait3A_102] : memref<128x128xf32, #tpu.memory_space<vmem>> -> memref<128x128xf32, #tpu.memory_space<vmem>>
      tpu.wait_dma2 semaphore(%run_scoped3A : memref<!tpu.dma_semaphore, #tpu.memory_space<semaphore_mem>>) src(%dma_wait3A_103 : memref<128x128xf32, #tpu.memory_space<vmem>>) dst(%dma_wait3A_100 : memref<128x128xf32, #tpu.memory_space<hbm>>)
      tpu.yield
    }) : () -> ()
    %add3A_71 = arith.constant 256 : i32
    %add3A_72 = arith.addi %mul3A_2, %add3A_71 : i32
    "tpu.region"() ({
      %run_scoped3A = tpu.sem_alloc : memref<!tpu.dma_semaphore, #tpu.memory_space<semaphore_mem>>
      %dma_start3A = arith.constant 0 : i32
      %dma_start3A_86 = arith.constant 0 : i32
      %dma_start3A_87 = tpu.memref_slice %arg15[%dma_start3A, %dma_start3A_86] : memref<128x128xf32, #tpu.memory_space<vmem>> -> memref<128x128xf32, #tpu.memory_space<vmem>>
      %dma_start3A_88 = arith.constant 0 : i32
      %dma_start3A_89 = tpu.memref_slice %arg17[%add3A_72, %dma_start3A_88] : memref<10112x128xf32, #tpu.memory_space<vmem_shared>> -> memref<128x128xf32, #tpu.memory_space<vmem_shared>>
      %dma_start3A_90 = arith.constant 0 : i32
      %dma_start3A_91 = arith.constant 0 : i32
      %dma_start3A_92 = tpu.memref_slice %arg15[%dma_start3A_90, %dma_start3A_91] : memref<128x128xf32, #tpu.memory_space<vmem>> -> memref<128x128xf32, #tpu.memory_space<vmem>>
      %dma_start3A_93 = arith.constant 0 : i32
      %dma_start3A_94 = tpu.memref_slice %arg17[%add3A_72, %dma_start3A_93] : memref<10112x128xf32, #tpu.memory_space<vmem_shared>> -> memref<128x128xf32, #tpu.memory_space<vmem_shared>>
      tpu.enqueue_dma source(%dma_start3A_94 : memref<128x128xf32, #tpu.memory_space<vmem_shared>>) target(%dma_start3A_92 : memref<128x128xf32, #tpu.memory_space<vmem>>) target_semaphore(%run_scoped3A : memref<!tpu.dma_semaphore, #tpu.memory_space<semaphore_mem>>)
      %dma_wait3A = arith.constant 0 : i32
      %dma_wait3A_95 = arith.constant 0 : i32
      %dma_wait3A_96 = tpu.memref_slice %arg15[%dma_wait3A, %dma_wait3A_95] : memref<128x128xf32, #tpu.memory_space<vmem>> -> memref<128x128xf32, #tpu.memory_space<vmem>>
      %dma_wait3A_97 = arith.constant 0 : i32
      %dma_wait3A_98 = tpu.memref_slice %arg17[%add3A_72, %dma_wait3A_97] : memref<10112x128xf32, #tpu.memory_space<vmem_shared>> -> memref<128x128xf32, #tpu.memory_space<vmem_shared>>
      %dma_wait3A_99 = arith.constant 0 : i32
      %dma_wait3A_100 = arith.constant 0 : i32
      %dma_wait3A_101 = tpu.memref_slice %arg15[%dma_wait3A_99, %dma_wait3A_100] : memref<128x128xf32, #tpu.memory_space<vmem>> -> memref<128x128xf32, #tpu.memory_space<vmem>>
      %dma_wait3A_102 = arith.constant 0 : i32
      %dma_wait3A_103 = tpu.memref_slice %arg17[%add3A_72, %dma_wait3A_102] : memref<10112x128xf32, #tpu.memory_space<vmem_shared>> -> memref<128x128xf32, #tpu.memory_space<vmem_shared>>
      tpu.wait_dma2 semaphore(%run_scoped3A : memref<!tpu.dma_semaphore, #tpu.memory_space<semaphore_mem>>) src(%dma_wait3A_103 : memref<128x128xf32, #tpu.memory_space<vmem_shared>>) dst(%dma_wait3A_101 : memref<128x128xf32, #tpu.memory_space<vmem>>)
      tpu.yield
    }) : () -> ()
    %mul3A_73 = arith.constant 10112 : i32
    %mul3A_74 = arith.muli %arg0, %mul3A_73 : i32
    %add3A_75 = arith.addi %mul3A_74, %add3A_72 : i32
    "tpu.region"() ({
      %run_scoped3A = tpu.sem_alloc : memref<!tpu.dma_semaphore, #tpu.memory_space<semaphore_mem>>
      %dma_start3A = arith.constant 0 : i32
      %dma_start3A_86 = arith.constant 0 : i32
      %dma_start3A_87 = tpu.memref_slice %arg15[%dma_start3A, %dma_start3A_86] : memref<128x128xf32, #tpu.memory_space<vmem>> -> memref<128x128xf32, #tpu.memory_space<vmem>>
      %dma_start3A_88 = arith.constant 0 : i32
      %dma_start3A_89 = tpu.memref_slice %arg6[%add3A_75, %dma_start3A_88] : memref<20224x128xf32, #tpu.memory_space<hbm>> -> memref<128x128xf32, #tpu.memory_space<hbm>>
      %dma_start3A_90 = arith.constant 0 : i32
      %dma_start3A_91 = tpu.memref_slice %arg6[%add3A_75, %dma_start3A_90] : memref<20224x128xf32, #tpu.memory_space<hbm>> -> memref<128x128xf32, #tpu.memory_space<hbm>>
      %dma_start3A_92 = arith.constant 0 : i32
      %dma_start3A_93 = arith.constant 0 : i32
      %dma_start3A_94 = tpu.memref_slice %arg15[%dma_start3A_92, %dma_start3A_93] : memref<128x128xf32, #tpu.memory_space<vmem>> -> memref<128x128xf32, #tpu.memory_space<vmem>>
      tpu.enqueue_dma source(%dma_start3A_94 : memref<128x128xf32, #tpu.memory_space<vmem>>) target(%dma_start3A_91 : memref<128x128xf32, #tpu.memory_space<hbm>>) target_semaphore(%run_scoped3A : memref<!tpu.dma_semaphore, #tpu.memory_space<semaphore_mem>>)
      %dma_wait3A = arith.constant 0 : i32
      %dma_wait3A_95 = arith.constant 0 : i32
      %dma_wait3A_96 = tpu.memref_slice %arg15[%dma_wait3A, %dma_wait3A_95] : memref<128x128xf32, #tpu.memory_space<vmem>> -> memref<128x128xf32, #tpu.memory_space<vmem>>
      %dma_wait3A_97 = arith.constant 0 : i32
      %dma_wait3A_98 = tpu.memref_slice %arg6[%add3A_75, %dma_wait3A_97] : memref<20224x128xf32, #tpu.memory_space<hbm>> -> memref<128x128xf32, #tpu.memory_space<hbm>>
      %dma_wait3A_99 = arith.constant 0 : i32
      %dma_wait3A_100 = tpu.memref_slice %arg6[%add3A_75, %dma_wait3A_99] : memref<20224x128xf32, #tpu.memory_space<hbm>> -> memref<128x128xf32, #tpu.memory_space<hbm>>
      %dma_wait3A_101 = arith.constant 0 : i32
      %dma_wait3A_102 = arith.constant 0 : i32
      %dma_wait3A_103 = tpu.memref_slice %arg15[%dma_wait3A_101, %dma_wait3A_102] : memref<128x128xf32, #tpu.memory_space<vmem>> -> memref<128x128xf32, #tpu.memory_space<vmem>>
      tpu.wait_dma2 semaphore(%run_scoped3A : memref<!tpu.dma_semaphore, #tpu.memory_space<semaphore_mem>>) src(%dma_wait3A_103 : memref<128x128xf32, #tpu.memory_space<vmem>>) dst(%dma_wait3A_100 : memref<128x128xf32, #tpu.memory_space<hbm>>)
      tpu.yield
    }) : () -> ()
    %add3A_76 = arith.constant 384 : i32
    %add3A_77 = arith.addi %mul3A_2, %add3A_76 : i32
    "tpu.region"() ({
      %run_scoped3A = tpu.sem_alloc : memref<!tpu.dma_semaphore, #tpu.memory_space<semaphore_mem>>
      %dma_start3A = arith.constant 0 : i32
      %dma_start3A_86 = arith.constant 0 : i32
      %dma_start3A_87 = tpu.memref_slice %arg15[%dma_start3A, %dma_start3A_86] : memref<128x128xf32, #tpu.memory_space<vmem>> -> memref<128x128xf32, #tpu.memory_space<vmem>>
      %dma_start3A_88 = arith.constant 0 : i32
      %dma_start3A_89 = tpu.memref_slice %arg17[%add3A_77, %dma_start3A_88] : memref<10112x128xf32, #tpu.memory_space<vmem_shared>> -> memref<128x128xf32, #tpu.memory_space<vmem_shared>>
      %dma_start3A_90 = arith.constant 0 : i32
      %dma_start3A_91 = arith.constant 0 : i32
      %dma_start3A_92 = tpu.memref_slice %arg15[%dma_start3A_90, %dma_start3A_91] : memref<128x128xf32, #tpu.memory_space<vmem>> -> memref<128x128xf32, #tpu.memory_space<vmem>>
      %dma_start3A_93 = arith.constant 0 : i32
      %dma_start3A_94 = tpu.memref_slice %arg17[%add3A_77, %dma_start3A_93] : memref<10112x128xf32, #tpu.memory_space<vmem_shared>> -> memref<128x128xf32, #tpu.memory_space<vmem_shared>>
      tpu.enqueue_dma source(%dma_start3A_94 : memref<128x128xf32, #tpu.memory_space<vmem_shared>>) target(%dma_start3A_92 : memref<128x128xf32, #tpu.memory_space<vmem>>) target_semaphore(%run_scoped3A : memref<!tpu.dma_semaphore, #tpu.memory_space<semaphore_mem>>)
      %dma_wait3A = arith.constant 0 : i32
      %dma_wait3A_95 = arith.constant 0 : i32
      %dma_wait3A_96 = tpu.memref_slice %arg15[%dma_wait3A, %dma_wait3A_95] : memref<128x128xf32, #tpu.memory_space<vmem>> -> memref<128x128xf32, #tpu.memory_space<vmem>>
      %dma_wait3A_97 = arith.constant 0 : i32
      %dma_wait3A_98 = tpu.memref_slice %arg17[%add3A_77, %dma_wait3A_97] : memref<10112x128xf32, #tpu.memory_space<vmem_shared>> -> memref<128x128xf32, #tpu.memory_space<vmem_shared>>
      %dma_wait3A_99 = arith.constant 0 : i32
      %dma_wait3A_100 = arith.constant 0 : i32
      %dma_wait3A_101 = tpu.memref_slice %arg15[%dma_wait3A_99, %dma_wait3A_100] : memref<128x128xf32, #tpu.memory_space<vmem>> -> memref<128x128xf32, #tpu.memory_space<vmem>>
      %dma_wait3A_102 = arith.constant 0 : i32
      %dma_wait3A_103 = tpu.memref_slice %arg17[%add3A_77, %dma_wait3A_102] : memref<10112x128xf32, #tpu.memory_space<vmem_shared>> -> memref<128x128xf32, #tpu.memory_space<vmem_shared>>
      tpu.wait_dma2 semaphore(%run_scoped3A : memref<!tpu.dma_semaphore, #tpu.memory_space<semaphore_mem>>) src(%dma_wait3A_103 : memref<128x128xf32, #tpu.memory_space<vmem_shared>>) dst(%dma_wait3A_101 : memref<128x128xf32, #tpu.memory_space<vmem>>)
      tpu.yield
    }) : () -> ()
    %mul3A_78 = arith.constant 10112 : i32
    %mul3A_79 = arith.muli %arg0, %mul3A_78 : i32
    %add3A_80 = arith.addi %mul3A_79, %add3A_77 : i32
    "tpu.region"() ({
      %run_scoped3A = tpu.sem_alloc : memref<!tpu.dma_semaphore, #tpu.memory_space<semaphore_mem>>
      %dma_start3A = arith.constant 0 : i32
      %dma_start3A_86 = arith.constant 0 : i32
      %dma_start3A_87 = tpu.memref_slice %arg15[%dma_start3A, %dma_start3A_86] : memref<128x128xf32, #tpu.memory_space<vmem>> -> memref<128x128xf32, #tpu.memory_space<vmem>>
      %dma_start3A_88 = arith.constant 0 : i32
      %dma_start3A_89 = tpu.memref_slice %arg6[%add3A_80, %dma_start3A_88] : memref<20224x128xf32, #tpu.memory_space<hbm>> -> memref<128x128xf32, #tpu.memory_space<hbm>>
      %dma_start3A_90 = arith.constant 0 : i32
      %dma_start3A_91 = tpu.memref_slice %arg6[%add3A_80, %dma_start3A_90] : memref<20224x128xf32, #tpu.memory_space<hbm>> -> memref<128x128xf32, #tpu.memory_space<hbm>>
      %dma_start3A_92 = arith.constant 0 : i32
      %dma_start3A_93 = arith.constant 0 : i32
      %dma_start3A_94 = tpu.memref_slice %arg15[%dma_start3A_92, %dma_start3A_93] : memref<128x128xf32, #tpu.memory_space<vmem>> -> memref<128x128xf32, #tpu.memory_space<vmem>>
      tpu.enqueue_dma source(%dma_start3A_94 : memref<128x128xf32, #tpu.memory_space<vmem>>) target(%dma_start3A_91 : memref<128x128xf32, #tpu.memory_space<hbm>>) target_semaphore(%run_scoped3A : memref<!tpu.dma_semaphore, #tpu.memory_space<semaphore_mem>>)
      %dma_wait3A = arith.constant 0 : i32
      %dma_wait3A_95 = arith.constant 0 : i32
      %dma_wait3A_96 = tpu.memref_slice %arg15[%dma_wait3A, %dma_wait3A_95] : memref<128x128xf32, #tpu.memory_space<vmem>> -> memref<128x128xf32, #tpu.memory_space<vmem>>
      %dma_wait3A_97 = arith.constant 0 : i32
      %dma_wait3A_98 = tpu.memref_slice %arg6[%add3A_80, %dma_wait3A_97] : memref<20224x128xf32, #tpu.memory_space<hbm>> -> memref<128x128xf32, #tpu.memory_space<hbm>>
      %dma_wait3A_99 = arith.constant 0 : i32
      %dma_wait3A_100 = tpu.memref_slice %arg6[%add3A_80, %dma_wait3A_99] : memref<20224x128xf32, #tpu.memory_space<hbm>> -> memref<128x128xf32, #tpu.memory_space<hbm>>
      %dma_wait3A_101 = arith.constant 0 : i32
      %dma_wait3A_102 = arith.constant 0 : i32
      %dma_wait3A_103 = tpu.memref_slice %arg15[%dma_wait3A_101, %dma_wait3A_102] : memref<128x128xf32, #tpu.memory_space<vmem>> -> memref<128x128xf32, #tpu.memory_space<vmem>>
      tpu.wait_dma2 semaphore(%run_scoped3A : memref<!tpu.dma_semaphore, #tpu.memory_space<semaphore_mem>>) src(%dma_wait3A_103 : memref<128x128xf32, #tpu.memory_space<vmem>>) dst(%dma_wait3A_100 : memref<128x128xf32, #tpu.memory_space<hbm>>)
      tpu.yield
    }) : () -> ()
    %add3A_81 = arith.constant 512 : i32
    %add3A_82 = arith.addi %mul3A_2, %add3A_81 : i32
    "tpu.region"() ({
      %run_scoped3A = tpu.sem_alloc : memref<!tpu.dma_semaphore, #tpu.memory_space<semaphore_mem>>
      %dma_start3A = arith.constant 0 : i32
      %dma_start3A_86 = arith.constant 0 : i32
      %dma_start3A_87 = tpu.memref_slice %arg15[%dma_start3A, %dma_start3A_86] : memref<128x128xf32, #tpu.memory_space<vmem>> -> memref<120x128xf32, #tpu.memory_space<vmem>>
      %dma_start3A_88 = arith.constant 0 : i32
      %dma_start3A_89 = tpu.memref_slice %arg17[%add3A_82, %dma_start3A_88] : memref<10112x128xf32, #tpu.memory_space<vmem_shared>> -> memref<120x128xf32, #tpu.memory_space<vmem_shared>>
      %dma_start3A_90 = arith.constant 0 : i32
      %dma_start3A_91 = arith.constant 0 : i32
      %dma_start3A_92 = tpu.memref_slice %arg15[%dma_start3A_90, %dma_start3A_91] : memref<128x128xf32, #tpu.memory_space<vmem>> -> memref<120x128xf32, #tpu.memory_space<vmem>>
      %dma_start3A_93 = arith.constant 0 : i32
      %dma_start3A_94 = tpu.memref_slice %arg17[%add3A_82, %dma_start3A_93] : memref<10112x128xf32, #tpu.memory_space<vmem_shared>> -> memref<120x128xf32, #tpu.memory_space<vmem_shared>>
      tpu.enqueue_dma source(%dma_start3A_94 : memref<120x128xf32, #tpu.memory_space<vmem_shared>>) target(%dma_start3A_92 : memref<120x128xf32, #tpu.memory_space<vmem>>) target_semaphore(%run_scoped3A : memref<!tpu.dma_semaphore, #tpu.memory_space<semaphore_mem>>)
      %dma_wait3A = arith.constant 0 : i32
      %dma_wait3A_95 = arith.constant 0 : i32
      %dma_wait3A_96 = tpu.memref_slice %arg15[%dma_wait3A, %dma_wait3A_95] : memref<128x128xf32, #tpu.memory_space<vmem>> -> memref<120x128xf32, #tpu.memory_space<vmem>>
      %dma_wait3A_97 = arith.constant 0 : i32
      %dma_wait3A_98 = tpu.memref_slice %arg17[%add3A_82, %dma_wait3A_97] : memref<10112x128xf32, #tpu.memory_space<vmem_shared>> -> memref<120x128xf32, #tpu.memory_space<vmem_shared>>
      %dma_wait3A_99 = arith.constant 0 : i32
      %dma_wait3A_100 = arith.constant 0 : i32
      %dma_wait3A_101 = tpu.memref_slice %arg15[%dma_wait3A_99, %dma_wait3A_100] : memref<128x128xf32, #tpu.memory_space<vmem>> -> memref<120x128xf32, #tpu.memory_space<vmem>>
      %dma_wait3A_102 = arith.constant 0 : i32
      %dma_wait3A_103 = tpu.memref_slice %arg17[%add3A_82, %dma_wait3A_102] : memref<10112x128xf32, #tpu.memory_space<vmem_shared>> -> memref<120x128xf32, #tpu.memory_space<vmem_shared>>
      tpu.wait_dma2 semaphore(%run_scoped3A : memref<!tpu.dma_semaphore, #tpu.memory_space<semaphore_mem>>) src(%dma_wait3A_103 : memref<120x128xf32, #tpu.memory_space<vmem_shared>>) dst(%dma_wait3A_101 : memref<120x128xf32, #tpu.memory_space<vmem>>)
      tpu.yield
    }) : () -> ()
    %mul3A_83 = arith.constant 10112 : i32
    %mul3A_84 = arith.muli %arg0, %mul3A_83 : i32
    %add3A_85 = arith.addi %mul3A_84, %add3A_82 : i32
    "tpu.region"() ({
      %run_scoped3A = tpu.sem_alloc : memref<!tpu.dma_semaphore, #tpu.memory_space<semaphore_mem>>
      %dma_start3A = arith.constant 0 : i32
      %dma_start3A_86 = arith.constant 0 : i32
      %dma_start3A_87 = tpu.memref_slice %arg15[%dma_start3A, %dma_start3A_86] : memref<128x128xf32, #tpu.memory_space<vmem>> -> memref<120x128xf32, #tpu.memory_space<vmem>>
      %dma_start3A_88 = arith.constant 0 : i32
      %dma_start3A_89 = tpu.memref_slice %arg6[%add3A_85, %dma_start3A_88] : memref<20224x128xf32, #tpu.memory_space<hbm>> -> memref<120x128xf32, #tpu.memory_space<hbm>>
      %dma_start3A_90 = arith.constant 0 : i32
      %dma_start3A_91 = tpu.memref_slice %arg6[%add3A_85, %dma_start3A_90] : memref<20224x128xf32, #tpu.memory_space<hbm>> -> memref<120x128xf32, #tpu.memory_space<hbm>>
      %dma_start3A_92 = arith.constant 0 : i32
      %dma_start3A_93 = arith.constant 0 : i32
      %dma_start3A_94 = tpu.memref_slice %arg15[%dma_start3A_92, %dma_start3A_93] : memref<128x128xf32, #tpu.memory_space<vmem>> -> memref<120x128xf32, #tpu.memory_space<vmem>>
      tpu.enqueue_dma source(%dma_start3A_94 : memref<120x128xf32, #tpu.memory_space<vmem>>) target(%dma_start3A_91 : memref<120x128xf32, #tpu.memory_space<hbm>>) target_semaphore(%run_scoped3A : memref<!tpu.dma_semaphore, #tpu.memory_space<semaphore_mem>>)
      %dma_wait3A = arith.constant 0 : i32
      %dma_wait3A_95 = arith.constant 0 : i32
      %dma_wait3A_96 = tpu.memref_slice %arg15[%dma_wait3A, %dma_wait3A_95] : memref<128x128xf32, #tpu.memory_space<vmem>> -> memref<120x128xf32, #tpu.memory_space<vmem>>
      %dma_wait3A_97 = arith.constant 0 : i32
      %dma_wait3A_98 = tpu.memref_slice %arg6[%add3A_85, %dma_wait3A_97] : memref<20224x128xf32, #tpu.memory_space<hbm>> -> memref<120x128xf32, #tpu.memory_space<hbm>>
      %dma_wait3A_99 = arith.constant 0 : i32
      %dma_wait3A_100 = tpu.memref_slice %arg6[%add3A_85, %dma_wait3A_99] : memref<20224x128xf32, #tpu.memory_space<hbm>> -> memref<120x128xf32, #tpu.memory_space<hbm>>
      %dma_wait3A_101 = arith.constant 0 : i32
      %dma_wait3A_102 = arith.constant 0 : i32
      %dma_wait3A_103 = tpu.memref_slice %arg15[%dma_wait3A_101, %dma_wait3A_102] : memref<128x128xf32, #tpu.memory_space<vmem>> -> memref<120x128xf32, #tpu.memory_space<vmem>>
      tpu.wait_dma2 semaphore(%run_scoped3A : memref<!tpu.dma_semaphore, #tpu.memory_space<semaphore_mem>>) src(%dma_wait3A_103 : memref<120x128xf32, #tpu.memory_space<vmem>>) dst(%dma_wait3A_100 : memref<120x128xf32, #tpu.memory_space<hbm>>)
      tpu.yield
    }) : () -> ()
    return
  }
}

#map = affine_map<(d0, d1) -> (0)>
#map1 = affine_map<(d0, d1) -> (0, 0)>
module attributes {stable_mosaic.version = 14 : i64} {
  func.func @_sc_deg(%arg0: i32, %arg1: i32, %arg2: memref<320000xi32, #tpu.memory_space<hbm>>, %arg3: memref<128x128xf32, #tpu.memory_space<hbm>>, %arg4: memref<128x128xf32, #tpu.memory_space<hbm>>, %arg5: memref<20224x128xf32, #tpu.memory_space<hbm>>, %arg6: memref<128xi32, #tpu.memory_space<vmem>>, %arg7: memref<128xi32, #tpu.memory_space<vmem>>, %arg8: memref<128x128xf32, #tpu.memory_space<vmem>>, %arg9: memref<10112x128xf32, #tpu.memory_space<vmem_shared>>, %arg10: memref<!tpu.dma_semaphore, #tpu.memory_space<semaphore_mem>>, %arg11: memref<!tpu.dma_semaphore, #tpu.memory_space<semaphore_mem>>) attributes {dimension_semantics = [#tpu.dimension_semantics<core_parallel>, #tpu.dimension_semantics<subcore_parallel>], iteration_bounds = array<i64: 2, 16>, scalar_prefetch = 0 : i64, scratch_operands = 6 : i64, tpu.core_type = #tpu.core_type<sc_vector_subcore>, window_params = [{transform_indices = #map}, {transform_indices = #map1}, {transform_indices = #map1}, {transform_indices = #map1}]} {
    %mul3A = arith.constant 16 : i32
    %mul3A_0 = arith.muli %arg0, %mul3A : i32
    %add3A = arith.addi %mul3A_0, %arg1 : i32
    %mul3A_1 = arith.constant 632 : i32
    %mul3A_2 = arith.muli %arg1, %mul3A_1 : i32
    "tpu.region"() ({
      %run_scoped3A = tpu.sem_alloc : memref<!tpu.dma_semaphore, #tpu.memory_space<semaphore_mem>>
      tpu.enqueue_dma source(%arg4 : memref<128x128xf32, #tpu.memory_space<hbm>>) target(%arg8 : memref<128x128xf32, #tpu.memory_space<vmem>>) target_semaphore(%run_scoped3A : memref<!tpu.dma_semaphore, #tpu.memory_space<semaphore_mem>>)
      tpu.wait_dma2 semaphore(%run_scoped3A : memref<!tpu.dma_semaphore, #tpu.memory_space<semaphore_mem>>) src(%arg4 : memref<128x128xf32, #tpu.memory_space<hbm>>) dst(%arg8 : memref<128x128xf32, #tpu.memory_space<vmem>>)
      tpu.yield
    }) : () -> ()
    %add3A_3 = arith.constant 0 : i32
    %add3A_4 = arith.addi %mul3A_2, %add3A_3 : i32
    "tpu.region"() ({
      %run_scoped3A = tpu.sem_alloc : memref<!tpu.dma_semaphore, #tpu.memory_space<semaphore_mem>>
      %dma_start3A_57 = arith.constant 0 : i32
      %dma_start3A_58 = arith.constant 0 : i32
      %dma_start3A_59 = tpu.memref_slice %arg8[%dma_start3A_57, %dma_start3A_58] : memref<128x128xf32, #tpu.memory_space<vmem>> -> memref<128x128xf32, #tpu.memory_space<vmem>>
      %dma_start3A_60 = arith.constant 0 : i32
      %dma_start3A_61 = tpu.memref_slice %arg9[%add3A_4, %dma_start3A_60] : memref<10112x128xf32, #tpu.memory_space<vmem_shared>> -> memref<128x128xf32, #tpu.memory_space<vmem_shared>>
      %dma_start3A_62 = arith.constant 0 : i32
      %dma_start3A_63 = tpu.memref_slice %arg9[%add3A_4, %dma_start3A_62] : memref<10112x128xf32, #tpu.memory_space<vmem_shared>> -> memref<128x128xf32, #tpu.memory_space<vmem_shared>>
      %dma_start3A_64 = arith.constant 0 : i32
      %dma_start3A_65 = arith.constant 0 : i32
      %dma_start3A_66 = tpu.memref_slice %arg8[%dma_start3A_64, %dma_start3A_65] : memref<128x128xf32, #tpu.memory_space<vmem>> -> memref<128x128xf32, #tpu.memory_space<vmem>>
      tpu.enqueue_dma source(%dma_start3A_66 : memref<128x128xf32, #tpu.memory_space<vmem>>) target(%dma_start3A_63 : memref<128x128xf32, #tpu.memory_space<vmem_shared>>) target_semaphore(%run_scoped3A : memref<!tpu.dma_semaphore, #tpu.memory_space<semaphore_mem>>)
      %dma_wait3A = arith.constant 0 : i32
      %dma_wait3A_67 = arith.constant 0 : i32
      %dma_wait3A_68 = tpu.memref_slice %arg8[%dma_wait3A, %dma_wait3A_67] : memref<128x128xf32, #tpu.memory_space<vmem>> -> memref<128x128xf32, #tpu.memory_space<vmem>>
      %dma_wait3A_69 = arith.constant 0 : i32
      %dma_wait3A_70 = tpu.memref_slice %arg9[%add3A_4, %dma_wait3A_69] : memref<10112x128xf32, #tpu.memory_space<vmem_shared>> -> memref<128x128xf32, #tpu.memory_space<vmem_shared>>
      %dma_wait3A_71 = arith.constant 0 : i32
      %dma_wait3A_72 = tpu.memref_slice %arg9[%add3A_4, %dma_wait3A_71] : memref<10112x128xf32, #tpu.memory_space<vmem_shared>> -> memref<128x128xf32, #tpu.memory_space<vmem_shared>>
      %dma_wait3A_73 = arith.constant 0 : i32
      %dma_wait3A_74 = arith.constant 0 : i32
      %dma_wait3A_75 = tpu.memref_slice %arg8[%dma_wait3A_73, %dma_wait3A_74] : memref<128x128xf32, #tpu.memory_space<vmem>> -> memref<128x128xf32, #tpu.memory_space<vmem>>
      tpu.wait_dma2 semaphore(%run_scoped3A : memref<!tpu.dma_semaphore, #tpu.memory_space<semaphore_mem>>) src(%dma_wait3A_75 : memref<128x128xf32, #tpu.memory_space<vmem>>) dst(%dma_wait3A_72 : memref<128x128xf32, #tpu.memory_space<vmem_shared>>)
      tpu.yield
    }) : () -> ()
    %add3A_5 = arith.constant 128 : i32
    %add3A_6 = arith.addi %mul3A_2, %add3A_5 : i32
    "tpu.region"() ({
      %run_scoped3A = tpu.sem_alloc : memref<!tpu.dma_semaphore, #tpu.memory_space<semaphore_mem>>
      %dma_start3A_57 = arith.constant 0 : i32
      %dma_start3A_58 = arith.constant 0 : i32
      %dma_start3A_59 = tpu.memref_slice %arg8[%dma_start3A_57, %dma_start3A_58] : memref<128x128xf32, #tpu.memory_space<vmem>> -> memref<128x128xf32, #tpu.memory_space<vmem>>
      %dma_start3A_60 = arith.constant 0 : i32
      %dma_start3A_61 = tpu.memref_slice %arg9[%add3A_6, %dma_start3A_60] : memref<10112x128xf32, #tpu.memory_space<vmem_shared>> -> memref<128x128xf32, #tpu.memory_space<vmem_shared>>
      %dma_start3A_62 = arith.constant 0 : i32
      %dma_start3A_63 = tpu.memref_slice %arg9[%add3A_6, %dma_start3A_62] : memref<10112x128xf32, #tpu.memory_space<vmem_shared>> -> memref<128x128xf32, #tpu.memory_space<vmem_shared>>
      %dma_start3A_64 = arith.constant 0 : i32
      %dma_start3A_65 = arith.constant 0 : i32
      %dma_start3A_66 = tpu.memref_slice %arg8[%dma_start3A_64, %dma_start3A_65] : memref<128x128xf32, #tpu.memory_space<vmem>> -> memref<128x128xf32, #tpu.memory_space<vmem>>
      tpu.enqueue_dma source(%dma_start3A_66 : memref<128x128xf32, #tpu.memory_space<vmem>>) target(%dma_start3A_63 : memref<128x128xf32, #tpu.memory_space<vmem_shared>>) target_semaphore(%run_scoped3A : memref<!tpu.dma_semaphore, #tpu.memory_space<semaphore_mem>>)
      %dma_wait3A = arith.constant 0 : i32
      %dma_wait3A_67 = arith.constant 0 : i32
      %dma_wait3A_68 = tpu.memref_slice %arg8[%dma_wait3A, %dma_wait3A_67] : memref<128x128xf32, #tpu.memory_space<vmem>> -> memref<128x128xf32, #tpu.memory_space<vmem>>
      %dma_wait3A_69 = arith.constant 0 : i32
      %dma_wait3A_70 = tpu.memref_slice %arg9[%add3A_6, %dma_wait3A_69] : memref<10112x128xf32, #tpu.memory_space<vmem_shared>> -> memref<128x128xf32, #tpu.memory_space<vmem_shared>>
      %dma_wait3A_71 = arith.constant 0 : i32
      %dma_wait3A_72 = tpu.memref_slice %arg9[%add3A_6, %dma_wait3A_71] : memref<10112x128xf32, #tpu.memory_space<vmem_shared>> -> memref<128x128xf32, #tpu.memory_space<vmem_shared>>
      %dma_wait3A_73 = arith.constant 0 : i32
      %dma_wait3A_74 = arith.constant 0 : i32
      %dma_wait3A_75 = tpu.memref_slice %arg8[%dma_wait3A_73, %dma_wait3A_74] : memref<128x128xf32, #tpu.memory_space<vmem>> -> memref<128x128xf32, #tpu.memory_space<vmem>>
      tpu.wait_dma2 semaphore(%run_scoped3A : memref<!tpu.dma_semaphore, #tpu.memory_space<semaphore_mem>>) src(%dma_wait3A_75 : memref<128x128xf32, #tpu.memory_space<vmem>>) dst(%dma_wait3A_72 : memref<128x128xf32, #tpu.memory_space<vmem_shared>>)
      tpu.yield
    }) : () -> ()
    %add3A_7 = arith.constant 256 : i32
    %add3A_8 = arith.addi %mul3A_2, %add3A_7 : i32
    "tpu.region"() ({
      %run_scoped3A = tpu.sem_alloc : memref<!tpu.dma_semaphore, #tpu.memory_space<semaphore_mem>>
      %dma_start3A_57 = arith.constant 0 : i32
      %dma_start3A_58 = arith.constant 0 : i32
      %dma_start3A_59 = tpu.memref_slice %arg8[%dma_start3A_57, %dma_start3A_58] : memref<128x128xf32, #tpu.memory_space<vmem>> -> memref<128x128xf32, #tpu.memory_space<vmem>>
      %dma_start3A_60 = arith.constant 0 : i32
      %dma_start3A_61 = tpu.memref_slice %arg9[%add3A_8, %dma_start3A_60] : memref<10112x128xf32, #tpu.memory_space<vmem_shared>> -> memref<128x128xf32, #tpu.memory_space<vmem_shared>>
      %dma_start3A_62 = arith.constant 0 : i32
      %dma_start3A_63 = tpu.memref_slice %arg9[%add3A_8, %dma_start3A_62] : memref<10112x128xf32, #tpu.memory_space<vmem_shared>> -> memref<128x128xf32, #tpu.memory_space<vmem_shared>>
      %dma_start3A_64 = arith.constant 0 : i32
      %dma_start3A_65 = arith.constant 0 : i32
      %dma_start3A_66 = tpu.memref_slice %arg8[%dma_start3A_64, %dma_start3A_65] : memref<128x128xf32, #tpu.memory_space<vmem>> -> memref<128x128xf32, #tpu.memory_space<vmem>>
      tpu.enqueue_dma source(%dma_start3A_66 : memref<128x128xf32, #tpu.memory_space<vmem>>) target(%dma_start3A_63 : memref<128x128xf32, #tpu.memory_space<vmem_shared>>) target_semaphore(%run_scoped3A : memref<!tpu.dma_semaphore, #tpu.memory_space<semaphore_mem>>)
      %dma_wait3A = arith.constant 0 : i32
      %dma_wait3A_67 = arith.constant 0 : i32
      %dma_wait3A_68 = tpu.memref_slice %arg8[%dma_wait3A, %dma_wait3A_67] : memref<128x128xf32, #tpu.memory_space<vmem>> -> memref<128x128xf32, #tpu.memory_space<vmem>>
      %dma_wait3A_69 = arith.constant 0 : i32
      %dma_wait3A_70 = tpu.memref_slice %arg9[%add3A_8, %dma_wait3A_69] : memref<10112x128xf32, #tpu.memory_space<vmem_shared>> -> memref<128x128xf32, #tpu.memory_space<vmem_shared>>
      %dma_wait3A_71 = arith.constant 0 : i32
      %dma_wait3A_72 = tpu.memref_slice %arg9[%add3A_8, %dma_wait3A_71] : memref<10112x128xf32, #tpu.memory_space<vmem_shared>> -> memref<128x128xf32, #tpu.memory_space<vmem_shared>>
      %dma_wait3A_73 = arith.constant 0 : i32
      %dma_wait3A_74 = arith.constant 0 : i32
      %dma_wait3A_75 = tpu.memref_slice %arg8[%dma_wait3A_73, %dma_wait3A_74] : memref<128x128xf32, #tpu.memory_space<vmem>> -> memref<128x128xf32, #tpu.memory_space<vmem>>
      tpu.wait_dma2 semaphore(%run_scoped3A : memref<!tpu.dma_semaphore, #tpu.memory_space<semaphore_mem>>) src(%dma_wait3A_75 : memref<128x128xf32, #tpu.memory_space<vmem>>) dst(%dma_wait3A_72 : memref<128x128xf32, #tpu.memory_space<vmem_shared>>)
      tpu.yield
    }) : () -> ()
    %add3A_9 = arith.constant 384 : i32
    %add3A_10 = arith.addi %mul3A_2, %add3A_9 : i32
    "tpu.region"() ({
      %run_scoped3A = tpu.sem_alloc : memref<!tpu.dma_semaphore, #tpu.memory_space<semaphore_mem>>
      %dma_start3A_57 = arith.constant 0 : i32
      %dma_start3A_58 = arith.constant 0 : i32
      %dma_start3A_59 = tpu.memref_slice %arg8[%dma_start3A_57, %dma_start3A_58] : memref<128x128xf32, #tpu.memory_space<vmem>> -> memref<128x128xf32, #tpu.memory_space<vmem>>
      %dma_start3A_60 = arith.constant 0 : i32
      %dma_start3A_61 = tpu.memref_slice %arg9[%add3A_10, %dma_start3A_60] : memref<10112x128xf32, #tpu.memory_space<vmem_shared>> -> memref<128x128xf32, #tpu.memory_space<vmem_shared>>
      %dma_start3A_62 = arith.constant 0 : i32
      %dma_start3A_63 = tpu.memref_slice %arg9[%add3A_10, %dma_start3A_62] : memref<10112x128xf32, #tpu.memory_space<vmem_shared>> -> memref<128x128xf32, #tpu.memory_space<vmem_shared>>
      %dma_start3A_64 = arith.constant 0 : i32
      %dma_start3A_65 = arith.constant 0 : i32
      %dma_start3A_66 = tpu.memref_slice %arg8[%dma_start3A_64, %dma_start3A_65] : memref<128x128xf32, #tpu.memory_space<vmem>> -> memref<128x128xf32, #tpu.memory_space<vmem>>
      tpu.enqueue_dma source(%dma_start3A_66 : memref<128x128xf32, #tpu.memory_space<vmem>>) target(%dma_start3A_63 : memref<128x128xf32, #tpu.memory_space<vmem_shared>>) target_semaphore(%run_scoped3A : memref<!tpu.dma_semaphore, #tpu.memory_space<semaphore_mem>>)
      %dma_wait3A = arith.constant 0 : i32
      %dma_wait3A_67 = arith.constant 0 : i32
      %dma_wait3A_68 = tpu.memref_slice %arg8[%dma_wait3A, %dma_wait3A_67] : memref<128x128xf32, #tpu.memory_space<vmem>> -> memref<128x128xf32, #tpu.memory_space<vmem>>
      %dma_wait3A_69 = arith.constant 0 : i32
      %dma_wait3A_70 = tpu.memref_slice %arg9[%add3A_10, %dma_wait3A_69] : memref<10112x128xf32, #tpu.memory_space<vmem_shared>> -> memref<128x128xf32, #tpu.memory_space<vmem_shared>>
      %dma_wait3A_71 = arith.constant 0 : i32
      %dma_wait3A_72 = tpu.memref_slice %arg9[%add3A_10, %dma_wait3A_71] : memref<10112x128xf32, #tpu.memory_space<vmem_shared>> -> memref<128x128xf32, #tpu.memory_space<vmem_shared>>
      %dma_wait3A_73 = arith.constant 0 : i32
      %dma_wait3A_74 = arith.constant 0 : i32
      %dma_wait3A_75 = tpu.memref_slice %arg8[%dma_wait3A_73, %dma_wait3A_74] : memref<128x128xf32, #tpu.memory_space<vmem>> -> memref<128x128xf32, #tpu.memory_space<vmem>>
      tpu.wait_dma2 semaphore(%run_scoped3A : memref<!tpu.dma_semaphore, #tpu.memory_space<semaphore_mem>>) src(%dma_wait3A_75 : memref<128x128xf32, #tpu.memory_space<vmem>>) dst(%dma_wait3A_72 : memref<128x128xf32, #tpu.memory_space<vmem_shared>>)
      tpu.yield
    }) : () -> ()
    %add3A_11 = arith.constant 512 : i32
    %add3A_12 = arith.addi %mul3A_2, %add3A_11 : i32
    "tpu.region"() ({
      %run_scoped3A = tpu.sem_alloc : memref<!tpu.dma_semaphore, #tpu.memory_space<semaphore_mem>>
      %dma_start3A_57 = arith.constant 0 : i32
      %dma_start3A_58 = arith.constant 0 : i32
      %dma_start3A_59 = tpu.memref_slice %arg8[%dma_start3A_57, %dma_start3A_58] : memref<128x128xf32, #tpu.memory_space<vmem>> -> memref<120x128xf32, #tpu.memory_space<vmem>>
      %dma_start3A_60 = arith.constant 0 : i32
      %dma_start3A_61 = tpu.memref_slice %arg9[%add3A_12, %dma_start3A_60] : memref<10112x128xf32, #tpu.memory_space<vmem_shared>> -> memref<120x128xf32, #tpu.memory_space<vmem_shared>>
      %dma_start3A_62 = arith.constant 0 : i32
      %dma_start3A_63 = tpu.memref_slice %arg9[%add3A_12, %dma_start3A_62] : memref<10112x128xf32, #tpu.memory_space<vmem_shared>> -> memref<120x128xf32, #tpu.memory_space<vmem_shared>>
      %dma_start3A_64 = arith.constant 0 : i32
      %dma_start3A_65 = arith.constant 0 : i32
      %dma_start3A_66 = tpu.memref_slice %arg8[%dma_start3A_64, %dma_start3A_65] : memref<128x128xf32, #tpu.memory_space<vmem>> -> memref<120x128xf32, #tpu.memory_space<vmem>>
      tpu.enqueue_dma source(%dma_start3A_66 : memref<120x128xf32, #tpu.memory_space<vmem>>) target(%dma_start3A_63 : memref<120x128xf32, #tpu.memory_space<vmem_shared>>) target_semaphore(%run_scoped3A : memref<!tpu.dma_semaphore, #tpu.memory_space<semaphore_mem>>)
      %dma_wait3A = arith.constant 0 : i32
      %dma_wait3A_67 = arith.constant 0 : i32
      %dma_wait3A_68 = tpu.memref_slice %arg8[%dma_wait3A, %dma_wait3A_67] : memref<128x128xf32, #tpu.memory_space<vmem>> -> memref<120x128xf32, #tpu.memory_space<vmem>>
      %dma_wait3A_69 = arith.constant 0 : i32
      %dma_wait3A_70 = tpu.memref_slice %arg9[%add3A_12, %dma_wait3A_69] : memref<10112x128xf32, #tpu.memory_space<vmem_shared>> -> memref<120x128xf32, #tpu.memory_space<vmem_shared>>
      %dma_wait3A_71 = arith.constant 0 : i32
      %dma_wait3A_72 = tpu.memref_slice %arg9[%add3A_12, %dma_wait3A_71] : memref<10112x128xf32, #tpu.memory_space<vmem_shared>> -> memref<120x128xf32, #tpu.memory_space<vmem_shared>>
      %dma_wait3A_73 = arith.constant 0 : i32
      %dma_wait3A_74 = arith.constant 0 : i32
      %dma_wait3A_75 = tpu.memref_slice %arg8[%dma_wait3A_73, %dma_wait3A_74] : memref<128x128xf32, #tpu.memory_space<vmem>> -> memref<120x128xf32, #tpu.memory_space<vmem>>
      tpu.wait_dma2 semaphore(%run_scoped3A : memref<!tpu.dma_semaphore, #tpu.memory_space<semaphore_mem>>) src(%dma_wait3A_75 : memref<120x128xf32, #tpu.memory_space<vmem>>) dst(%dma_wait3A_72 : memref<120x128xf32, #tpu.memory_space<vmem_shared>>)
      tpu.yield
    }) : () -> ()
    "tpu.region"() ({
      %run_scoped3A = tpu.sem_alloc : memref<!tpu.dma_semaphore, #tpu.memory_space<semaphore_mem>>
      tpu.enqueue_dma source(%arg3 : memref<128x128xf32, #tpu.memory_space<hbm>>) target(%arg8 : memref<128x128xf32, #tpu.memory_space<vmem>>) target_semaphore(%run_scoped3A : memref<!tpu.dma_semaphore, #tpu.memory_space<semaphore_mem>>)
      tpu.wait_dma2 semaphore(%run_scoped3A : memref<!tpu.dma_semaphore, #tpu.memory_space<semaphore_mem>>) src(%arg3 : memref<128x128xf32, #tpu.memory_space<hbm>>) dst(%arg8 : memref<128x128xf32, #tpu.memory_space<vmem>>)
      tpu.yield
    }) : () -> ()
    %barrier3A = arith.constant 0 : index
    tpu.barrier barrier_id(%barrier3A)
    %lt3A = arith.constant 4 : i32
    %lt3A_13 = arith.cmpi slt, %add3A, %lt3A : i32
    %jit3A = arith.constant 1 : i32
    %jit3A_14 = arith.constant 0 : i32
    %select_n3A = arith.select %lt3A_13, %jit3A, %jit3A_14 : i32
    %add3A_15 = arith.constant 78 : i32
    %add3A_16 = arith.addi %add3A_15, %select_n3A : i32
    %mul3A_17 = arith.constant 78 : i32
    %mul3A_18 = arith.muli %add3A, %mul3A_17 : i32
    %min3A = arith.constant 4 : i32
    %min3A_19 = arith.minsi %add3A, %min3A : i32
    %add3A_20 = arith.addi %mul3A_18, %min3A_19 : i32
    %mul3A_21 = arith.constant 128 : i32
    %mul3A_22 = arith.muli %add3A_20, %mul3A_21 : i32
    %add3A_23 = arith.constant 0 : i32
    %add3A_24 = arith.addi %mul3A_22, %add3A_23 : i32
    %dma_start3A = tpu.memref_slice %arg2[%add3A_24] : memref<320000xi32, #tpu.memory_space<hbm>> -> memref<128xi32, #tpu.memory_space<hbm>>
    %dma_start3A_25 = tpu.memref_slice %arg2[%add3A_24] : memref<320000xi32, #tpu.memory_space<hbm>> -> memref<128xi32, #tpu.memory_space<hbm>>
    tpu.enqueue_dma source(%dma_start3A_25 : memref<128xi32, #tpu.memory_space<hbm>>) target(%arg6 : memref<128xi32, #tpu.memory_space<vmem>>) target_semaphore(%arg10 : memref<!tpu.dma_semaphore, #tpu.memory_space<semaphore_mem>>)
    %scan3A = arith.constant 0 : i32
    %scan3A_26 = arith.constant 0 : i32
    %scan3A_27 = arith.constant 40 : i32
    %scan3A_28 = arith.addi %scan3A_26, %scan3A_27 : i32
    %scan3A_29 = arith.constant 1 : i32
    scf.for %scan3A_57 = %scan3A_26 to %scan3A_28 step %scan3A_29  : i32 {
      %mul3A_58 = arith.constant 2 : i32
      %mul3A_59 = arith.muli %scan3A_57, %mul3A_58 : i32
      %add3A_60 = arith.constant 1 : i32
      %add3A_61 = arith.addi %mul3A_59, %add3A_60 : i32
      %lt3A_62 = arith.cmpi slt, %add3A_61, %add3A_16 : i32
      %convert_element_type3A = arith.extui %lt3A_62 : i1 to i32
      %cond3A = arith.constant 0 : i32
      %cond3A_63 = arith.cmpi ne, %convert_element_type3A, %cond3A : i32
      scf.if %cond3A_63 {
        %mul3A_78 = arith.constant 128 : i32
        %mul3A_79 = arith.muli %add3A_61, %mul3A_78 : i32
        %add3A_80 = arith.addi %mul3A_22, %mul3A_79 : i32
        %dma_start3A_81 = tpu.memref_slice %arg2[%add3A_80] : memref<320000xi32, #tpu.memory_space<hbm>> -> memref<128xi32, #tpu.memory_space<hbm>>
        %dma_start3A_82 = tpu.memref_slice %arg2[%add3A_80] : memref<320000xi32, #tpu.memory_space<hbm>> -> memref<128xi32, #tpu.memory_space<hbm>>
        tpu.enqueue_dma source(%dma_start3A_82 : memref<128xi32, #tpu.memory_space<hbm>>) target(%arg7 : memref<128xi32, #tpu.memory_space<vmem>>) target_semaphore(%arg11 : memref<!tpu.dma_semaphore, #tpu.memory_space<semaphore_mem>>)
      } else {
      }
      %lt3A_64 = arith.cmpi slt, %mul3A_59, %add3A_16 : i32
      %convert_element_type3A_65 = arith.extui %lt3A_64 : i1 to i32
      %cond3A_66 = arith.constant 0 : i32
      %cond3A_67 = arith.cmpi ne, %convert_element_type3A_65, %cond3A_66 : i32
      scf.if %cond3A_67 {
        %dma_wait3A = arith.constant 0 : i32
        %dma_wait3A_78 = tpu.memref_slice %arg2[%dma_wait3A] : memref<320000xi32, #tpu.memory_space<hbm>> -> memref<128xi32, #tpu.memory_space<hbm>>
        %dma_wait3A_79 = arith.constant 0 : i32
        %dma_wait3A_80 = tpu.memref_slice %arg2[%dma_wait3A_79] : memref<320000xi32, #tpu.memory_space<hbm>> -> memref<128xi32, #tpu.memory_space<hbm>>
        tpu.wait_dma2 semaphore(%arg10 : memref<!tpu.dma_semaphore, #tpu.memory_space<semaphore_mem>>) src(%dma_wait3A_80 : memref<128xi32, #tpu.memory_space<hbm>>) dst(%arg6 : memref<128xi32, #tpu.memory_space<vmem>>)
        "tpu.region"() ({
          %run_scoped3A = tpu.sem_alloc : memref<!tpu.dma_semaphore, #tpu.memory_space<semaphore_mem>>
          %dma_start3A_81 = arith.constant 0 : i32
          %dma_start3A_82 = arith.constant 0 : i32
          %dma_start3A_83 = tpu.memref_slice %arg9[%dma_start3A_81, %dma_start3A_82] : memref<10112x128xf32, #tpu.memory_space<vmem_shared>> -> memref<10112x128xf32, #tpu.memory_space<vmem_shared>>
          tpu.enqueue_indirect_dma source(%arg8 : memref<128x128xf32, #tpu.memory_space<vmem>>) target(%dma_start3A_83 : memref<10112x128xf32, #tpu.memory_space<vmem_shared>>) offsets(%arg6 : memref<128xi32, #tpu.memory_space<vmem>>) semaphore(%run_scoped3A : memref<!tpu.dma_semaphore, #tpu.memory_space<semaphore_mem>>) {add = true}
          %dma_wait3A_84 = arith.constant 0 : i32
          %dma_wait3A_85 = arith.constant 0 : i32
          %dma_wait3A_86 = tpu.memref_slice %arg9[%dma_wait3A_84, %dma_wait3A_85] : memref<10112x128xf32, #tpu.memory_space<vmem_shared>> -> memref<10112x128xf32, #tpu.memory_space<vmem_shared>>
          tpu.wait_indirect_dma semaphore(%run_scoped3A : memref<!tpu.dma_semaphore, #tpu.memory_space<semaphore_mem>>) src(%arg8 : memref<128x128xf32, #tpu.memory_space<vmem>>) dst(%dma_wait3A_86 : memref<10112x128xf32, #tpu.memory_space<vmem_shared>>)
          tpu.yield
        }) : () -> ()
      } else {
      }
      %add3A_68 = arith.constant 2 : i32
      %add3A_69 = arith.addi %mul3A_59, %add3A_68 : i32
      %lt3A_70 = arith.cmpi slt, %add3A_69, %add3A_16 : i32
      %convert_element_type3A_71 = arith.extui %lt3A_70 : i1 to i32
      %cond3A_72 = arith.constant 0 : i32
      %cond3A_73 = arith.cmpi ne, %convert_element_type3A_71, %cond3A_72 : i32
      scf.if %cond3A_73 {
        %add3A_78 = arith.constant 2 : i32
        %add3A_79 = arith.addi %mul3A_59, %add3A_78 : i32
        %mul3A_80 = arith.constant 128 : i32
        %mul3A_81 = arith.muli %add3A_79, %mul3A_80 : i32
        %add3A_82 = arith.addi %mul3A_22, %mul3A_81 : i32
        %dma_start3A_83 = tpu.memref_slice %arg2[%add3A_82] : memref<320000xi32, #tpu.memory_space<hbm>> -> memref<128xi32, #tpu.memory_space<hbm>>
        %dma_start3A_84 = tpu.memref_slice %arg2[%add3A_82] : memref<320000xi32, #tpu.memory_space<hbm>> -> memref<128xi32, #tpu.memory_space<hbm>>
        tpu.enqueue_dma source(%dma_start3A_84 : memref<128xi32, #tpu.memory_space<hbm>>) target(%arg6 : memref<128xi32, #tpu.memory_space<vmem>>) target_semaphore(%arg10 : memref<!tpu.dma_semaphore, #tpu.memory_space<semaphore_mem>>)
      } else {
      }
      %lt3A_74 = arith.cmpi slt, %add3A_61, %add3A_16 : i32
      %convert_element_type3A_75 = arith.extui %lt3A_74 : i1 to i32
      %cond3A_76 = arith.constant 0 : i32
      %cond3A_77 = arith.cmpi ne, %convert_element_type3A_75, %cond3A_76 : i32
      scf.if %cond3A_77 {
        %dma_wait3A = arith.constant 0 : i32
        %dma_wait3A_78 = tpu.memref_slice %arg2[%dma_wait3A] : memref<320000xi32, #tpu.memory_space<hbm>> -> memref<128xi32, #tpu.memory_space<hbm>>
        %dma_wait3A_79 = arith.constant 0 : i32
        %dma_wait3A_80 = tpu.memref_slice %arg2[%dma_wait3A_79] : memref<320000xi32, #tpu.memory_space<hbm>> -> memref<128xi32, #tpu.memory_space<hbm>>
        tpu.wait_dma2 semaphore(%arg11 : memref<!tpu.dma_semaphore, #tpu.memory_space<semaphore_mem>>) src(%dma_wait3A_80 : memref<128xi32, #tpu.memory_space<hbm>>) dst(%arg7 : memref<128xi32, #tpu.memory_space<vmem>>)
        "tpu.region"() ({
          %run_scoped3A = tpu.sem_alloc : memref<!tpu.dma_semaphore, #tpu.memory_space<semaphore_mem>>
          %dma_start3A_81 = arith.constant 0 : i32
          %dma_start3A_82 = arith.constant 0 : i32
          %dma_start3A_83 = tpu.memref_slice %arg9[%dma_start3A_81, %dma_start3A_82] : memref<10112x128xf32, #tpu.memory_space<vmem_shared>> -> memref<10112x128xf32, #tpu.memory_space<vmem_shared>>
          tpu.enqueue_indirect_dma source(%arg8 : memref<128x128xf32, #tpu.memory_space<vmem>>) target(%dma_start3A_83 : memref<10112x128xf32, #tpu.memory_space<vmem_shared>>) offsets(%arg7 : memref<128xi32, #tpu.memory_space<vmem>>) semaphore(%run_scoped3A : memref<!tpu.dma_semaphore, #tpu.memory_space<semaphore_mem>>) {add = true}
          %dma_wait3A_84 = arith.constant 0 : i32
          %dma_wait3A_85 = arith.constant 0 : i32
          %dma_wait3A_86 = tpu.memref_slice %arg9[%dma_wait3A_84, %dma_wait3A_85] : memref<10112x128xf32, #tpu.memory_space<vmem_shared>> -> memref<10112x128xf32, #tpu.memory_space<vmem_shared>>
          tpu.wait_indirect_dma semaphore(%run_scoped3A : memref<!tpu.dma_semaphore, #tpu.memory_space<semaphore_mem>>) src(%arg8 : memref<128x128xf32, #tpu.memory_space<vmem>>) dst(%dma_wait3A_86 : memref<10112x128xf32, #tpu.memory_space<vmem_shared>>)
          tpu.yield
        }) : () -> ()
      } else {
      }
    }
    %scan3A_30 = arith.constant 40 : i32
    %barrier3A_31 = arith.constant 0 : index
    tpu.barrier barrier_id(%barrier3A_31)
    %add3A_32 = arith.constant 0 : i32
    %add3A_33 = arith.addi %mul3A_2, %add3A_32 : i32
    "tpu.region"() ({
      %run_scoped3A = tpu.sem_alloc : memref<!tpu.dma_semaphore, #tpu.memory_space<semaphore_mem>>
      %dma_start3A_57 = arith.constant 0 : i32
      %dma_start3A_58 = arith.constant 0 : i32
      %dma_start3A_59 = tpu.memref_slice %arg8[%dma_start3A_57, %dma_start3A_58] : memref<128x128xf32, #tpu.memory_space<vmem>> -> memref<128x128xf32, #tpu.memory_space<vmem>>
      %dma_start3A_60 = arith.constant 0 : i32
      %dma_start3A_61 = tpu.memref_slice %arg9[%add3A_33, %dma_start3A_60] : memref<10112x128xf32, #tpu.memory_space<vmem_shared>> -> memref<128x128xf32, #tpu.memory_space<vmem_shared>>
      %dma_start3A_62 = arith.constant 0 : i32
      %dma_start3A_63 = arith.constant 0 : i32
      %dma_start3A_64 = tpu.memref_slice %arg8[%dma_start3A_62, %dma_start3A_63] : memref<128x128xf32, #tpu.memory_space<vmem>> -> memref<128x128xf32, #tpu.memory_space<vmem>>
      %dma_start3A_65 = arith.constant 0 : i32
      %dma_start3A_66 = tpu.memref_slice %arg9[%add3A_33, %dma_start3A_65] : memref<10112x128xf32, #tpu.memory_space<vmem_shared>> -> memref<128x128xf32, #tpu.memory_space<vmem_shared>>
      tpu.enqueue_dma source(%dma_start3A_66 : memref<128x128xf32, #tpu.memory_space<vmem_shared>>) target(%dma_start3A_64 : memref<128x128xf32, #tpu.memory_space<vmem>>) target_semaphore(%run_scoped3A : memref<!tpu.dma_semaphore, #tpu.memory_space<semaphore_mem>>)
      %dma_wait3A = arith.constant 0 : i32
      %dma_wait3A_67 = arith.constant 0 : i32
      %dma_wait3A_68 = tpu.memref_slice %arg8[%dma_wait3A, %dma_wait3A_67] : memref<128x128xf32, #tpu.memory_space<vmem>> -> memref<128x128xf32, #tpu.memory_space<vmem>>
      %dma_wait3A_69 = arith.constant 0 : i32
      %dma_wait3A_70 = tpu.memref_slice %arg9[%add3A_33, %dma_wait3A_69] : memref<10112x128xf32, #tpu.memory_space<vmem_shared>> -> memref<128x128xf32, #tpu.memory_space<vmem_shared>>
      %dma_wait3A_71 = arith.constant 0 : i32
      %dma_wait3A_72 = arith.constant 0 : i32
      %dma_wait3A_73 = tpu.memref_slice %arg8[%dma_wait3A_71, %dma_wait3A_72] : memref<128x128xf32, #tpu.memory_space<vmem>> -> memref<128x128xf32, #tpu.memory_space<vmem>>
      %dma_wait3A_74 = arith.constant 0 : i32
      %dma_wait3A_75 = tpu.memref_slice %arg9[%add3A_33, %dma_wait3A_74] : memref<10112x128xf32, #tpu.memory_space<vmem_shared>> -> memref<128x128xf32, #tpu.memory_space<vmem_shared>>
      tpu.wait_dma2 semaphore(%run_scoped3A : memref<!tpu.dma_semaphore, #tpu.memory_space<semaphore_mem>>) src(%dma_wait3A_75 : memref<128x128xf32, #tpu.memory_space<vmem_shared>>) dst(%dma_wait3A_73 : memref<128x128xf32, #tpu.memory_space<vmem>>)
      tpu.yield
    }) : () -> ()
    %mul3A_34 = arith.constant 10112 : i32
    %mul3A_35 = arith.muli %arg0, %mul3A_34 : i32
    %add3A_36 = arith.addi %mul3A_35, %add3A_33 : i32
    "tpu.region"() ({
      %run_scoped3A = tpu.sem_alloc : memref<!tpu.dma_semaphore, #tpu.memory_space<semaphore_mem>>
      %dma_start3A_57 = arith.constant 0 : i32
      %dma_start3A_58 = arith.constant 0 : i32
      %dma_start3A_59 = tpu.memref_slice %arg8[%dma_start3A_57, %dma_start3A_58] : memref<128x128xf32, #tpu.memory_space<vmem>> -> memref<128x128xf32, #tpu.memory_space<vmem>>
      %dma_start3A_60 = arith.constant 0 : i32
      %dma_start3A_61 = tpu.memref_slice %arg5[%add3A_36, %dma_start3A_60] : memref<20224x128xf32, #tpu.memory_space<hbm>> -> memref<128x128xf32, #tpu.memory_space<hbm>>
      %dma_start3A_62 = arith.constant 0 : i32
      %dma_start3A_63 = tpu.memref_slice %arg5[%add3A_36, %dma_start3A_62] : memref<20224x128xf32, #tpu.memory_space<hbm>> -> memref<128x128xf32, #tpu.memory_space<hbm>>
      %dma_start3A_64 = arith.constant 0 : i32
      %dma_start3A_65 = arith.constant 0 : i32
      %dma_start3A_66 = tpu.memref_slice %arg8[%dma_start3A_64, %dma_start3A_65] : memref<128x128xf32, #tpu.memory_space<vmem>> -> memref<128x128xf32, #tpu.memory_space<vmem>>
      tpu.enqueue_dma source(%dma_start3A_66 : memref<128x128xf32, #tpu.memory_space<vmem>>) target(%dma_start3A_63 : memref<128x128xf32, #tpu.memory_space<hbm>>) target_semaphore(%run_scoped3A : memref<!tpu.dma_semaphore, #tpu.memory_space<semaphore_mem>>)
      %dma_wait3A = arith.constant 0 : i32
      %dma_wait3A_67 = arith.constant 0 : i32
      %dma_wait3A_68 = tpu.memref_slice %arg8[%dma_wait3A, %dma_wait3A_67] : memref<128x128xf32, #tpu.memory_space<vmem>> -> memref<128x128xf32, #tpu.memory_space<vmem>>
      %dma_wait3A_69 = arith.constant 0 : i32
      %dma_wait3A_70 = tpu.memref_slice %arg5[%add3A_36, %dma_wait3A_69] : memref<20224x128xf32, #tpu.memory_space<hbm>> -> memref<128x128xf32, #tpu.memory_space<hbm>>
      %dma_wait3A_71 = arith.constant 0 : i32
      %dma_wait3A_72 = tpu.memref_slice %arg5[%add3A_36, %dma_wait3A_71] : memref<20224x128xf32, #tpu.memory_space<hbm>> -> memref<128x128xf32, #tpu.memory_space<hbm>>
      %dma_wait3A_73 = arith.constant 0 : i32
      %dma_wait3A_74 = arith.constant 0 : i32
      %dma_wait3A_75 = tpu.memref_slice %arg8[%dma_wait3A_73, %dma_wait3A_74] : memref<128x128xf32, #tpu.memory_space<vmem>> -> memref<128x128xf32, #tpu.memory_space<vmem>>
      tpu.wait_dma2 semaphore(%run_scoped3A : memref<!tpu.dma_semaphore, #tpu.memory_space<semaphore_mem>>) src(%dma_wait3A_75 : memref<128x128xf32, #tpu.memory_space<vmem>>) dst(%dma_wait3A_72 : memref<128x128xf32, #tpu.memory_space<hbm>>)
      tpu.yield
    }) : () -> ()
    %add3A_37 = arith.constant 128 : i32
    %add3A_38 = arith.addi %mul3A_2, %add3A_37 : i32
    "tpu.region"() ({
      %run_scoped3A = tpu.sem_alloc : memref<!tpu.dma_semaphore, #tpu.memory_space<semaphore_mem>>
      %dma_start3A_57 = arith.constant 0 : i32
      %dma_start3A_58 = arith.constant 0 : i32
      %dma_start3A_59 = tpu.memref_slice %arg8[%dma_start3A_57, %dma_start3A_58] : memref<128x128xf32, #tpu.memory_space<vmem>> -> memref<128x128xf32, #tpu.memory_space<vmem>>
      %dma_start3A_60 = arith.constant 0 : i32
      %dma_start3A_61 = tpu.memref_slice %arg9[%add3A_38, %dma_start3A_60] : memref<10112x128xf32, #tpu.memory_space<vmem_shared>> -> memref<128x128xf32, #tpu.memory_space<vmem_shared>>
      %dma_start3A_62 = arith.constant 0 : i32
      %dma_start3A_63 = arith.constant 0 : i32
      %dma_start3A_64 = tpu.memref_slice %arg8[%dma_start3A_62, %dma_start3A_63] : memref<128x128xf32, #tpu.memory_space<vmem>> -> memref<128x128xf32, #tpu.memory_space<vmem>>
      %dma_start3A_65 = arith.constant 0 : i32
      %dma_start3A_66 = tpu.memref_slice %arg9[%add3A_38, %dma_start3A_65] : memref<10112x128xf32, #tpu.memory_space<vmem_shared>> -> memref<128x128xf32, #tpu.memory_space<vmem_shared>>
      tpu.enqueue_dma source(%dma_start3A_66 : memref<128x128xf32, #tpu.memory_space<vmem_shared>>) target(%dma_start3A_64 : memref<128x128xf32, #tpu.memory_space<vmem>>) target_semaphore(%run_scoped3A : memref<!tpu.dma_semaphore, #tpu.memory_space<semaphore_mem>>)
      %dma_wait3A = arith.constant 0 : i32
      %dma_wait3A_67 = arith.constant 0 : i32
      %dma_wait3A_68 = tpu.memref_slice %arg8[%dma_wait3A, %dma_wait3A_67] : memref<128x128xf32, #tpu.memory_space<vmem>> -> memref<128x128xf32, #tpu.memory_space<vmem>>
      %dma_wait3A_69 = arith.constant 0 : i32
      %dma_wait3A_70 = tpu.memref_slice %arg9[%add3A_38, %dma_wait3A_69] : memref<10112x128xf32, #tpu.memory_space<vmem_shared>> -> memref<128x128xf32, #tpu.memory_space<vmem_shared>>
      %dma_wait3A_71 = arith.constant 0 : i32
      %dma_wait3A_72 = arith.constant 0 : i32
      %dma_wait3A_73 = tpu.memref_slice %arg8[%dma_wait3A_71, %dma_wait3A_72] : memref<128x128xf32, #tpu.memory_space<vmem>> -> memref<128x128xf32, #tpu.memory_space<vmem>>
      %dma_wait3A_74 = arith.constant 0 : i32
      %dma_wait3A_75 = tpu.memref_slice %arg9[%add3A_38, %dma_wait3A_74] : memref<10112x128xf32, #tpu.memory_space<vmem_shared>> -> memref<128x128xf32, #tpu.memory_space<vmem_shared>>
      tpu.wait_dma2 semaphore(%run_scoped3A : memref<!tpu.dma_semaphore, #tpu.memory_space<semaphore_mem>>) src(%dma_wait3A_75 : memref<128x128xf32, #tpu.memory_space<vmem_shared>>) dst(%dma_wait3A_73 : memref<128x128xf32, #tpu.memory_space<vmem>>)
      tpu.yield
    }) : () -> ()
    %mul3A_39 = arith.constant 10112 : i32
    %mul3A_40 = arith.muli %arg0, %mul3A_39 : i32
    %add3A_41 = arith.addi %mul3A_40, %add3A_38 : i32
    "tpu.region"() ({
      %run_scoped3A = tpu.sem_alloc : memref<!tpu.dma_semaphore, #tpu.memory_space<semaphore_mem>>
      %dma_start3A_57 = arith.constant 0 : i32
      %dma_start3A_58 = arith.constant 0 : i32
      %dma_start3A_59 = tpu.memref_slice %arg8[%dma_start3A_57, %dma_start3A_58] : memref<128x128xf32, #tpu.memory_space<vmem>> -> memref<128x128xf32, #tpu.memory_space<vmem>>
      %dma_start3A_60 = arith.constant 0 : i32
      %dma_start3A_61 = tpu.memref_slice %arg5[%add3A_41, %dma_start3A_60] : memref<20224x128xf32, #tpu.memory_space<hbm>> -> memref<128x128xf32, #tpu.memory_space<hbm>>
      %dma_start3A_62 = arith.constant 0 : i32
      %dma_start3A_63 = tpu.memref_slice %arg5[%add3A_41, %dma_start3A_62] : memref<20224x128xf32, #tpu.memory_space<hbm>> -> memref<128x128xf32, #tpu.memory_space<hbm>>
      %dma_start3A_64 = arith.constant 0 : i32
      %dma_start3A_65 = arith.constant 0 : i32
      %dma_start3A_66 = tpu.memref_slice %arg8[%dma_start3A_64, %dma_start3A_65] : memref<128x128xf32, #tpu.memory_space<vmem>> -> memref<128x128xf32, #tpu.memory_space<vmem>>
      tpu.enqueue_dma source(%dma_start3A_66 : memref<128x128xf32, #tpu.memory_space<vmem>>) target(%dma_start3A_63 : memref<128x128xf32, #tpu.memory_space<hbm>>) target_semaphore(%run_scoped3A : memref<!tpu.dma_semaphore, #tpu.memory_space<semaphore_mem>>)
      %dma_wait3A = arith.constant 0 : i32
      %dma_wait3A_67 = arith.constant 0 : i32
      %dma_wait3A_68 = tpu.memref_slice %arg8[%dma_wait3A, %dma_wait3A_67] : memref<128x128xf32, #tpu.memory_space<vmem>> -> memref<128x128xf32, #tpu.memory_space<vmem>>
      %dma_wait3A_69 = arith.constant 0 : i32
      %dma_wait3A_70 = tpu.memref_slice %arg5[%add3A_41, %dma_wait3A_69] : memref<20224x128xf32, #tpu.memory_space<hbm>> -> memref<128x128xf32, #tpu.memory_space<hbm>>
      %dma_wait3A_71 = arith.constant 0 : i32
      %dma_wait3A_72 = tpu.memref_slice %arg5[%add3A_41, %dma_wait3A_71] : memref<20224x128xf32, #tpu.memory_space<hbm>> -> memref<128x128xf32, #tpu.memory_space<hbm>>
      %dma_wait3A_73 = arith.constant 0 : i32
      %dma_wait3A_74 = arith.constant 0 : i32
      %dma_wait3A_75 = tpu.memref_slice %arg8[%dma_wait3A_73, %dma_wait3A_74] : memref<128x128xf32, #tpu.memory_space<vmem>> -> memref<128x128xf32, #tpu.memory_space<vmem>>
      tpu.wait_dma2 semaphore(%run_scoped3A : memref<!tpu.dma_semaphore, #tpu.memory_space<semaphore_mem>>) src(%dma_wait3A_75 : memref<128x128xf32, #tpu.memory_space<vmem>>) dst(%dma_wait3A_72 : memref<128x128xf32, #tpu.memory_space<hbm>>)
      tpu.yield
    }) : () -> ()
    %add3A_42 = arith.constant 256 : i32
    %add3A_43 = arith.addi %mul3A_2, %add3A_42 : i32
    "tpu.region"() ({
      %run_scoped3A = tpu.sem_alloc : memref<!tpu.dma_semaphore, #tpu.memory_space<semaphore_mem>>
      %dma_start3A_57 = arith.constant 0 : i32
      %dma_start3A_58 = arith.constant 0 : i32
      %dma_start3A_59 = tpu.memref_slice %arg8[%dma_start3A_57, %dma_start3A_58] : memref<128x128xf32, #tpu.memory_space<vmem>> -> memref<128x128xf32, #tpu.memory_space<vmem>>
      %dma_start3A_60 = arith.constant 0 : i32
      %dma_start3A_61 = tpu.memref_slice %arg9[%add3A_43, %dma_start3A_60] : memref<10112x128xf32, #tpu.memory_space<vmem_shared>> -> memref<128x128xf32, #tpu.memory_space<vmem_shared>>
      %dma_start3A_62 = arith.constant 0 : i32
      %dma_start3A_63 = arith.constant 0 : i32
      %dma_start3A_64 = tpu.memref_slice %arg8[%dma_start3A_62, %dma_start3A_63] : memref<128x128xf32, #tpu.memory_space<vmem>> -> memref<128x128xf32, #tpu.memory_space<vmem>>
      %dma_start3A_65 = arith.constant 0 : i32
      %dma_start3A_66 = tpu.memref_slice %arg9[%add3A_43, %dma_start3A_65] : memref<10112x128xf32, #tpu.memory_space<vmem_shared>> -> memref<128x128xf32, #tpu.memory_space<vmem_shared>>
      tpu.enqueue_dma source(%dma_start3A_66 : memref<128x128xf32, #tpu.memory_space<vmem_shared>>) target(%dma_start3A_64 : memref<128x128xf32, #tpu.memory_space<vmem>>) target_semaphore(%run_scoped3A : memref<!tpu.dma_semaphore, #tpu.memory_space<semaphore_mem>>)
      %dma_wait3A = arith.constant 0 : i32
      %dma_wait3A_67 = arith.constant 0 : i32
      %dma_wait3A_68 = tpu.memref_slice %arg8[%dma_wait3A, %dma_wait3A_67] : memref<128x128xf32, #tpu.memory_space<vmem>> -> memref<128x128xf32, #tpu.memory_space<vmem>>
      %dma_wait3A_69 = arith.constant 0 : i32
      %dma_wait3A_70 = tpu.memref_slice %arg9[%add3A_43, %dma_wait3A_69] : memref<10112x128xf32, #tpu.memory_space<vmem_shared>> -> memref<128x128xf32, #tpu.memory_space<vmem_shared>>
      %dma_wait3A_71 = arith.constant 0 : i32
      %dma_wait3A_72 = arith.constant 0 : i32
      %dma_wait3A_73 = tpu.memref_slice %arg8[%dma_wait3A_71, %dma_wait3A_72] : memref<128x128xf32, #tpu.memory_space<vmem>> -> memref<128x128xf32, #tpu.memory_space<vmem>>
      %dma_wait3A_74 = arith.constant 0 : i32
      %dma_wait3A_75 = tpu.memref_slice %arg9[%add3A_43, %dma_wait3A_74] : memref<10112x128xf32, #tpu.memory_space<vmem_shared>> -> memref<128x128xf32, #tpu.memory_space<vmem_shared>>
      tpu.wait_dma2 semaphore(%run_scoped3A : memref<!tpu.dma_semaphore, #tpu.memory_space<semaphore_mem>>) src(%dma_wait3A_75 : memref<128x128xf32, #tpu.memory_space<vmem_shared>>) dst(%dma_wait3A_73 : memref<128x128xf32, #tpu.memory_space<vmem>>)
      tpu.yield
    }) : () -> ()
    %mul3A_44 = arith.constant 10112 : i32
    %mul3A_45 = arith.muli %arg0, %mul3A_44 : i32
    %add3A_46 = arith.addi %mul3A_45, %add3A_43 : i32
    "tpu.region"() ({
      %run_scoped3A = tpu.sem_alloc : memref<!tpu.dma_semaphore, #tpu.memory_space<semaphore_mem>>
      %dma_start3A_57 = arith.constant 0 : i32
      %dma_start3A_58 = arith.constant 0 : i32
      %dma_start3A_59 = tpu.memref_slice %arg8[%dma_start3A_57, %dma_start3A_58] : memref<128x128xf32, #tpu.memory_space<vmem>> -> memref<128x128xf32, #tpu.memory_space<vmem>>
      %dma_start3A_60 = arith.constant 0 : i32
      %dma_start3A_61 = tpu.memref_slice %arg5[%add3A_46, %dma_start3A_60] : memref<20224x128xf32, #tpu.memory_space<hbm>> -> memref<128x128xf32, #tpu.memory_space<hbm>>
      %dma_start3A_62 = arith.constant 0 : i32
      %dma_start3A_63 = tpu.memref_slice %arg5[%add3A_46, %dma_start3A_62] : memref<20224x128xf32, #tpu.memory_space<hbm>> -> memref<128x128xf32, #tpu.memory_space<hbm>>
      %dma_start3A_64 = arith.constant 0 : i32
      %dma_start3A_65 = arith.constant 0 : i32
      %dma_start3A_66 = tpu.memref_slice %arg8[%dma_start3A_64, %dma_start3A_65] : memref<128x128xf32, #tpu.memory_space<vmem>> -> memref<128x128xf32, #tpu.memory_space<vmem>>
      tpu.enqueue_dma source(%dma_start3A_66 : memref<128x128xf32, #tpu.memory_space<vmem>>) target(%dma_start3A_63 : memref<128x128xf32, #tpu.memory_space<hbm>>) target_semaphore(%run_scoped3A : memref<!tpu.dma_semaphore, #tpu.memory_space<semaphore_mem>>)
      %dma_wait3A = arith.constant 0 : i32
      %dma_wait3A_67 = arith.constant 0 : i32
      %dma_wait3A_68 = tpu.memref_slice %arg8[%dma_wait3A, %dma_wait3A_67] : memref<128x128xf32, #tpu.memory_space<vmem>> -> memref<128x128xf32, #tpu.memory_space<vmem>>
      %dma_wait3A_69 = arith.constant 0 : i32
      %dma_wait3A_70 = tpu.memref_slice %arg5[%add3A_46, %dma_wait3A_69] : memref<20224x128xf32, #tpu.memory_space<hbm>> -> memref<128x128xf32, #tpu.memory_space<hbm>>
      %dma_wait3A_71 = arith.constant 0 : i32
      %dma_wait3A_72 = tpu.memref_slice %arg5[%add3A_46, %dma_wait3A_71] : memref<20224x128xf32, #tpu.memory_space<hbm>> -> memref<128x128xf32, #tpu.memory_space<hbm>>
      %dma_wait3A_73 = arith.constant 0 : i32
      %dma_wait3A_74 = arith.constant 0 : i32
      %dma_wait3A_75 = tpu.memref_slice %arg8[%dma_wait3A_73, %dma_wait3A_74] : memref<128x128xf32, #tpu.memory_space<vmem>> -> memref<128x128xf32, #tpu.memory_space<vmem>>
      tpu.wait_dma2 semaphore(%run_scoped3A : memref<!tpu.dma_semaphore, #tpu.memory_space<semaphore_mem>>) src(%dma_wait3A_75 : memref<128x128xf32, #tpu.memory_space<vmem>>) dst(%dma_wait3A_72 : memref<128x128xf32, #tpu.memory_space<hbm>>)
      tpu.yield
    }) : () -> ()
    %add3A_47 = arith.constant 384 : i32
    %add3A_48 = arith.addi %mul3A_2, %add3A_47 : i32
    "tpu.region"() ({
      %run_scoped3A = tpu.sem_alloc : memref<!tpu.dma_semaphore, #tpu.memory_space<semaphore_mem>>
      %dma_start3A_57 = arith.constant 0 : i32
      %dma_start3A_58 = arith.constant 0 : i32
      %dma_start3A_59 = tpu.memref_slice %arg8[%dma_start3A_57, %dma_start3A_58] : memref<128x128xf32, #tpu.memory_space<vmem>> -> memref<128x128xf32, #tpu.memory_space<vmem>>
      %dma_start3A_60 = arith.constant 0 : i32
      %dma_start3A_61 = tpu.memref_slice %arg9[%add3A_48, %dma_start3A_60] : memref<10112x128xf32, #tpu.memory_space<vmem_shared>> -> memref<128x128xf32, #tpu.memory_space<vmem_shared>>
      %dma_start3A_62 = arith.constant 0 : i32
      %dma_start3A_63 = arith.constant 0 : i32
      %dma_start3A_64 = tpu.memref_slice %arg8[%dma_start3A_62, %dma_start3A_63] : memref<128x128xf32, #tpu.memory_space<vmem>> -> memref<128x128xf32, #tpu.memory_space<vmem>>
      %dma_start3A_65 = arith.constant 0 : i32
      %dma_start3A_66 = tpu.memref_slice %arg9[%add3A_48, %dma_start3A_65] : memref<10112x128xf32, #tpu.memory_space<vmem_shared>> -> memref<128x128xf32, #tpu.memory_space<vmem_shared>>
      tpu.enqueue_dma source(%dma_start3A_66 : memref<128x128xf32, #tpu.memory_space<vmem_shared>>) target(%dma_start3A_64 : memref<128x128xf32, #tpu.memory_space<vmem>>) target_semaphore(%run_scoped3A : memref<!tpu.dma_semaphore, #tpu.memory_space<semaphore_mem>>)
      %dma_wait3A = arith.constant 0 : i32
      %dma_wait3A_67 = arith.constant 0 : i32
      %dma_wait3A_68 = tpu.memref_slice %arg8[%dma_wait3A, %dma_wait3A_67] : memref<128x128xf32, #tpu.memory_space<vmem>> -> memref<128x128xf32, #tpu.memory_space<vmem>>
      %dma_wait3A_69 = arith.constant 0 : i32
      %dma_wait3A_70 = tpu.memref_slice %arg9[%add3A_48, %dma_wait3A_69] : memref<10112x128xf32, #tpu.memory_space<vmem_shared>> -> memref<128x128xf32, #tpu.memory_space<vmem_shared>>
      %dma_wait3A_71 = arith.constant 0 : i32
      %dma_wait3A_72 = arith.constant 0 : i32
      %dma_wait3A_73 = tpu.memref_slice %arg8[%dma_wait3A_71, %dma_wait3A_72] : memref<128x128xf32, #tpu.memory_space<vmem>> -> memref<128x128xf32, #tpu.memory_space<vmem>>
      %dma_wait3A_74 = arith.constant 0 : i32
      %dma_wait3A_75 = tpu.memref_slice %arg9[%add3A_48, %dma_wait3A_74] : memref<10112x128xf32, #tpu.memory_space<vmem_shared>> -> memref<128x128xf32, #tpu.memory_space<vmem_shared>>
      tpu.wait_dma2 semaphore(%run_scoped3A : memref<!tpu.dma_semaphore, #tpu.memory_space<semaphore_mem>>) src(%dma_wait3A_75 : memref<128x128xf32, #tpu.memory_space<vmem_shared>>) dst(%dma_wait3A_73 : memref<128x128xf32, #tpu.memory_space<vmem>>)
      tpu.yield
    }) : () -> ()
    %mul3A_49 = arith.constant 10112 : i32
    %mul3A_50 = arith.muli %arg0, %mul3A_49 : i32
    %add3A_51 = arith.addi %mul3A_50, %add3A_48 : i32
    "tpu.region"() ({
      %run_scoped3A = tpu.sem_alloc : memref<!tpu.dma_semaphore, #tpu.memory_space<semaphore_mem>>
      %dma_start3A_57 = arith.constant 0 : i32
      %dma_start3A_58 = arith.constant 0 : i32
      %dma_start3A_59 = tpu.memref_slice %arg8[%dma_start3A_57, %dma_start3A_58] : memref<128x128xf32, #tpu.memory_space<vmem>> -> memref<128x128xf32, #tpu.memory_space<vmem>>
      %dma_start3A_60 = arith.constant 0 : i32
      %dma_start3A_61 = tpu.memref_slice %arg5[%add3A_51, %dma_start3A_60] : memref<20224x128xf32, #tpu.memory_space<hbm>> -> memref<128x128xf32, #tpu.memory_space<hbm>>
      %dma_start3A_62 = arith.constant 0 : i32
      %dma_start3A_63 = tpu.memref_slice %arg5[%add3A_51, %dma_start3A_62] : memref<20224x128xf32, #tpu.memory_space<hbm>> -> memref<128x128xf32, #tpu.memory_space<hbm>>
      %dma_start3A_64 = arith.constant 0 : i32
      %dma_start3A_65 = arith.constant 0 : i32
      %dma_start3A_66 = tpu.memref_slice %arg8[%dma_start3A_64, %dma_start3A_65] : memref<128x128xf32, #tpu.memory_space<vmem>> -> memref<128x128xf32, #tpu.memory_space<vmem>>
      tpu.enqueue_dma source(%dma_start3A_66 : memref<128x128xf32, #tpu.memory_space<vmem>>) target(%dma_start3A_63 : memref<128x128xf32, #tpu.memory_space<hbm>>) target_semaphore(%run_scoped3A : memref<!tpu.dma_semaphore, #tpu.memory_space<semaphore_mem>>)
      %dma_wait3A = arith.constant 0 : i32
      %dma_wait3A_67 = arith.constant 0 : i32
      %dma_wait3A_68 = tpu.memref_slice %arg8[%dma_wait3A, %dma_wait3A_67] : memref<128x128xf32, #tpu.memory_space<vmem>> -> memref<128x128xf32, #tpu.memory_space<vmem>>
      %dma_wait3A_69 = arith.constant 0 : i32
      %dma_wait3A_70 = tpu.memref_slice %arg5[%add3A_51, %dma_wait3A_69] : memref<20224x128xf32, #tpu.memory_space<hbm>> -> memref<128x128xf32, #tpu.memory_space<hbm>>
      %dma_wait3A_71 = arith.constant 0 : i32
      %dma_wait3A_72 = tpu.memref_slice %arg5[%add3A_51, %dma_wait3A_71] : memref<20224x128xf32, #tpu.memory_space<hbm>> -> memref<128x128xf32, #tpu.memory_space<hbm>>
      %dma_wait3A_73 = arith.constant 0 : i32
      %dma_wait3A_74 = arith.constant 0 : i32
      %dma_wait3A_75 = tpu.memref_slice %arg8[%dma_wait3A_73, %dma_wait3A_74] : memref<128x128xf32, #tpu.memory_space<vmem>> -> memref<128x128xf32, #tpu.memory_space<vmem>>
      tpu.wait_dma2 semaphore(%run_scoped3A : memref<!tpu.dma_semaphore, #tpu.memory_space<semaphore_mem>>) src(%dma_wait3A_75 : memref<128x128xf32, #tpu.memory_space<vmem>>) dst(%dma_wait3A_72 : memref<128x128xf32, #tpu.memory_space<hbm>>)
      tpu.yield
    }) : () -> ()
    %add3A_52 = arith.constant 512 : i32
    %add3A_53 = arith.addi %mul3A_2, %add3A_52 : i32
    "tpu.region"() ({
      %run_scoped3A = tpu.sem_alloc : memref<!tpu.dma_semaphore, #tpu.memory_space<semaphore_mem>>
      %dma_start3A_57 = arith.constant 0 : i32
      %dma_start3A_58 = arith.constant 0 : i32
      %dma_start3A_59 = tpu.memref_slice %arg8[%dma_start3A_57, %dma_start3A_58] : memref<128x128xf32, #tpu.memory_space<vmem>> -> memref<120x128xf32, #tpu.memory_space<vmem>>
      %dma_start3A_60 = arith.constant 0 : i32
      %dma_start3A_61 = tpu.memref_slice %arg9[%add3A_53, %dma_start3A_60] : memref<10112x128xf32, #tpu.memory_space<vmem_shared>> -> memref<120x128xf32, #tpu.memory_space<vmem_shared>>
      %dma_start3A_62 = arith.constant 0 : i32
      %dma_start3A_63 = arith.constant 0 : i32
      %dma_start3A_64 = tpu.memref_slice %arg8[%dma_start3A_62, %dma_start3A_63] : memref<128x128xf32, #tpu.memory_space<vmem>> -> memref<120x128xf32, #tpu.memory_space<vmem>>
      %dma_start3A_65 = arith.constant 0 : i32
      %dma_start3A_66 = tpu.memref_slice %arg9[%add3A_53, %dma_start3A_65] : memref<10112x128xf32, #tpu.memory_space<vmem_shared>> -> memref<120x128xf32, #tpu.memory_space<vmem_shared>>
      tpu.enqueue_dma source(%dma_start3A_66 : memref<120x128xf32, #tpu.memory_space<vmem_shared>>) target(%dma_start3A_64 : memref<120x128xf32, #tpu.memory_space<vmem>>) target_semaphore(%run_scoped3A : memref<!tpu.dma_semaphore, #tpu.memory_space<semaphore_mem>>)
      %dma_wait3A = arith.constant 0 : i32
      %dma_wait3A_67 = arith.constant 0 : i32
      %dma_wait3A_68 = tpu.memref_slice %arg8[%dma_wait3A, %dma_wait3A_67] : memref<128x128xf32, #tpu.memory_space<vmem>> -> memref<120x128xf32, #tpu.memory_space<vmem>>
      %dma_wait3A_69 = arith.constant 0 : i32
      %dma_wait3A_70 = tpu.memref_slice %arg9[%add3A_53, %dma_wait3A_69] : memref<10112x128xf32, #tpu.memory_space<vmem_shared>> -> memref<120x128xf32, #tpu.memory_space<vmem_shared>>
      %dma_wait3A_71 = arith.constant 0 : i32
      %dma_wait3A_72 = arith.constant 0 : i32
      %dma_wait3A_73 = tpu.memref_slice %arg8[%dma_wait3A_71, %dma_wait3A_72] : memref<128x128xf32, #tpu.memory_space<vmem>> -> memref<120x128xf32, #tpu.memory_space<vmem>>
      %dma_wait3A_74 = arith.constant 0 : i32
      %dma_wait3A_75 = tpu.memref_slice %arg9[%add3A_53, %dma_wait3A_74] : memref<10112x128xf32, #tpu.memory_space<vmem_shared>> -> memref<120x128xf32, #tpu.memory_space<vmem_shared>>
      tpu.wait_dma2 semaphore(%run_scoped3A : memref<!tpu.dma_semaphore, #tpu.memory_space<semaphore_mem>>) src(%dma_wait3A_75 : memref<120x128xf32, #tpu.memory_space<vmem_shared>>) dst(%dma_wait3A_73 : memref<120x128xf32, #tpu.memory_space<vmem>>)
      tpu.yield
    }) : () -> ()
    %mul3A_54 = arith.constant 10112 : i32
    %mul3A_55 = arith.muli %arg0, %mul3A_54 : i32
    %add3A_56 = arith.addi %mul3A_55, %add3A_53 : i32
    "tpu.region"() ({
      %run_scoped3A = tpu.sem_alloc : memref<!tpu.dma_semaphore, #tpu.memory_space<semaphore_mem>>
      %dma_start3A_57 = arith.constant 0 : i32
      %dma_start3A_58 = arith.constant 0 : i32
      %dma_start3A_59 = tpu.memref_slice %arg8[%dma_start3A_57, %dma_start3A_58] : memref<128x128xf32, #tpu.memory_space<vmem>> -> memref<120x128xf32, #tpu.memory_space<vmem>>
      %dma_start3A_60 = arith.constant 0 : i32
      %dma_start3A_61 = tpu.memref_slice %arg5[%add3A_56, %dma_start3A_60] : memref<20224x128xf32, #tpu.memory_space<hbm>> -> memref<120x128xf32, #tpu.memory_space<hbm>>
      %dma_start3A_62 = arith.constant 0 : i32
      %dma_start3A_63 = tpu.memref_slice %arg5[%add3A_56, %dma_start3A_62] : memref<20224x128xf32, #tpu.memory_space<hbm>> -> memref<120x128xf32, #tpu.memory_space<hbm>>
      %dma_start3A_64 = arith.constant 0 : i32
      %dma_start3A_65 = arith.constant 0 : i32
      %dma_start3A_66 = tpu.memref_slice %arg8[%dma_start3A_64, %dma_start3A_65] : memref<128x128xf32, #tpu.memory_space<vmem>> -> memref<120x128xf32, #tpu.memory_space<vmem>>
      tpu.enqueue_dma source(%dma_start3A_66 : memref<120x128xf32, #tpu.memory_space<vmem>>) target(%dma_start3A_63 : memref<120x128xf32, #tpu.memory_space<hbm>>) target_semaphore(%run_scoped3A : memref<!tpu.dma_semaphore, #tpu.memory_space<semaphore_mem>>)
      %dma_wait3A = arith.constant 0 : i32
      %dma_wait3A_67 = arith.constant 0 : i32
      %dma_wait3A_68 = tpu.memref_slice %arg8[%dma_wait3A, %dma_wait3A_67] : memref<128x128xf32, #tpu.memory_space<vmem>> -> memref<120x128xf32, #tpu.memory_space<vmem>>
      %dma_wait3A_69 = arith.constant 0 : i32
      %dma_wait3A_70 = tpu.memref_slice %arg5[%add3A_56, %dma_wait3A_69] : memref<20224x128xf32, #tpu.memory_space<hbm>> -> memref<120x128xf32, #tpu.memory_space<hbm>>
      %dma_wait3A_71 = arith.constant 0 : i32
      %dma_wait3A_72 = tpu.memref_slice %arg5[%add3A_56, %dma_wait3A_71] : memref<20224x128xf32, #tpu.memory_space<hbm>> -> memref<120x128xf32, #tpu.memory_space<hbm>>
      %dma_wait3A_73 = arith.constant 0 : i32
      %dma_wait3A_74 = arith.constant 0 : i32
      %dma_wait3A_75 = tpu.memref_slice %arg8[%dma_wait3A_73, %dma_wait3A_74] : memref<128x128xf32, #tpu.memory_space<vmem>> -> memref<120x128xf32, #tpu.memory_space<vmem>>
      tpu.wait_dma2 semaphore(%run_scoped3A : memref<!tpu.dma_semaphore, #tpu.memory_space<semaphore_mem>>) src(%dma_wait3A_75 : memref<120x128xf32, #tpu.memory_space<vmem>>) dst(%dma_wait3A_72 : memref<120x128xf32, #tpu.memory_space<hbm>>)
      tpu.yield
    }) : () -> ()
    return
  }
}

#map = affine_map<(d0, d1) -> (0)>
#map1 = affine_map<(d0, d1) -> (0, 0)>
module attributes {stable_mosaic.version = 14 : i64} {
  func.func @_sc_spmm(%arg0: i32, %arg1: i32, %arg2: memref<320000xi32, #tpu.memory_space<hbm>>, %arg3: memref<320000xi32, #tpu.memory_space<hbm>>, %arg4: memref<10000x128xf32, #tpu.memory_space<hbm>>, %arg5: memref<128x128xf32, #tpu.memory_space<hbm>>, %arg6: memref<20224x128xf32, #tpu.memory_space<hbm>>, %arg7: memref<128xi32, #tpu.memory_space<vmem>>, %arg8: memref<128xi32, #tpu.memory_space<vmem>>, %arg9: memref<128xi32, #tpu.memory_space<vmem>>, %arg10: memref<128xi32, #tpu.memory_space<vmem>>, %arg11: memref<128xi32, #tpu.memory_space<vmem>>, %arg12: memref<128xi32, #tpu.memory_space<vmem>>, %arg13: memref<128xi32, #tpu.memory_space<vmem>>, %arg14: memref<128xi32, #tpu.memory_space<vmem>>, %arg15: memref<128x128xf32, #tpu.memory_space<vmem>>, %arg16: memref<128x128xf32, #tpu.memory_space<vmem>>, %arg17: memref<10112x128xf32, #tpu.memory_space<vmem_shared>>, %arg18: memref<!tpu.dma_semaphore, #tpu.memory_space<semaphore_mem>>, %arg19: memref<!tpu.dma_semaphore, #tpu.memory_space<semaphore_mem>>, %arg20: memref<!tpu.dma_semaphore, #tpu.memory_space<semaphore_mem>>, %arg21: memref<!tpu.dma_semaphore, #tpu.memory_space<semaphore_mem>>, %arg22: memref<!tpu.dma_semaphore, #tpu.memory_space<semaphore_mem>>, %arg23: memref<!tpu.dma_semaphore, #tpu.memory_space<semaphore_mem>>) attributes {dimension_semantics = [#tpu.dimension_semantics<core_parallel>, #tpu.dimension_semantics<subcore_parallel>], iteration_bounds = array<i64: 2, 16>, scalar_prefetch = 0 : i64, scratch_operands = 17 : i64, tpu.core_type = #tpu.core_type<sc_vector_subcore>, window_params = [{transform_indices = #map}, {transform_indices = #map}, {transform_indices = #map1}, {transform_indices = #map1}, {transform_indices = #map1}]} {
    %mul3A = arith.constant 16 : i32
    %mul3A_0 = arith.muli %arg0, %mul3A : i32
    %add3A = arith.addi %mul3A_0, %arg1 : i32
    %mul3A_1 = arith.constant 632 : i32
    %mul3A_2 = arith.muli %arg1, %mul3A_1 : i32
    "tpu.region"() ({
      %run_scoped3A = tpu.sem_alloc : memref<!tpu.dma_semaphore, #tpu.memory_space<semaphore_mem>>
      tpu.enqueue_dma source(%arg5 : memref<128x128xf32, #tpu.memory_space<hbm>>) target(%arg15 : memref<128x128xf32, #tpu.memory_space<vmem>>) target_semaphore(%run_scoped3A : memref<!tpu.dma_semaphore, #tpu.memory_space<semaphore_mem>>)
      tpu.wait_dma2 semaphore(%run_scoped3A : memref<!tpu.dma_semaphore, #tpu.memory_space<semaphore_mem>>) src(%arg5 : memref<128x128xf32, #tpu.memory_space<hbm>>) dst(%arg15 : memref<128x128xf32, #tpu.memory_space<vmem>>)
      tpu.yield
    }) : () -> ()
    %add3A_3 = arith.constant 0 : i32
    %add3A_4 = arith.addi %mul3A_2, %add3A_3 : i32
    "tpu.region"() ({
      %run_scoped3A = tpu.sem_alloc : memref<!tpu.dma_semaphore, #tpu.memory_space<semaphore_mem>>
      %dma_start3A = arith.constant 0 : i32
      %dma_start3A_86 = arith.constant 0 : i32
      %dma_start3A_87 = tpu.memref_slice %arg15[%dma_start3A, %dma_start3A_86] : memref<128x128xf32, #tpu.memory_space<vmem>> -> memref<128x128xf32, #tpu.memory_space<vmem>>
      %dma_start3A_88 = arith.constant 0 : i32
      %dma_start3A_89 = tpu.memref_slice %arg17[%add3A_4, %dma_start3A_88] : memref<10112x128xf32, #tpu.memory_space<vmem_shared>> -> memref<128x128xf32, #tpu.memory_space<vmem_shared>>
      %dma_start3A_90 = arith.constant 0 : i32
      %dma_start3A_91 = tpu.memref_slice %arg17[%add3A_4, %dma_start3A_90] : memref<10112x128xf32, #tpu.memory_space<vmem_shared>> -> memref<128x128xf32, #tpu.memory_space<vmem_shared>>
      %dma_start3A_92 = arith.constant 0 : i32
      %dma_start3A_93 = arith.constant 0 : i32
      %dma_start3A_94 = tpu.memref_slice %arg15[%dma_start3A_92, %dma_start3A_93] : memref<128x128xf32, #tpu.memory_space<vmem>> -> memref<128x128xf32, #tpu.memory_space<vmem>>
      tpu.enqueue_dma source(%dma_start3A_94 : memref<128x128xf32, #tpu.memory_space<vmem>>) target(%dma_start3A_91 : memref<128x128xf32, #tpu.memory_space<vmem_shared>>) target_semaphore(%run_scoped3A : memref<!tpu.dma_semaphore, #tpu.memory_space<semaphore_mem>>)
      %dma_wait3A = arith.constant 0 : i32
      %dma_wait3A_95 = arith.constant 0 : i32
      %dma_wait3A_96 = tpu.memref_slice %arg15[%dma_wait3A, %dma_wait3A_95] : memref<128x128xf32, #tpu.memory_space<vmem>> -> memref<128x128xf32, #tpu.memory_space<vmem>>
      %dma_wait3A_97 = arith.constant 0 : i32
      %dma_wait3A_98 = tpu.memref_slice %arg17[%add3A_4, %dma_wait3A_97] : memref<10112x128xf32, #tpu.memory_space<vmem_shared>> -> memref<128x128xf32, #tpu.memory_space<vmem_shared>>
      %dma_wait3A_99 = arith.constant 0 : i32
      %dma_wait3A_100 = tpu.memref_slice %arg17[%add3A_4, %dma_wait3A_99] : memref<10112x128xf32, #tpu.memory_space<vmem_shared>> -> memref<128x128xf32, #tpu.memory_space<vmem_shared>>
      %dma_wait3A_101 = arith.constant 0 : i32
      %dma_wait3A_102 = arith.constant 0 : i32
      %dma_wait3A_103 = tpu.memref_slice %arg15[%dma_wait3A_101, %dma_wait3A_102] : memref<128x128xf32, #tpu.memory_space<vmem>> -> memref<128x128xf32, #tpu.memory_space<vmem>>
      tpu.wait_dma2 semaphore(%run_scoped3A : memref<!tpu.dma_semaphore, #tpu.memory_space<semaphore_mem>>) src(%dma_wait3A_103 : memref<128x128xf32, #tpu.memory_space<vmem>>) dst(%dma_wait3A_100 : memref<128x128xf32, #tpu.memory_space<vmem_shared>>)
      tpu.yield
    }) : () -> ()
    %add3A_5 = arith.constant 128 : i32
    %add3A_6 = arith.addi %mul3A_2, %add3A_5 : i32
    "tpu.region"() ({
      %run_scoped3A = tpu.sem_alloc : memref<!tpu.dma_semaphore, #tpu.memory_space<semaphore_mem>>
      %dma_start3A = arith.constant 0 : i32
      %dma_start3A_86 = arith.constant 0 : i32
      %dma_start3A_87 = tpu.memref_slice %arg15[%dma_start3A, %dma_start3A_86] : memref<128x128xf32, #tpu.memory_space<vmem>> -> memref<128x128xf32, #tpu.memory_space<vmem>>
      %dma_start3A_88 = arith.constant 0 : i32
      %dma_start3A_89 = tpu.memref_slice %arg17[%add3A_6, %dma_start3A_88] : memref<10112x128xf32, #tpu.memory_space<vmem_shared>> -> memref<128x128xf32, #tpu.memory_space<vmem_shared>>
      %dma_start3A_90 = arith.constant 0 : i32
      %dma_start3A_91 = tpu.memref_slice %arg17[%add3A_6, %dma_start3A_90] : memref<10112x128xf32, #tpu.memory_space<vmem_shared>> -> memref<128x128xf32, #tpu.memory_space<vmem_shared>>
      %dma_start3A_92 = arith.constant 0 : i32
      %dma_start3A_93 = arith.constant 0 : i32
      %dma_start3A_94 = tpu.memref_slice %arg15[%dma_start3A_92, %dma_start3A_93] : memref<128x128xf32, #tpu.memory_space<vmem>> -> memref<128x128xf32, #tpu.memory_space<vmem>>
      tpu.enqueue_dma source(%dma_start3A_94 : memref<128x128xf32, #tpu.memory_space<vmem>>) target(%dma_start3A_91 : memref<128x128xf32, #tpu.memory_space<vmem_shared>>) target_semaphore(%run_scoped3A : memref<!tpu.dma_semaphore, #tpu.memory_space<semaphore_mem>>)
      %dma_wait3A = arith.constant 0 : i32
      %dma_wait3A_95 = arith.constant 0 : i32
      %dma_wait3A_96 = tpu.memref_slice %arg15[%dma_wait3A, %dma_wait3A_95] : memref<128x128xf32, #tpu.memory_space<vmem>> -> memref<128x128xf32, #tpu.memory_space<vmem>>
      %dma_wait3A_97 = arith.constant 0 : i32
      %dma_wait3A_98 = tpu.memref_slice %arg17[%add3A_6, %dma_wait3A_97] : memref<10112x128xf32, #tpu.memory_space<vmem_shared>> -> memref<128x128xf32, #tpu.memory_space<vmem_shared>>
      %dma_wait3A_99 = arith.constant 0 : i32
      %dma_wait3A_100 = tpu.memref_slice %arg17[%add3A_6, %dma_wait3A_99] : memref<10112x128xf32, #tpu.memory_space<vmem_shared>> -> memref<128x128xf32, #tpu.memory_space<vmem_shared>>
      %dma_wait3A_101 = arith.constant 0 : i32
      %dma_wait3A_102 = arith.constant 0 : i32
      %dma_wait3A_103 = tpu.memref_slice %arg15[%dma_wait3A_101, %dma_wait3A_102] : memref<128x128xf32, #tpu.memory_space<vmem>> -> memref<128x128xf32, #tpu.memory_space<vmem>>
      tpu.wait_dma2 semaphore(%run_scoped3A : memref<!tpu.dma_semaphore, #tpu.memory_space<semaphore_mem>>) src(%dma_wait3A_103 : memref<128x128xf32, #tpu.memory_space<vmem>>) dst(%dma_wait3A_100 : memref<128x128xf32, #tpu.memory_space<vmem_shared>>)
      tpu.yield
    }) : () -> ()
    %add3A_7 = arith.constant 256 : i32
    %add3A_8 = arith.addi %mul3A_2, %add3A_7 : i32
    "tpu.region"() ({
      %run_scoped3A = tpu.sem_alloc : memref<!tpu.dma_semaphore, #tpu.memory_space<semaphore_mem>>
      %dma_start3A = arith.constant 0 : i32
      %dma_start3A_86 = arith.constant 0 : i32
      %dma_start3A_87 = tpu.memref_slice %arg15[%dma_start3A, %dma_start3A_86] : memref<128x128xf32, #tpu.memory_space<vmem>> -> memref<128x128xf32, #tpu.memory_space<vmem>>
      %dma_start3A_88 = arith.constant 0 : i32
      %dma_start3A_89 = tpu.memref_slice %arg17[%add3A_8, %dma_start3A_88] : memref<10112x128xf32, #tpu.memory_space<vmem_shared>> -> memref<128x128xf32, #tpu.memory_space<vmem_shared>>
      %dma_start3A_90 = arith.constant 0 : i32
      %dma_start3A_91 = tpu.memref_slice %arg17[%add3A_8, %dma_start3A_90] : memref<10112x128xf32, #tpu.memory_space<vmem_shared>> -> memref<128x128xf32, #tpu.memory_space<vmem_shared>>
      %dma_start3A_92 = arith.constant 0 : i32
      %dma_start3A_93 = arith.constant 0 : i32
      %dma_start3A_94 = tpu.memref_slice %arg15[%dma_start3A_92, %dma_start3A_93] : memref<128x128xf32, #tpu.memory_space<vmem>> -> memref<128x128xf32, #tpu.memory_space<vmem>>
      tpu.enqueue_dma source(%dma_start3A_94 : memref<128x128xf32, #tpu.memory_space<vmem>>) target(%dma_start3A_91 : memref<128x128xf32, #tpu.memory_space<vmem_shared>>) target_semaphore(%run_scoped3A : memref<!tpu.dma_semaphore, #tpu.memory_space<semaphore_mem>>)
      %dma_wait3A = arith.constant 0 : i32
      %dma_wait3A_95 = arith.constant 0 : i32
      %dma_wait3A_96 = tpu.memref_slice %arg15[%dma_wait3A, %dma_wait3A_95] : memref<128x128xf32, #tpu.memory_space<vmem>> -> memref<128x128xf32, #tpu.memory_space<vmem>>
      %dma_wait3A_97 = arith.constant 0 : i32
      %dma_wait3A_98 = tpu.memref_slice %arg17[%add3A_8, %dma_wait3A_97] : memref<10112x128xf32, #tpu.memory_space<vmem_shared>> -> memref<128x128xf32, #tpu.memory_space<vmem_shared>>
      %dma_wait3A_99 = arith.constant 0 : i32
      %dma_wait3A_100 = tpu.memref_slice %arg17[%add3A_8, %dma_wait3A_99] : memref<10112x128xf32, #tpu.memory_space<vmem_shared>> -> memref<128x128xf32, #tpu.memory_space<vmem_shared>>
      %dma_wait3A_101 = arith.constant 0 : i32
      %dma_wait3A_102 = arith.constant 0 : i32
      %dma_wait3A_103 = tpu.memref_slice %arg15[%dma_wait3A_101, %dma_wait3A_102] : memref<128x128xf32, #tpu.memory_space<vmem>> -> memref<128x128xf32, #tpu.memory_space<vmem>>
      tpu.wait_dma2 semaphore(%run_scoped3A : memref<!tpu.dma_semaphore, #tpu.memory_space<semaphore_mem>>) src(%dma_wait3A_103 : memref<128x128xf32, #tpu.memory_space<vmem>>) dst(%dma_wait3A_100 : memref<128x128xf32, #tpu.memory_space<vmem_shared>>)
      tpu.yield
    }) : () -> ()
    %add3A_9 = arith.constant 384 : i32
    %add3A_10 = arith.addi %mul3A_2, %add3A_9 : i32
    "tpu.region"() ({
      %run_scoped3A = tpu.sem_alloc : memref<!tpu.dma_semaphore, #tpu.memory_space<semaphore_mem>>
      %dma_start3A = arith.constant 0 : i32
      %dma_start3A_86 = arith.constant 0 : i32
      %dma_start3A_87 = tpu.memref_slice %arg15[%dma_start3A, %dma_start3A_86] : memref<128x128xf32, #tpu.memory_space<vmem>> -> memref<128x128xf32, #tpu.memory_space<vmem>>
      %dma_start3A_88 = arith.constant 0 : i32
      %dma_start3A_89 = tpu.memref_slice %arg17[%add3A_10, %dma_start3A_88] : memref<10112x128xf32, #tpu.memory_space<vmem_shared>> -> memref<128x128xf32, #tpu.memory_space<vmem_shared>>
      %dma_start3A_90 = arith.constant 0 : i32
      %dma_start3A_91 = tpu.memref_slice %arg17[%add3A_10, %dma_start3A_90] : memref<10112x128xf32, #tpu.memory_space<vmem_shared>> -> memref<128x128xf32, #tpu.memory_space<vmem_shared>>
      %dma_start3A_92 = arith.constant 0 : i32
      %dma_start3A_93 = arith.constant 0 : i32
      %dma_start3A_94 = tpu.memref_slice %arg15[%dma_start3A_92, %dma_start3A_93] : memref<128x128xf32, #tpu.memory_space<vmem>> -> memref<128x128xf32, #tpu.memory_space<vmem>>
      tpu.enqueue_dma source(%dma_start3A_94 : memref<128x128xf32, #tpu.memory_space<vmem>>) target(%dma_start3A_91 : memref<128x128xf32, #tpu.memory_space<vmem_shared>>) target_semaphore(%run_scoped3A : memref<!tpu.dma_semaphore, #tpu.memory_space<semaphore_mem>>)
      %dma_wait3A = arith.constant 0 : i32
      %dma_wait3A_95 = arith.constant 0 : i32
      %dma_wait3A_96 = tpu.memref_slice %arg15[%dma_wait3A, %dma_wait3A_95] : memref<128x128xf32, #tpu.memory_space<vmem>> -> memref<128x128xf32, #tpu.memory_space<vmem>>
      %dma_wait3A_97 = arith.constant 0 : i32
      %dma_wait3A_98 = tpu.memref_slice %arg17[%add3A_10, %dma_wait3A_97] : memref<10112x128xf32, #tpu.memory_space<vmem_shared>> -> memref<128x128xf32, #tpu.memory_space<vmem_shared>>
      %dma_wait3A_99 = arith.constant 0 : i32
      %dma_wait3A_100 = tpu.memref_slice %arg17[%add3A_10, %dma_wait3A_99] : memref<10112x128xf32, #tpu.memory_space<vmem_shared>> -> memref<128x128xf32, #tpu.memory_space<vmem_shared>>
      %dma_wait3A_101 = arith.constant 0 : i32
      %dma_wait3A_102 = arith.constant 0 : i32
      %dma_wait3A_103 = tpu.memref_slice %arg15[%dma_wait3A_101, %dma_wait3A_102] : memref<128x128xf32, #tpu.memory_space<vmem>> -> memref<128x128xf32, #tpu.memory_space<vmem>>
      tpu.wait_dma2 semaphore(%run_scoped3A : memref<!tpu.dma_semaphore, #tpu.memory_space<semaphore_mem>>) src(%dma_wait3A_103 : memref<128x128xf32, #tpu.memory_space<vmem>>) dst(%dma_wait3A_100 : memref<128x128xf32, #tpu.memory_space<vmem_shared>>)
      tpu.yield
    }) : () -> ()
    %add3A_11 = arith.constant 512 : i32
    %add3A_12 = arith.addi %mul3A_2, %add3A_11 : i32
    "tpu.region"() ({
      %run_scoped3A = tpu.sem_alloc : memref<!tpu.dma_semaphore, #tpu.memory_space<semaphore_mem>>
      %dma_start3A = arith.constant 0 : i32
      %dma_start3A_86 = arith.constant 0 : i32
      %dma_start3A_87 = tpu.memref_slice %arg15[%dma_start3A, %dma_start3A_86] : memref<128x128xf32, #tpu.memory_space<vmem>> -> memref<120x128xf32, #tpu.memory_space<vmem>>
      %dma_start3A_88 = arith.constant 0 : i32
      %dma_start3A_89 = tpu.memref_slice %arg17[%add3A_12, %dma_start3A_88] : memref<10112x128xf32, #tpu.memory_space<vmem_shared>> -> memref<120x128xf32, #tpu.memory_space<vmem_shared>>
      %dma_start3A_90 = arith.constant 0 : i32
      %dma_start3A_91 = tpu.memref_slice %arg17[%add3A_12, %dma_start3A_90] : memref<10112x128xf32, #tpu.memory_space<vmem_shared>> -> memref<120x128xf32, #tpu.memory_space<vmem_shared>>
      %dma_start3A_92 = arith.constant 0 : i32
      %dma_start3A_93 = arith.constant 0 : i32
      %dma_start3A_94 = tpu.memref_slice %arg15[%dma_start3A_92, %dma_start3A_93] : memref<128x128xf32, #tpu.memory_space<vmem>> -> memref<120x128xf32, #tpu.memory_space<vmem>>
      tpu.enqueue_dma source(%dma_start3A_94 : memref<120x128xf32, #tpu.memory_space<vmem>>) target(%dma_start3A_91 : memref<120x128xf32, #tpu.memory_space<vmem_shared>>) target_semaphore(%run_scoped3A : memref<!tpu.dma_semaphore, #tpu.memory_space<semaphore_mem>>)
      %dma_wait3A = arith.constant 0 : i32
      %dma_wait3A_95 = arith.constant 0 : i32
      %dma_wait3A_96 = tpu.memref_slice %arg15[%dma_wait3A, %dma_wait3A_95] : memref<128x128xf32, #tpu.memory_space<vmem>> -> memref<120x128xf32, #tpu.memory_space<vmem>>
      %dma_wait3A_97 = arith.constant 0 : i32
      %dma_wait3A_98 = tpu.memref_slice %arg17[%add3A_12, %dma_wait3A_97] : memref<10112x128xf32, #tpu.memory_space<vmem_shared>> -> memref<120x128xf32, #tpu.memory_space<vmem_shared>>
      %dma_wait3A_99 = arith.constant 0 : i32
      %dma_wait3A_100 = tpu.memref_slice %arg17[%add3A_12, %dma_wait3A_99] : memref<10112x128xf32, #tpu.memory_space<vmem_shared>> -> memref<120x128xf32, #tpu.memory_space<vmem_shared>>
      %dma_wait3A_101 = arith.constant 0 : i32
      %dma_wait3A_102 = arith.constant 0 : i32
      %dma_wait3A_103 = tpu.memref_slice %arg15[%dma_wait3A_101, %dma_wait3A_102] : memref<128x128xf32, #tpu.memory_space<vmem>> -> memref<120x128xf32, #tpu.memory_space<vmem>>
      tpu.wait_dma2 semaphore(%run_scoped3A : memref<!tpu.dma_semaphore, #tpu.memory_space<semaphore_mem>>) src(%dma_wait3A_103 : memref<120x128xf32, #tpu.memory_space<vmem>>) dst(%dma_wait3A_100 : memref<120x128xf32, #tpu.memory_space<vmem_shared>>)
      tpu.yield
    }) : () -> ()
    %barrier3A = arith.constant 0 : index
    tpu.barrier barrier_id(%barrier3A)
    %eq3A = arith.constant 0 : i32
    %eq3A_13 = arith.cmpi eq, %arg0, %eq3A : i32
    %lt3A = arith.constant 4 : i32
    %lt3A_14 = arith.cmpi slt, %arg1, %lt3A : i32
    %jit3A = arith.constant 1 : i32
    %jit3A_15 = arith.constant 0 : i32
    %select_n3A = arith.select %lt3A_14, %jit3A, %jit3A_15 : i32
    %add3A_16 = arith.constant 77 : i32
    %add3A_17 = arith.addi %add3A_16, %select_n3A : i32
    %jit3A_18 = arith.constant 79 : i32
    %select_n3A_19 = arith.select %eq3A_13, %jit3A_18, %add3A_17 : i32
    %eq3A_20 = arith.constant 0 : i32
    %eq3A_21 = arith.cmpi eq, %arg0, %eq3A_20 : i32
    %mul3A_22 = arith.constant 79 : i32
    %mul3A_23 = arith.muli %arg1, %mul3A_22 : i32
    %mul3A_24 = arith.constant 77 : i32
    %mul3A_25 = arith.muli %arg1, %mul3A_24 : i32
    %add3A_26 = arith.constant 1264 : i32
    %add3A_27 = arith.addi %add3A_26, %mul3A_25 : i32
    %min3A = arith.constant 4 : i32
    %min3A_28 = arith.minsi %arg1, %min3A : i32
    %add3A_29 = arith.addi %add3A_27, %min3A_28 : i32
    %select_n3A_30 = arith.select %eq3A_21, %mul3A_23, %add3A_29 : i32
    %mul3A_31 = arith.constant 128 : i32
    %mul3A_32 = arith.muli %select_n3A_30, %mul3A_31 : i32
    %gt3A = arith.constant 0 : i32
    %gt3A_33 = arith.cmpi sgt, %select_n3A_19, %gt3A : i32
    %convert_element_type3A = arith.extui %gt3A_33 : i1 to i32
    %cond3A = arith.constant 0 : i32
    %cond3A_34 = arith.cmpi ne, %convert_element_type3A, %cond3A : i32
    scf.if %cond3A_34 {
      %add3A_86 = arith.constant 0 : i32
      %add3A_87 = arith.addi %mul3A_32, %add3A_86 : i32
      %dma_start3A = tpu.memref_slice %arg2[%add3A_87] : memref<320000xi32, #tpu.memory_space<hbm>> -> memref<128xi32, #tpu.memory_space<hbm>>
      %dma_start3A_88 = tpu.memref_slice %arg2[%add3A_87] : memref<320000xi32, #tpu.memory_space<hbm>> -> memref<128xi32, #tpu.memory_space<hbm>>
      tpu.enqueue_dma source(%dma_start3A_88 : memref<128xi32, #tpu.memory_space<hbm>>) target(%arg7 : memref<128xi32, #tpu.memory_space<vmem>>) target_semaphore(%arg20 : memref<!tpu.dma_semaphore, #tpu.memory_space<semaphore_mem>>)
      %dma_start3A_89 = tpu.memref_slice %arg3[%add3A_87] : memref<320000xi32, #tpu.memory_space<hbm>> -> memref<128xi32, #tpu.memory_space<hbm>>
      %dma_start3A_90 = tpu.memref_slice %arg3[%add3A_87] : memref<320000xi32, #tpu.memory_space<hbm>> -> memref<128xi32, #tpu.memory_space<hbm>>
      tpu.enqueue_dma source(%dma_start3A_90 : memref<128xi32, #tpu.memory_space<hbm>>) target(%arg8 : memref<128xi32, #tpu.memory_space<vmem>>) target_semaphore(%arg20 : memref<!tpu.dma_semaphore, #tpu.memory_space<semaphore_mem>>)
    } else {
    }
    %gt3A_35 = arith.constant 1 : i32
    %gt3A_36 = arith.cmpi sgt, %select_n3A_19, %gt3A_35 : i32
    %convert_element_type3A_37 = arith.extui %gt3A_36 : i1 to i32
    %cond3A_38 = arith.constant 0 : i32
    %cond3A_39 = arith.cmpi ne, %convert_element_type3A_37, %cond3A_38 : i32
    scf.if %cond3A_39 {
      %add3A_86 = arith.constant 128 : i32
      %add3A_87 = arith.addi %mul3A_32, %add3A_86 : i32
      %dma_start3A = tpu.memref_slice %arg2[%add3A_87] : memref<320000xi32, #tpu.memory_space<hbm>> -> memref<128xi32, #tpu.memory_space<hbm>>
      %dma_start3A_88 = tpu.memref_slice %arg2[%add3A_87] : memref<320000xi32, #tpu.memory_space<hbm>> -> memref<128xi32, #tpu.memory_space<hbm>>
      tpu.enqueue_dma source(%dma_start3A_88 : memref<128xi32, #tpu.memory_space<hbm>>) target(%arg9 : memref<128xi32, #tpu.memory_space<vmem>>) target_semaphore(%arg21 : memref<!tpu.dma_semaphore, #tpu.memory_space<semaphore_mem>>)
      %dma_start3A_89 = tpu.memref_slice %arg3[%add3A_87] : memref<320000xi32, #tpu.memory_space<hbm>> -> memref<128xi32, #tpu.memory_space<hbm>>
      %dma_start3A_90 = tpu.memref_slice %arg3[%add3A_87] : memref<320000xi32, #tpu.memory_space<hbm>> -> memref<128xi32, #tpu.memory_space<hbm>>
      tpu.enqueue_dma source(%dma_start3A_90 : memref<128xi32, #tpu.memory_space<hbm>>) target(%arg10 : memref<128xi32, #tpu.memory_space<vmem>>) target_semaphore(%arg21 : memref<!tpu.dma_semaphore, #tpu.memory_space<semaphore_mem>>)
    } else {
    }
    %gt3A_40 = arith.constant 2 : i32
    %gt3A_41 = arith.cmpi sgt, %select_n3A_19, %gt3A_40 : i32
    %convert_element_type3A_42 = arith.extui %gt3A_41 : i1 to i32
    %cond3A_43 = arith.constant 0 : i32
    %cond3A_44 = arith.cmpi ne, %convert_element_type3A_42, %cond3A_43 : i32
    scf.if %cond3A_44 {
      %add3A_86 = arith.constant 256 : i32
      %add3A_87 = arith.addi %mul3A_32, %add3A_86 : i32
      %dma_start3A = tpu.memref_slice %arg2[%add3A_87] : memref<320000xi32, #tpu.memory_space<hbm>> -> memref<128xi32, #tpu.memory_space<hbm>>
      %dma_start3A_88 = tpu.memref_slice %arg2[%add3A_87] : memref<320000xi32, #tpu.memory_space<hbm>> -> memref<128xi32, #tpu.memory_space<hbm>>
      tpu.enqueue_dma source(%dma_start3A_88 : memref<128xi32, #tpu.memory_space<hbm>>) target(%arg11 : memref<128xi32, #tpu.memory_space<vmem>>) target_semaphore(%arg22 : memref<!tpu.dma_semaphore, #tpu.memory_space<semaphore_mem>>)
      %dma_start3A_89 = tpu.memref_slice %arg3[%add3A_87] : memref<320000xi32, #tpu.memory_space<hbm>> -> memref<128xi32, #tpu.memory_space<hbm>>
      %dma_start3A_90 = tpu.memref_slice %arg3[%add3A_87] : memref<320000xi32, #tpu.memory_space<hbm>> -> memref<128xi32, #tpu.memory_space<hbm>>
      tpu.enqueue_dma source(%dma_start3A_90 : memref<128xi32, #tpu.memory_space<hbm>>) target(%arg12 : memref<128xi32, #tpu.memory_space<vmem>>) target_semaphore(%arg22 : memref<!tpu.dma_semaphore, #tpu.memory_space<semaphore_mem>>)
    } else {
    }
    %gt3A_45 = arith.constant 3 : i32
    %gt3A_46 = arith.cmpi sgt, %select_n3A_19, %gt3A_45 : i32
    %convert_element_type3A_47 = arith.extui %gt3A_46 : i1 to i32
    %cond3A_48 = arith.constant 0 : i32
    %cond3A_49 = arith.cmpi ne, %convert_element_type3A_47, %cond3A_48 : i32
    scf.if %cond3A_49 {
      %add3A_86 = arith.constant 384 : i32
      %add3A_87 = arith.addi %mul3A_32, %add3A_86 : i32
      %dma_start3A = tpu.memref_slice %arg2[%add3A_87] : memref<320000xi32, #tpu.memory_space<hbm>> -> memref<128xi32, #tpu.memory_space<hbm>>
      %dma_start3A_88 = tpu.memref_slice %arg2[%add3A_87] : memref<320000xi32, #tpu.memory_space<hbm>> -> memref<128xi32, #tpu.memory_space<hbm>>
      tpu.enqueue_dma source(%dma_start3A_88 : memref<128xi32, #tpu.memory_space<hbm>>) target(%arg13 : memref<128xi32, #tpu.memory_space<vmem>>) target_semaphore(%arg23 : memref<!tpu.dma_semaphore, #tpu.memory_space<semaphore_mem>>)
      %dma_start3A_89 = tpu.memref_slice %arg3[%add3A_87] : memref<320000xi32, #tpu.memory_space<hbm>> -> memref<128xi32, #tpu.memory_space<hbm>>
      %dma_start3A_90 = tpu.memref_slice %arg3[%add3A_87] : memref<320000xi32, #tpu.memory_space<hbm>> -> memref<128xi32, #tpu.memory_space<hbm>>
      tpu.enqueue_dma source(%dma_start3A_90 : memref<128xi32, #tpu.memory_space<hbm>>) target(%arg14 : memref<128xi32, #tpu.memory_space<vmem>>) target_semaphore(%arg23 : memref<!tpu.dma_semaphore, #tpu.memory_space<semaphore_mem>>)
    } else {
    }
    %gt3A_50 = arith.constant 0 : i32
    %gt3A_51 = arith.cmpi sgt, %select_n3A_19, %gt3A_50 : i32
    %convert_element_type3A_52 = arith.extui %gt3A_51 : i1 to i32
    %cond3A_53 = arith.constant 0 : i32
    %cond3A_54 = arith.cmpi ne, %convert_element_type3A_52, %cond3A_53 : i32
    scf.if %cond3A_54 {
      %dma_wait3A = arith.constant 0 : i32
      %dma_wait3A_86 = tpu.memref_slice %arg2[%dma_wait3A] : memref<320000xi32, #tpu.memory_space<hbm>> -> memref<128xi32, #tpu.memory_space<hbm>>
      %dma_wait3A_87 = arith.constant 0 : i32
      %dma_wait3A_88 = tpu.memref_slice %arg2[%dma_wait3A_87] : memref<320000xi32, #tpu.memory_space<hbm>> -> memref<128xi32, #tpu.memory_space<hbm>>
      tpu.wait_dma2 semaphore(%arg20 : memref<!tpu.dma_semaphore, #tpu.memory_space<semaphore_mem>>) src(%dma_wait3A_88 : memref<128xi32, #tpu.memory_space<hbm>>) dst(%arg7 : memref<128xi32, #tpu.memory_space<vmem>>)
      %dma_wait3A_89 = arith.constant 0 : i32
      %dma_wait3A_90 = tpu.memref_slice %arg3[%dma_wait3A_89] : memref<320000xi32, #tpu.memory_space<hbm>> -> memref<128xi32, #tpu.memory_space<hbm>>
      %dma_wait3A_91 = arith.constant 0 : i32
      %dma_wait3A_92 = tpu.memref_slice %arg3[%dma_wait3A_91] : memref<320000xi32, #tpu.memory_space<hbm>> -> memref<128xi32, #tpu.memory_space<hbm>>
      tpu.wait_dma2 semaphore(%arg20 : memref<!tpu.dma_semaphore, #tpu.memory_space<semaphore_mem>>) src(%dma_wait3A_92 : memref<128xi32, #tpu.memory_space<hbm>>) dst(%arg8 : memref<128xi32, #tpu.memory_space<vmem>>)
      %dma_start3A = arith.constant 0 : i32
      %dma_start3A_93 = arith.constant 0 : i32
      %dma_start3A_94 = tpu.memref_slice %arg4[%dma_start3A, %dma_start3A_93] : memref<10000x128xf32, #tpu.memory_space<hbm>> -> memref<10000x128xf32, #tpu.memory_space<hbm>>
      tpu.enqueue_indirect_dma source(%dma_start3A_94 : memref<10000x128xf32, #tpu.memory_space<hbm>>) target(%arg15 : memref<128x128xf32, #tpu.memory_space<vmem>>) offsets(%arg7 : memref<128xi32, #tpu.memory_space<vmem>>) semaphore(%arg18 : memref<!tpu.dma_semaphore, #tpu.memory_space<semaphore_mem>>)
    } else {
    }
    %scan3A = arith.constant 0 : i32
    %scan3A_55 = arith.constant 0 : i32
    %scan3A_56 = arith.constant 20 : i32
    %scan3A_57 = arith.addi %scan3A_55, %scan3A_56 : i32
    %scan3A_58 = arith.constant 1 : i32
    scf.for %scan3A_86 = %scan3A_55 to %scan3A_57 step %scan3A_58  : i32 {
      %mul3A_87 = arith.constant 4 : i32
      %mul3A_88 = arith.muli %scan3A_86, %mul3A_87 : i32
      %add3A_89 = arith.constant 0 : i32
      %add3A_90 = arith.addi %mul3A_88, %add3A_89 : i32
      %add3A_91 = arith.constant 1 : i32
      %add3A_92 = arith.addi %add3A_90, %add3A_91 : i32
      %lt3A_93 = arith.cmpi slt, %add3A_92, %select_n3A_19 : i32
      %convert_element_type3A_94 = arith.extui %lt3A_93 : i1 to i32
      %cond3A_95 = arith.constant 0 : i32
      %cond3A_96 = arith.cmpi ne, %convert_element_type3A_94, %cond3A_95 : i32
      scf.if %cond3A_96 {
        %dma_wait3A = arith.constant 0 : i32
        %dma_wait3A_161 = tpu.memref_slice %arg2[%dma_wait3A] : memref<320000xi32, #tpu.memory_space<hbm>> -> memref<128xi32, #tpu.memory_space<hbm>>
        %dma_wait3A_162 = arith.constant 0 : i32
        %dma_wait3A_163 = tpu.memref_slice %arg2[%dma_wait3A_162] : memref<320000xi32, #tpu.memory_space<hbm>> -> memref<128xi32, #tpu.memory_space<hbm>>
        tpu.wait_dma2 semaphore(%arg21 : memref<!tpu.dma_semaphore, #tpu.memory_space<semaphore_mem>>) src(%dma_wait3A_163 : memref<128xi32, #tpu.memory_space<hbm>>) dst(%arg9 : memref<128xi32, #tpu.memory_space<vmem>>)
        %dma_wait3A_164 = arith.constant 0 : i32
        %dma_wait3A_165 = tpu.memref_slice %arg3[%dma_wait3A_164] : memref<320000xi32, #tpu.memory_space<hbm>> -> memref<128xi32, #tpu.memory_space<hbm>>
        %dma_wait3A_166 = arith.constant 0 : i32
        %dma_wait3A_167 = tpu.memref_slice %arg3[%dma_wait3A_166] : memref<320000xi32, #tpu.memory_space<hbm>> -> memref<128xi32, #tpu.memory_space<hbm>>
        tpu.wait_dma2 semaphore(%arg21 : memref<!tpu.dma_semaphore, #tpu.memory_space<semaphore_mem>>) src(%dma_wait3A_167 : memref<128xi32, #tpu.memory_space<hbm>>) dst(%arg10 : memref<128xi32, #tpu.memory_space<vmem>>)
        %dma_start3A = arith.constant 0 : i32
        %dma_start3A_168 = arith.constant 0 : i32
        %dma_start3A_169 = tpu.memref_slice %arg4[%dma_start3A, %dma_start3A_168] : memref<10000x128xf32, #tpu.memory_space<hbm>> -> memref<10000x128xf32, #tpu.memory_space<hbm>>
        tpu.enqueue_indirect_dma source(%dma_start3A_169 : memref<10000x128xf32, #tpu.memory_space<hbm>>) target(%arg16 : memref<128x128xf32, #tpu.memory_space<vmem>>) offsets(%arg9 : memref<128xi32, #tpu.memory_space<vmem>>) semaphore(%arg19 : memref<!tpu.dma_semaphore, #tpu.memory_space<semaphore_mem>>)
      } else {
      }
      %lt3A_97 = arith.cmpi slt, %add3A_90, %select_n3A_19 : i32
      %convert_element_type3A_98 = arith.extui %lt3A_97 : i1 to i32
      %cond3A_99 = arith.constant 0 : i32
      %cond3A_100 = arith.cmpi ne, %convert_element_type3A_98, %cond3A_99 : i32
      scf.if %cond3A_100 {
        %dma_wait3A = arith.constant 0 : i32
        %dma_wait3A_161 = arith.constant 0 : i32
        %dma_wait3A_162 = tpu.memref_slice %arg4[%dma_wait3A, %dma_wait3A_161] : memref<10000x128xf32, #tpu.memory_space<hbm>> -> memref<10000x128xf32, #tpu.memory_space<hbm>>
        tpu.wait_indirect_dma semaphore(%arg18 : memref<!tpu.dma_semaphore, #tpu.memory_space<semaphore_mem>>) src(%dma_wait3A_162 : memref<10000x128xf32, #tpu.memory_space<hbm>>) dst(%arg15 : memref<128x128xf32, #tpu.memory_space<vmem>>)
        "tpu.region"() ({
          %run_scoped3A = tpu.sem_alloc : memref<!tpu.dma_semaphore, #tpu.memory_space<semaphore_mem>>
          %dma_start3A = arith.constant 0 : i32
          %dma_start3A_163 = arith.constant 0 : i32
          %dma_start3A_164 = tpu.memref_slice %arg17[%dma_start3A, %dma_start3A_163] : memref<10112x128xf32, #tpu.memory_space<vmem_shared>> -> memref<10112x128xf32, #tpu.memory_space<vmem_shared>>
          tpu.enqueue_indirect_dma source(%arg15 : memref<128x128xf32, #tpu.memory_space<vmem>>) target(%dma_start3A_164 : memref<10112x128xf32, #tpu.memory_space<vmem_shared>>) offsets(%arg8 : memref<128xi32, #tpu.memory_space<vmem>>) semaphore(%run_scoped3A : memref<!tpu.dma_semaphore, #tpu.memory_space<semaphore_mem>>) {add = true}
          %dma_wait3A_165 = arith.constant 0 : i32
          %dma_wait3A_166 = arith.constant 0 : i32
          %dma_wait3A_167 = tpu.memref_slice %arg17[%dma_wait3A_165, %dma_wait3A_166] : memref<10112x128xf32, #tpu.memory_space<vmem_shared>> -> memref<10112x128xf32, #tpu.memory_space<vmem_shared>>
          tpu.wait_indirect_dma semaphore(%run_scoped3A : memref<!tpu.dma_semaphore, #tpu.memory_space<semaphore_mem>>) src(%arg15 : memref<128x128xf32, #tpu.memory_space<vmem>>) dst(%dma_wait3A_167 : memref<10112x128xf32, #tpu.memory_space<vmem_shared>>)
          tpu.yield
        }) : () -> ()
      } else {
      }
      %add3A_101 = arith.constant 4 : i32
      %add3A_102 = arith.addi %add3A_90, %add3A_101 : i32
      %lt3A_103 = arith.cmpi slt, %add3A_102, %select_n3A_19 : i32
      %convert_element_type3A_104 = arith.extui %lt3A_103 : i1 to i32
      %cond3A_105 = arith.constant 0 : i32
      %cond3A_106 = arith.cmpi ne, %convert_element_type3A_104, %cond3A_105 : i32
      scf.if %cond3A_106 {
        %add3A_161 = arith.constant 4 : i32
        %add3A_162 = arith.addi %add3A_90, %add3A_161 : i32
        %mul3A_163 = arith.constant 128 : i32
        %mul3A_164 = arith.muli %add3A_162, %mul3A_163 : i32
        %add3A_165 = arith.addi %mul3A_32, %mul3A_164 : i32
        %dma_start3A = tpu.memref_slice %arg2[%add3A_165] : memref<320000xi32, #tpu.memory_space<hbm>> -> memref<128xi32, #tpu.memory_space<hbm>>
        %dma_start3A_166 = tpu.memref_slice %arg2[%add3A_165] : memref<320000xi32, #tpu.memory_space<hbm>> -> memref<128xi32, #tpu.memory_space<hbm>>
        tpu.enqueue_dma source(%dma_start3A_166 : memref<128xi32, #tpu.memory_space<hbm>>) target(%arg7 : memref<128xi32, #tpu.memory_space<vmem>>) target_semaphore(%arg20 : memref<!tpu.dma_semaphore, #tpu.memory_space<semaphore_mem>>)
        %dma_start3A_167 = tpu.memref_slice %arg3[%add3A_165] : memref<320000xi32, #tpu.memory_space<hbm>> -> memref<128xi32, #tpu.memory_space<hbm>>
        %dma_start3A_168 = tpu.memref_slice %arg3[%add3A_165] : memref<320000xi32, #tpu.memory_space<hbm>> -> memref<128xi32, #tpu.memory_space<hbm>>
        tpu.enqueue_dma source(%dma_start3A_168 : memref<128xi32, #tpu.memory_space<hbm>>) target(%arg8 : memref<128xi32, #tpu.memory_space<vmem>>) target_semaphore(%arg20 : memref<!tpu.dma_semaphore, #tpu.memory_space<semaphore_mem>>)
      } else {
      }
      %add3A_107 = arith.constant 1 : i32
      %add3A_108 = arith.addi %mul3A_88, %add3A_107 : i32
      %add3A_109 = arith.constant 1 : i32
      %add3A_110 = arith.addi %add3A_108, %add3A_109 : i32
      %lt3A_111 = arith.cmpi slt, %add3A_110, %select_n3A_19 : i32
      %convert_element_type3A_112 = arith.extui %lt3A_111 : i1 to i32
      %cond3A_113 = arith.constant 0 : i32
      %cond3A_114 = arith.cmpi ne, %convert_element_type3A_112, %cond3A_113 : i32
      scf.if %cond3A_114 {
        %dma_wait3A = arith.constant 0 : i32
        %dma_wait3A_161 = tpu.memref_slice %arg2[%dma_wait3A] : memref<320000xi32, #tpu.memory_space<hbm>> -> memref<128xi32, #tpu.memory_space<hbm>>
        %dma_wait3A_162 = arith.constant 0 : i32
        %dma_wait3A_163 = tpu.memref_slice %arg2[%dma_wait3A_162] : memref<320000xi32, #tpu.memory_space<hbm>> -> memref<128xi32, #tpu.memory_space<hbm>>
        tpu.wait_dma2 semaphore(%arg22 : memref<!tpu.dma_semaphore, #tpu.memory_space<semaphore_mem>>) src(%dma_wait3A_163 : memref<128xi32, #tpu.memory_space<hbm>>) dst(%arg11 : memref<128xi32, #tpu.memory_space<vmem>>)
        %dma_wait3A_164 = arith.constant 0 : i32
        %dma_wait3A_165 = tpu.memref_slice %arg3[%dma_wait3A_164] : memref<320000xi32, #tpu.memory_space<hbm>> -> memref<128xi32, #tpu.memory_space<hbm>>
        %dma_wait3A_166 = arith.constant 0 : i32
        %dma_wait3A_167 = tpu.memref_slice %arg3[%dma_wait3A_166] : memref<320000xi32, #tpu.memory_space<hbm>> -> memref<128xi32, #tpu.memory_space<hbm>>
        tpu.wait_dma2 semaphore(%arg22 : memref<!tpu.dma_semaphore, #tpu.memory_space<semaphore_mem>>) src(%dma_wait3A_167 : memref<128xi32, #tpu.memory_space<hbm>>) dst(%arg12 : memref<128xi32, #tpu.memory_space<vmem>>)
        %dma_start3A = arith.constant 0 : i32
        %dma_start3A_168 = arith.constant 0 : i32
        %dma_start3A_169 = tpu.memref_slice %arg4[%dma_start3A, %dma_start3A_168] : memref<10000x128xf32, #tpu.memory_space<hbm>> -> memref<10000x128xf32, #tpu.memory_space<hbm>>
        tpu.enqueue_indirect_dma source(%dma_start3A_169 : memref<10000x128xf32, #tpu.memory_space<hbm>>) target(%arg15 : memref<128x128xf32, #tpu.memory_space<vmem>>) offsets(%arg11 : memref<128xi32, #tpu.memory_space<vmem>>) semaphore(%arg18 : memref<!tpu.dma_semaphore, #tpu.memory_space<semaphore_mem>>)
      } else {
      }
      %lt3A_115 = arith.cmpi slt, %add3A_108, %select_n3A_19 : i32
      %convert_element_type3A_116 = arith.extui %lt3A_115 : i1 to i32
      %cond3A_117 = arith.constant 0 : i32
      %cond3A_118 = arith.cmpi ne, %convert_element_type3A_116, %cond3A_117 : i32
      scf.if %cond3A_118 {
        %dma_wait3A = arith.constant 0 : i32
        %dma_wait3A_161 = arith.constant 0 : i32
        %dma_wait3A_162 = tpu.memref_slice %arg4[%dma_wait3A, %dma_wait3A_161] : memref<10000x128xf32, #tpu.memory_space<hbm>> -> memref<10000x128xf32, #tpu.memory_space<hbm>>
        tpu.wait_indirect_dma semaphore(%arg19 : memref<!tpu.dma_semaphore, #tpu.memory_space<semaphore_mem>>) src(%dma_wait3A_162 : memref<10000x128xf32, #tpu.memory_space<hbm>>) dst(%arg16 : memref<128x128xf32, #tpu.memory_space<vmem>>)
        "tpu.region"() ({
          %run_scoped3A = tpu.sem_alloc : memref<!tpu.dma_semaphore, #tpu.memory_space<semaphore_mem>>
          %dma_start3A = arith.constant 0 : i32
          %dma_start3A_163 = arith.constant 0 : i32
          %dma_start3A_164 = tpu.memref_slice %arg17[%dma_start3A, %dma_start3A_163] : memref<10112x128xf32, #tpu.memory_space<vmem_shared>> -> memref<10112x128xf32, #tpu.memory_space<vmem_shared>>
          tpu.enqueue_indirect_dma source(%arg16 : memref<128x128xf32, #tpu.memory_space<vmem>>) target(%dma_start3A_164 : memref<10112x128xf32, #tpu.memory_space<vmem_shared>>) offsets(%arg10 : memref<128xi32, #tpu.memory_space<vmem>>) semaphore(%run_scoped3A : memref<!tpu.dma_semaphore, #tpu.memory_space<semaphore_mem>>) {add = true}
          %dma_wait3A_165 = arith.constant 0 : i32
          %dma_wait3A_166 = arith.constant 0 : i32
          %dma_wait3A_167 = tpu.memref_slice %arg17[%dma_wait3A_165, %dma_wait3A_166] : memref<10112x128xf32, #tpu.memory_space<vmem_shared>> -> memref<10112x128xf32, #tpu.memory_space<vmem_shared>>
          tpu.wait_indirect_dma semaphore(%run_scoped3A : memref<!tpu.dma_semaphore, #tpu.memory_space<semaphore_mem>>) src(%arg16 : memref<128x128xf32, #tpu.memory_space<vmem>>) dst(%dma_wait3A_167 : memref<10112x128xf32, #tpu.memory_space<vmem_shared>>)
          tpu.yield
        }) : () -> ()
      } else {
      }
      %add3A_119 = arith.constant 4 : i32
      %add3A_120 = arith.addi %add3A_108, %add3A_119 : i32
      %lt3A_121 = arith.cmpi slt, %add3A_120, %select_n3A_19 : i32
      %convert_element_type3A_122 = arith.extui %lt3A_121 : i1 to i32
      %cond3A_123 = arith.constant 0 : i32
      %cond3A_124 = arith.cmpi ne, %convert_element_type3A_122, %cond3A_123 : i32
      scf.if %cond3A_124 {
        %add3A_161 = arith.constant 4 : i32
        %add3A_162 = arith.addi %add3A_108, %add3A_161 : i32
        %mul3A_163 = arith.constant 128 : i32
        %mul3A_164 = arith.muli %add3A_162, %mul3A_163 : i32
        %add3A_165 = arith.addi %mul3A_32, %mul3A_164 : i32
        %dma_start3A = tpu.memref_slice %arg2[%add3A_165] : memref<320000xi32, #tpu.memory_space<hbm>> -> memref<128xi32, #tpu.memory_space<hbm>>
        %dma_start3A_166 = tpu.memref_slice %arg2[%add3A_165] : memref<320000xi32, #tpu.memory_space<hbm>> -> memref<128xi32, #tpu.memory_space<hbm>>
        tpu.enqueue_dma source(%dma_start3A_166 : memref<128xi32, #tpu.memory_space<hbm>>) target(%arg9 : memref<128xi32, #tpu.memory_space<vmem>>) target_semaphore(%arg21 : memref<!tpu.dma_semaphore, #tpu.memory_space<semaphore_mem>>)
        %dma_start3A_167 = tpu.memref_slice %arg3[%add3A_165] : memref<320000xi32, #tpu.memory_space<hbm>> -> memref<128xi32, #tpu.memory_space<hbm>>
        %dma_start3A_168 = tpu.memref_slice %arg3[%add3A_165] : memref<320000xi32, #tpu.memory_space<hbm>> -> memref<128xi32, #tpu.memory_space<hbm>>
        tpu.enqueue_dma source(%dma_start3A_168 : memref<128xi32, #tpu.memory_space<hbm>>) target(%arg10 : memref<128xi32, #tpu.memory_space<vmem>>) target_semaphore(%arg21 : memref<!tpu.dma_semaphore, #tpu.memory_space<semaphore_mem>>)
      } else {
      }
      %add3A_125 = arith.constant 2 : i32
      %add3A_126 = arith.addi %mul3A_88, %add3A_125 : i32
      %add3A_127 = arith.constant 1 : i32
      %add3A_128 = arith.addi %add3A_126, %add3A_127 : i32
      %lt3A_129 = arith.cmpi slt, %add3A_128, %select_n3A_19 : i32
      %convert_element_type3A_130 = arith.extui %lt3A_129 : i1 to i32
      %cond3A_131 = arith.constant 0 : i32
      %cond3A_132 = arith.cmpi ne, %convert_element_type3A_130, %cond3A_131 : i32
      scf.if %cond3A_132 {
        %dma_wait3A = arith.constant 0 : i32
        %dma_wait3A_161 = tpu.memref_slice %arg2[%dma_wait3A] : memref<320000xi32, #tpu.memory_space<hbm>> -> memref<128xi32, #tpu.memory_space<hbm>>
        %dma_wait3A_162 = arith.constant 0 : i32
        %dma_wait3A_163 = tpu.memref_slice %arg2[%dma_wait3A_162] : memref<320000xi32, #tpu.memory_space<hbm>> -> memref<128xi32, #tpu.memory_space<hbm>>
        tpu.wait_dma2 semaphore(%arg23 : memref<!tpu.dma_semaphore, #tpu.memory_space<semaphore_mem>>) src(%dma_wait3A_163 : memref<128xi32, #tpu.memory_space<hbm>>) dst(%arg13 : memref<128xi32, #tpu.memory_space<vmem>>)
        %dma_wait3A_164 = arith.constant 0 : i32
        %dma_wait3A_165 = tpu.memref_slice %arg3[%dma_wait3A_164] : memref<320000xi32, #tpu.memory_space<hbm>> -> memref<128xi32, #tpu.memory_space<hbm>>
        %dma_wait3A_166 = arith.constant 0 : i32
        %dma_wait3A_167 = tpu.memref_slice %arg3[%dma_wait3A_166] : memref<320000xi32, #tpu.memory_space<hbm>> -> memref<128xi32, #tpu.memory_space<hbm>>
        tpu.wait_dma2 semaphore(%arg23 : memref<!tpu.dma_semaphore, #tpu.memory_space<semaphore_mem>>) src(%dma_wait3A_167 : memref<128xi32, #tpu.memory_space<hbm>>) dst(%arg14 : memref<128xi32, #tpu.memory_space<vmem>>)
        %dma_start3A = arith.constant 0 : i32
        %dma_start3A_168 = arith.constant 0 : i32
        %dma_start3A_169 = tpu.memref_slice %arg4[%dma_start3A, %dma_start3A_168] : memref<10000x128xf32, #tpu.memory_space<hbm>> -> memref<10000x128xf32, #tpu.memory_space<hbm>>
        tpu.enqueue_indirect_dma source(%dma_start3A_169 : memref<10000x128xf32, #tpu.memory_space<hbm>>) target(%arg16 : memref<128x128xf32, #tpu.memory_space<vmem>>) offsets(%arg13 : memref<128xi32, #tpu.memory_space<vmem>>) semaphore(%arg19 : memref<!tpu.dma_semaphore, #tpu.memory_space<semaphore_mem>>)
      } else {
      }
      %lt3A_133 = arith.cmpi slt, %add3A_126, %select_n3A_19 : i32
      %convert_element_type3A_134 = arith.extui %lt3A_133 : i1 to i32
      %cond3A_135 = arith.constant 0 : i32
      %cond3A_136 = arith.cmpi ne, %convert_element_type3A_134, %cond3A_135 : i32
      scf.if %cond3A_136 {
        %dma_wait3A = arith.constant 0 : i32
        %dma_wait3A_161 = arith.constant 0 : i32
        %dma_wait3A_162 = tpu.memref_slice %arg4[%dma_wait3A, %dma_wait3A_161] : memref<10000x128xf32, #tpu.memory_space<hbm>> -> memref<10000x128xf32, #tpu.memory_space<hbm>>
        tpu.wait_indirect_dma semaphore(%arg18 : memref<!tpu.dma_semaphore, #tpu.memory_space<semaphore_mem>>) src(%dma_wait3A_162 : memref<10000x128xf32, #tpu.memory_space<hbm>>) dst(%arg15 : memref<128x128xf32, #tpu.memory_space<vmem>>)
        "tpu.region"() ({
          %run_scoped3A = tpu.sem_alloc : memref<!tpu.dma_semaphore, #tpu.memory_space<semaphore_mem>>
          %dma_start3A = arith.constant 0 : i32
          %dma_start3A_163 = arith.constant 0 : i32
          %dma_start3A_164 = tpu.memref_slice %arg17[%dma_start3A, %dma_start3A_163] : memref<10112x128xf32, #tpu.memory_space<vmem_shared>> -> memref<10112x128xf32, #tpu.memory_space<vmem_shared>>
          tpu.enqueue_indirect_dma source(%arg15 : memref<128x128xf32, #tpu.memory_space<vmem>>) target(%dma_start3A_164 : memref<10112x128xf32, #tpu.memory_space<vmem_shared>>) offsets(%arg12 : memref<128xi32, #tpu.memory_space<vmem>>) semaphore(%run_scoped3A : memref<!tpu.dma_semaphore, #tpu.memory_space<semaphore_mem>>) {add = true}
          %dma_wait3A_165 = arith.constant 0 : i32
          %dma_wait3A_166 = arith.constant 0 : i32
          %dma_wait3A_167 = tpu.memref_slice %arg17[%dma_wait3A_165, %dma_wait3A_166] : memref<10112x128xf32, #tpu.memory_space<vmem_shared>> -> memref<10112x128xf32, #tpu.memory_space<vmem_shared>>
          tpu.wait_indirect_dma semaphore(%run_scoped3A : memref<!tpu.dma_semaphore, #tpu.memory_space<semaphore_mem>>) src(%arg15 : memref<128x128xf32, #tpu.memory_space<vmem>>) dst(%dma_wait3A_167 : memref<10112x128xf32, #tpu.memory_space<vmem_shared>>)
          tpu.yield
        }) : () -> ()
      } else {
      }
      %add3A_137 = arith.constant 4 : i32
      %add3A_138 = arith.addi %add3A_126, %add3A_137 : i32
      %lt3A_139 = arith.cmpi slt, %add3A_138, %select_n3A_19 : i32
      %convert_element_type3A_140 = arith.extui %lt3A_139 : i1 to i32
      %cond3A_141 = arith.constant 0 : i32
      %cond3A_142 = arith.cmpi ne, %convert_element_type3A_140, %cond3A_141 : i32
      scf.if %cond3A_142 {
        %add3A_161 = arith.constant 4 : i32
        %add3A_162 = arith.addi %add3A_126, %add3A_161 : i32
        %mul3A_163 = arith.constant 128 : i32
        %mul3A_164 = arith.muli %add3A_162, %mul3A_163 : i32
        %add3A_165 = arith.addi %mul3A_32, %mul3A_164 : i32
        %dma_start3A = tpu.memref_slice %arg2[%add3A_165] : memref<320000xi32, #tpu.memory_space<hbm>> -> memref<128xi32, #tpu.memory_space<hbm>>
        %dma_start3A_166 = tpu.memref_slice %arg2[%add3A_165] : memref<320000xi32, #tpu.memory_space<hbm>> -> memref<128xi32, #tpu.memory_space<hbm>>
        tpu.enqueue_dma source(%dma_start3A_166 : memref<128xi32, #tpu.memory_space<hbm>>) target(%arg11 : memref<128xi32, #tpu.memory_space<vmem>>) target_semaphore(%arg22 : memref<!tpu.dma_semaphore, #tpu.memory_space<semaphore_mem>>)
        %dma_start3A_167 = tpu.memref_slice %arg3[%add3A_165] : memref<320000xi32, #tpu.memory_space<hbm>> -> memref<128xi32, #tpu.memory_space<hbm>>
        %dma_start3A_168 = tpu.memref_slice %arg3[%add3A_165] : memref<320000xi32, #tpu.memory_space<hbm>> -> memref<128xi32, #tpu.memory_space<hbm>>
        tpu.enqueue_dma source(%dma_start3A_168 : memref<128xi32, #tpu.memory_space<hbm>>) target(%arg12 : memref<128xi32, #tpu.memory_space<vmem>>) target_semaphore(%arg22 : memref<!tpu.dma_semaphore, #tpu.memory_space<semaphore_mem>>)
      } else {
      }
      %add3A_143 = arith.constant 3 : i32
      %add3A_144 = arith.addi %mul3A_88, %add3A_143 : i32
      %add3A_145 = arith.constant 1 : i32
      %add3A_146 = arith.addi %add3A_144, %add3A_145 : i32
      %lt3A_147 = arith.cmpi slt, %add3A_146, %select_n3A_19 : i32
      %convert_element_type3A_148 = arith.extui %lt3A_147 : i1 to i32
      %cond3A_149 = arith.constant 0 : i32
      %cond3A_150 = arith.cmpi ne, %convert_element_type3A_148, %cond3A_149 : i32
      scf.if %cond3A_150 {
        %dma_wait3A = arith.constant 0 : i32
        %dma_wait3A_161 = tpu.memref_slice %arg2[%dma_wait3A] : memref<320000xi32, #tpu.memory_space<hbm>> -> memref<128xi32, #tpu.memory_space<hbm>>
        %dma_wait3A_162 = arith.constant 0 : i32
        %dma_wait3A_163 = tpu.memref_slice %arg2[%dma_wait3A_162] : memref<320000xi32, #tpu.memory_space<hbm>> -> memref<128xi32, #tpu.memory_space<hbm>>
        tpu.wait_dma2 semaphore(%arg20 : memref<!tpu.dma_semaphore, #tpu.memory_space<semaphore_mem>>) src(%dma_wait3A_163 : memref<128xi32, #tpu.memory_space<hbm>>) dst(%arg7 : memref<128xi32, #tpu.memory_space<vmem>>)
        %dma_wait3A_164 = arith.constant 0 : i32
        %dma_wait3A_165 = tpu.memref_slice %arg3[%dma_wait3A_164] : memref<320000xi32, #tpu.memory_space<hbm>> -> memref<128xi32, #tpu.memory_space<hbm>>
        %dma_wait3A_166 = arith.constant 0 : i32
        %dma_wait3A_167 = tpu.memref_slice %arg3[%dma_wait3A_166] : memref<320000xi32, #tpu.memory_space<hbm>> -> memref<128xi32, #tpu.memory_space<hbm>>
        tpu.wait_dma2 semaphore(%arg20 : memref<!tpu.dma_semaphore, #tpu.memory_space<semaphore_mem>>) src(%dma_wait3A_167 : memref<128xi32, #tpu.memory_space<hbm>>) dst(%arg8 : memref<128xi32, #tpu.memory_space<vmem>>)
        %dma_start3A = arith.constant 0 : i32
        %dma_start3A_168 = arith.constant 0 : i32
        %dma_start3A_169 = tpu.memref_slice %arg4[%dma_start3A, %dma_start3A_168] : memref<10000x128xf32, #tpu.memory_space<hbm>> -> memref<10000x128xf32, #tpu.memory_space<hbm>>
        tpu.enqueue_indirect_dma source(%dma_start3A_169 : memref<10000x128xf32, #tpu.memory_space<hbm>>) target(%arg15 : memref<128x128xf32, #tpu.memory_space<vmem>>) offsets(%arg7 : memref<128xi32, #tpu.memory_space<vmem>>) semaphore(%arg18 : memref<!tpu.dma_semaphore, #tpu.memory_space<semaphore_mem>>)
      } else {
      }
      %lt3A_151 = arith.cmpi slt, %add3A_144, %select_n3A_19 : i32
      %convert_element_type3A_152 = arith.extui %lt3A_151 : i1 to i32
      %cond3A_153 = arith.constant 0 : i32
      %cond3A_154 = arith.cmpi ne, %convert_element_type3A_152, %cond3A_153 : i32
      scf.if %cond3A_154 {
        %dma_wait3A = arith.constant 0 : i32
        %dma_wait3A_161 = arith.constant 0 : i32
        %dma_wait3A_162 = tpu.memref_slice %arg4[%dma_wait3A, %dma_wait3A_161] : memref<10000x128xf32, #tpu.memory_space<hbm>> -> memref<10000x128xf32, #tpu.memory_space<hbm>>
        tpu.wait_indirect_dma semaphore(%arg19 : memref<!tpu.dma_semaphore, #tpu.memory_space<semaphore_mem>>) src(%dma_wait3A_162 : memref<10000x128xf32, #tpu.memory_space<hbm>>) dst(%arg16 : memref<128x128xf32, #tpu.memory_space<vmem>>)
        "tpu.region"() ({
          %run_scoped3A = tpu.sem_alloc : memref<!tpu.dma_semaphore, #tpu.memory_space<semaphore_mem>>
          %dma_start3A = arith.constant 0 : i32
          %dma_start3A_163 = arith.constant 0 : i32
          %dma_start3A_164 = tpu.memref_slice %arg17[%dma_start3A, %dma_start3A_163] : memref<10112x128xf32, #tpu.memory_space<vmem_shared>> -> memref<10112x128xf32, #tpu.memory_space<vmem_shared>>
          tpu.enqueue_indirect_dma source(%arg16 : memref<128x128xf32, #tpu.memory_space<vmem>>) target(%dma_start3A_164 : memref<10112x128xf32, #tpu.memory_space<vmem_shared>>) offsets(%arg14 : memref<128xi32, #tpu.memory_space<vmem>>) semaphore(%run_scoped3A : memref<!tpu.dma_semaphore, #tpu.memory_space<semaphore_mem>>) {add = true}
          %dma_wait3A_165 = arith.constant 0 : i32
          %dma_wait3A_166 = arith.constant 0 : i32
          %dma_wait3A_167 = tpu.memref_slice %arg17[%dma_wait3A_165, %dma_wait3A_166] : memref<10112x128xf32, #tpu.memory_space<vmem_shared>> -> memref<10112x128xf32, #tpu.memory_space<vmem_shared>>
          tpu.wait_indirect_dma semaphore(%run_scoped3A : memref<!tpu.dma_semaphore, #tpu.memory_space<semaphore_mem>>) src(%arg16 : memref<128x128xf32, #tpu.memory_space<vmem>>) dst(%dma_wait3A_167 : memref<10112x128xf32, #tpu.memory_space<vmem_shared>>)
          tpu.yield
        }) : () -> ()
      } else {
      }
      %add3A_155 = arith.constant 4 : i32
      %add3A_156 = arith.addi %add3A_144, %add3A_155 : i32
      %lt3A_157 = arith.cmpi slt, %add3A_156, %select_n3A_19 : i32
      %convert_element_type3A_158 = arith.extui %lt3A_157 : i1 to i32
      %cond3A_159 = arith.constant 0 : i32
      %cond3A_160 = arith.cmpi ne, %convert_element_type3A_158, %cond3A_159 : i32
      scf.if %cond3A_160 {
        %add3A_161 = arith.constant 4 : i32
        %add3A_162 = arith.addi %add3A_144, %add3A_161 : i32
        %mul3A_163 = arith.constant 128 : i32
        %mul3A_164 = arith.muli %add3A_162, %mul3A_163 : i32
        %add3A_165 = arith.addi %mul3A_32, %mul3A_164 : i32
        %dma_start3A = tpu.memref_slice %arg2[%add3A_165] : memref<320000xi32, #tpu.memory_space<hbm>> -> memref<128xi32, #tpu.memory_space<hbm>>
        %dma_start3A_166 = tpu.memref_slice %arg2[%add3A_165] : memref<320000xi32, #tpu.memory_space<hbm>> -> memref<128xi32, #tpu.memory_space<hbm>>
        tpu.enqueue_dma source(%dma_start3A_166 : memref<128xi32, #tpu.memory_space<hbm>>) target(%arg13 : memref<128xi32, #tpu.memory_space<vmem>>) target_semaphore(%arg23 : memref<!tpu.dma_semaphore, #tpu.memory_space<semaphore_mem>>)
        %dma_start3A_167 = tpu.memref_slice %arg3[%add3A_165] : memref<320000xi32, #tpu.memory_space<hbm>> -> memref<128xi32, #tpu.memory_space<hbm>>
        %dma_start3A_168 = tpu.memref_slice %arg3[%add3A_165] : memref<320000xi32, #tpu.memory_space<hbm>> -> memref<128xi32, #tpu.memory_space<hbm>>
        tpu.enqueue_dma source(%dma_start3A_168 : memref<128xi32, #tpu.memory_space<hbm>>) target(%arg14 : memref<128xi32, #tpu.memory_space<vmem>>) target_semaphore(%arg23 : memref<!tpu.dma_semaphore, #tpu.memory_space<semaphore_mem>>)
      } else {
      }
    }
    %scan3A_59 = arith.constant 20 : i32
    %barrier3A_60 = arith.constant 0 : index
    tpu.barrier barrier_id(%barrier3A_60)
    %add3A_61 = arith.constant 0 : i32
    %add3A_62 = arith.addi %mul3A_2, %add3A_61 : i32
    "tpu.region"() ({
      %run_scoped3A = tpu.sem_alloc : memref<!tpu.dma_semaphore, #tpu.memory_space<semaphore_mem>>
      %dma_start3A = arith.constant 0 : i32
      %dma_start3A_86 = arith.constant 0 : i32
      %dma_start3A_87 = tpu.memref_slice %arg15[%dma_start3A, %dma_start3A_86] : memref<128x128xf32, #tpu.memory_space<vmem>> -> memref<128x128xf32, #tpu.memory_space<vmem>>
      %dma_start3A_88 = arith.constant 0 : i32
      %dma_start3A_89 = tpu.memref_slice %arg17[%add3A_62, %dma_start3A_88] : memref<10112x128xf32, #tpu.memory_space<vmem_shared>> -> memref<128x128xf32, #tpu.memory_space<vmem_shared>>
      %dma_start3A_90 = arith.constant 0 : i32
      %dma_start3A_91 = arith.constant 0 : i32
      %dma_start3A_92 = tpu.memref_slice %arg15[%dma_start3A_90, %dma_start3A_91] : memref<128x128xf32, #tpu.memory_space<vmem>> -> memref<128x128xf32, #tpu.memory_space<vmem>>
      %dma_start3A_93 = arith.constant 0 : i32
      %dma_start3A_94 = tpu.memref_slice %arg17[%add3A_62, %dma_start3A_93] : memref<10112x128xf32, #tpu.memory_space<vmem_shared>> -> memref<128x128xf32, #tpu.memory_space<vmem_shared>>
      tpu.enqueue_dma source(%dma_start3A_94 : memref<128x128xf32, #tpu.memory_space<vmem_shared>>) target(%dma_start3A_92 : memref<128x128xf32, #tpu.memory_space<vmem>>) target_semaphore(%run_scoped3A : memref<!tpu.dma_semaphore, #tpu.memory_space<semaphore_mem>>)
      %dma_wait3A = arith.constant 0 : i32
      %dma_wait3A_95 = arith.constant 0 : i32
      %dma_wait3A_96 = tpu.memref_slice %arg15[%dma_wait3A, %dma_wait3A_95] : memref<128x128xf32, #tpu.memory_space<vmem>> -> memref<128x128xf32, #tpu.memory_space<vmem>>
      %dma_wait3A_97 = arith.constant 0 : i32
      %dma_wait3A_98 = tpu.memref_slice %arg17[%add3A_62, %dma_wait3A_97] : memref<10112x128xf32, #tpu.memory_space<vmem_shared>> -> memref<128x128xf32, #tpu.memory_space<vmem_shared>>
      %dma_wait3A_99 = arith.constant 0 : i32
      %dma_wait3A_100 = arith.constant 0 : i32
      %dma_wait3A_101 = tpu.memref_slice %arg15[%dma_wait3A_99, %dma_wait3A_100] : memref<128x128xf32, #tpu.memory_space<vmem>> -> memref<128x128xf32, #tpu.memory_space<vmem>>
      %dma_wait3A_102 = arith.constant 0 : i32
      %dma_wait3A_103 = tpu.memref_slice %arg17[%add3A_62, %dma_wait3A_102] : memref<10112x128xf32, #tpu.memory_space<vmem_shared>> -> memref<128x128xf32, #tpu.memory_space<vmem_shared>>
      tpu.wait_dma2 semaphore(%run_scoped3A : memref<!tpu.dma_semaphore, #tpu.memory_space<semaphore_mem>>) src(%dma_wait3A_103 : memref<128x128xf32, #tpu.memory_space<vmem_shared>>) dst(%dma_wait3A_101 : memref<128x128xf32, #tpu.memory_space<vmem>>)
      tpu.yield
    }) : () -> ()
    %mul3A_63 = arith.constant 10112 : i32
    %mul3A_64 = arith.muli %arg0, %mul3A_63 : i32
    %add3A_65 = arith.addi %mul3A_64, %add3A_62 : i32
    "tpu.region"() ({
      %run_scoped3A = tpu.sem_alloc : memref<!tpu.dma_semaphore, #tpu.memory_space<semaphore_mem>>
      %dma_start3A = arith.constant 0 : i32
      %dma_start3A_86 = arith.constant 0 : i32
      %dma_start3A_87 = tpu.memref_slice %arg15[%dma_start3A, %dma_start3A_86] : memref<128x128xf32, #tpu.memory_space<vmem>> -> memref<128x128xf32, #tpu.memory_space<vmem>>
      %dma_start3A_88 = arith.constant 0 : i32
      %dma_start3A_89 = tpu.memref_slice %arg6[%add3A_65, %dma_start3A_88] : memref<20224x128xf32, #tpu.memory_space<hbm>> -> memref<128x128xf32, #tpu.memory_space<hbm>>
      %dma_start3A_90 = arith.constant 0 : i32
      %dma_start3A_91 = tpu.memref_slice %arg6[%add3A_65, %dma_start3A_90] : memref<20224x128xf32, #tpu.memory_space<hbm>> -> memref<128x128xf32, #tpu.memory_space<hbm>>
      %dma_start3A_92 = arith.constant 0 : i32
      %dma_start3A_93 = arith.constant 0 : i32
      %dma_start3A_94 = tpu.memref_slice %arg15[%dma_start3A_92, %dma_start3A_93] : memref<128x128xf32, #tpu.memory_space<vmem>> -> memref<128x128xf32, #tpu.memory_space<vmem>>
      tpu.enqueue_dma source(%dma_start3A_94 : memref<128x128xf32, #tpu.memory_space<vmem>>) target(%dma_start3A_91 : memref<128x128xf32, #tpu.memory_space<hbm>>) target_semaphore(%run_scoped3A : memref<!tpu.dma_semaphore, #tpu.memory_space<semaphore_mem>>)
      %dma_wait3A = arith.constant 0 : i32
      %dma_wait3A_95 = arith.constant 0 : i32
      %dma_wait3A_96 = tpu.memref_slice %arg15[%dma_wait3A, %dma_wait3A_95] : memref<128x128xf32, #tpu.memory_space<vmem>> -> memref<128x128xf32, #tpu.memory_space<vmem>>
      %dma_wait3A_97 = arith.constant 0 : i32
      %dma_wait3A_98 = tpu.memref_slice %arg6[%add3A_65, %dma_wait3A_97] : memref<20224x128xf32, #tpu.memory_space<hbm>> -> memref<128x128xf32, #tpu.memory_space<hbm>>
      %dma_wait3A_99 = arith.constant 0 : i32
      %dma_wait3A_100 = tpu.memref_slice %arg6[%add3A_65, %dma_wait3A_99] : memref<20224x128xf32, #tpu.memory_space<hbm>> -> memref<128x128xf32, #tpu.memory_space<hbm>>
      %dma_wait3A_101 = arith.constant 0 : i32
      %dma_wait3A_102 = arith.constant 0 : i32
      %dma_wait3A_103 = tpu.memref_slice %arg15[%dma_wait3A_101, %dma_wait3A_102] : memref<128x128xf32, #tpu.memory_space<vmem>> -> memref<128x128xf32, #tpu.memory_space<vmem>>
      tpu.wait_dma2 semaphore(%run_scoped3A : memref<!tpu.dma_semaphore, #tpu.memory_space<semaphore_mem>>) src(%dma_wait3A_103 : memref<128x128xf32, #tpu.memory_space<vmem>>) dst(%dma_wait3A_100 : memref<128x128xf32, #tpu.memory_space<hbm>>)
      tpu.yield
    }) : () -> ()
    %add3A_66 = arith.constant 128 : i32
    %add3A_67 = arith.addi %mul3A_2, %add3A_66 : i32
    "tpu.region"() ({
      %run_scoped3A = tpu.sem_alloc : memref<!tpu.dma_semaphore, #tpu.memory_space<semaphore_mem>>
      %dma_start3A = arith.constant 0 : i32
      %dma_start3A_86 = arith.constant 0 : i32
      %dma_start3A_87 = tpu.memref_slice %arg15[%dma_start3A, %dma_start3A_86] : memref<128x128xf32, #tpu.memory_space<vmem>> -> memref<128x128xf32, #tpu.memory_space<vmem>>
      %dma_start3A_88 = arith.constant 0 : i32
      %dma_start3A_89 = tpu.memref_slice %arg17[%add3A_67, %dma_start3A_88] : memref<10112x128xf32, #tpu.memory_space<vmem_shared>> -> memref<128x128xf32, #tpu.memory_space<vmem_shared>>
      %dma_start3A_90 = arith.constant 0 : i32
      %dma_start3A_91 = arith.constant 0 : i32
      %dma_start3A_92 = tpu.memref_slice %arg15[%dma_start3A_90, %dma_start3A_91] : memref<128x128xf32, #tpu.memory_space<vmem>> -> memref<128x128xf32, #tpu.memory_space<vmem>>
      %dma_start3A_93 = arith.constant 0 : i32
      %dma_start3A_94 = tpu.memref_slice %arg17[%add3A_67, %dma_start3A_93] : memref<10112x128xf32, #tpu.memory_space<vmem_shared>> -> memref<128x128xf32, #tpu.memory_space<vmem_shared>>
      tpu.enqueue_dma source(%dma_start3A_94 : memref<128x128xf32, #tpu.memory_space<vmem_shared>>) target(%dma_start3A_92 : memref<128x128xf32, #tpu.memory_space<vmem>>) target_semaphore(%run_scoped3A : memref<!tpu.dma_semaphore, #tpu.memory_space<semaphore_mem>>)
      %dma_wait3A = arith.constant 0 : i32
      %dma_wait3A_95 = arith.constant 0 : i32
      %dma_wait3A_96 = tpu.memref_slice %arg15[%dma_wait3A, %dma_wait3A_95] : memref<128x128xf32, #tpu.memory_space<vmem>> -> memref<128x128xf32, #tpu.memory_space<vmem>>
      %dma_wait3A_97 = arith.constant 0 : i32
      %dma_wait3A_98 = tpu.memref_slice %arg17[%add3A_67, %dma_wait3A_97] : memref<10112x128xf32, #tpu.memory_space<vmem_shared>> -> memref<128x128xf32, #tpu.memory_space<vmem_shared>>
      %dma_wait3A_99 = arith.constant 0 : i32
      %dma_wait3A_100 = arith.constant 0 : i32
      %dma_wait3A_101 = tpu.memref_slice %arg15[%dma_wait3A_99, %dma_wait3A_100] : memref<128x128xf32, #tpu.memory_space<vmem>> -> memref<128x128xf32, #tpu.memory_space<vmem>>
      %dma_wait3A_102 = arith.constant 0 : i32
      %dma_wait3A_103 = tpu.memref_slice %arg17[%add3A_67, %dma_wait3A_102] : memref<10112x128xf32, #tpu.memory_space<vmem_shared>> -> memref<128x128xf32, #tpu.memory_space<vmem_shared>>
      tpu.wait_dma2 semaphore(%run_scoped3A : memref<!tpu.dma_semaphore, #tpu.memory_space<semaphore_mem>>) src(%dma_wait3A_103 : memref<128x128xf32, #tpu.memory_space<vmem_shared>>) dst(%dma_wait3A_101 : memref<128x128xf32, #tpu.memory_space<vmem>>)
      tpu.yield
    }) : () -> ()
    %mul3A_68 = arith.constant 10112 : i32
    %mul3A_69 = arith.muli %arg0, %mul3A_68 : i32
    %add3A_70 = arith.addi %mul3A_69, %add3A_67 : i32
    "tpu.region"() ({
      %run_scoped3A = tpu.sem_alloc : memref<!tpu.dma_semaphore, #tpu.memory_space<semaphore_mem>>
      %dma_start3A = arith.constant 0 : i32
      %dma_start3A_86 = arith.constant 0 : i32
      %dma_start3A_87 = tpu.memref_slice %arg15[%dma_start3A, %dma_start3A_86] : memref<128x128xf32, #tpu.memory_space<vmem>> -> memref<128x128xf32, #tpu.memory_space<vmem>>
      %dma_start3A_88 = arith.constant 0 : i32
      %dma_start3A_89 = tpu.memref_slice %arg6[%add3A_70, %dma_start3A_88] : memref<20224x128xf32, #tpu.memory_space<hbm>> -> memref<128x128xf32, #tpu.memory_space<hbm>>
      %dma_start3A_90 = arith.constant 0 : i32
      %dma_start3A_91 = tpu.memref_slice %arg6[%add3A_70, %dma_start3A_90] : memref<20224x128xf32, #tpu.memory_space<hbm>> -> memref<128x128xf32, #tpu.memory_space<hbm>>
      %dma_start3A_92 = arith.constant 0 : i32
      %dma_start3A_93 = arith.constant 0 : i32
      %dma_start3A_94 = tpu.memref_slice %arg15[%dma_start3A_92, %dma_start3A_93] : memref<128x128xf32, #tpu.memory_space<vmem>> -> memref<128x128xf32, #tpu.memory_space<vmem>>
      tpu.enqueue_dma source(%dma_start3A_94 : memref<128x128xf32, #tpu.memory_space<vmem>>) target(%dma_start3A_91 : memref<128x128xf32, #tpu.memory_space<hbm>>) target_semaphore(%run_scoped3A : memref<!tpu.dma_semaphore, #tpu.memory_space<semaphore_mem>>)
      %dma_wait3A = arith.constant 0 : i32
      %dma_wait3A_95 = arith.constant 0 : i32
      %dma_wait3A_96 = tpu.memref_slice %arg15[%dma_wait3A, %dma_wait3A_95] : memref<128x128xf32, #tpu.memory_space<vmem>> -> memref<128x128xf32, #tpu.memory_space<vmem>>
      %dma_wait3A_97 = arith.constant 0 : i32
      %dma_wait3A_98 = tpu.memref_slice %arg6[%add3A_70, %dma_wait3A_97] : memref<20224x128xf32, #tpu.memory_space<hbm>> -> memref<128x128xf32, #tpu.memory_space<hbm>>
      %dma_wait3A_99 = arith.constant 0 : i32
      %dma_wait3A_100 = tpu.memref_slice %arg6[%add3A_70, %dma_wait3A_99] : memref<20224x128xf32, #tpu.memory_space<hbm>> -> memref<128x128xf32, #tpu.memory_space<hbm>>
      %dma_wait3A_101 = arith.constant 0 : i32
      %dma_wait3A_102 = arith.constant 0 : i32
      %dma_wait3A_103 = tpu.memref_slice %arg15[%dma_wait3A_101, %dma_wait3A_102] : memref<128x128xf32, #tpu.memory_space<vmem>> -> memref<128x128xf32, #tpu.memory_space<vmem>>
      tpu.wait_dma2 semaphore(%run_scoped3A : memref<!tpu.dma_semaphore, #tpu.memory_space<semaphore_mem>>) src(%dma_wait3A_103 : memref<128x128xf32, #tpu.memory_space<vmem>>) dst(%dma_wait3A_100 : memref<128x128xf32, #tpu.memory_space<hbm>>)
      tpu.yield
    }) : () -> ()
    %add3A_71 = arith.constant 256 : i32
    %add3A_72 = arith.addi %mul3A_2, %add3A_71 : i32
    "tpu.region"() ({
      %run_scoped3A = tpu.sem_alloc : memref<!tpu.dma_semaphore, #tpu.memory_space<semaphore_mem>>
      %dma_start3A = arith.constant 0 : i32
      %dma_start3A_86 = arith.constant 0 : i32
      %dma_start3A_87 = tpu.memref_slice %arg15[%dma_start3A, %dma_start3A_86] : memref<128x128xf32, #tpu.memory_space<vmem>> -> memref<128x128xf32, #tpu.memory_space<vmem>>
      %dma_start3A_88 = arith.constant 0 : i32
      %dma_start3A_89 = tpu.memref_slice %arg17[%add3A_72, %dma_start3A_88] : memref<10112x128xf32, #tpu.memory_space<vmem_shared>> -> memref<128x128xf32, #tpu.memory_space<vmem_shared>>
      %dma_start3A_90 = arith.constant 0 : i32
      %dma_start3A_91 = arith.constant 0 : i32
      %dma_start3A_92 = tpu.memref_slice %arg15[%dma_start3A_90, %dma_start3A_91] : memref<128x128xf32, #tpu.memory_space<vmem>> -> memref<128x128xf32, #tpu.memory_space<vmem>>
      %dma_start3A_93 = arith.constant 0 : i32
      %dma_start3A_94 = tpu.memref_slice %arg17[%add3A_72, %dma_start3A_93] : memref<10112x128xf32, #tpu.memory_space<vmem_shared>> -> memref<128x128xf32, #tpu.memory_space<vmem_shared>>
      tpu.enqueue_dma source(%dma_start3A_94 : memref<128x128xf32, #tpu.memory_space<vmem_shared>>) target(%dma_start3A_92 : memref<128x128xf32, #tpu.memory_space<vmem>>) target_semaphore(%run_scoped3A : memref<!tpu.dma_semaphore, #tpu.memory_space<semaphore_mem>>)
      %dma_wait3A = arith.constant 0 : i32
      %dma_wait3A_95 = arith.constant 0 : i32
      %dma_wait3A_96 = tpu.memref_slice %arg15[%dma_wait3A, %dma_wait3A_95] : memref<128x128xf32, #tpu.memory_space<vmem>> -> memref<128x128xf32, #tpu.memory_space<vmem>>
      %dma_wait3A_97 = arith.constant 0 : i32
      %dma_wait3A_98 = tpu.memref_slice %arg17[%add3A_72, %dma_wait3A_97] : memref<10112x128xf32, #tpu.memory_space<vmem_shared>> -> memref<128x128xf32, #tpu.memory_space<vmem_shared>>
      %dma_wait3A_99 = arith.constant 0 : i32
      %dma_wait3A_100 = arith.constant 0 : i32
      %dma_wait3A_101 = tpu.memref_slice %arg15[%dma_wait3A_99, %dma_wait3A_100] : memref<128x128xf32, #tpu.memory_space<vmem>> -> memref<128x128xf32, #tpu.memory_space<vmem>>
      %dma_wait3A_102 = arith.constant 0 : i32
      %dma_wait3A_103 = tpu.memref_slice %arg17[%add3A_72, %dma_wait3A_102] : memref<10112x128xf32, #tpu.memory_space<vmem_shared>> -> memref<128x128xf32, #tpu.memory_space<vmem_shared>>
      tpu.wait_dma2 semaphore(%run_scoped3A : memref<!tpu.dma_semaphore, #tpu.memory_space<semaphore_mem>>) src(%dma_wait3A_103 : memref<128x128xf32, #tpu.memory_space<vmem_shared>>) dst(%dma_wait3A_101 : memref<128x128xf32, #tpu.memory_space<vmem>>)
      tpu.yield
    }) : () -> ()
    %mul3A_73 = arith.constant 10112 : i32
    %mul3A_74 = arith.muli %arg0, %mul3A_73 : i32
    %add3A_75 = arith.addi %mul3A_74, %add3A_72 : i32
    "tpu.region"() ({
      %run_scoped3A = tpu.sem_alloc : memref<!tpu.dma_semaphore, #tpu.memory_space<semaphore_mem>>
      %dma_start3A = arith.constant 0 : i32
      %dma_start3A_86 = arith.constant 0 : i32
      %dma_start3A_87 = tpu.memref_slice %arg15[%dma_start3A, %dma_start3A_86] : memref<128x128xf32, #tpu.memory_space<vmem>> -> memref<128x128xf32, #tpu.memory_space<vmem>>
      %dma_start3A_88 = arith.constant 0 : i32
      %dma_start3A_89 = tpu.memref_slice %arg6[%add3A_75, %dma_start3A_88] : memref<20224x128xf32, #tpu.memory_space<hbm>> -> memref<128x128xf32, #tpu.memory_space<hbm>>
      %dma_start3A_90 = arith.constant 0 : i32
      %dma_start3A_91 = tpu.memref_slice %arg6[%add3A_75, %dma_start3A_90] : memref<20224x128xf32, #tpu.memory_space<hbm>> -> memref<128x128xf32, #tpu.memory_space<hbm>>
      %dma_start3A_92 = arith.constant 0 : i32
      %dma_start3A_93 = arith.constant 0 : i32
      %dma_start3A_94 = tpu.memref_slice %arg15[%dma_start3A_92, %dma_start3A_93] : memref<128x128xf32, #tpu.memory_space<vmem>> -> memref<128x128xf32, #tpu.memory_space<vmem>>
      tpu.enqueue_dma source(%dma_start3A_94 : memref<128x128xf32, #tpu.memory_space<vmem>>) target(%dma_start3A_91 : memref<128x128xf32, #tpu.memory_space<hbm>>) target_semaphore(%run_scoped3A : memref<!tpu.dma_semaphore, #tpu.memory_space<semaphore_mem>>)
      %dma_wait3A = arith.constant 0 : i32
      %dma_wait3A_95 = arith.constant 0 : i32
      %dma_wait3A_96 = tpu.memref_slice %arg15[%dma_wait3A, %dma_wait3A_95] : memref<128x128xf32, #tpu.memory_space<vmem>> -> memref<128x128xf32, #tpu.memory_space<vmem>>
      %dma_wait3A_97 = arith.constant 0 : i32
      %dma_wait3A_98 = tpu.memref_slice %arg6[%add3A_75, %dma_wait3A_97] : memref<20224x128xf32, #tpu.memory_space<hbm>> -> memref<128x128xf32, #tpu.memory_space<hbm>>
      %dma_wait3A_99 = arith.constant 0 : i32
      %dma_wait3A_100 = tpu.memref_slice %arg6[%add3A_75, %dma_wait3A_99] : memref<20224x128xf32, #tpu.memory_space<hbm>> -> memref<128x128xf32, #tpu.memory_space<hbm>>
      %dma_wait3A_101 = arith.constant 0 : i32
      %dma_wait3A_102 = arith.constant 0 : i32
      %dma_wait3A_103 = tpu.memref_slice %arg15[%dma_wait3A_101, %dma_wait3A_102] : memref<128x128xf32, #tpu.memory_space<vmem>> -> memref<128x128xf32, #tpu.memory_space<vmem>>
      tpu.wait_dma2 semaphore(%run_scoped3A : memref<!tpu.dma_semaphore, #tpu.memory_space<semaphore_mem>>) src(%dma_wait3A_103 : memref<128x128xf32, #tpu.memory_space<vmem>>) dst(%dma_wait3A_100 : memref<128x128xf32, #tpu.memory_space<hbm>>)
      tpu.yield
    }) : () -> ()
    %add3A_76 = arith.constant 384 : i32
    %add3A_77 = arith.addi %mul3A_2, %add3A_76 : i32
    "tpu.region"() ({
      %run_scoped3A = tpu.sem_alloc : memref<!tpu.dma_semaphore, #tpu.memory_space<semaphore_mem>>
      %dma_start3A = arith.constant 0 : i32
      %dma_start3A_86 = arith.constant 0 : i32
      %dma_start3A_87 = tpu.memref_slice %arg15[%dma_start3A, %dma_start3A_86] : memref<128x128xf32, #tpu.memory_space<vmem>> -> memref<128x128xf32, #tpu.memory_space<vmem>>
      %dma_start3A_88 = arith.constant 0 : i32
      %dma_start3A_89 = tpu.memref_slice %arg17[%add3A_77, %dma_start3A_88] : memref<10112x128xf32, #tpu.memory_space<vmem_shared>> -> memref<128x128xf32, #tpu.memory_space<vmem_shared>>
      %dma_start3A_90 = arith.constant 0 : i32
      %dma_start3A_91 = arith.constant 0 : i32
      %dma_start3A_92 = tpu.memref_slice %arg15[%dma_start3A_90, %dma_start3A_91] : memref<128x128xf32, #tpu.memory_space<vmem>> -> memref<128x128xf32, #tpu.memory_space<vmem>>
      %dma_start3A_93 = arith.constant 0 : i32
      %dma_start3A_94 = tpu.memref_slice %arg17[%add3A_77, %dma_start3A_93] : memref<10112x128xf32, #tpu.memory_space<vmem_shared>> -> memref<128x128xf32, #tpu.memory_space<vmem_shared>>
      tpu.enqueue_dma source(%dma_start3A_94 : memref<128x128xf32, #tpu.memory_space<vmem_shared>>) target(%dma_start3A_92 : memref<128x128xf32, #tpu.memory_space<vmem>>) target_semaphore(%run_scoped3A : memref<!tpu.dma_semaphore, #tpu.memory_space<semaphore_mem>>)
      %dma_wait3A = arith.constant 0 : i32
      %dma_wait3A_95 = arith.constant 0 : i32
      %dma_wait3A_96 = tpu.memref_slice %arg15[%dma_wait3A, %dma_wait3A_95] : memref<128x128xf32, #tpu.memory_space<vmem>> -> memref<128x128xf32, #tpu.memory_space<vmem>>
      %dma_wait3A_97 = arith.constant 0 : i32
      %dma_wait3A_98 = tpu.memref_slice %arg17[%add3A_77, %dma_wait3A_97] : memref<10112x128xf32, #tpu.memory_space<vmem_shared>> -> memref<128x128xf32, #tpu.memory_space<vmem_shared>>
      %dma_wait3A_99 = arith.constant 0 : i32
      %dma_wait3A_100 = arith.constant 0 : i32
      %dma_wait3A_101 = tpu.memref_slice %arg15[%dma_wait3A_99, %dma_wait3A_100] : memref<128x128xf32, #tpu.memory_space<vmem>> -> memref<128x128xf32, #tpu.memory_space<vmem>>
      %dma_wait3A_102 = arith.constant 0 : i32
      %dma_wait3A_103 = tpu.memref_slice %arg17[%add3A_77, %dma_wait3A_102] : memref<10112x128xf32, #tpu.memory_space<vmem_shared>> -> memref<128x128xf32, #tpu.memory_space<vmem_shared>>
      tpu.wait_dma2 semaphore(%run_scoped3A : memref<!tpu.dma_semaphore, #tpu.memory_space<semaphore_mem>>) src(%dma_wait3A_103 : memref<128x128xf32, #tpu.memory_space<vmem_shared>>) dst(%dma_wait3A_101 : memref<128x128xf32, #tpu.memory_space<vmem>>)
      tpu.yield
    }) : () -> ()
    %mul3A_78 = arith.constant 10112 : i32
    %mul3A_79 = arith.muli %arg0, %mul3A_78 : i32
    %add3A_80 = arith.addi %mul3A_79, %add3A_77 : i32
    "tpu.region"() ({
      %run_scoped3A = tpu.sem_alloc : memref<!tpu.dma_semaphore, #tpu.memory_space<semaphore_mem>>
      %dma_start3A = arith.constant 0 : i32
      %dma_start3A_86 = arith.constant 0 : i32
      %dma_start3A_87 = tpu.memref_slice %arg15[%dma_start3A, %dma_start3A_86] : memref<128x128xf32, #tpu.memory_space<vmem>> -> memref<128x128xf32, #tpu.memory_space<vmem>>
      %dma_start3A_88 = arith.constant 0 : i32
      %dma_start3A_89 = tpu.memref_slice %arg6[%add3A_80, %dma_start3A_88] : memref<20224x128xf32, #tpu.memory_space<hbm>> -> memref<128x128xf32, #tpu.memory_space<hbm>>
      %dma_start3A_90 = arith.constant 0 : i32
      %dma_start3A_91 = tpu.memref_slice %arg6[%add3A_80, %dma_start3A_90] : memref<20224x128xf32, #tpu.memory_space<hbm>> -> memref<128x128xf32, #tpu.memory_space<hbm>>
      %dma_start3A_92 = arith.constant 0 : i32
      %dma_start3A_93 = arith.constant 0 : i32
      %dma_start3A_94 = tpu.memref_slice %arg15[%dma_start3A_92, %dma_start3A_93] : memref<128x128xf32, #tpu.memory_space<vmem>> -> memref<128x128xf32, #tpu.memory_space<vmem>>
      tpu.enqueue_dma source(%dma_start3A_94 : memref<128x128xf32, #tpu.memory_space<vmem>>) target(%dma_start3A_91 : memref<128x128xf32, #tpu.memory_space<hbm>>) target_semaphore(%run_scoped3A : memref<!tpu.dma_semaphore, #tpu.memory_space<semaphore_mem>>)
      %dma_wait3A = arith.constant 0 : i32
      %dma_wait3A_95 = arith.constant 0 : i32
      %dma_wait3A_96 = tpu.memref_slice %arg15[%dma_wait3A, %dma_wait3A_95] : memref<128x128xf32, #tpu.memory_space<vmem>> -> memref<128x128xf32, #tpu.memory_space<vmem>>
      %dma_wait3A_97 = arith.constant 0 : i32
      %dma_wait3A_98 = tpu.memref_slice %arg6[%add3A_80, %dma_wait3A_97] : memref<20224x128xf32, #tpu.memory_space<hbm>> -> memref<128x128xf32, #tpu.memory_space<hbm>>
      %dma_wait3A_99 = arith.constant 0 : i32
      %dma_wait3A_100 = tpu.memref_slice %arg6[%add3A_80, %dma_wait3A_99] : memref<20224x128xf32, #tpu.memory_space<hbm>> -> memref<128x128xf32, #tpu.memory_space<hbm>>
      %dma_wait3A_101 = arith.constant 0 : i32
      %dma_wait3A_102 = arith.constant 0 : i32
      %dma_wait3A_103 = tpu.memref_slice %arg15[%dma_wait3A_101, %dma_wait3A_102] : memref<128x128xf32, #tpu.memory_space<vmem>> -> memref<128x128xf32, #tpu.memory_space<vmem>>
      tpu.wait_dma2 semaphore(%run_scoped3A : memref<!tpu.dma_semaphore, #tpu.memory_space<semaphore_mem>>) src(%dma_wait3A_103 : memref<128x128xf32, #tpu.memory_space<vmem>>) dst(%dma_wait3A_100 : memref<128x128xf32, #tpu.memory_space<hbm>>)
      tpu.yield
    }) : () -> ()
    %add3A_81 = arith.constant 512 : i32
    %add3A_82 = arith.addi %mul3A_2, %add3A_81 : i32
    "tpu.region"() ({
      %run_scoped3A = tpu.sem_alloc : memref<!tpu.dma_semaphore, #tpu.memory_space<semaphore_mem>>
      %dma_start3A = arith.constant 0 : i32
      %dma_start3A_86 = arith.constant 0 : i32
      %dma_start3A_87 = tpu.memref_slice %arg15[%dma_start3A, %dma_start3A_86] : memref<128x128xf32, #tpu.memory_space<vmem>> -> memref<120x128xf32, #tpu.memory_space<vmem>>
      %dma_start3A_88 = arith.constant 0 : i32
      %dma_start3A_89 = tpu.memref_slice %arg17[%add3A_82, %dma_start3A_88] : memref<10112x128xf32, #tpu.memory_space<vmem_shared>> -> memref<120x128xf32, #tpu.memory_space<vmem_shared>>
      %dma_start3A_90 = arith.constant 0 : i32
      %dma_start3A_91 = arith.constant 0 : i32
      %dma_start3A_92 = tpu.memref_slice %arg15[%dma_start3A_90, %dma_start3A_91] : memref<128x128xf32, #tpu.memory_space<vmem>> -> memref<120x128xf32, #tpu.memory_space<vmem>>
      %dma_start3A_93 = arith.constant 0 : i32
      %dma_start3A_94 = tpu.memref_slice %arg17[%add3A_82, %dma_start3A_93] : memref<10112x128xf32, #tpu.memory_space<vmem_shared>> -> memref<120x128xf32, #tpu.memory_space<vmem_shared>>
      tpu.enqueue_dma source(%dma_start3A_94 : memref<120x128xf32, #tpu.memory_space<vmem_shared>>) target(%dma_start3A_92 : memref<120x128xf32, #tpu.memory_space<vmem>>) target_semaphore(%run_scoped3A : memref<!tpu.dma_semaphore, #tpu.memory_space<semaphore_mem>>)
      %dma_wait3A = arith.constant 0 : i32
      %dma_wait3A_95 = arith.constant 0 : i32
      %dma_wait3A_96 = tpu.memref_slice %arg15[%dma_wait3A, %dma_wait3A_95] : memref<128x128xf32, #tpu.memory_space<vmem>> -> memref<120x128xf32, #tpu.memory_space<vmem>>
      %dma_wait3A_97 = arith.constant 0 : i32
      %dma_wait3A_98 = tpu.memref_slice %arg17[%add3A_82, %dma_wait3A_97] : memref<10112x128xf32, #tpu.memory_space<vmem_shared>> -> memref<120x128xf32, #tpu.memory_space<vmem_shared>>
      %dma_wait3A_99 = arith.constant 0 : i32
      %dma_wait3A_100 = arith.constant 0 : i32
      %dma_wait3A_101 = tpu.memref_slice %arg15[%dma_wait3A_99, %dma_wait3A_100] : memref<128x128xf32, #tpu.memory_space<vmem>> -> memref<120x128xf32, #tpu.memory_space<vmem>>
      %dma_wait3A_102 = arith.constant 0 : i32
      %dma_wait3A_103 = tpu.memref_slice %arg17[%add3A_82, %dma_wait3A_102] : memref<10112x128xf32, #tpu.memory_space<vmem_shared>> -> memref<120x128xf32, #tpu.memory_space<vmem_shared>>
      tpu.wait_dma2 semaphore(%run_scoped3A : memref<!tpu.dma_semaphore, #tpu.memory_space<semaphore_mem>>) src(%dma_wait3A_103 : memref<120x128xf32, #tpu.memory_space<vmem_shared>>) dst(%dma_wait3A_101 : memref<120x128xf32, #tpu.memory_space<vmem>>)
      tpu.yield
    }) : () -> ()
    %mul3A_83 = arith.constant 10112 : i32
    %mul3A_84 = arith.muli %arg0, %mul3A_83 : i32
    %add3A_85 = arith.addi %mul3A_84, %add3A_82 : i32
    "tpu.region"() ({
      %run_scoped3A = tpu.sem_alloc : memref<!tpu.dma_semaphore, #tpu.memory_space<semaphore_mem>>
      %dma_start3A = arith.constant 0 : i32
      %dma_start3A_86 = arith.constant 0 : i32
      %dma_start3A_87 = tpu.memref_slice %arg15[%dma_start3A, %dma_start3A_86] : memref<128x128xf32, #tpu.memory_space<vmem>> -> memref<120x128xf32, #tpu.memory_space<vmem>>
      %dma_start3A_88 = arith.constant 0 : i32
      %dma_start3A_89 = tpu.memref_slice %arg6[%add3A_85, %dma_start3A_88] : memref<20224x128xf32, #tpu.memory_space<hbm>> -> memref<120x128xf32, #tpu.memory_space<hbm>>
      %dma_start3A_90 = arith.constant 0 : i32
      %dma_start3A_91 = tpu.memref_slice %arg6[%add3A_85, %dma_start3A_90] : memref<20224x128xf32, #tpu.memory_space<hbm>> -> memref<120x128xf32, #tpu.memory_space<hbm>>
      %dma_start3A_92 = arith.constant 0 : i32
      %dma_start3A_93 = arith.constant 0 : i32
      %dma_start3A_94 = tpu.memref_slice %arg15[%dma_start3A_92, %dma_start3A_93] : memref<128x128xf32, #tpu.memory_space<vmem>> -> memref<120x128xf32, #tpu.memory_space<vmem>>
      tpu.enqueue_dma source(%dma_start3A_94 : memref<120x128xf32, #tpu.memory_space<vmem>>) target(%dma_start3A_91 : memref<120x128xf32, #tpu.memory_space<hbm>>) target_semaphore(%run_scoped3A : memref<!tpu.dma_semaphore, #tpu.memory_space<semaphore_mem>>)
      %dma_wait3A = arith.constant 0 : i32
      %dma_wait3A_95 = arith.constant 0 : i32
      %dma_wait3A_96 = tpu.memref_slice %arg15[%dma_wait3A, %dma_wait3A_95] : memref<128x128xf32, #tpu.memory_space<vmem>> -> memref<120x128xf32, #tpu.memory_space<vmem>>
      %dma_wait3A_97 = arith.constant 0 : i32
      %dma_wait3A_98 = tpu.memref_slice %arg6[%add3A_85, %dma_wait3A_97] : memref<20224x128xf32, #tpu.memory_space<hbm>> -> memref<120x128xf32, #tpu.memory_space<hbm>>
      %dma_wait3A_99 = arith.constant 0 : i32
      %dma_wait3A_100 = tpu.memref_slice %arg6[%add3A_85, %dma_wait3A_99] : memref<20224x128xf32, #tpu.memory_space<hbm>> -> memref<120x128xf32, #tpu.memory_space<hbm>>
      %dma_wait3A_101 = arith.constant 0 : i32
      %dma_wait3A_102 = arith.constant 0 : i32
      %dma_wait3A_103 = tpu.memref_slice %arg15[%dma_wait3A_101, %dma_wait3A_102] : memref<128x128xf32, #tpu.memory_space<vmem>> -> memref<120x128xf32, #tpu.memory_space<vmem>>
      tpu.wait_dma2 semaphore(%run_scoped3A : memref<!tpu.dma_semaphore, #tpu.memory_space<semaphore_mem>>) src(%dma_wait3A_103 : memref<120x128xf32, #tpu.memory_space<vmem>>) dst(%dma_wait3A_100 : memref<120x128xf32, #tpu.memory_space<hbm>>)
      tpu.yield
    }) : () -> ()
    return
  }
}

module attributes {stable_mosaic.version = 14 : i64} {
  func.func @_tc_round_body(%arg0: i32, %arg1: memref<2000x128xf32, #tpu.memory_space<vmem>>, %arg2: memref<2x2000x128xf32, #tpu.memory_space<vmem>>, %arg3: memref<2x2000x128xf32, #tpu.memory_space<vmem>>, %arg4: memref<128x256xf32, #tpu.memory_space<vmem>>, %arg5: memref<128x256xf32, #tpu.memory_space<vmem>>, %arg6: memref<1x256xf32, #tpu.memory_space<vmem>>, %arg7: memref<256x384xf32, #tpu.memory_space<vmem>>, %arg8: memref<128x384xf32, #tpu.memory_space<vmem>>, %arg9: memref<1x384xf32, #tpu.memory_space<vmem>>, %arg10: memref<1x384xf32, #tpu.memory_space<vmem>>, %arg11: memref<2000x128xf32, #tpu.memory_space<vmem>>) attributes {dimension_semantics = [#tpu.dimension_semantics<arbitrary>], iteration_bounds = array<i64: 5>, scalar_prefetch = 0 : i64, scratch_operands = 0 : i64, tpu.core_type = #tpu.core_type<tc>, window_params = [{transform_indices = @transform_0, window_bounds = array<i64: 2000, 128>}, {transform_indices = @transform_1, window_bounds = array<i64: 2, 2000, 128>}, {transform_indices = @transform_2, window_bounds = array<i64: 2, 2000, 128>}, {pipeline_mode = #tpu.pipeline_mode<synchronous>, transform_indices = @transform_3, window_bounds = array<i64: 128, 256>}, {pipeline_mode = #tpu.pipeline_mode<synchronous>, transform_indices = @transform_4, window_bounds = array<i64: 128, 256>}, {pipeline_mode = #tpu.pipeline_mode<synchronous>, transform_indices = @transform_5, window_bounds = array<i64: 1, 256>}, {pipeline_mode = #tpu.pipeline_mode<synchronous>, transform_indices = @transform_6, window_bounds = array<i64: 256, 384>}, {pipeline_mode = #tpu.pipeline_mode<synchronous>, transform_indices = @transform_7, window_bounds = array<i64: 128, 384>}, {pipeline_mode = #tpu.pipeline_mode<synchronous>, transform_indices = @transform_8, window_bounds = array<i64: 1, 384>}, {pipeline_mode = #tpu.pipeline_mode<synchronous>, transform_indices = @transform_9, window_bounds = array<i64: 1, 384>}, {transform_indices = @transform_10, window_bounds = array<i64: 2000, 128>}]} {
    %get3A = arith.constant 0 : index
    %get3A_0 = arith.constant 0 : index
    %get3A_1 = vector.load %arg1[%get3A, %get3A_0] : memref<2000x128xf32, #tpu.memory_space<vmem>>, vector<2000x128xf32>
    %get3A_2 = arith.constant 0 : index
    %get3A_3 = arith.constant 0 : index
    %get3A_4 = arith.constant 0 : index
    %get3A_5 = vector.load %arg2[%get3A_2, %get3A_3, %get3A_4] : memref<2x2000x128xf32, #tpu.memory_space<vmem>>, vector<1x2000x128xf32>
    %get3A_6 = vector.shape_cast %get3A_5 : vector<1x2000x128xf32> to vector<2000x128xf32>
    %get3A_7 = arith.constant 1 : index
    %get3A_8 = arith.constant 0 : index
    %get3A_9 = arith.constant 0 : index
    %get3A_10 = vector.load %arg2[%get3A_7, %get3A_8, %get3A_9] : memref<2x2000x128xf32, #tpu.memory_space<vmem>>, vector<1x2000x128xf32>
    %get3A_11 = vector.shape_cast %get3A_10 : vector<1x2000x128xf32> to vector<2000x128xf32>
    %add3A = arith.addf %get3A_6, %get3A_11 : vector<2000x128xf32>
    %get3A_12 = arith.constant 0 : index
    %get3A_13 = arith.constant 0 : index
    %get3A_14 = arith.constant 0 : index
    %get3A_15 = vector.load %arg3[%get3A_12, %get3A_13, %get3A_14] : memref<2x2000x128xf32, #tpu.memory_space<vmem>>, vector<1x2000x128xf32>
    %get3A_16 = vector.shape_cast %get3A_15 : vector<1x2000x128xf32> to vector<2000x128xf32>
    %slice3A = vector.extract_strided_slice %get3A_16 {offsets = [0, 0], sizes = [2000, 1], strides = [1, 1]} : vector<2000x128xf32> to vector<2000x1xf32>
    %get3A_17 = arith.constant 1 : index
    %get3A_18 = arith.constant 0 : index
    %get3A_19 = arith.constant 0 : index
    %get3A_20 = vector.load %arg3[%get3A_17, %get3A_18, %get3A_19] : memref<2x2000x128xf32, #tpu.memory_space<vmem>>, vector<1x2000x128xf32>
    %get3A_21 = vector.shape_cast %get3A_20 : vector<1x2000x128xf32> to vector<2000x128xf32>
    %slice3A_22 = vector.extract_strided_slice %get3A_21 {offsets = [0, 0], sizes = [2000, 1], strides = [1, 1]} : vector<2000x128xf32> to vector<2000x1xf32>
    %add3A_23 = arith.addf %slice3A, %slice3A_22 : vector<2000x1xf32>
    %mul3A = vector.broadcast %add3A_23 : vector<2000x1xf32> to vector<2000x128xf32>
    %mul3A_24 = arith.mulf %mul3A, %get3A_1 : vector<2000x128xf32>
    %get3A_25 = arith.constant 0 : index
    %get3A_26 = arith.constant 0 : index
    %get3A_27 = vector.load %arg4[%get3A_25, %get3A_26] : memref<128x256xf32, #tpu.memory_space<vmem>>, vector<128x256xf32>
    %dot_general3A = arith.constant dense<0.000000e+00> : vector<2000x256xf32>
    %dot_general3A_28 = tpu.matmul %mul3A_24, %get3A_27, %dot_general3A {dimension_numbers = #tpu.dot_dimension_numbers<[1], [0], [0], [1], [0, 0, 1, 1], [], []>, transpose_lhs_hint = false} : vector<2000x128xf32>, vector<128x256xf32>, vector<2000x256xf32> -> vector<2000x256xf32>
    %get3A_29 = arith.constant 0 : index
    %get3A_30 = arith.constant 0 : index
    %get3A_31 = vector.load %arg5[%get3A_29, %get3A_30] : memref<128x256xf32, #tpu.memory_space<vmem>>, vector<128x256xf32>
    %dot_general3A_32 = arith.constant dense<0.000000e+00> : vector<2000x256xf32>
    %dot_general3A_33 = tpu.matmul %add3A, %get3A_31, %dot_general3A_32 {dimension_numbers = #tpu.dot_dimension_numbers<[1], [0], [0], [1], [0, 0, 1, 1], [], []>, transpose_lhs_hint = false} : vector<2000x128xf32>, vector<128x256xf32>, vector<2000x256xf32> -> vector<2000x256xf32>
    %add3A_34 = arith.addf %dot_general3A_28, %dot_general3A_33 : vector<2000x256xf32>
    %get3A_35 = arith.constant 0 : index
    %get3A_36 = arith.constant 0 : index
    %get3A_37 = vector.load %arg6[%get3A_35, %get3A_36] : memref<1x256xf32, #tpu.memory_space<vmem>>, vector<1x256xf32>
    %mul3A_38 = vector.broadcast %add3A_23 : vector<2000x1xf32> to vector<2000x256xf32>
    %mul3A_39 = vector.broadcast %get3A_37 : vector<1x256xf32> to vector<2000x256xf32>
    %mul3A_40 = arith.mulf %mul3A_38, %mul3A_39 : vector<2000x256xf32>
    %add3A_41 = arith.addf %add3A_34, %mul3A_40 : vector<2000x256xf32>
    %get3A_42 = arith.constant 0 : index
    %get3A_43 = arith.constant 0 : index
    %get3A_44 = vector.load %arg7[%get3A_42, %get3A_43] : memref<256x384xf32, #tpu.memory_space<vmem>>, vector<256x384xf32>
    %dot_general3A_45 = arith.constant dense<0.000000e+00> : vector<2000x384xf32>
    %dot_general3A_46 = tpu.matmul %add3A_41, %get3A_44, %dot_general3A_45 {dimension_numbers = #tpu.dot_dimension_numbers<[1], [0], [0], [1], [0, 0, 1, 1], [], []>, transpose_lhs_hint = false} : vector<2000x256xf32>, vector<256x384xf32>, vector<2000x384xf32> -> vector<2000x384xf32>
    %get3A_47 = arith.constant 0 : index
    %get3A_48 = arith.constant 0 : index
    %get3A_49 = vector.load %arg9[%get3A_47, %get3A_48] : memref<1x384xf32, #tpu.memory_space<vmem>>, vector<1x384xf32>
    %add3A_50 = vector.broadcast %get3A_49 : vector<1x384xf32> to vector<2000x384xf32>
    %add3A_51 = arith.addf %dot_general3A_46, %add3A_50 : vector<2000x384xf32>
    %get3A_52 = arith.constant 0 : index
    %get3A_53 = arith.constant 0 : index
    %get3A_54 = vector.load %arg8[%get3A_52, %get3A_53] : memref<128x384xf32, #tpu.memory_space<vmem>>, vector<128x384xf32>
    %dot_general3A_55 = arith.constant dense<0.000000e+00> : vector<2000x384xf32>
    %dot_general3A_56 = tpu.matmul %get3A_1, %get3A_54, %dot_general3A_55 {dimension_numbers = #tpu.dot_dimension_numbers<[1], [0], [0], [1], [0, 0, 1, 1], [], []>, transpose_lhs_hint = false} : vector<2000x128xf32>, vector<128x384xf32>, vector<2000x384xf32> -> vector<2000x384xf32>
    %get3A_57 = arith.constant 0 : index
    %get3A_58 = arith.constant 0 : index
    %get3A_59 = vector.load %arg10[%get3A_57, %get3A_58] : memref<1x384xf32, #tpu.memory_space<vmem>>, vector<1x384xf32>
    %add3A_60 = vector.broadcast %get3A_59 : vector<1x384xf32> to vector<2000x384xf32>
    %add3A_61 = arith.addf %dot_general3A_56, %add3A_60 : vector<2000x384xf32>
    %slice3A_62 = vector.extract_strided_slice %add3A_51 {offsets = [0, 0], sizes = [2000, 128], strides = [1, 1]} : vector<2000x384xf32> to vector<2000x128xf32>
    %slice3A_63 = vector.extract_strided_slice %add3A_61 {offsets = [0, 0], sizes = [2000, 128], strides = [1, 1]} : vector<2000x384xf32> to vector<2000x128xf32>
    %add3A_64 = arith.addf %slice3A_62, %slice3A_63 : vector<2000x128xf32>
    %logistic3A = arith.negf %add3A_64 : vector<2000x128xf32>
    %logistic3A_65 = math.exp %logistic3A : vector<2000x128xf32>
    %logistic3A_66 = arith.constant 1.000000e+00 : f32
    %logistic3A_67 = vector.broadcast %logistic3A_66 : f32 to vector<2000x128xf32>
    %logistic3A_68 = arith.addf %logistic3A_67, %logistic3A_65 : vector<2000x128xf32>
    %logistic3A_69 = arith.divf %logistic3A_67, %logistic3A_68 : vector<2000x128xf32>
    %slice3A_70 = vector.extract_strided_slice %add3A_51 {offsets = [0, 128], sizes = [2000, 128], strides = [1, 1]} : vector<2000x384xf32> to vector<2000x128xf32>
    %slice3A_71 = vector.extract_strided_slice %add3A_61 {offsets = [0, 128], sizes = [2000, 128], strides = [1, 1]} : vector<2000x384xf32> to vector<2000x128xf32>
    %add3A_72 = arith.addf %slice3A_70, %slice3A_71 : vector<2000x128xf32>
    %logistic3A_73 = arith.negf %add3A_72 : vector<2000x128xf32>
    %logistic3A_74 = math.exp %logistic3A_73 : vector<2000x128xf32>
    %logistic3A_75 = arith.constant 1.000000e+00 : f32
    %logistic3A_76 = vector.broadcast %logistic3A_75 : f32 to vector<2000x128xf32>
    %logistic3A_77 = arith.addf %logistic3A_76, %logistic3A_74 : vector<2000x128xf32>
    %logistic3A_78 = arith.divf %logistic3A_76, %logistic3A_77 : vector<2000x128xf32>
    %slice3A_79 = vector.extract_strided_slice %add3A_51 {offsets = [0, 256], sizes = [2000, 128], strides = [1, 1]} : vector<2000x384xf32> to vector<2000x128xf32>
    %slice3A_80 = vector.extract_strided_slice %add3A_61 {offsets = [0, 256], sizes = [2000, 128], strides = [1, 1]} : vector<2000x384xf32> to vector<2000x128xf32>
    %mul3A_81 = arith.mulf %logistic3A_69, %slice3A_80 : vector<2000x128xf32>
    %add3A_82 = arith.addf %slice3A_79, %mul3A_81 : vector<2000x128xf32>
    %tanh3A = math.tanh %add3A_82 : vector<2000x128xf32>
    %sub3A = arith.constant 1.000000e+00 : f32
    %sub3A_83 = vector.broadcast %sub3A : f32 to vector<2000x128xf32>
    %sub3A_84 = arith.subf %sub3A_83, %logistic3A_78 : vector<2000x128xf32>
    %mul3A_85 = arith.mulf %sub3A_84, %tanh3A : vector<2000x128xf32>
    %mul3A_86 = arith.mulf %logistic3A_78, %get3A_1 : vector<2000x128xf32>
    %add3A_87 = arith.addf %mul3A_85, %mul3A_86 : vector<2000x128xf32>
    %swap3A = arith.constant 0 : index
    %swap3A_88 = arith.constant 0 : index
    %swap3A_89 = vector.load %arg11[%swap3A, %swap3A_88] : memref<2000x128xf32, #tpu.memory_space<vmem>>, vector<2000x128xf32>
    tpu.vector_store %arg11[%swap3A, %swap3A_88], %add3A_87 {strides = array<i32>} : memref<2000x128xf32, #tpu.memory_space<vmem>>, vector<2000x128xf32>,
    return
  }
  func.func @transform_0(%arg0: i32) -> (i32, i32) {
    %c0_i32 = arith.constant 0 : i32
    %c0_i32_0 = arith.constant 0 : i32
    return %arg0, %c0_i32 : i32, i32
  }
  func.func @transform_1(%arg0: i32) -> (i32, i32, i32) {
    %c0_i32 = arith.constant 0 : i32
    %c0_i32_0 = arith.constant 0 : i32
    %c0_i32_1 = arith.constant 0 : i32
    return %c0_i32, %arg0, %c0_i32_0 : i32, i32, i32
  }
  func.func @transform_2(%arg0: i32) -> (i32, i32, i32) {
    %c0_i32 = arith.constant 0 : i32
    %c0_i32_0 = arith.constant 0 : i32
    %c0_i32_1 = arith.constant 0 : i32
    return %c0_i32, %arg0, %c0_i32_0 : i32, i32, i32
  }
  func.func @transform_3(%arg0: i32) -> (i32, i32) {
    %c0_i32 = arith.constant 0 : i32
    %c0_i32_0 = arith.constant 0 : i32
    %c0_i32_1 = arith.constant 0 : i32
    return %c0_i32, %c0_i32_0 : i32, i32
  }
  func.func @transform_4(%arg0: i32) -> (i32, i32) {
    %c0_i32 = arith.constant 0 : i32
    %c0_i32_0 = arith.constant 0 : i32
    %c0_i32_1 = arith.constant 0 : i32
    return %c0_i32, %c0_i32_0 : i32, i32
  }
  func.func @transform_5(%arg0: i32) -> (i32, i32) {
    %c0_i32 = arith.constant 0 : i32
    %c0_i32_0 = arith.constant 0 : i32
    %c0_i32_1 = arith.constant 0 : i32
    return %c0_i32, %c0_i32_0 : i32, i32
  }
  func.func @transform_6(%arg0: i32) -> (i32, i32) {
    %c0_i32 = arith.constant 0 : i32
    %c0_i32_0 = arith.constant 0 : i32
    %c0_i32_1 = arith.constant 0 : i32
    return %c0_i32, %c0_i32_0 : i32, i32
  }
  func.func @transform_7(%arg0: i32) -> (i32, i32) {
    %c0_i32 = arith.constant 0 : i32
    %c0_i32_0 = arith.constant 0 : i32
    %c0_i32_1 = arith.constant 0 : i32
    return %c0_i32, %c0_i32_0 : i32, i32
  }
  func.func @transform_8(%arg0: i32) -> (i32, i32) {
    %c0_i32 = arith.constant 0 : i32
    %c0_i32_0 = arith.constant 0 : i32
    %c0_i32_1 = arith.constant 0 : i32
    return %c0_i32, %c0_i32_0 : i32, i32
  }
  func.func @transform_9(%arg0: i32) -> (i32, i32) {
    %c0_i32 = arith.constant 0 : i32
    %c0_i32_0 = arith.constant 0 : i32
    %c0_i32_1 = arith.constant 0 : i32
    return %c0_i32, %c0_i32_0 : i32, i32
  }
  func.func @transform_10(%arg0: i32) -> (i32, i32) {
    %c0_i32 = arith.constant 0 : i32
    %c0_i32_0 = arith.constant 0 : i32
    return %arg0, %c0_i32 : i32, i32
  }
}

module attributes {stable_mosaic.version = 14 : i64} {
  func.func @_tc_embed_body(%arg0: i32, %arg1: memref<2000x128xf32, #tpu.memory_space<vmem>>, %arg2: memref<2x2000x128xf32, #tpu.memory_space<vmem>>, %arg3: memref<2x2000x128xf32, #tpu.memory_space<vmem>>, %arg4: memref<128x256xf32, #tpu.memory_space<vmem>>, %arg5: memref<128x256xf32, #tpu.memory_space<vmem>>, %arg6: memref<1x256xf32, #tpu.memory_space<vmem>>, %arg7: memref<256x384xf32, #tpu.memory_space<vmem>>, %arg8: memref<128x384xf32, #tpu.memory_space<vmem>>, %arg9: memref<1x384xf32, #tpu.memory_space<vmem>>, %arg10: memref<1x384xf32, #tpu.memory_space<vmem>>, %arg11: memref<1x128xf32, #tpu.memory_space<vmem>>, %arg12: memref<1x1xf32, #tpu.memory_space<vmem>>, %arg13: memref<128x256xf32, #tpu.memory_space<vmem>>, %arg14: memref<1x256xf32, #tpu.memory_space<vmem>>, %arg15: memref<1x256xf32, #tpu.memory_space<vmem>>) attributes {dimension_semantics = [#tpu.dimension_semantics<arbitrary>], iteration_bounds = array<i64: 5>, scalar_prefetch = 0 : i64, scratch_operands = 0 : i64, tpu.core_type = #tpu.core_type<tc>, window_params = [{transform_indices = @transform_0, window_bounds = array<i64: 2000, 128>}, {transform_indices = @transform_1, window_bounds = array<i64: 2, 2000, 128>}, {transform_indices = @transform_2, window_bounds = array<i64: 2, 2000, 128>}, {pipeline_mode = #tpu.pipeline_mode<synchronous>, transform_indices = @transform_3, window_bounds = array<i64: 128, 256>}, {pipeline_mode = #tpu.pipeline_mode<synchronous>, transform_indices = @transform_4, window_bounds = array<i64: 128, 256>}, {pipeline_mode = #tpu.pipeline_mode<synchronous>, transform_indices = @transform_5, window_bounds = array<i64: 1, 256>}, {pipeline_mode = #tpu.pipeline_mode<synchronous>, transform_indices = @transform_6, window_bounds = array<i64: 256, 384>}, {pipeline_mode = #tpu.pipeline_mode<synchronous>, transform_indices = @transform_7, window_bounds = array<i64: 128, 384>}, {pipeline_mode = #tpu.pipeline_mode<synchronous>, transform_indices = @transform_8, window_bounds = array<i64: 1, 384>}, {pipeline_mode = #tpu.pipeline_mode<synchronous>, transform_indices = @transform_9, window_bounds = array<i64: 1, 384>}, {pipeline_mode = #tpu.pipeline_mode<synchronous>, transform_indices = @transform_10, window_bounds = array<i64: 1, 128>}, {pipeline_mode = #tpu.pipeline_mode<synchronous>, transform_indices = @transform_11, window_bounds = array<i64: 1, 1>}, {pipeline_mode = #tpu.pipeline_mode<synchronous>, transform_indices = @transform_12, window_bounds = array<i64: 128, 256>}, {pipeline_mode = #tpu.pipeline_mode<synchronous>, transform_indices = @transform_13, window_bounds = array<i64: 1, 256>}, {pipeline_mode = #tpu.pipeline_mode<synchronous>, transform_indices = @transform_14, window_bounds = array<i64: 1, 256>}]} {
    %get3A = arith.constant 0 : index
    %get3A_0 = arith.constant 0 : index
    %get3A_1 = vector.load %arg1[%get3A, %get3A_0] : memref<2000x128xf32, #tpu.memory_space<vmem>>, vector<2000x128xf32>
    %get3A_2 = arith.constant 0 : index
    %get3A_3 = arith.constant 0 : index
    %get3A_4 = arith.constant 0 : index
    %get3A_5 = vector.load %arg2[%get3A_2, %get3A_3, %get3A_4] : memref<2x2000x128xf32, #tpu.memory_space<vmem>>, vector<1x2000x128xf32>
    %get3A_6 = vector.shape_cast %get3A_5 : vector<1x2000x128xf32> to vector<2000x128xf32>
    %get3A_7 = arith.constant 1 : index
    %get3A_8 = arith.constant 0 : index
    %get3A_9 = arith.constant 0 : index
    %get3A_10 = vector.load %arg2[%get3A_7, %get3A_8, %get3A_9] : memref<2x2000x128xf32, #tpu.memory_space<vmem>>, vector<1x2000x128xf32>
    %get3A_11 = vector.shape_cast %get3A_10 : vector<1x2000x128xf32> to vector<2000x128xf32>
    %add3A = arith.addf %get3A_6, %get3A_11 : vector<2000x128xf32>
    %get3A_12 = arith.constant 0 : index
    %get3A_13 = arith.constant 0 : index
    %get3A_14 = arith.constant 0 : index
    %get3A_15 = vector.load %arg3[%get3A_12, %get3A_13, %get3A_14] : memref<2x2000x128xf32, #tpu.memory_space<vmem>>, vector<1x2000x128xf32>
    %get3A_16 = vector.shape_cast %get3A_15 : vector<1x2000x128xf32> to vector<2000x128xf32>
    %slice3A = vector.extract_strided_slice %get3A_16 {offsets = [0, 0], sizes = [2000, 1], strides = [1, 1]} : vector<2000x128xf32> to vector<2000x1xf32>
    %get3A_17 = arith.constant 1 : index
    %get3A_18 = arith.constant 0 : index
    %get3A_19 = arith.constant 0 : index
    %get3A_20 = vector.load %arg3[%get3A_17, %get3A_18, %get3A_19] : memref<2x2000x128xf32, #tpu.memory_space<vmem>>, vector<1x2000x128xf32>
    %get3A_21 = vector.shape_cast %get3A_20 : vector<1x2000x128xf32> to vector<2000x128xf32>
    %slice3A_22 = vector.extract_strided_slice %get3A_21 {offsets = [0, 0], sizes = [2000, 1], strides = [1, 1]} : vector<2000x128xf32> to vector<2000x1xf32>
    %add3A_23 = arith.addf %slice3A, %slice3A_22 : vector<2000x1xf32>
    %mul3A = vector.broadcast %add3A_23 : vector<2000x1xf32> to vector<2000x128xf32>
    %mul3A_24 = arith.mulf %mul3A, %get3A_1 : vector<2000x128xf32>
    %get3A_25 = arith.constant 0 : index
    %get3A_26 = arith.constant 0 : index
    %get3A_27 = vector.load %arg4[%get3A_25, %get3A_26] : memref<128x256xf32, #tpu.memory_space<vmem>>, vector<128x256xf32>
    %dot_general3A = arith.constant dense<0.000000e+00> : vector<2000x256xf32>
    %dot_general3A_28 = tpu.matmul %mul3A_24, %get3A_27, %dot_general3A {dimension_numbers = #tpu.dot_dimension_numbers<[1], [0], [0], [1], [0, 0, 1, 1], [], []>, transpose_lhs_hint = false} : vector<2000x128xf32>, vector<128x256xf32>, vector<2000x256xf32> -> vector<2000x256xf32>
    %get3A_29 = arith.constant 0 : index
    %get3A_30 = arith.constant 0 : index
    %get3A_31 = vector.load %arg5[%get3A_29, %get3A_30] : memref<128x256xf32, #tpu.memory_space<vmem>>, vector<128x256xf32>
    %dot_general3A_32 = arith.constant dense<0.000000e+00> : vector<2000x256xf32>
    %dot_general3A_33 = tpu.matmul %add3A, %get3A_31, %dot_general3A_32 {dimension_numbers = #tpu.dot_dimension_numbers<[1], [0], [0], [1], [0, 0, 1, 1], [], []>, transpose_lhs_hint = false} : vector<2000x128xf32>, vector<128x256xf32>, vector<2000x256xf32> -> vector<2000x256xf32>
    %add3A_34 = arith.addf %dot_general3A_28, %dot_general3A_33 : vector<2000x256xf32>
    %get3A_35 = arith.constant 0 : index
    %get3A_36 = arith.constant 0 : index
    %get3A_37 = vector.load %arg6[%get3A_35, %get3A_36] : memref<1x256xf32, #tpu.memory_space<vmem>>, vector<1x256xf32>
    %mul3A_38 = vector.broadcast %add3A_23 : vector<2000x1xf32> to vector<2000x256xf32>
    %mul3A_39 = vector.broadcast %get3A_37 : vector<1x256xf32> to vector<2000x256xf32>
    %mul3A_40 = arith.mulf %mul3A_38, %mul3A_39 : vector<2000x256xf32>
    %add3A_41 = arith.addf %add3A_34, %mul3A_40 : vector<2000x256xf32>
    %get3A_42 = arith.constant 0 : index
    %get3A_43 = arith.constant 0 : index
    %get3A_44 = vector.load %arg7[%get3A_42, %get3A_43] : memref<256x384xf32, #tpu.memory_space<vmem>>, vector<256x384xf32>
    %dot_general3A_45 = arith.constant dense<0.000000e+00> : vector<2000x384xf32>
    %dot_general3A_46 = tpu.matmul %add3A_41, %get3A_44, %dot_general3A_45 {dimension_numbers = #tpu.dot_dimension_numbers<[1], [0], [0], [1], [0, 0, 1, 1], [], []>, transpose_lhs_hint = false} : vector<2000x256xf32>, vector<256x384xf32>, vector<2000x384xf32> -> vector<2000x384xf32>
    %get3A_47 = arith.constant 0 : index
    %get3A_48 = arith.constant 0 : index
    %get3A_49 = vector.load %arg9[%get3A_47, %get3A_48] : memref<1x384xf32, #tpu.memory_space<vmem>>, vector<1x384xf32>
    %add3A_50 = vector.broadcast %get3A_49 : vector<1x384xf32> to vector<2000x384xf32>
    %add3A_51 = arith.addf %dot_general3A_46, %add3A_50 : vector<2000x384xf32>
    %get3A_52 = arith.constant 0 : index
    %get3A_53 = arith.constant 0 : index
    %get3A_54 = vector.load %arg8[%get3A_52, %get3A_53] : memref<128x384xf32, #tpu.memory_space<vmem>>, vector<128x384xf32>
    %dot_general3A_55 = arith.constant dense<0.000000e+00> : vector<2000x384xf32>
    %dot_general3A_56 = tpu.matmul %get3A_1, %get3A_54, %dot_general3A_55 {dimension_numbers = #tpu.dot_dimension_numbers<[1], [0], [0], [1], [0, 0, 1, 1], [], []>, transpose_lhs_hint = false} : vector<2000x128xf32>, vector<128x384xf32>, vector<2000x384xf32> -> vector<2000x384xf32>
    %get3A_57 = arith.constant 0 : index
    %get3A_58 = arith.constant 0 : index
    %get3A_59 = vector.load %arg10[%get3A_57, %get3A_58] : memref<1x384xf32, #tpu.memory_space<vmem>>, vector<1x384xf32>
    %add3A_60 = vector.broadcast %get3A_59 : vector<1x384xf32> to vector<2000x384xf32>
    %add3A_61 = arith.addf %dot_general3A_56, %add3A_60 : vector<2000x384xf32>
    %slice3A_62 = vector.extract_strided_slice %add3A_51 {offsets = [0, 0], sizes = [2000, 128], strides = [1, 1]} : vector<2000x384xf32> to vector<2000x128xf32>
    %slice3A_63 = vector.extract_strided_slice %add3A_61 {offsets = [0, 0], sizes = [2000, 128], strides = [1, 1]} : vector<2000x384xf32> to vector<2000x128xf32>
    %add3A_64 = arith.addf %slice3A_62, %slice3A_63 : vector<2000x128xf32>
    %logistic3A = arith.negf %add3A_64 : vector<2000x128xf32>
    %logistic3A_65 = math.exp %logistic3A : vector<2000x128xf32>
    %logistic3A_66 = arith.constant 1.000000e+00 : f32
    %logistic3A_67 = vector.broadcast %logistic3A_66 : f32 to vector<2000x128xf32>
    %logistic3A_68 = arith.addf %logistic3A_67, %logistic3A_65 : vector<2000x128xf32>
    %logistic3A_69 = arith.divf %logistic3A_67, %logistic3A_68 : vector<2000x128xf32>
    %slice3A_70 = vector.extract_strided_slice %add3A_51 {offsets = [0, 128], sizes = [2000, 128], strides = [1, 1]} : vector<2000x384xf32> to vector<2000x128xf32>
    %slice3A_71 = vector.extract_strided_slice %add3A_61 {offsets = [0, 128], sizes = [2000, 128], strides = [1, 1]} : vector<2000x384xf32> to vector<2000x128xf32>
    %add3A_72 = arith.addf %slice3A_70, %slice3A_71 : vector<2000x128xf32>
    %logistic3A_73 = arith.negf %add3A_72 : vector<2000x128xf32>
    %logistic3A_74 = math.exp %logistic3A_73 : vector<2000x128xf32>
    %logistic3A_75 = arith.constant 1.000000e+00 : f32
    %logistic3A_76 = vector.broadcast %logistic3A_75 : f32 to vector<2000x128xf32>
    %logistic3A_77 = arith.addf %logistic3A_76, %logistic3A_74 : vector<2000x128xf32>
    %logistic3A_78 = arith.divf %logistic3A_76, %logistic3A_77 : vector<2000x128xf32>
    %slice3A_79 = vector.extract_strided_slice %add3A_51 {offsets = [0, 256], sizes = [2000, 128], strides = [1, 1]} : vector<2000x384xf32> to vector<2000x128xf32>
    %slice3A_80 = vector.extract_strided_slice %add3A_61 {offsets = [0, 256], sizes = [2000, 128], strides = [1, 1]} : vector<2000x384xf32> to vector<2000x128xf32>
    %mul3A_81 = arith.mulf %logistic3A_69, %slice3A_80 : vector<2000x128xf32>
    %add3A_82 = arith.addf %slice3A_79, %mul3A_81 : vector<2000x128xf32>
    %tanh3A = math.tanh %add3A_82 : vector<2000x128xf32>
    %sub3A = arith.constant 1.000000e+00 : f32
    %sub3A_83 = vector.broadcast %sub3A : f32 to vector<2000x128xf32>
    %sub3A_84 = arith.subf %sub3A_83, %logistic3A_78 : vector<2000x128xf32>
    %mul3A_85 = arith.mulf %sub3A_84, %tanh3A : vector<2000x128xf32>
    %mul3A_86 = arith.mulf %logistic3A_78, %get3A_1 : vector<2000x128xf32>
    %add3A_87 = arith.addf %mul3A_85, %mul3A_86 : vector<2000x128xf32>
    %get3A_88 = arith.constant 0 : index
    %get3A_89 = arith.constant 0 : index
    %get3A_90 = vector.load %arg11[%get3A_88, %get3A_89] : memref<1x128xf32, #tpu.memory_space<vmem>>, vector<1x128xf32>
    %mul3A_91 = vector.broadcast %get3A_90 : vector<1x128xf32> to vector<2000x128xf32>
    %mul3A_92 = arith.mulf %add3A_87, %mul3A_91 : vector<2000x128xf32>
    %reduce_sum3A = arith.constant dense<0.000000e+00> : vector<2000xf32>
    %reduce_sum3A_93 = vector.multi_reduction <add>, %mul3A_92, %reduce_sum3A [1] : vector<2000x128xf32> to vector<2000xf32>
    %broadcast_in_dim3A = vector.shape_cast %reduce_sum3A_93 : vector<2000xf32> to vector<2000x1xf32>
    %get3A_94 = arith.constant 0 : index
    %get3A_95 = arith.constant 0 : index
    %get3A_96 = vector.load %arg12[%get3A_94, %get3A_95] : memref<1x1xf32, #tpu.memory_space<vmem>>, vector<1x1xf32>
    %add3A_97 = vector.broadcast %get3A_96 : vector<1x1xf32> to vector<2000x1xf32>
    %add3A_98 = arith.addf %broadcast_in_dim3A, %add3A_97 : vector<2000x1xf32>
    %logistic3A_99 = arith.negf %add3A_98 : vector<2000x1xf32>
    %logistic3A_100 = math.exp %logistic3A_99 : vector<2000x1xf32>
    %logistic3A_101 = arith.constant 1.000000e+00 : f32
    %logistic3A_102 = vector.broadcast %logistic3A_101 : f32 to vector<2000x1xf32>
    %logistic3A_103 = arith.addf %logistic3A_102, %logistic3A_100 : vector<2000x1xf32>
    %logistic3A_104 = arith.divf %logistic3A_102, %logistic3A_103 : vector<2000x1xf32>
    %get3A_105 = arith.constant 0 : index
    %get3A_106 = arith.constant 0 : index
    %get3A_107 = vector.load %arg13[%get3A_105, %get3A_106] : memref<128x256xf32, #tpu.memory_space<vmem>>, vector<128x256xf32>
    %dot_general3A_108 = arith.constant dense<0.000000e+00> : vector<2000x256xf32>
    %dot_general3A_109 = tpu.matmul %add3A_87, %get3A_107, %dot_general3A_108 {dimension_numbers = #tpu.dot_dimension_numbers<[1], [0], [0], [1], [0, 0, 1, 1], [], []>, transpose_lhs_hint = false} : vector<2000x128xf32>, vector<128x256xf32>, vector<2000x256xf32> -> vector<2000x256xf32>
    %get3A_110 = arith.constant 0 : index
    %get3A_111 = arith.constant 0 : index
    %get3A_112 = vector.load %arg14[%get3A_110, %get3A_111] : memref<1x256xf32, #tpu.memory_space<vmem>>, vector<1x256xf32>
    %add3A_113 = vector.broadcast %get3A_112 : vector<1x256xf32> to vector<2000x256xf32>
    %add3A_114 = arith.addf %dot_general3A_109, %add3A_113 : vector<2000x256xf32>
    %mul3A_115 = vector.broadcast %logistic3A_104 : vector<2000x1xf32> to vector<2000x256xf32>
    %mul3A_116 = arith.mulf %mul3A_115, %add3A_114 : vector<2000x256xf32>
    %reduce_sum3A_117 = arith.constant dense<0.000000e+00> : vector<256xf32>
    %reduce_sum3A_118 = vector.multi_reduction <add>, %mul3A_116, %reduce_sum3A_117 [0] : vector<2000x256xf32> to vector<256xf32>
    %broadcast_in_dim3A_119 = vector.shape_cast %reduce_sum3A_118 : vector<256xf32> to vector<1x256xf32>
    %eq3A = arith.constant 0 : i32
    %eq3A_120 = arith.cmpi eq, %arg0, %eq3A : i32
    %convert_element_type3A = arith.extui %eq3A_120 : i1 to i32
    %cond3A = arith.constant 0 : i32
    %cond3A_121 = arith.cmpi ne, %convert_element_type3A, %cond3A : i32
    scf.if %cond3A_121 {
      %swap3A = arith.constant 0 : index
      %swap3A_126 = arith.constant 0 : index
      %swap3A_127 = vector.load %arg15[%swap3A, %swap3A_126] : memref<1x256xf32, #tpu.memory_space<vmem>>, vector<1x256xf32>
      tpu.vector_store %arg15[%swap3A, %swap3A_126], %broadcast_in_dim3A_119 {strides = array<i32>} : memref<1x256xf32, #tpu.memory_space<vmem>>, vector<1x256xf32>,
    } else {
    }
    %ne3A = arith.constant 0 : i32
    %ne3A_122 = arith.cmpi ne, %arg0, %ne3A : i32
    %convert_element_type3A_123 = arith.extui %ne3A_122 : i1 to i32
    %cond3A_124 = arith.constant 0 : i32
    %cond3A_125 = arith.cmpi ne, %convert_element_type3A_123, %cond3A_124 : i32
    scf.if %cond3A_125 {
      %get3A_126 = arith.constant 0 : index
      %get3A_127 = arith.constant 0 : index
      %get3A_128 = vector.load %arg15[%get3A_126, %get3A_127] : memref<1x256xf32, #tpu.memory_space<vmem>>, vector<1x256xf32>
      %add3A_129 = arith.addf %get3A_128, %broadcast_in_dim3A_119 : vector<1x256xf32>
      %swap3A = arith.constant 0 : index
      %swap3A_130 = arith.constant 0 : index
      %swap3A_131 = vector.load %arg15[%swap3A, %swap3A_130] : memref<1x256xf32, #tpu.memory_space<vmem>>, vector<1x256xf32>
      tpu.vector_store %arg15[%swap3A, %swap3A_130], %add3A_129 {strides = array<i32>} : memref<1x256xf32, #tpu.memory_space<vmem>>, vector<1x256xf32>,
    } else {
    }
    return
  }
  func.func @transform_0(%arg0: i32) -> (i32, i32) {
    %c0_i32 = arith.constant 0 : i32
    %c0_i32_0 = arith.constant 0 : i32
    return %arg0, %c0_i32 : i32, i32
  }
  func.func @transform_1(%arg0: i32) -> (i32, i32, i32) {
    %c0_i32 = arith.constant 0 : i32
    %c0_i32_0 = arith.constant 0 : i32
    %c0_i32_1 = arith.constant 0 : i32
    return %c0_i32, %arg0, %c0_i32_0 : i32, i32, i32
  }
  func.func @transform_2(%arg0: i32) -> (i32, i32, i32) {
    %c0_i32 = arith.constant 0 : i32
    %c0_i32_0 = arith.constant 0 : i32
    %c0_i32_1 = arith.constant 0 : i32
    return %c0_i32, %arg0, %c0_i32_0 : i32, i32, i32
  }
  func.func @transform_3(%arg0: i32) -> (i32, i32) {
    %c0_i32 = arith.constant 0 : i32
    %c0_i32_0 = arith.constant 0 : i32
    %c0_i32_1 = arith.constant 0 : i32
    return %c0_i32, %c0_i32_0 : i32, i32
  }
  func.func @transform_4(%arg0: i32) -> (i32, i32) {
    %c0_i32 = arith.constant 0 : i32
    %c0_i32_0 = arith.constant 0 : i32
    %c0_i32_1 = arith.constant 0 : i32
    return %c0_i32, %c0_i32_0 : i32, i32
  }
  func.func @transform_5(%arg0: i32) -> (i32, i32) {
    %c0_i32 = arith.constant 0 : i32
    %c0_i32_0 = arith.constant 0 : i32
    %c0_i32_1 = arith.constant 0 : i32
    return %c0_i32, %c0_i32_0 : i32, i32
  }
  func.func @transform_6(%arg0: i32) -> (i32, i32) {
    %c0_i32 = arith.constant 0 : i32
    %c0_i32_0 = arith.constant 0 : i32
    %c0_i32_1 = arith.constant 0 : i32
    return %c0_i32, %c0_i32_0 : i32, i32
  }
  func.func @transform_7(%arg0: i32) -> (i32, i32) {
    %c0_i32 = arith.constant 0 : i32
    %c0_i32_0 = arith.constant 0 : i32
    %c0_i32_1 = arith.constant 0 : i32
    return %c0_i32, %c0_i32_0 : i32, i32
  }
  func.func @transform_8(%arg0: i32) -> (i32, i32) {
    %c0_i32 = arith.constant 0 : i32
    %c0_i32_0 = arith.constant 0 : i32
    %c0_i32_1 = arith.constant 0 : i32
    return %c0_i32, %c0_i32_0 : i32, i32
  }
  func.func @transform_9(%arg0: i32) -> (i32, i32) {
    %c0_i32 = arith.constant 0 : i32
    %c0_i32_0 = arith.constant 0 : i32
    %c0_i32_1 = arith.constant 0 : i32
    return %c0_i32, %c0_i32_0 : i32, i32
  }
  func.func @transform_10(%arg0: i32) -> (i32, i32) {
    %c0_i32 = arith.constant 0 : i32
    %c0_i32_0 = arith.constant 0 : i32
    %c0_i32_1 = arith.constant 0 : i32
    return %c0_i32, %c0_i32_0 : i32, i32
  }
  func.func @transform_11(%arg0: i32) -> (i32, i32) {
    %c0_i32 = arith.constant 0 : i32
    %c0_i32_0 = arith.constant 0 : i32
    %c0_i32_1 = arith.constant 0 : i32
    return %c0_i32, %c0_i32_0 : i32, i32
  }
  func.func @transform_12(%arg0: i32) -> (i32, i32) {
    %c0_i32 = arith.constant 0 : i32
    %c0_i32_0 = arith.constant 0 : i32
    %c0_i32_1 = arith.constant 0 : i32
    return %c0_i32, %c0_i32_0 : i32, i32
  }
  func.func @transform_13(%arg0: i32) -> (i32, i32) {
    %c0_i32 = arith.constant 0 : i32
    %c0_i32_0 = arith.constant 0 : i32
    %c0_i32_1 = arith.constant 0 : i32
    return %c0_i32, %c0_i32_0 : i32, i32
  }
  func.func @transform_14(%arg0: i32) -> (i32, i32) {
    %c0_i32 = arith.constant 0 : i32
    %c0_i32_0 = arith.constant 0 : i32
    %c0_i32_1 = arith.constant 0 : i32
    return %c0_i32, %c0_i32_0 : i32, i32
  }
}

</mosaic_0001>

<sc_bundles>
// kernel: kernel.10.cloned.1.call-start
scs
__scs_entry_jumppad:
0x0: {  	(pc) =	sbr.rel $0x88, $3  }
0x1: {  	(tag) =	ssettag $0x0;
	lr =	simm.s32 $0x1  }
0x2: {  	[smem:$0x3F95] =	sst lr;
	_ =	strace $0xD0000000  }
0x3: {  	_ = 	snop  }
0x4: {  	_ = 	snop  }
0x5: {  	_ = 	snop  }
0x6: {  	_ = 	snop  }
0x7: {  	_ = 	snop  }
__scs_overlays_trampoline_lowered:
0x8: {  	[smem:$0x3FA4] =	sst s0  }
0x9: {  	[smem:$0x3FA5] =	sst s1  }
0xa: {  	[smem:$0x3FA6] =	sst s2  }
0xb: {  	[smem:$0x3FA7] =	sst s3  }
0xc: {  	[smem:$0x3FA8] =	sst s4  }
0xd: {  	[smem:$0x3FA9] =	sst s5  }
0xe: {  	[smem:$0x3FAA] =	sst s6  }
0xf: {  	[smem:$0x3FAB] =	sst s7  }
0x10: {  	[smem:$0x3FAC] =	sst s8  }
0x11: {  	[smem:$0x3FAD] =	sst s9;
	s0 =	simm.s32 @!p0 $0x0  }
0x12: {  	s1 =	sld [smem:$0x3F93];
	s0 =	simm.s32 @p0 $0x1  }
0x13: {  	[smem:$0x3FAE] =	sst s0;
	s0 =	simm.s32 @!p1 $0x0  }
0x14: {  	s2 =	sld [smem:$0x3F92];
	s0 =	simm.s32 @p1 $0x1  }
0x15: {  	[smem:$0x3FAF] =	sst s0;
	s0 =	simm.s32 @!p2 $0x0  }
0x16: {  	s3 =	sld [smem:$0x3FDB];
	s0 =	simm.s32 @p2 $0x1  }
0x17: {  	s4 =	simm.s32 $0x1BF5;
	[smem:$0x3FB1] =	sst s0  }
0x18: {  	s0 =	sld [smem:$0x3F94];
	_ =	swait.ge [sflag:s4], $0x0  }
0x19: {  	s7 =	sld [smem:$0x3F95]  }
0x1a: {  	s8 =	sadd.s32 $0xFFFFE003, lr  }
0x1b: {  	s9 =	sadd.s32 $0xFFFFFEF7, lr;
	s5 =	simm.s32 $0xFFFFFFFF;
	p2 =	slt.u32 s8, $0xFFFFF086  }
0x1c: {  	p1 =	slt.u32 s9, $0xF7A;
	s5 =	simm.s32 @!p2 $0x0  }
0x1d: {  	s5 =	simm.s32 @p1 $0x1;
	p0 =	seq.s32 s7, s2  }
0x1e: {  	s7 =	smul.u32 @!p0 $0xF7A, s2;
	p2 =	seq.s32 @!p0 s5, $0x0  }
0x1f: {  	s9 =	smul.u32 $0xF7A, s1;
	s8 =	simm.s32 @!p0 $0x1BF5;
	p2 =	por !p2, p0  }
0x20: {  	[sflag:s8] =	ssyncset.s32 @!p0 $0xFFFFF086;
	s6 =	sadd.s32 @!p0 s3, s7;
	s7 =	simm.s32 @!p0 $0x108  }
0x21: {  	s3 =	sadd.s32 s3, s9;
	s6 =	sadd.s32 @!p0 $0x88, s6;
	s7 =	simm.s32 @p2 $0x1082  }
0x22: {  	[simem:s7], [sflag:s8] =	dma.local @!p0 [hbm:s6], $0xF7A  }
0x23: {  	s9 =	sor.u32 $0xD0000000, s2;
	s6 =	simm.s32 $0x108;
	_ =	swait.ge @!p0 [sflag:s8], $0x0  }
0x24: {  	s3 =	sadd.s32 $0x88, s3;
	s6 =	simm.s32 @!p1 $0x1082;
	[sflag:s4] =	ssyncset.s32 $0xFFFFF086  }
0x25: {  	[simem:s6], [sflag:s4] =	dma.local [hbm:s3], $0xF7A  }
0x26: {  	[smem:$0x3F95] =	sst s1;
	(tag) =	ssettag s2;
	_ =	strace s9  }
0x27: {  	s1 =	sld [smem:$0x3FA5]  }
0x28: {  	s2 =	sld [smem:$0x3FA6]  }
0x29: {  	s4 =	sld [smem:$0x3FA8]  }
0x2a: {  	p0 =	seq.s32 s5, $0x0;
	s5 =	sld [smem:$0x3FA9]  }
0x2b: {  	s6 =	sld [smem:$0x3FAA]  }
0x2c: {  	s7 =	sld [smem:$0x3FAB]  }
0x2d: {  	s3 =	simm.s32 $0x108;
	s8 =	sld [smem:$0x3FAC]  }
0x2e: {  	s3 =	simm.s32 @!p0 $0x1082;
	s9 =	sld [smem:$0x3FAD]  }
0x2f: {  	lr =	sadd.s32 s0, s3;
	s0 =	sld [smem:$0x3FA4]  }
0x30: {  	s3 =	sld [smem:$0x3FA7]  }
0x31: {  	[smem:$0x3FB0] =	sst s10  }
0x32: {  	s10 =	sld [smem:$0x3FAE];
	_ =	sdelay $0x3  }
0x33: {  	p0 =	seq.s32 s10, $0x1;
	s10 =	sld [smem:$0x3FB0];
	_ =	sdelay $0x3  }
0x34: {  	[smem:$0x3FB0] =	sst s10  }
0x35: {  	s10 =	sld [smem:$0x3FAF];
	_ =	sdelay $0x3  }
0x36: {  	p1 =	seq.s32 s10, $0x1;
	s10 =	sld [smem:$0x3FB0];
	_ =	sdelay $0x3  }
0x37: {  	[smem:$0x3FB0] =	sst s10  }
0x38: {  	s10 =	sld [smem:$0x3FB1]  }
0x39: {  	_ = 	snop;
	(pc) =	sbr.ind lr, $3  }
0x3a: {  	_ = 	snop  }
0x3b: {  	_ = 	snop  }
0x3c: {  	p2 =	seq.s32 s10, $0x1;
	s10 =	sld [smem:$0x3FB0]  }
0x3d: {  	_ =	shalt  }
0x3e: {  	_ =	shalt  }
0x3f: {  	_ =	shalt  }
0x40: {  	_ =	shalt  }
0x41: {  	_ =	shalt  }
0x42: {  	_ =	shalt  }
0x43: {  	_ =	shalt  }
0x44: {  	_ =	shalt  }
0x45: {  	_ =	shalt  }
0x46: {  	_ =	shalt  }
0x47: {  	_ =	shalt  }
0x48: {  	_ =	shalt  }
0x49: {  	_ =	shalt  }
0x4a: {  	_ =	shalt  }
0x4b: {  	_ =	shalt  }
0x4c: {  	_ =	shalt  }
0x4d: {  	_ =	shalt  }
0x4e: {  	_ =	shalt  }
0x4f: {  	_ =	shalt  }
0x50: {  	_ =	shalt  }
0x51: {  	_ =	shalt  }
0x52: {  	_ =	shalt  }
0x53: {  	_ =	shalt  }
0x54: {  	_ =	shalt  }
0x55: {  	_ =	shalt  }
0x56: {  	_ =	shalt  }
0x57: {  	_ =	shalt  }
0x58: {  	_ =	shalt  }
0x59: {  	_ =	shalt  }
0x5a: {  	_ =	shalt  }
0x5b: {  	_ =	shalt  }
0x5c: {  	_ =	shalt  }
0x5d: {  	_ =	shalt  }
0x5e: {  	_ =	shalt  }
0x5f: {  	_ =	shalt  }
0x60: {  	_ =	shalt  }
0x61: {  	_ =	shalt  }
0x62: {  	_ =	shalt  }
0x63: {  	_ =	shalt  }
0x64: {  	_ =	shalt  }
0x65: {  	_ =	shalt  }
0x66: {  	_ =	shalt  }
0x67: {  	_ =	shalt  }
0x68: {  	_ =	shalt  }
0x69: {  	_ =	shalt  }
0x6a: {  	_ =	shalt  }
0x6b: {  	_ =	shalt  }
0x6c: {  	_ =	shalt  }
0x6d: {  	_ =	shalt  }
0x6e: {  	_ =	shalt  }
0x6f: {  	_ =	shalt  }
0x70: {  	_ =	shalt  }
0x71: {  	_ =	shalt  }
0x72: {  	_ =	shalt  }
0x73: {  	_ =	shalt  }
0x74: {  	_ =	shalt  }
0x75: {  	_ =	shalt  }
0x76: {  	_ =	shalt  }
0x77: {  	_ =	shalt  }
0x78: {  	_ =	shalt  }
0x79: {  	_ =	shalt  }
0x7a: {  	_ =	shalt  }
0x7b: {  	_ =	shalt  }
0x7c: {  	_ =	shalt  }
0x7d: {  	_ =	shalt  }
0x7e: {  	_ =	shalt  }
0x7f: {  	_ =	shalt  }
0x80: {  	_ =	shalt  }
0x81: {  	_ =	shalt  }
0x82: {  	_ =	shalt  }
0x83: {  	_ =	shalt  }
0x84: {  	_ =	shalt  }
0x85: {  	_ =	shalt  }
0x86: {  	_ =	shalt  }
0x87: {  	_ =	shalt  }
.Lfunc_end0:
.L_simem_size_0:
called_computation.1_lowered:
.L_overlay_start_0:
0x88: {  	s2 =	sld [smem:$0x3FD9]  }
0x89: {  	s3 =	sld [smem:$0x3FFE];
	_ =	sdelay $0x1  }
0x8a: {  	s1 =	srdreg.scid  }
0x8b: {  	s0 =	sand.u32 $0x1, s1  }
0x8c: {  	s17 =	sshll.u32 s0, $0xA;
	s2 =	sadd.s32 s3, s2  }
0x8d: {  	s2 =	sadd.s32 s2, s17  }
0x8e: {  	[smem:$0x3FBC] =	sst s2  }
0x8f: {  	_ = 	snop  }
0x90: {  	s2 =	sld [smem:$0x3FC9];
	(tm) =	ssettm $0x1  }
0x91: {  	s18 =	sld [smem:$0x3FFB];
	_ =	sdelay $0x3  }
0x92: {  	_ =	strace s18  }
0x93: {  	s3 =	sld [smem:$0x3FFC];
	_ =	sdelay $0x3  }
0x94: {  	_ =	strace s3  }
0x95: {  	s3 =	sld [smem:$0x3FFD];
	_ =	sdelay $0x3  }
0x96: {  	_ =	strace s3  }
0x97: {  	_ =	strace $0x8FFFFFFF  }
0x98: {  	s19 =	sld [smem:$0x3FDB];
	_ =	sdelay $0x1  }
0x99: {  	s4 =	simm.s32 $_scs_section_size  }
0x9a: {  	s5 =	simm.s32 $_size__tile_overlayer_lowered;
	s6 =	simm.s32 $_tile_overlayer_lowered  }
0x9b: {  	s22 =	simm.s32 $0x1BFF;
	s21 =	sshll.u32 s6, $0x1;
	s3 =	sadd.s32 s4, s19  }
0x9c: {  	s7 =	simm.s32 $0x0;
	s20 =	sshll.u32 s5, $0x1;
	s5 =	sadd.s32 s21, s3  }
0x9d: {  	[timem:s7], [sflag:s22] =	dma.local [hbm:s5], s20  }
0x9e: {  	_ =	swait.ge [sflag:s22], s20  }
0x9f: {  	s4 =	ssub.s32 $0x0, s20;
	[sflag:s22] =	ssyncset.done $0x0  }
0xa0: {  	[sflag:s22] =	ssyncadd.s32 s4;
	_ =	sdelay $0x1  }
0xa1: {  	s23 =	simm.s32 $0x1B8B  }
0xa2: {  	_ =	swait.ge [sflag:s23], $0x1  }
0xa3: {  	[sflag:s23] =	ssyncset.done $0x0  }
0xa4: {  	s25 =	simm.s32 $0x1B8E;
	s24 =	sld [smem:$0x3FFE];
	[sflag:s23] =	ssyncadd.s32 $0xFFFFFFFF  }
0xa5: {  	s26 =	simm.s32 $execute0_lowered;
	[smem:$0x3FD2] =	sst s25  }
0xa6: {  	s5 =	sshll.u32 s26, $0x1;
	_ =	strace $0x80000046;
	[dreg:$0x1] =	wrdreg $0xFFFFFFFF  }
0xa7: {  	s28 =	simm.s32 $_size_execute0_lowered;
	s3 =	sadd.s32 s3, s5;
	[dreg:$0x0] =	wrdreg $0x0  }
0xa8: {  	s5 =	sshll.u32 s28, $0x1;
	[dreg:$0x2] =	wrdreg s3  }
0xa9: {  	[dreg:$0x3] =	wrdreg s5  }
0xaa: {  	[dreg:$0x4] =	wrdreg $0xC0  }
0xab: {  	_ =	task [dreg:s7], $0x5FFFF  }
0xac: {  	[dreg:$0x1] =	wrdreg $0xFFFFFFFF  }
0xad: {  	[dreg:$0x0] =	wrdreg $0x60  }
0xae: {  	[dreg:$0x2] =	wrdreg s24  }
0xaf: {  	[dreg:$0x3] =	wrdreg s2  }
0xb0: {  	[dreg:$0x4] =	wrdreg $0x84000  }
0xb1: {  	[dreg:$0x5] =	wrdreg $0xA  }
0xb2: {  	_ =	task.clear_ibuf [dreg:s7], $0x6FFFF;
	_ =	strace $0x90000046  }
0xb3: {  	s29 =	simm.s32 $0xA;
	_ =	strace $0x80000048  }
0xb4: {  	_ =	swait.ge [sflag:s29], $0x1  }
0xb5: {  	[sflag:s29] =	ssyncadd.s32 $0xFFFFFFFF  }
0xb6: {  	_ =	strace $0x90000048  }
0xb7: {  	_ =	sfence  }
0xb8: {  	s30 =	sld [smem:$0x0];
	_ =	sdelay $0x2  }
0xb9: {  	s31 =	sshll.u32 s1, $0xD;
	s1 =	sshrl.u32 s1, $0x2  }
0xba: {  	s3 =	sand.u32 $0x4000, s31;
	s1 =	sadd.s32 s1, s30  }
0xbb: {  	s0 =	sor.u32 s3, s0;
	s1 =	sshll.u32 s1, $0x11  }
0xbc: {  	s0 =	sor.u32 s1, s0  }
0xbd: {  	s0 =	sadd.s32 $0x8F2B, s0  }
0xbe: {  	[sflag:s0] =	ssyncadd.remote.s32 $0x1  }
0xbf: {  	_ =	sfence.sel $0xFFFF  }
0xc0: {  	[dreg:$0x0] =	wrdreg $0xFFFFFFFF;
	(pc) =	sbr.abs _section_cstart, $3  }
0xc1: {  	[dreg:$0x1] =	wrdreg $0xFFFFFFFF  }
0xc2: {  	_ =	task.clear_ibuf [dreg:s7], $0x2FFFF;
	_ =	strace $0x9FFFFFFF  }
0xc3: {  	(tm) =	ssettm $0x7FFFFFFF  }
tec
execute0_lowered:
.L_overlay_start_1:
0x0: {  	(tag) =	ssettag $0x1  }
0x1: {  	s0 =	rddreg [dreg:$0x0]  }
0x2: {  	s1 =	rddreg [dreg:$0x1]  }
0x3: {  	s2 =	rddreg [dreg:$0x2]  }
0x4: {  	s3 =	simm.s32 $0x0;
	s4 =	srdreg.scid;
	s19 =	stileid.u32  }
0x5: {  	s28 =	simm.s32 $0x7;
	[smem:$0x7FF] =	sst s3;
	s4 =	sand.u32 $0x1, s4  }
0x6: {  	s8 =	sadd.s32 $0xD000, s0;
	s9 =	sadd.s32 $0x3200, s0;
	s10 =	smul.u32 $0x278, s19  }
0x7: {  	s11 =	sadd.s32 $0x17600, s0;
	s22 =	smul.u32 $0x4D, s19;
	s23 =	smin.u32 s19, $0x4  }
0x8: {  	s7 =	smul.u32 $0x4F, s19;
	p1 =	slt.u32 s19, $0x4;
	s0 =	sadd.s32 $0x16E00, s0  }
0x9: {  	_ =	strace $0x80000047;
	s5 =	ssub.s32 $0x2, s4;
	p0 =	seq.s32 s4, $0x0  }
0xa: {  	s4 =	smul.u32 $0x2780, s4;
	[dreg:$0x12] =	wrdreg s0;
	s0 =	simm.s32 $0x3  }
0xb: {  	s6 =	sshrl.u32 s5, $0x1;
	s13 =	sadd.s32 $0x80, s10;
	s14 =	sadd.s32 $0x100, s10  }
0xc: {  	s15 =	sadd.s32 $0x180, s10;
	s16 =	sadd.s32 $0x200, s10;
	s12 =	ssub.s32 s5, s6  }
0xd: {  	s6 =	sadd.s32 s23, s22;
	s5 =	simm.s32 $0x4E;
	s31 =	sadd.s32 s10, s4  }
0xe: {  	s10 =	sadd.s32 s4, s13;
	s6 =	sadd.s32 $0x4F0, s6;
	s5 =	simm.s32 @!p1 $0x4D  }
0xf: {  	s21 =	sadd.s32 s4, s15;
	s6 =	smov.u32 @p0 s7;
	s5 =	simm.s32 @p0 $0x4F  }
0x10: {  	s22 =	smul.u32 $0x4F000, s19;
	s17 =	sshll.u32 s6, $0x4;
	s26 =	sadd.s32 $0xFFFFFFFF, s5  }
0x11: {  	s29 =	sadd.s32 $0xFFFFFFFE, s5;
	s30 =	sadd.s32 $0xFFFFFFFD, s5;
	s6 =	sadd.s32 s8, s17  }
0x12: {  	s7 =	sadd.s32 s9, s17;
	s18 =	sadd.s32 $0x10, s17;
	[dreg:$0x4] =	wrdreg s26  }
0x13: {  	s24 =	sadd.s32 $0x20, s17;
	s17 =	sadd.s32 $0x30, s17;
	[dreg:$0x5] =	wrdreg s29  }
0x14: {  	[dreg:$0x6] =	wrdreg s30;
	s26 =	sshll.u32 s14, $0x7;
	s20 =	sadd.s32 s8, s18  }
0x15: {  	s29 =	sshll.u32 s15, $0x7;
	s18 =	sadd.s32 s9, s18;
	[dreg:$0x7] =	wrdreg s20  }
0x16: {  	s30 =	sshll.u32 s16, $0x7;
	s25 =	sadd.s32 s8, s24;
	[dreg:$0x8] =	wrdreg s18  }
0x17: {  	s8 =	sadd.s32 s8, s17;
	[dreg:$0x9] =	wrdreg s25;
	s18 =	sadd.s32 s9, s24  }
0x18: {  	[dreg:$0xb] =	wrdreg s8;
	s9 =	sadd.s32 s9, s17;
	s17 =	sshll.u32 s10, $0x4  }
0x19: {  	s24 =	sshrl.u32 s22, $0x2;
	s25 =	sshll.u32 s13, $0x7;
	[dreg:$0xa] =	wrdreg s18  }
0x1a: {  	s13 =	sadd.s32 s29, s2;
	[dreg:$0xc] =	wrdreg s9;
	s9 =	sshll.u32 s31, $0x4  }
0x1b: {  	s18 =	sadd.s32 s4, s14;
	s4 =	sadd.s32 s4, s16;
	s31 =	smax.u32 s12, $0x1  }
0x1c: {  	s10 =	sadd.s32 s25, s2;
	s14 =	sadd.s32 s30, s2;
	[dreg:$0x14] =	wrdreg s31  }
0x1d: {  	s8 =	sadd.s32 s11, s9;
	s20 =	sshll.u32 s18, $0x4;
	[dreg:$0x13] =	wrdreg s14  }
0x1e: {  	s9 =	sshll.u32 s21, $0x4;
	[dreg:$0xd] =	wrdreg s8;
	s8 =	sadd.s32 s11, s17  }
0x1f: {  	s4 =	sshll.u32 s4, $0x4;
	s23 =	sadd.s32 s11, s9;
	[dreg:$0xe] =	wrdreg s8  }
0x20: {  	s4 =	sadd.s32 s11, s4;
	s9 =	sadd.s32 s24, s2;
	[dreg:$0x10] =	wrdreg s23  }
0x21: {  	s8 =	sadd.s32 s11, s20;
	[dreg:$0x11] =	wrdreg s4;
	s11 =	sadd.s32 s26, s2  }
0x22: {  	s26 =	simm.s32 $0x400;
	s4 =	simm.s32 $0x0;
	[dreg:$0xf] =	wrdreg s8  }
.LBB2_1:
0x23: {  	s8 =	rddreg [dreg:$0x12]  }
0x24: {  	[tilespmem:s26], [sflag:$0x7] =	stream.linear.gather [hbm4b:s8+s3], $0x4000, $0x38;
	[tilespmem:$0x1C000] =	vst v63  }
0x25: {  	_ =	swait.ge [sflag:s28], $0x4000  }
0x26: {  	[sflag:s28] =	ssyncset.done $0x0  }
0x27: {  	[sflag:s28] =	ssyncadd.s32 $0xFFFFC000  }
0x28: {  	[spmem:s9] =	stream.linear.scatter [tilespmem:s26], [sflag:$0x7], $0x4000, $0x38;
	[tilespmem:$0x1C000] =	vst v63  }
0x29: {  	_ =	swait.ge [sflag:s28], $0x4000  }
0x2a: {  	[sflag:s28] =	ssyncset.done $0x0  }
0x2b: {  	[sflag:s28] =	ssyncadd.s32 $0xFFFFC000  }
0x2c: {  	[spmem:s10] =	stream.linear.scatter [tilespmem:s26], [sflag:$0x7], $0x4000, $0x38;
	[tilespmem:$0x1C000] =	vst v63  }
0x2d: {  	_ =	swait.ge [sflag:s28], $0x4000  }
0x2e: {  	[sflag:s28] =	ssyncset.done $0x0  }
0x2f: {  	[sflag:s28] =	ssyncadd.s32 $0xFFFFC000  }
0x30: {  	[spmem:s11] =	stream.linear.scatter [tilespmem:s26], [sflag:$0x7], $0x4000, $0x38;
	[tilespmem:$0x1C000] =	vst v63  }
0x31: {  	_ =	swait.ge [sflag:s28], $0x4000  }
0x32: {  	[sflag:s28] =	ssyncset.done $0x0  }
0x33: {  	[sflag:s28] =	ssyncadd.s32 $0xFFFFC000  }
0x34: {  	[spmem:s13] =	stream.linear.scatter [tilespmem:s26], [sflag:$0x7], $0x4000, $0x38;
	[tilespmem:$0x1C000] =	vst v63  }
0x35: {  	_ =	swait.ge [sflag:s28], $0x4000  }
0x36: {  	[sflag:s28] =	ssyncset.done $0x0  }
0x37: {  	[sflag:s28] =	ssyncadd.s32 $0xFFFFC000  }
0x38: {  	[spmem:s14] =	stream.linear.scatter [tilespmem:s26], [sflag:$0x7], $0x3C00, $0x38;
	[tilespmem:$0x1C000] =	vst v63  }
0x39: {  	_ =	swait.ge [sflag:s28], $0x3C00  }
0x3a: {  	[sflag:s28] =	ssyncset.done $0x0  }
0x3b: {  	[sflag:s28] =	ssyncadd.s32 $0xFFFFC400  }
0x3c: {  	[bflag:$0x0] =	sbarrier.arrive $0xFFFF  }
0x3d: {  	[tilespmem:s3], [sflag:$0x3] =	stream.linear.gather [hbm4b:s6+s3], $0x80, $0x38;
	[tilespmem:$0x1C000] =	vst v63  }
0x3e: {  	s21 =	smov.u32 s9;
	s9 =	simm.s32 $0x80  }
0x3f: {  	[tilespmem:s9], [sflag:$0x3] =	stream.linear.gather [hbm4b:s7+s3], $0x80, $0x38;
	[tilespmem:$0x1C000] =	vst v63  }
0x40: {  	s22 =	smov.u32 s10;
	s25 =	simm.s32 $0x100;
	s20 =	rddreg [dreg:$0x7]  }
0x41: {  	[tilespmem:s25], [sflag:$0x4] =	stream.linear.gather [hbm4b:s20+s3], $0x80, $0x38;
	[tilespmem:$0x1C000] =	vst v63  }
0x42: {  	s23 =	smov.u32 s11;
	s11 =	simm.s32 $0x180;
	s10 =	rddreg [dreg:$0x8]  }
0x43: {  	[tilespmem:s11], [sflag:$0x4] =	stream.linear.gather [hbm4b:s10+s3], $0x80, $0x38;
	[tilespmem:$0x1C000] =	vst v63  }
0x44: {  	s24 =	smov.u32 s13;
	s13 =	simm.s32 $0x200;
	s12 =	rddreg [dreg:$0x9]  }
0x45: {  	[tilespmem:s13], [sflag:$0x5] =	stream.linear.gather [hbm4b:s12+s3], $0x80, $0x38;
	[tilespmem:$0x1C000] =	vst v63  }
0x46: {  	s15 =	simm.s32 $0x280;
	s14 =	rddreg [dreg:$0xa]  }
0x47: {  	[tilespmem:s15], [sflag:$0x5] =	stream.linear.gather [hbm4b:s14+s3], $0x80, $0x38;
	[tilespmem:$0x1C000] =	vst v63  }
0x48: {  	s17 =	simm.s32 $0x300;
	s16 =	rddreg [dreg:$0xb]  }
0x49: {  	[tilespmem:s17], [sflag:$0x6] =	stream.linear.gather [hbm4b:s16+s3], $0x80, $0x38;
	[tilespmem:$0x1C000] =	vst v63  }
0x4a: {  	s19 =	simm.s32 $0x380;
	s18 =	rddreg [dreg:$0xc]  }
0x4b: {  	[tilespmem:s19], [sflag:$0x6] =	stream.linear.gather [hbm4b:s18+s3], $0x80, $0x38;
	[tilespmem:$0x1C000] =	vst v63  }
0x4c: {  	_ =	swait.ge [sflag:s0], $0x80  }
0x4d: {  	[sflag:s0] =	ssyncset.done $0x0  }
0x4e: {  	[sflag:s0] =	ssyncadd.s32 $0xFFFFFF80  }
0x4f: {  	_ =	swait.ge [sflag:s0], $0x80  }
0x50: {  	[sflag:s0] =	ssyncset.done $0x0;
	s20 =	rddreg [dreg:$0x4]  }
0x51: {  	[sflag:s0] =	ssyncadd.s32 $0xFFFFFF80;
	p1 =	sle.u32 s20, $0x0  }
0x52: {  	[tilespmem:s26], [sflag:$0x1] =	stream.indirect.gather [hbm4b:s1+s9], $0x80, s3, s9, $0xb8;
	[tilespmem:$0x1C000] =	vst v63  }
0x53: {  	s8 =	simm.s32 @!p1 $0x4  }
0x54: {  	_ =	swait.ge @!p1 [sflag:s8], $0x80  }
0x55: {  	[sflag:s8] =	ssyncset.done @!p1 $0x0  }
0x56: {  	[sflag:s8] =	ssyncadd.s32 @!p1 $0xFFFFFF80  }
0x57: {  	p2 =	sle.u32 s5, $0x0;
	_ =	swait.ge @!p1 [sflag:s8], $0x80  }
0x58: {  	s10 =	simm.s32 @!p2 $0x1;
	s9 =	simm.s32 @!p1 $0x4400;
	[sflag:s8] =	ssyncset.done @!p1 $0x0  }
0x59: {  	s14 =	simm.s32 @!p1 $0x80;
	s11 =	simm.s32 @!p1 $0x100;
	[sflag:s8] =	ssyncadd.s32 @!p1 $0xFFFFFF80  }
0x5a: {  	[tilespmem:s9], [sflag:$0x2] =	stream.indirect.gather @!p1 [hbm4b:s1+s14], $0x80, s11, s14, $0xb8;
	[tilespmem:$0x1C000] =	vst v63  }
0x5b: {  	_ =	swait.ge @!p2 [sflag:s10], $0x4000  }
0x5c: {  	s12 =	simm.s32 @!p2 $0x7;
	[sflag:s10] =	ssyncset.done @!p2 $0x0  }
0x5d: {  	s8 =	simm.s32 @!p2 $0x80;
	s11 =	simm.s32 @!p2 $0x400;
	[sflag:s10] =	ssyncadd.s32 @!p2 $0xFFFFC000  }
0x5e: {  	[spmem:s2] =	stream.indirect.scatter.add.f32 @!p2 [tilespmem:s11], [sflag:$0x7], $0x80, s8, s8, $0xb8;
	[tilespmem:$0x1C000] =	vst v63  }
0x5f: {  	p0 =	sle.u32 s5, $0x4;
	_ =	swait.ge @!p2 [sflag:s12], $0x4000  }
0x60: {  	s10 =	simm.s32 @!p0 $0x0;
	s8 =	sadd.s32 @!p0 $0x0, s6;
	[sflag:s12] =	ssyncset.done @!p2 $0x0  }
0x61: {  	s8 =	sadd.s32 @!p0 $0x40, s8;
	s25 =	rddreg [dreg:$0x5];
	[sflag:s12] =	ssyncadd.s32 @!p2 $0xFFFFC000  }
0x62: {  	[tilespmem:s10], [sflag:$0x3] =	stream.linear.gather @!p0 [hbm4b:s8+s10], $0x80, $0x38;
	[tilespmem:$0x1C000] =	vst v63  }
0x63: {  	p2 =	sle.u32 s25, $0x0;
	s8 =	sadd.s32 @!p0 $0x0, s7  }
0x64: {  	s11 =	simm.s32 @!p0 $0x80;
	s13 =	simm.s32 @!p2 $0x5;
	s8 =	sadd.s32 @!p0 $0x40, s8  }
0x65: {  	[tilespmem:s11], [sflag:$0x3] =	stream.linear.gather @!p0 [hbm4b:s8+s10], $0x80, $0x38;
	[tilespmem:$0x1C000] =	vst v63  }
0x66: {  	_ =	swait.ge @!p2 [sflag:s13], $0x80  }
0x67: {  	[sflag:s13] =	ssyncset.done @!p2 $0x0  }
0x68: {  	[sflag:s13] =	ssyncadd.s32 @!p2 $0xFFFFFF80  }
0x69: {  	_ =	swait.ge @!p2 [sflag:s13], $0x80  }
0x6a: {  	s12 =	simm.s32 @!p2 $0x400;
	s15 =	simm.s32 @!p2 $0x200;
	[sflag:s13] =	ssyncset.done @!p2 $0x0  }
0x6b: {  	s8 =	simm.s32 @!p1 $0x2;
	[sflag:s13] =	ssyncadd.s32 @!p2 $0xFFFFFF80;
	s13 =	simm.s32 @!p2 $0x80  }
0x6c: {  	[tilespmem:s12], [sflag:$0x1] =	stream.indirect.gather @!p2 [hbm4b:s1+s13], $0x80, s15, s13, $0xb8;
	[tilespmem:$0x1C000] =	vst v63  }
0x6d: {  	_ =	swait.ge @!p1 [sflag:s8], $0x4000  }
0x6e: {  	[sflag:s8] =	ssyncset.done @!p1 $0x0  }
0x6f: {  	p4 =	sle.u32 s5, $0x5;
	[sflag:s8] =	ssyncadd.s32 @!p1 $0xFFFFC000;
	s8 =	simm.s32 @!p1 $0x180  }
0x70: {  	[spmem:s2] =	stream.indirect.scatter.add.f32 @!p1 [tilespmem:s9], [sflag:$0x7], $0x80, s8, s14, $0xb8;
	[tilespmem:$0x1C000] =	vst v63  }
0x71: {  	s15 =	simm.s32 @!p1 $0x7;
	s8 =	simm.s32 @!p4 $0x0  }
0x72: {  	s9 =	simm.s32 @!p4 $0x100;
	s14 =	sadd.s32 @!p4 $0x0, s6;
	_ =	swait.ge @!p1 [sflag:s15], $0x4000  }
0x73: {  	s14 =	sadd.s32 @!p4 $0x50, s14;
	[sflag:s15] =	ssyncset.done @!p1 $0x0;
	s16 =	rddreg [dreg:$0x6]  }
0x74: {  	[sflag:s15] =	ssyncadd.s32 @!p1 $0xFFFFC000;
	s15 =	sadd.s32 @!p4 $0x0, s7;
	p3 =	sle.u32 s16, $0x0  }
0x75: {  	[tilespmem:s9], [sflag:$0x4] =	stream.linear.gather @!p4 [hbm4b:s14+s8], $0x80, $0x38;
	[tilespmem:$0x1C000] =	vst v63  }
0x76: {  	s9 =	sadd.s32 @!p4 $0x50, s15;
	s14 =	simm.s32 @!p4 $0x180;
	s17 =	simm.s32 @!p3 $0x6  }
0x77: {  	[tilespmem:s14], [sflag:$0x4] =	stream.linear.gather @!p4 [hbm4b:s9+s8], $0x80, $0x38;
	[tilespmem:$0x1C000] =	vst v63  }
0x78: {  	s31 =	simm.s32 $0x0;
	s30 =	simm.s32 $0x0;
	_ =	swait.ge @!p3 [sflag:s17], $0x80  }
0x79: {  	s25 =	simm.s32 @!p2 $0x1;
	s29 =	simm.s32 @!p3 $0x300;
	[sflag:s17] =	ssyncset.done @!p3 $0x0  }
0x7a: {  	s8 =	simm.s32 $0x40;
	p4 =	sle.u32 s5, $0x6;
	[sflag:s17] =	ssyncadd.s32 @!p3 $0xFFFFFF80  }
0x7b: {  	s15 =	sadd.s32 @!p4 $0x0, s7;
	s16 =	sadd.s32 @!p4 $0x0, s6;
	_ =	swait.ge @!p3 [sflag:s17], $0x80  }
0x7c: {  	s19 =	sadd.s32 @!p4 $0x60, s16;
	s18 =	sadd.s32 @!p4 $0x60, s15;
	[sflag:s17] =	ssyncset.done @!p3 $0x0  }
0x7d: {  	s15 =	simm.s32 @!p3 $0x4400;
	s16 =	simm.s32 @!p3 $0x80;
	[sflag:s17] =	ssyncadd.s32 @!p3 $0xFFFFFF80  }
0x7e: {  	[tilespmem:s15], [sflag:$0x2] =	stream.indirect.gather @!p3 [hbm4b:s1+s16], $0x80, s29, s16, $0xb8;
	[tilespmem:$0x1C000] =	vst v63  }
0x7f: {  	s9 =	simm.s32 $0x4;
	s14 =	simm.s32 @!p2 $0x280;
	_ =	swait.ge @!p2 [sflag:s25], $0x4000  }
0x80: {  	s17 =	simm.s32 @!p0 $0x3;
	s29 =	simm.s32 @!p4 $0x280;
	[sflag:s25] =	ssyncset.done @!p2 $0x0  }
.LBB2_2:
0x81: {  	[sflag:s25] =	ssyncadd.s32 @!p2 $0xFFFFC000;
	s25 =	simm.s32 @!p2 $0x7  }
0x82: {  	[spmem:s2] =	stream.indirect.scatter.add.f32 @!p2 [tilespmem:s12], [sflag:$0x7], $0x80, s14, s13, $0xb8;
	[tilespmem:$0x1C000] =	vst v63  }
0x83: {  	_ =	swait.ge @!p2 [sflag:s25], $0x4000  }
0x84: {  	[sflag:s25] =	ssyncset.done @!p2 $0x0  }
0x85: {  	s12 =	simm.s32 @!p4 $0x0;
	s13 =	simm.s32 @!p4 $0x200;
	[sflag:s25] =	ssyncadd.s32 @!p2 $0xFFFFC000  }
0x86: {  	[tilespmem:s13], [sflag:$0x5] =	stream.linear.gather @!p4 [hbm4b:s19+s12], $0x80, $0x38;
	[tilespmem:$0x1C000] =	vst v63  }
0x87: {  	_ = 	snop  }
0x88: {  	[tilespmem:s29], [sflag:$0x5] =	stream.linear.gather @!p4 [hbm4b:s18+s12], $0x80, $0x38;
	[tilespmem:$0x1C000] =	vst v63  }
0x89: {  	_ =	swait.ge @!p0 [sflag:s17], $0x80  }
0x8a: {  	[sflag:s17] =	ssyncset.done @!p0 $0x0  }
0x8b: {  	[sflag:s17] =	ssyncadd.s32 @!p0 $0xFFFFFF80  }
0x8c: {  	s14 =	sadd.s32 $0x7, s31;
	_ =	swait.ge @!p0 [sflag:s17], $0x80  }
0x8d: {  	p2 =	sge.u32 s14, s5;
	[sflag:s17] =	ssyncset.done @!p0 $0x0  }
0x8e: {  	s14 =	simm.s32 @!p0 $0x400;
	[sflag:s17] =	ssyncadd.s32 @!p0 $0xFFFFFF80;
	s17 =	simm.s32 @!p3 $0x2  }
0x8f: {  	[tilespmem:s14], [sflag:$0x1] =	stream.indirect.gather @!p0 [hbm4b:s1+s11], $0x80, s10, s11, $0xb8;
	[tilespmem:$0x1C000] =	vst v63  }
0x90: {  	_ =	swait.ge @!p3 [sflag:s17], $0x4000  }
0x91: {  	s13 =	sadd.s32 @!p2 s30, s6;
	[sflag:s17] =	ssyncset.done @!p3 $0x0  }
0x92: {  	s10 =	simm.s32 @!p3 $0x380;
	s11 =	simm.s32 @!p3 $0x7;
	[sflag:s17] =	ssyncadd.s32 @!p3 $0xFFFFC000  }
0x93: {  	[spmem:s2] =	stream.indirect.scatter.add.f32 @!p3 [tilespmem:s15], [sflag:$0x7], $0x80, s10, s16, $0xb8;
	[tilespmem:$0x1C000] =	vst v63  }
0x94: {  	s13 =	sadd.s32 @!p2 $0x70, s13;
	s12 =	sadd.s32 @!p2 s30, s7;
	_ =	swait.ge @!p3 [sflag:s11], $0x4000  }
0x95: {  	s14 =	simm.s32 @!p2 $0x300;
	s18 =	rddreg [dreg:$0x4];
	[sflag:s11] =	ssyncset.done @!p3 $0x0  }
0x96: {  	s10 =	simm.s32 @!p2 $0x0;
	[sflag:s11] =	ssyncadd.s32 @!p3 $0xFFFFC000;
	p3 =	sge.u32 s9, s18  }
0x97: {  	[tilespmem:s14], [sflag:$0x6] =	stream.linear.gather @!p2 [hbm4b:s13+s10], $0x80, $0x38;
	[tilespmem:$0x1C000] =	vst v63  }
0x98: {  	s12 =	sadd.s32 @!p2 $0x70, s12;
	s11 =	simm.s32 @!p2 $0x380;
	s13 =	simm.s32 @!p3 $0x4  }
0x99: {  	[tilespmem:s11], [sflag:$0x6] =	stream.linear.gather @!p2 [hbm4b:s12+s10], $0x80, $0x38;
	[tilespmem:$0x1C000] =	vst v63  }
0x9a: {  	_ =	swait.ge @!p3 [sflag:s13], $0x80  }
0x9b: {  	[sflag:s13] =	ssyncset.done @!p3 $0x0  }
0x9c: {  	s20 =	smov.u32 s8;
	[sflag:s13] =	ssyncadd.s32 @!p3 $0xFFFFFF80  }
0x9d: {  	s31 =	smov.u32 s9;
	p4 =	sge.u32 s9, s5;
	_ =	swait.ge @!p3 [sflag:s13], $0x80  }
0x9e: {  	s15 =	simm.s32 @!p3 $0x4400;
	s16 =	simm.s32 @!p3 $0x80;
	[sflag:s13] =	ssyncset.done @!p3 $0x0  }
0x9f: {  	s10 =	simm.s32 @!p4 $0x1;
	s11 =	simm.s32 @!p3 $0x100;
	[sflag:s13] =	ssyncadd.s32 @!p3 $0xFFFFFF80  }
0xa0: {  	[tilespmem:s15], [sflag:$0x2] =	stream.indirect.gather @!p3 [hbm4b:s1+s16], $0x80, s11, s16, $0xb8;
	[tilespmem:$0x1C000] =	vst v63  }
0xa1: {  	s30 =	smov.u32 s20;
	s9 =	sadd.s32 $0x4, s9;
	_ =	swait.ge @!p4 [sflag:s10], $0x4000  }
0xa2: {  	p0 =	sge.u32 s9, s5;
	s12 =	simm.s32 @!p4 $0x80;
	[sflag:s10] =	ssyncset.done @!p4 $0x0  }
0xa3: {  	s13 =	simm.s32 @!p4 $0x400;
	s11 =	simm.s32 @!p4 $0x7;
	[sflag:s10] =	ssyncadd.s32 @!p4 $0xFFFFC000  }
0xa4: {  	[spmem:s2] =	stream.indirect.scatter.add.f32 @!p4 [tilespmem:s13], [sflag:$0x7], $0x80, s12, s12, $0xb8;
	[tilespmem:$0x1C000] =	vst v63  }
0xa5: {  	s14 =	sadd.s32 @!p0 s30, s6;
	s17 =	sadd.s32 @!p0 s30, s7;
	_ =	swait.ge @!p4 [sflag:s11], $0x4000  }
0xa6: {  	s14 =	sadd.s32 @!p0 $0x40, s14;
	[sflag:s11] =	ssyncset.done @!p4 $0x0;
	s19 =	rddreg [dreg:$0x5]  }
0xa7: {  	s10 =	simm.s32 @!p0 $0x0;
	[sflag:s11] =	ssyncadd.s32 @!p4 $0xFFFFC000;
	p2 =	sge.u32 s31, s19  }
0xa8: {  	[tilespmem:s10], [sflag:$0x3] =	stream.linear.gather @!p0 [hbm4b:s14+s10], $0x80, $0x38;
	[tilespmem:$0x1C000] =	vst v63  }
0xa9: {  	s17 =	sadd.s32 @!p0 $0x40, s17;
	s11 =	simm.s32 @!p0 $0x80;
	s13 =	simm.s32 @!p2 $0x5  }
0xaa: {  	[tilespmem:s11], [sflag:$0x3] =	stream.linear.gather @!p0 [hbm4b:s17+s10], $0x80, $0x38;
	[tilespmem:$0x1C000] =	vst v63  }
0xab: {  	_ =	swait.ge @!p2 [sflag:s13], $0x80  }
0xac: {  	[sflag:s13] =	ssyncset.done @!p2 $0x0  }
0xad: {  	[sflag:s13] =	ssyncadd.s32 @!p2 $0xFFFFFF80  }
0xae: {  	_ =	swait.ge @!p2 [sflag:s13], $0x80  }
0xaf: {  	s12 =	simm.s32 @!p2 $0x400;
	s18 =	simm.s32 @!p2 $0x200;
	[sflag:s13] =	ssyncset.done @!p2 $0x0  }
0xb0: {  	s17 =	simm.s32 @!p3 $0x2;
	[sflag:s13] =	ssyncadd.s32 @!p2 $0xFFFFFF80;
	s13 =	simm.s32 @!p2 $0x80  }
0xb1: {  	[tilespmem:s12], [sflag:$0x1] =	stream.indirect.gather @!p2 [hbm4b:s1+s13], $0x80, s18, s13, $0xb8;
	[tilespmem:$0x1C000] =	vst v63  }
0xb2: {  	s25 =	sadd.s32 $0x5, s31;
	_ =	swait.ge @!p3 [sflag:s17], $0x4000  }
0xb3: {  	p5 =	sge.u32 s25, s5;
	[sflag:s17] =	ssyncset.done @!p3 $0x0  }
0xb4: {  	s18 =	simm.s32 @!p3 $0x7;
	[sflag:s17] =	ssyncadd.s32 @!p3 $0xFFFFC000;
	s17 =	simm.s32 @!p3 $0x180  }
0xb5: {  	[spmem:s2] =	stream.indirect.scatter.add.f32 @!p3 [tilespmem:s15], [sflag:$0x7], $0x80, s17, s16, $0xb8;
	[tilespmem:$0x1C000] =	vst v63  }
0xb6: {  	s15 =	simm.s32 @!p5 $0x0;
	s17 =	sadd.s32 @!p5 s30, s6;
	_ =	swait.ge @!p3 [sflag:s18], $0x4000  }
0xb7: {  	s16 =	simm.s32 @!p5 $0x100;
	s17 =	sadd.s32 @!p5 $0x50, s17;
	[sflag:s18] =	ssyncset.done @!p3 $0x0  }
0xb8: {  	s25 =	rddreg [dreg:$0x6];
	[sflag:s18] =	ssyncadd.s32 @!p3 $0xFFFFC000;
	s18 =	sadd.s32 @!p5 s30, s7  }
0xb9: {  	[tilespmem:s16], [sflag:$0x4] =	stream.linear.gather @!p5 [hbm4b:s17+s15], $0x80, $0x38;
	[tilespmem:$0x1C000] =	vst v63  }
0xba: {  	p3 =	sge.u32 s31, s25;
	s16 =	sadd.s32 @!p5 $0x50, s18;
	s17 =	simm.s32 @!p5 $0x180  }
0xbb: {  	[tilespmem:s17], [sflag:$0x4] =	stream.linear.gather @!p5 [hbm4b:s16+s15], $0x80, $0x38;
	[tilespmem:$0x1C000] =	vst v63  }
0xbc: {  	s8 =	sadd.s32 $0x40, s8;
	s17 =	simm.s32 @!p3 $0x6  }
0xbd: {  	p1 =	sne.s32 s8, $0x500;
	s20 =	sadd.s32 $0x6, s31;
	_ =	swait.ge @!p3 [sflag:s17], $0x80  }
0xbe: {  	p4 =	sge.u32 s20, s5;
	s25 =	simm.s32 @!p2 $0x1;
	[sflag:s17] =	ssyncset.done @!p3 $0x0  }
0xbf: {  	s20 =	simm.s32 @!p3 $0x300;
	s16 =	sadd.s32 @!p4 s30, s6;
	[sflag:s17] =	ssyncadd.s32 @!p3 $0xFFFFFF80  }
0xc0: {  	s15 =	sadd.s32 @!p4 s30, s7;
	s19 =	sadd.s32 @!p4 $0x60, s16;
	_ =	swait.ge @!p3 [sflag:s17], $0x80  }
.Ltmp0:
0xc1: {  	s18 =	sadd.s32 @!p4 $0x60, s15;
	[sflag:s17] =	ssyncset.done @!p3 $0x0;
	(pc) =	sbr.rel @p1 .LBB2_2-.Ltmp0, $4  }
0xc2: {  	s15 =	simm.s32 @!p3 $0x4400;
	s16 =	simm.s32 @!p3 $0x80;
	[sflag:s17] =	ssyncadd.s32 @!p3 $0xFFFFFF80  }
0xc3: {  	[tilespmem:s15], [sflag:$0x2] =	stream.indirect.gather @!p3 [hbm4b:s1+s16], $0x80, s20, s16, $0xb8;
	[tilespmem:$0x1C000] =	vst v63  }
0xc4: {  	s14 =	simm.s32 @!p2 $0x280;
	_ =	swait.ge @!p2 [sflag:s25], $0x4000  }
0xc5: {  	s29 =	simm.s32 @!p4 $0x280;
	s17 =	simm.s32 @!p0 $0x3;
	[sflag:s25] =	ssyncset.done @!p2 $0x0  }
0xc6: {  	[sflag:s25] =	ssyncadd.s32 @!p2 $0xFFFFC000;
	s8 =	simm.s32 @!p2 $0x7  }
0xc7: {  	[spmem:s2] =	stream.indirect.scatter.add.f32 @!p2 [tilespmem:s12], [sflag:$0x7], $0x80, s14, s13, $0xb8;
	[tilespmem:$0x1C000] =	vst v63  }
0xc8: {  	_ =	swait.ge @!p2 [sflag:s8], $0x4000  }
0xc9: {  	[sflag:s8] =	ssyncset.done @!p2 $0x0  }
0xca: {  	s9 =	simm.s32 @!p4 $0x200;
	[sflag:s8] =	ssyncadd.s32 @!p2 $0xFFFFC000;
	s8 =	simm.s32 @!p4 $0x0  }
0xcb: {  	[tilespmem:s9], [sflag:$0x5] =	stream.linear.gather @!p4 [hbm4b:s19+s8], $0x80, $0x38;
	[tilespmem:$0x1C000] =	vst v63  }
0xcc: {  	_ = 	snop  }
0xcd: {  	[tilespmem:s29], [sflag:$0x5] =	stream.linear.gather @!p4 [hbm4b:s18+s8], $0x80, $0x38;
	[tilespmem:$0x1C000] =	vst v63  }
0xce: {  	_ =	swait.ge @!p0 [sflag:s17], $0x80  }
0xcf: {  	[sflag:s17] =	ssyncset.done @!p0 $0x0  }
0xd0: {  	[sflag:s17] =	ssyncadd.s32 @!p0 $0xFFFFFF80  }
0xd1: {  	_ =	swait.ge @!p0 [sflag:s17], $0x80  }
0xd2: {  	[sflag:s17] =	ssyncset.done @!p0 $0x0  }
0xd3: {  	s8 =	simm.s32 @!p0 $0x400;
	[sflag:s17] =	ssyncadd.s32 @!p0 $0xFFFFFF80  }
0xd4: {  	[tilespmem:s8], [sflag:$0x1] =	stream.indirect.gather @!p0 [hbm4b:s1+s11], $0x80, s10, s11, $0xb8;
	[tilespmem:$0x1C000] =	vst v63  }
0xd5: {  	s8 =	simm.s32 @!p3 $0x2  }
0xd6: {  	_ =	swait.ge @!p3 [sflag:s8], $0x4000  }
0xd7: {  	[sflag:s8] =	ssyncset.done @!p3 $0x0  }
0xd8: {  	[sflag:s8] =	ssyncadd.s32 @!p3 $0xFFFFC000;
	s8 =	simm.s32 @!p3 $0x380  }
0xd9: {  	[spmem:s2] =	stream.indirect.scatter.add.f32 @!p3 [tilespmem:s15], [sflag:$0x7], $0x80, s8, s16, $0xb8;
	[tilespmem:$0x1C000] =	vst v63  }
0xda: {  	s20 =	sadd.s32 $0x7, s31;
	s8 =	simm.s32 @!p3 $0x7  }
0xdb: {  	p0 =	sge.u32 s20, s5;
	_ =	swait.ge @!p3 [sflag:s8], $0x4000  }
0xdc: {  	s9 =	sadd.s32 @!p0 s30, s6;
	s10 =	simm.s32 @!p0 $0x0;
	[sflag:s8] =	ssyncset.done @!p3 $0x0  }
0xdd: {  	s9 =	sadd.s32 @!p0 $0x70, s9;
	[sflag:s8] =	ssyncadd.s32 @!p3 $0xFFFFC000;
	s8 =	simm.s32 @!p0 $0x300  }
0xde: {  	[tilespmem:s8], [sflag:$0x6] =	stream.linear.gather @!p0 [hbm4b:s9+s10], $0x80, $0x38;
	[tilespmem:$0x1C000] =	vst v63  }
0xdf: {  	s8 =	sadd.s32 @!p0 s30, s7  }
0xe0: {  	s9 =	simm.s32 @!p0 $0x380;
	s8 =	sadd.s32 @!p0 $0x70, s8  }
0xe1: {  	[tilespmem:s9], [sflag:$0x6] =	stream.linear.gather @!p0 [hbm4b:s8+s10], $0x80, $0x38;
	[tilespmem:$0x1C000] =	vst v63  }
0xe2: {  	[bflag:$0x0] =	sbarrier.arrive $0xFFFF  }
0xe3: {  	[tilespmem:s26], [sflag:$0x7] =	stream.linear.gather [spmem:s21], $0x4000, $0x38;
	[tilespmem:$0x1C000] =	vst v63  }
0xe4: {  	_ =	swait.ge [sflag:s28], $0x4000  }
0xe5: {  	[sflag:s28] =	ssyncset.done $0x0  }
0xe6: {  	s9 =	smov.u32 s21;
	s21 =	rddreg [dreg:$0xd];
	[sflag:s28] =	ssyncadd.s32 $0xFFFFC000  }
0xe7: {  	[hbm4b:s21+s3] =	stream.linear.scatter [tilespmem:s26], [sflag:$0x7], $0x4000, $0x38;
	[tilespmem:$0x1C000] =	vst v63  }
0xe8: {  	_ =	swait.ge [sflag:s28], $0x4000  }
0xe9: {  	[sflag:s28] =	ssyncset.done $0x0  }
0xea: {  	[sflag:s28] =	ssyncadd.s32 $0xFFFFC000  }
0xeb: {  	[tilespmem:s26], [sflag:$0x7] =	stream.linear.gather [spmem:s22], $0x4000, $0x38;
	[tilespmem:$0x1C000] =	vst v63  }
0xec: {  	_ =	swait.ge [sflag:s28], $0x4000  }
0xed: {  	[sflag:s28] =	ssyncset.done $0x0  }
0xee: {  	s10 =	smov.u32 s22;
	s22 =	rddreg [dreg:$0xe];
	[sflag:s28] =	ssyncadd.s32 $0xFFFFC000  }
0xef: {  	[hbm4b:s22+s3] =	stream.linear.scatter [tilespmem:s26], [sflag:$0x7], $0x4000, $0x38;
	[tilespmem:$0x1C000] =	vst v63  }
0xf0: {  	_ =	swait.ge [sflag:s28], $0x4000  }
0xf1: {  	[sflag:s28] =	ssyncset.done $0x0  }
0xf2: {  	[sflag:s28] =	ssyncadd.s32 $0xFFFFC000  }
0xf3: {  	[tilespmem:s26], [sflag:$0x7] =	stream.linear.gather [spmem:s23], $0x4000, $0x38;
	[tilespmem:$0x1C000] =	vst v63  }
0xf4: {  	_ =	swait.ge [sflag:s28], $0x4000  }
0xf5: {  	[sflag:s28] =	ssyncset.done $0x0  }
0xf6: {  	s25 =	rddreg [dreg:$0xf];
	[sflag:s28] =	ssyncadd.s32 $0xFFFFC000  }
0xf7: {  	[hbm4b:s25+s3] =	stream.linear.scatter [tilespmem:s26], [sflag:$0x7], $0x4000, $0x38;
	[tilespmem:$0x1C000] =	vst v63  }
0xf8: {  	_ =	swait.ge [sflag:s28], $0x4000  }
0xf9: {  	[sflag:s28] =	ssyncset.done $0x0  }
0xfa: {  	[sflag:s28] =	ssyncadd.s32 $0xFFFFC000  }
0xfb: {  	[tilespmem:s26], [sflag:$0x7] =	stream.linear.gather [spmem:s24], $0x4000, $0x38;
	[tilespmem:$0x1C000] =	vst v63  }
0xfc: {  	_ =	swait.ge [sflag:s28], $0x4000  }
0xfd: {  	[sflag:s28] =	ssyncset.done $0x0  }
0xfe: {  	s29 =	rddreg [dreg:$0x10];
	[sflag:s28] =	ssyncadd.s32 $0xFFFFC000  }
0xff: {  	[hbm4b:s29+s3] =	stream.linear.scatter [tilespmem:s26], [sflag:$0x7], $0x4000, $0x38;
	[tilespmem:$0x1C000] =	vst v63  }
0x100: {  	_ =	swait.ge [sflag:s28], $0x4000  }
0x101: {  	[sflag:s28] =	ssyncset.done $0x0  }
0x102: {  	s14 =	rddreg [dreg:$0x13];
	[sflag:s28] =	ssyncadd.s32 $0xFFFFC000  }
0x103: {  	[tilespmem:s26], [sflag:$0x7] =	stream.linear.gather [spmem:s14], $0x3C00, $0x38;
	[tilespmem:$0x1C000] =	vst v63  }
0x104: {  	_ =	swait.ge [sflag:s28], $0x3C00  }
0x105: {  	[sflag:s28] =	ssyncset.done $0x0  }
0x106: {  	s30 =	rddreg [dreg:$0x11];
	[sflag:s28] =	ssyncadd.s32 $0xFFFFC400  }
0x107: {  	[hbm4b:s30+s3] =	stream.linear.scatter [tilespmem:s26], [sflag:$0x7], $0x3C00, $0x38;
	[tilespmem:$0x1C000] =	vst v63  }
0x108: {  	_ =	swait.ge [sflag:s28], $0x3C00  }
0x109: {  	s4 =	sadd.s32 $0x1, s4;
	s31 =	rddreg [dreg:$0x14]  }
0x10a: {  	p0 =	sne.s32 s4, s31  }
.Ltmp1:
0x10b: {  	_ = 	snop;
	(pc) =	sbr.rel @p0 .LBB2_1-.Ltmp1, $3  }
0x10c: {  	_ =	sdelay $0x1  }
0x10d: {  	[sflag:s28] =	ssyncset.done $0x0  }
0x10e: {  	s13 =	smov.u32 s24;
	s11 =	smov.u32 s23;
	[sflag:s28] =	ssyncadd.s32 $0xFFFFC400  }
0x10f: {  	_ =	sfence.sel $0x180000  }
0x110: {  	[bflag:$0x0] =	sbarrier.arrive $0xFFFF  }
0x111: {  	_ =	strace $0x90000047  }
0x112: {  	s0 =	stileid.u32;
	[bflag:$0x2] =	sbarrier.arrive $0xFFFF  }
0x113: {  	p0 =	sne.s32 s0, $0x0;
	s0 =	rddreg [dreg:$0x3]  }
0x114: {  	s0 =	sadd.s32 @!p0 $0x100000, s0  }
0x115: {  	[sflag:s0] =	ssyncadd.tile.s32 @!p0 $0x1;
	_ =	shalt  }
.Lfunc_end2:
_tile_overlayer_lowered:
.L_overlay_start_2:
0x116: {  	(tag) =	ssettag $0x2  }
0x117: {  	s0 =	rddreg [dreg:$0x0];
	s2 =	stileid.u32  }
0x118: {  	s1 =	rddreg [dreg:$0x1];
	p0 =	sne.s32 s2, $0x0  }
0x119: {  	s3 =	rddreg [dreg:$0x2];
	[bflag:$0x3] =	sbarrier.arrive $0xFFFF;
	s2 =	simm.s32 @!p0 $0x1C07  }
0x11a: {  	[timem:s3], [sflag:s2] =	dma.local @!p0 [hbm:s0], s1  }
0x11b: {  	s0 =	simm.s32 @!p0 $0x7  }
0x11c: {  	_ =	swait.ge @!p0 [sflag:s0], s1  }
0x11d: {  	s1 =	ssub.s32 @!p0 $0x0, s1;
	[sflag:s0] =	ssyncset.done @!p0 $0x0  }
0x11e: {  	[sflag:s0] =	ssyncadd.s32 @!p0 s1  }
0x11f: {  	[bflag:$0x3] =	sbarrier.arrive $0xFFFF  }
0x120: {  	_ =	shalt  }

// kernel: kernel.13.cloned.1.call-start
scs
__scs_entry_jumppad:
0x0: {  	(pc) =	sbr.rel $0x88, $3  }
0x1: {  	(tag) =	ssettag $0x0;
	lr =	simm.s32 $0x1  }
0x2: {  	[smem:$0x3F95] =	sst lr;
	_ =	strace $0xD0000000  }
0x3: {  	_ = 	snop  }
0x4: {  	_ = 	snop  }
0x5: {  	_ = 	snop  }
0x6: {  	_ = 	snop  }
0x7: {  	_ = 	snop  }
__scs_overlays_trampoline_lowered:
0x8: {  	[smem:$0x3FA4] =	sst s0  }
0x9: {  	[smem:$0x3FA5] =	sst s1  }
0xa: {  	[smem:$0x3FA6] =	sst s2  }
0xb: {  	[smem:$0x3FA7] =	sst s3  }
0xc: {  	[smem:$0x3FA8] =	sst s4  }
0xd: {  	[smem:$0x3FA9] =	sst s5  }
0xe: {  	[smem:$0x3FAA] =	sst s6  }
0xf: {  	[smem:$0x3FAB] =	sst s7  }
0x10: {  	[smem:$0x3FAC] =	sst s8  }
0x11: {  	[smem:$0x3FAD] =	sst s9;
	s0 =	simm.s32 @!p0 $0x0  }
0x12: {  	s1 =	sld [smem:$0x3F93];
	s0 =	simm.s32 @p0 $0x1  }
0x13: {  	[smem:$0x3FAE] =	sst s0;
	s0 =	simm.s32 @!p1 $0x0  }
0x14: {  	s2 =	sld [smem:$0x3F92];
	s0 =	simm.s32 @p1 $0x1  }
0x15: {  	[smem:$0x3FAF] =	sst s0;
	s0 =	simm.s32 @!p2 $0x0  }
0x16: {  	s3 =	sld [smem:$0x3FDB];
	s0 =	simm.s32 @p2 $0x1  }
0x17: {  	s4 =	simm.s32 $0x1BF5;
	[smem:$0x3FB1] =	sst s0  }
0x18: {  	s0 =	sld [smem:$0x3F94];
	_ =	swait.ge [sflag:s4], $0x0  }
0x19: {  	s7 =	sld [smem:$0x3F95]  }
0x1a: {  	s8 =	sadd.s32 $0xFFFFE003, lr  }
0x1b: {  	s9 =	sadd.s32 $0xFFFFFEF7, lr;
	s5 =	simm.s32 $0xFFFFFFFF;
	p2 =	slt.u32 s8, $0xFFFFF086  }
0x1c: {  	p1 =	slt.u32 s9, $0xF7A;
	s5 =	simm.s32 @!p2 $0x0  }
0x1d: {  	s5 =	simm.s32 @p1 $0x1;
	p0 =	seq.s32 s7, s2  }
0x1e: {  	s7 =	smul.u32 @!p0 $0xF7A, s2;
	p2 =	seq.s32 @!p0 s5, $0x0  }
0x1f: {  	s9 =	smul.u32 $0xF7A, s1;
	s8 =	simm.s32 @!p0 $0x1BF5;
	p2 =	por !p2, p0  }
0x20: {  	[sflag:s8] =	ssyncset.s32 @!p0 $0xFFFFF086;
	s6 =	sadd.s32 @!p0 s3, s7;
	s7 =	simm.s32 @!p0 $0x108  }
0x21: {  	s3 =	sadd.s32 s3, s9;
	s6 =	sadd.s32 @!p0 $0x88, s6;
	s7 =	simm.s32 @p2 $0x1082  }
0x22: {  	[simem:s7], [sflag:s8] =	dma.local @!p0 [hbm:s6], $0xF7A  }
0x23: {  	s9 =	sor.u32 $0xD0000000, s2;
	s6 =	simm.s32 $0x108;
	_ =	swait.ge @!p0 [sflag:s8], $0x0  }
0x24: {  	s3 =	sadd.s32 $0x88, s3;
	s6 =	simm.s32 @!p1 $0x1082;
	[sflag:s4] =	ssyncset.s32 $0xFFFFF086  }
0x25: {  	[simem:s6], [sflag:s4] =	dma.local [hbm:s3], $0xF7A  }
0x26: {  	[smem:$0x3F95] =	sst s1;
	(tag) =	ssettag s2;
	_ =	strace s9  }
0x27: {  	s1 =	sld [smem:$0x3FA5]  }
0x28: {  	s2 =	sld [smem:$0x3FA6]  }
0x29: {  	s4 =	sld [smem:$0x3FA8]  }
0x2a: {  	p0 =	seq.s32 s5, $0x0;
	s5 =	sld [smem:$0x3FA9]  }
0x2b: {  	s6 =	sld [smem:$0x3FAA]  }
0x2c: {  	s7 =	sld [smem:$0x3FAB]  }
0x2d: {  	s3 =	simm.s32 $0x108;
	s8 =	sld [smem:$0x3FAC]  }
0x2e: {  	s3 =	simm.s32 @!p0 $0x1082;
	s9 =	sld [smem:$0x3FAD]  }
0x2f: {  	lr =	sadd.s32 s0, s3;
	s0 =	sld [smem:$0x3FA4]  }
0x30: {  	s3 =	sld [smem:$0x3FA7]  }
0x31: {  	[smem:$0x3FB0] =	sst s10  }
0x32: {  	s10 =	sld [smem:$0x3FAE];
	_ =	sdelay $0x3  }
0x33: {  	p0 =	seq.s32 s10, $0x1;
	s10 =	sld [smem:$0x3FB0];
	_ =	sdelay $0x3  }
0x34: {  	[smem:$0x3FB0] =	sst s10  }
0x35: {  	s10 =	sld [smem:$0x3FAF];
	_ =	sdelay $0x3  }
0x36: {  	p1 =	seq.s32 s10, $0x1;
	s10 =	sld [smem:$0x3FB0];
	_ =	sdelay $0x3  }
0x37: {  	[smem:$0x3FB0] =	sst s10  }
0x38: {  	s10 =	sld [smem:$0x3FB1]  }
0x39: {  	_ = 	snop;
	(pc) =	sbr.ind lr, $3  }
0x3a: {  	_ = 	snop  }
0x3b: {  	_ = 	snop  }
0x3c: {  	p2 =	seq.s32 s10, $0x1;
	s10 =	sld [smem:$0x3FB0]  }
0x3d: {  	_ =	shalt  }
0x3e: {  	_ =	shalt  }
0x3f: {  	_ =	shalt  }
0x40: {  	_ =	shalt  }
0x41: {  	_ =	shalt  }
0x42: {  	_ =	shalt  }
0x43: {  	_ =	shalt  }
0x44: {  	_ =	shalt  }
0x45: {  	_ =	shalt  }
0x46: {  	_ =	shalt  }
0x47: {  	_ =	shalt  }
0x48: {  	_ =	shalt  }
0x49: {  	_ =	shalt  }
0x4a: {  	_ =	shalt  }
0x4b: {  	_ =	shalt  }
0x4c: {  	_ =	shalt  }
0x4d: {  	_ =	shalt  }
0x4e: {  	_ =	shalt  }
0x4f: {  	_ =	shalt  }
0x50: {  	_ =	shalt  }
0x51: {  	_ =	shalt  }
0x52: {  	_ =	shalt  }
0x53: {  	_ =	shalt  }
0x54: {  	_ =	shalt  }
0x55: {  	_ =	shalt  }
0x56: {  	_ =	shalt  }
0x57: {  	_ =	shalt  }
0x58: {  	_ =	shalt  }
0x59: {  	_ =	shalt  }
0x5a: {  	_ =	shalt  }
0x5b: {  	_ =	shalt  }
0x5c: {  	_ =	shalt  }
0x5d: {  	_ =	shalt  }
0x5e: {  	_ =	shalt  }
0x5f: {  	_ =	shalt  }
0x60: {  	_ =	shalt  }
0x61: {  	_ =	shalt  }
0x62: {  	_ =	shalt  }
0x63: {  	_ =	shalt  }
0x64: {  	_ =	shalt  }
0x65: {  	_ =	shalt  }
0x66: {  	_ =	shalt  }
0x67: {  	_ =	shalt  }
0x68: {  	_ =	shalt  }
0x69: {  	_ =	shalt  }
0x6a: {  	_ =	shalt  }
0x6b: {  	_ =	shalt  }
0x6c: {  	_ =	shalt  }
0x6d: {  	_ =	shalt  }
0x6e: {  	_ =	shalt  }
0x6f: {  	_ =	shalt  }
0x70: {  	_ =	shalt  }
0x71: {  	_ =	shalt  }
0x72: {  	_ =	shalt  }
0x73: {  	_ =	shalt  }
0x74: {  	_ =	shalt  }
0x75: {  	_ =	shalt  }
0x76: {  	_ =	shalt  }
0x77: {  	_ =	shalt  }
0x78: {  	_ =	shalt  }
0x79: {  	_ =	shalt  }
0x7a: {  	_ =	shalt  }
0x7b: {  	_ =	shalt  }
0x7c: {  	_ =	shalt  }
0x7d: {  	_ =	shalt  }
0x7e: {  	_ =	shalt  }
0x7f: {  	_ =	shalt  }
0x80: {  	_ =	shalt  }
0x81: {  	_ =	shalt  }
0x82: {  	_ =	shalt  }
0x83: {  	_ =	shalt  }
0x84: {  	_ =	shalt  }
0x85: {  	_ =	shalt  }
0x86: {  	_ =	shalt  }
0x87: {  	_ =	shalt  }
.Lfunc_end0:
.L_simem_size_0:
called_computation.2_lowered:
.L_overlay_start_0:
0x88: {  	s2 =	sld [smem:$0x3FD9]  }
0x89: {  	s3 =	sld [smem:$0x3FFE];
	_ =	sdelay $0x1  }
0x8a: {  	s1 =	srdreg.scid  }
0x8b: {  	s0 =	sand.u32 $0x1, s1  }
0x8c: {  	s16 =	sshll.u32 s0, $0xA;
	s2 =	sadd.s32 s3, s2  }
0x8d: {  	s2 =	sadd.s32 s2, s16  }
0x8e: {  	[smem:$0x3FBC] =	sst s2  }
0x8f: {  	_ = 	snop  }
0x90: {  	(tm) =	ssettm $0x1  }
0x91: {  	s17 =	sld [smem:$0x3FFB];
	_ =	sdelay $0x3  }
0x92: {  	_ =	strace s17  }
0x93: {  	s2 =	sld [smem:$0x3FFC];
	_ =	sdelay $0x3  }
0x94: {  	_ =	strace s2  }
0x95: {  	s2 =	sld [smem:$0x3FFD];
	_ =	sdelay $0x3  }
0x96: {  	_ =	strace s2  }
0x97: {  	_ =	strace $0x8FFFFFFF  }
0x98: {  	s18 =	sld [smem:$0x3FDB];
	_ =	sdelay $0x1  }
0x99: {  	s19 =	simm.s32 $_scs_section_size  }
0x9a: {  	s4 =	simm.s32 $_size__tile_overlayer_lowered;
	s5 =	simm.s32 $_tile_overlayer_lowered  }
0x9b: {  	s22 =	simm.s32 $0x1BFF;
	s21 =	sshll.u32 s5, $0x1;
	s2 =	sadd.s32 s19, s18  }
0x9c: {  	s6 =	simm.s32 $0x0;
	s20 =	sshll.u32 s4, $0x1;
	s4 =	sadd.s32 s21, s2  }
0x9d: {  	[timem:s6], [sflag:s22] =	dma.local [hbm:s4], s20  }
0x9e: {  	_ =	swait.ge [sflag:s22], s20  }
0x9f: {  	s3 =	ssub.s32 $0x0, s20;
	[sflag:s22] =	ssyncset.done $0x0  }
0xa0: {  	[sflag:s22] =	ssyncadd.s32 s3;
	_ =	sdelay $0x1  }
0xa1: {  	s23 =	simm.s32 $0x1B8B  }
0xa2: {  	_ =	swait.ge [sflag:s23], $0x1  }
0xa3: {  	[sflag:s23] =	ssyncset.done $0x0  }
0xa4: {  	s25 =	simm.s32 $0x1B8E;
	s24 =	sld [smem:$0x3FFE];
	[sflag:s23] =	ssyncadd.s32 $0xFFFFFFFF  }
0xa5: {  	s26 =	simm.s32 $execute0_lowered;
	[smem:$0x3FD2] =	sst s25  }
0xa6: {  	s4 =	sshll.u32 s26, $0x1;
	_ =	strace $0x8000004C;
	[dreg:$0x1] =	wrdreg $0xFFFFFFFF  }
0xa7: {  	s28 =	simm.s32 $_size_execute0_lowered;
	s2 =	sadd.s32 s2, s4;
	[dreg:$0x0] =	wrdreg $0x0  }
0xa8: {  	s4 =	sshll.u32 s28, $0x1;
	[dreg:$0x2] =	wrdreg s2  }
0xa9: {  	[dreg:$0x3] =	wrdreg s4  }
0xaa: {  	[dreg:$0x4] =	wrdreg $0xC0  }
0xab: {  	_ =	task [dreg:s6], $0x5FFFF  }
0xac: {  	[dreg:$0x1] =	wrdreg $0xFFFFFFFF  }
0xad: {  	[dreg:$0x0] =	wrdreg $0x60  }
0xae: {  	[dreg:$0x2] =	wrdreg s24  }
0xaf: {  	[dreg:$0x3] =	wrdreg $0x84000  }
0xb0: {  	[dreg:$0x4] =	wrdreg $0x9  }
0xb1: {  	_ =	task.clear_ibuf [dreg:s6], $0x5FFFF;
	_ =	strace $0x9000004C  }
0xb2: {  	s29 =	simm.s32 $0x9;
	_ =	strace $0x8000004E  }
0xb3: {  	_ =	swait.ge [sflag:s29], $0x1  }
0xb4: {  	[sflag:s29] =	ssyncadd.s32 $0xFFFFFFFF  }
0xb5: {  	_ =	strace $0x9000004E  }
0xb6: {  	_ =	sfence  }
0xb7: {  	s30 =	sld [smem:$0x0];
	_ =	sdelay $0x2  }
0xb8: {  	s31 =	sshll.u32 s1, $0xD;
	s1 =	sshrl.u32 s1, $0x2  }
0xb9: {  	s3 =	sand.u32 $0x4000, s31;
	s1 =	sadd.s32 s1, s30  }
0xba: {  	s0 =	sor.u32 s3, s0;
	s1 =	sshll.u32 s1, $0x11  }
0xbb: {  	s0 =	sor.u32 s1, s0  }
0xbc: {  	s0 =	sadd.s32 $0x8F2B, s0  }
0xbd: {  	[sflag:s0] =	ssyncadd.remote.s32 $0x1  }
0xbe: {  	_ =	sfence.sel $0xFFFF  }
0xbf: {  	[dreg:$0x0] =	wrdreg $0xFFFFFFFF;
	(pc) =	sbr.abs _section_cstart, $3  }
0xc0: {  	[dreg:$0x1] =	wrdreg $0xFFFFFFFF  }
0xc1: {  	_ =	task.clear_ibuf [dreg:s6], $0x2FFFF;
	_ =	strace $0x9FFFFFFF  }
0xc2: {  	(tm) =	ssettm $0x7FFFFFFF  }
0xc3: {  	_ =	shalt  }
tec
execute0_lowered:
.L_overlay_start_1:
0x0: {  	(tag) =	ssettag $0x1  }
0x1: {  	s0 =	rddreg [dreg:$0x0]  }
0x2: {  	s1 =	rddreg [dreg:$0x1];
	s3 =	simm.s32 $0x0  }
0x3: {  	s2 =	srdreg.scid;
	s15 =	stileid.u32;
	s28 =	simm.s32 $0x7  }
0x4: {  	[smem:$0x7FF] =	sst s3;
	s2 =	sand.u32 $0x1, s2;
	s8 =	smul.u32 $0x278, s15  }
0x5: {  	s7 =	sadd.s32 $0xD000, s0;
	s9 =	sadd.s32 $0x3200, s0;
	s10 =	smul.u32 $0x4F000, s15  }
0x6: {  	s11 =	sadd.s32 $0xB5E00, s0;
	s25 =	smul.u32 $0x4D, s15;
	s26 =	smin.u32 s15, $0x4  }
0x7: {  	s6 =	smul.u32 $0x4F, s15;
	p1 =	slt.u32 s15, $0x4;
	_ =	strace $0x8000004D  }
0x8: {  	s4 =	ssub.s32 $0x2, s2;
	p0 =	seq.s32 s2, $0x0;
	s2 =	smul.u32 $0x2780, s2  }
0x9: {  	s5 =	sshrl.u32 s4, $0x1;
	s13 =	sadd.s32 $0x80, s8;
	s14 =	sadd.s32 $0x100, s8  }
0xa: {  	s15 =	sadd.s32 $0x180, s8;
	s16 =	sadd.s32 $0x200, s8;
	s24 =	sshrl.u32 s10, $0x2  }
0xb: {  	s12 =	ssub.s32 s4, s5;
	s5 =	sadd.s32 s26, s25;
	s4 =	simm.s32 $0x4E  }
0xc: {  	s21 =	sadd.s32 s2, s14;
	s22 =	sadd.s32 s2, s15;
	s5 =	sadd.s32 $0x4F0, s5  }
0xd: {  	s25 =	sshll.u32 s13, $0x7;
	s4 =	simm.s32 @!p1 $0x4D;
	s5 =	smov.u32 @p0 s6  }
0xe: {  	s26 =	sshll.u32 s14, $0x7;
	s4 =	simm.s32 @p0 $0x4F;
	s17 =	sshll.u32 s5, $0x4  }
0xf: {  	s10 =	sadd.s32 s26, s1;
	s31 =	sadd.s32 $0xFFFFFFFF, s4;
	s5 =	sadd.s32 s7, s17  }
0x10: {  	s18 =	sadd.s32 $0x10, s17;
	[dreg:$0x3] =	wrdreg s31;
	s31 =	smax.u32 s12, $0x1  }
0x11: {  	s6 =	sadd.s32 s9, s17;
	s19 =	sadd.s32 s7, s18;
	[dreg:$0x13] =	wrdreg s31  }
0x12: {  	s29 =	sadd.s32 $0x20, s17;
	s18 =	sadd.s32 s9, s18;
	[dreg:$0x6] =	wrdreg s19  }
0x13: {  	s17 =	sadd.s32 $0x30, s17;
	s30 =	sadd.s32 s7, s29;
	[dreg:$0x7] =	wrdreg s18  }
0x14: {  	s26 =	simm.s32 $0x400;
	s7 =	sadd.s32 s7, s17;
	[dreg:$0x8] =	wrdreg s30  }
0x15: {  	s18 =	sadd.s32 s9, s29;
	[dreg:$0xa] =	wrdreg s7;
	s9 =	sadd.s32 s9, s17  }
0x16: {  	s17 =	sadd.s32 s8, s2;
	s19 =	sadd.s32 $0xFFFFFFFD, s4;
	[dreg:$0x9] =	wrdreg s18  }
0x17: {  	s29 =	sshll.u32 s15, $0x7;
	s30 =	sshll.u32 s16, $0x7;
	[dreg:$0xb] =	wrdreg s9  }
0x18: {  	s9 =	sadd.s32 $0xFFFFFFFE, s4;
	s18 =	sadd.s32 s2, s13;
	s7 =	sshll.u32 s17, $0x4  }
0x19: {  	[dreg:$0x5] =	wrdreg s19;
	s2 =	sadd.s32 s2, s16;
	s13 =	sadd.s32 s30, s1  }
0x1a: {  	[dreg:$0x4] =	wrdreg s9;
	s8 =	sshll.u32 s18, $0x4;
	s7 =	sadd.s32 s11, s7  }
0x1b: {  	s2 =	sshll.u32 s2, $0x4;
	s18 =	sadd.s32 $0x17600, s0;
	[dreg:$0x12] =	wrdreg s13  }
0x1c: {  	s0 =	sadd.s32 $0x16E00, s0;
	s9 =	sadd.s32 s25, s1;
	[dreg:$0xc] =	wrdreg s7  }
0x1d: {  	s20 =	sadd.s32 s11, s8;
	s7 =	sshll.u32 s21, $0x4;
	[dreg:$0x11] =	wrdreg s0  }
0x1e: {  	s8 =	sshll.u32 s22, $0x4;
	s2 =	sadd.s32 s11, s2;
	[dreg:$0xd] =	wrdreg s20  }
0x1f: {  	s0 =	simm.s32 $0x3;
	s7 =	sadd.s32 s11, s7;
	[dreg:$0x10] =	wrdreg s2  }
0x20: {  	s23 =	sadd.s32 s11, s8;
	s8 =	sadd.s32 s24, s1;
	[dreg:$0xe] =	wrdreg s7  }
0x21: {  	s11 =	sadd.s32 s29, s1;
	s2 =	simm.s32 $0x0;
	[dreg:$0xf] =	wrdreg s23  }
.LBB2_1:
0x22: {  	s7 =	rddreg [dreg:$0x11]  }
0x23: {  	[tilespmem:s26], [sflag:$0x7] =	stream.linear.gather [hbm4b:s7+s3], $0x4000, $0x38;
	[tilespmem:$0x1C000] =	vst v63  }
0x24: {  	_ =	swait.ge [sflag:s28], $0x4000  }
0x25: {  	[sflag:s28] =	ssyncset.done $0x0  }
0x26: {  	[sflag:s28] =	ssyncadd.s32 $0xFFFFC000  }
0x27: {  	[spmem:s8] =	stream.linear.scatter [tilespmem:s26], [sflag:$0x7], $0x4000, $0x38;
	[tilespmem:$0x1C000] =	vst v63  }
0x28: {  	_ =	swait.ge [sflag:s28], $0x4000  }
0x29: {  	[sflag:s28] =	ssyncset.done $0x0  }
0x2a: {  	[sflag:s28] =	ssyncadd.s32 $0xFFFFC000  }
0x2b: {  	[spmem:s9] =	stream.linear.scatter [tilespmem:s26], [sflag:$0x7], $0x4000, $0x38;
	[tilespmem:$0x1C000] =	vst v63  }
0x2c: {  	_ =	swait.ge [sflag:s28], $0x4000  }
0x2d: {  	[sflag:s28] =	ssyncset.done $0x0  }
0x2e: {  	[sflag:s28] =	ssyncadd.s32 $0xFFFFC000  }
0x2f: {  	[spmem:s10] =	stream.linear.scatter [tilespmem:s26], [sflag:$0x7], $0x4000, $0x38;
	[tilespmem:$0x1C000] =	vst v63  }
0x30: {  	_ =	swait.ge [sflag:s28], $0x4000  }
0x31: {  	[sflag:s28] =	ssyncset.done $0x0  }
0x32: {  	[sflag:s28] =	ssyncadd.s32 $0xFFFFC000  }
0x33: {  	[spmem:s11] =	stream.linear.scatter [tilespmem:s26], [sflag:$0x7], $0x4000, $0x38;
	[tilespmem:$0x1C000] =	vst v63  }
0x34: {  	_ =	swait.ge [sflag:s28], $0x4000  }
0x35: {  	[sflag:s28] =	ssyncset.done $0x0  }
0x36: {  	[sflag:s28] =	ssyncadd.s32 $0xFFFFC000  }
0x37: {  	[spmem:s13] =	stream.linear.scatter [tilespmem:s26], [sflag:$0x7], $0x3C00, $0x38;
	[tilespmem:$0x1C000] =	vst v63  }
0x38: {  	_ =	swait.ge [sflag:s28], $0x3C00  }
0x39: {  	[sflag:s28] =	ssyncset.done $0x0  }
0x3a: {  	[sflag:s28] =	ssyncadd.s32 $0xFFFFC400  }
0x3b: {  	[bflag:$0x0] =	sbarrier.arrive $0xFFFF  }
0x3c: {  	[tilespmem:s3], [sflag:$0x3] =	stream.linear.gather [hbm4b:s5+s3], $0x80, $0x38;
	[tilespmem:$0x1C000] =	vst v63  }
0x3d: {  	s21 =	smov.u32 s8;
	s8 =	simm.s32 $0x80  }
0x3e: {  	[tilespmem:s8], [sflag:$0x3] =	stream.linear.gather [hbm4b:s6+s3], $0x80, $0x38;
	[tilespmem:$0x1C000] =	vst v63  }
0x3f: {  	s22 =	smov.u32 s9;
	s25 =	simm.s32 $0x100;
	s20 =	rddreg [dreg:$0x6]  }
0x40: {  	[tilespmem:s25], [sflag:$0x4] =	stream.linear.gather [hbm4b:s20+s3], $0x80, $0x38;
	[tilespmem:$0x1C000] =	vst v63  }
0x41: {  	s23 =	smov.u32 s10;
	s10 =	simm.s32 $0x180;
	s9 =	rddreg [dreg:$0x7]  }
0x42: {  	[tilespmem:s10], [sflag:$0x4] =	stream.linear.gather [hbm4b:s9+s3], $0x80, $0x38;
	[tilespmem:$0x1C000] =	vst v63  }
0x43: {  	s24 =	smov.u32 s11;
	s12 =	simm.s32 $0x200;
	s11 =	rddreg [dreg:$0x8]  }
0x44: {  	[tilespmem:s12], [sflag:$0x5] =	stream.linear.gather [hbm4b:s11+s3], $0x80, $0x38;
	[tilespmem:$0x1C000] =	vst v63  }
0x45: {  	s14 =	simm.s32 $0x280;
	s13 =	rddreg [dreg:$0x9]  }
0x46: {  	[tilespmem:s14], [sflag:$0x5] =	stream.linear.gather [hbm4b:s13+s3], $0x80, $0x38;
	[tilespmem:$0x1C000] =	vst v63  }
0x47: {  	s16 =	simm.s32 $0x300;
	s15 =	rddreg [dreg:$0xa]  }
0x48: {  	[tilespmem:s16], [sflag:$0x6] =	stream.linear.gather [hbm4b:s15+s3], $0x80, $0x38;
	[tilespmem:$0x1C000] =	vst v63  }
0x49: {  	s19 =	simm.s32 $0x380;
	s17 =	rddreg [dreg:$0xb]  }
0x4a: {  	[tilespmem:s19], [sflag:$0x6] =	stream.linear.gather [hbm4b:s17+s3], $0x80, $0x38;
	[tilespmem:$0x1C000] =	vst v63  }
0x4b: {  	_ =	swait.ge [sflag:s0], $0x80  }
0x4c: {  	[sflag:s0] =	ssyncset.done $0x0  }
0x4d: {  	[sflag:s0] =	ssyncadd.s32 $0xFFFFFF80  }
0x4e: {  	_ =	swait.ge [sflag:s0], $0x80  }
0x4f: {  	[sflag:s0] =	ssyncset.done $0x0;
	s20 =	rddreg [dreg:$0x3]  }
0x50: {  	[sflag:s0] =	ssyncadd.s32 $0xFFFFFF80;
	p1 =	sle.u32 s20, $0x0  }
0x51: {  	[tilespmem:s26], [sflag:$0x1] =	stream.indirect.gather [hbm4b:s18+s8], $0x80, s3, s8, $0xb8;
	[tilespmem:$0x1C000] =	vst v63  }
0x52: {  	s7 =	simm.s32 @!p1 $0x4  }
0x53: {  	_ =	swait.ge @!p1 [sflag:s7], $0x80  }
0x54: {  	[sflag:s7] =	ssyncset.done @!p1 $0x0  }
0x55: {  	[sflag:s7] =	ssyncadd.s32 @!p1 $0xFFFFFF80  }
0x56: {  	p2 =	sle.u32 s4, $0x0;
	_ =	swait.ge @!p1 [sflag:s7], $0x80  }
0x57: {  	s9 =	simm.s32 @!p2 $0x1;
	s8 =	simm.s32 @!p1 $0x4400;
	[sflag:s7] =	ssyncset.done @!p1 $0x0  }
0x58: {  	s13 =	simm.s32 @!p1 $0x80;
	s10 =	simm.s32 @!p1 $0x100;
	[sflag:s7] =	ssyncadd.s32 @!p1 $0xFFFFFF80  }
0x59: {  	[tilespmem:s8], [sflag:$0x2] =	stream.indirect.gather @!p1 [hbm4b:s18+s13], $0x80, s10, s13, $0xb8;
	[tilespmem:$0x1C000] =	vst v63  }
0x5a: {  	_ =	swait.ge @!p2 [sflag:s9], $0x4000  }
0x5b: {  	s11 =	simm.s32 @!p2 $0x7;
	[sflag:s9] =	ssyncset.done @!p2 $0x0  }
0x5c: {  	s7 =	simm.s32 @!p2 $0x80;
	s10 =	simm.s32 @!p2 $0x400;
	[sflag:s9] =	ssyncadd.s32 @!p2 $0xFFFFC000  }
0x5d: {  	[spmem:s1] =	stream.indirect.scatter.add.f32 @!p2 [tilespmem:s10], [sflag:$0x7], $0x80, s7, s7, $0xb8;
	[tilespmem:$0x1C000] =	vst v63  }
0x5e: {  	p0 =	sle.u32 s4, $0x4;
	_ =	swait.ge @!p2 [sflag:s11], $0x4000  }
0x5f: {  	s9 =	simm.s32 @!p0 $0x0;
	s7 =	sadd.s32 @!p0 $0x0, s5;
	[sflag:s11] =	ssyncset.done @!p2 $0x0  }
0x60: {  	s7 =	sadd.s32 @!p0 $0x40, s7;
	s25 =	rddreg [dreg:$0x4];
	[sflag:s11] =	ssyncadd.s32 @!p2 $0xFFFFC000  }
0x61: {  	[tilespmem:s9], [sflag:$0x3] =	stream.linear.gather @!p0 [hbm4b:s7+s9], $0x80, $0x38;
	[tilespmem:$0x1C000] =	vst v63  }
0x62: {  	p2 =	sle.u32 s25, $0x0;
	s7 =	sadd.s32 @!p0 $0x0, s6  }
0x63: {  	s10 =	simm.s32 @!p0 $0x80;
	s12 =	simm.s32 @!p2 $0x5;
	s7 =	sadd.s32 @!p0 $0x40, s7  }
0x64: {  	[tilespmem:s10], [sflag:$0x3] =	stream.linear.gather @!p0 [hbm4b:s7+s9], $0x80, $0x38;
	[tilespmem:$0x1C000] =	vst v63  }
0x65: {  	_ =	swait.ge @!p2 [sflag:s12], $0x80  }
0x66: {  	[sflag:s12] =	ssyncset.done @!p2 $0x0  }
0x67: {  	[sflag:s12] =	ssyncadd.s32 @!p2 $0xFFFFFF80  }
0x68: {  	_ =	swait.ge @!p2 [sflag:s12], $0x80  }
0x69: {  	s11 =	simm.s32 @!p2 $0x400;
	s14 =	simm.s32 @!p2 $0x200;
	[sflag:s12] =	ssyncset.done @!p2 $0x0  }
0x6a: {  	s7 =	simm.s32 @!p1 $0x2;
	[sflag:s12] =	ssyncadd.s32 @!p2 $0xFFFFFF80;
	s12 =	simm.s32 @!p2 $0x80  }
0x6b: {  	[tilespmem:s11], [sflag:$0x1] =	stream.indirect.gather @!p2 [hbm4b:s18+s12], $0x80, s14, s12, $0xb8;
	[tilespmem:$0x1C000] =	vst v63  }
0x6c: {  	_ =	swait.ge @!p1 [sflag:s7], $0x4000  }
0x6d: {  	[sflag:s7] =	ssyncset.done @!p1 $0x0  }
0x6e: {  	p4 =	sle.u32 s4, $0x5;
	[sflag:s7] =	ssyncadd.s32 @!p1 $0xFFFFC000;
	s7 =	simm.s32 @!p1 $0x180  }
0x6f: {  	[spmem:s1] =	stream.indirect.scatter.add.f32 @!p1 [tilespmem:s8], [sflag:$0x7], $0x80, s7, s13, $0xb8;
	[tilespmem:$0x1C000] =	vst v63  }
0x70: {  	s14 =	simm.s32 @!p1 $0x7;
	s7 =	simm.s32 @!p4 $0x0  }
0x71: {  	s8 =	simm.s32 @!p4 $0x100;
	s13 =	sadd.s32 @!p4 $0x0, s5;
	_ =	swait.ge @!p1 [sflag:s14], $0x4000  }
0x72: {  	s13 =	sadd.s32 @!p4 $0x50, s13;
	[sflag:s14] =	ssyncset.done @!p1 $0x0;
	s15 =	rddreg [dreg:$0x5]  }
0x73: {  	[sflag:s14] =	ssyncadd.s32 @!p1 $0xFFFFC000;
	s14 =	sadd.s32 @!p4 $0x0, s6;
	p3 =	sle.u32 s15, $0x0  }
0x74: {  	[tilespmem:s8], [sflag:$0x4] =	stream.linear.gather @!p4 [hbm4b:s13+s7], $0x80, $0x38;
	[tilespmem:$0x1C000] =	vst v63  }
0x75: {  	s8 =	sadd.s32 @!p4 $0x50, s14;
	s13 =	simm.s32 @!p4 $0x180;
	s16 =	simm.s32 @!p3 $0x6  }
0x76: {  	[tilespmem:s13], [sflag:$0x4] =	stream.linear.gather @!p4 [hbm4b:s8+s7], $0x80, $0x38;
	[tilespmem:$0x1C000] =	vst v63  }
0x77: {  	s31 =	simm.s32 $0x0;
	s30 =	simm.s32 $0x0;
	_ =	swait.ge @!p3 [sflag:s16], $0x80  }
0x78: {  	s25 =	simm.s32 @!p2 $0x1;
	s29 =	simm.s32 @!p3 $0x300;
	[sflag:s16] =	ssyncset.done @!p3 $0x0  }
0x79: {  	s7 =	simm.s32 $0x40;
	p4 =	sle.u32 s4, $0x6;
	[sflag:s16] =	ssyncadd.s32 @!p3 $0xFFFFFF80  }
0x7a: {  	s14 =	sadd.s32 @!p4 $0x0, s6;
	s15 =	sadd.s32 @!p4 $0x0, s5;
	_ =	swait.ge @!p3 [sflag:s16], $0x80  }
0x7b: {  	s19 =	sadd.s32 @!p4 $0x60, s15;
	s17 =	sadd.s32 @!p4 $0x60, s14;
	[sflag:s16] =	ssyncset.done @!p3 $0x0  }
0x7c: {  	s14 =	simm.s32 @!p3 $0x4400;
	s15 =	simm.s32 @!p3 $0x80;
	[sflag:s16] =	ssyncadd.s32 @!p3 $0xFFFFFF80  }
0x7d: {  	[tilespmem:s14], [sflag:$0x2] =	stream.indirect.gather @!p3 [hbm4b:s18+s15], $0x80, s29, s15, $0xb8;
	[tilespmem:$0x1C000] =	vst v63  }
0x7e: {  	s8 =	simm.s32 $0x4;
	s13 =	simm.s32 @!p2 $0x280;
	_ =	swait.ge @!p2 [sflag:s25], $0x4000  }
0x7f: {  	s16 =	simm.s32 @!p0 $0x3;
	s29 =	simm.s32 @!p4 $0x280;
	[sflag:s25] =	ssyncset.done @!p2 $0x0  }
.LBB2_2:
0x80: {  	[sflag:s25] =	ssyncadd.s32 @!p2 $0xFFFFC000;
	s25 =	simm.s32 @!p2 $0x7  }
0x81: {  	[spmem:s1] =	stream.indirect.scatter.add.f32 @!p2 [tilespmem:s11], [sflag:$0x7], $0x80, s13, s12, $0xb8;
	[tilespmem:$0x1C000] =	vst v63  }
0x82: {  	_ =	swait.ge @!p2 [sflag:s25], $0x4000  }
0x83: {  	[sflag:s25] =	ssyncset.done @!p2 $0x0  }
0x84: {  	s11 =	simm.s32 @!p4 $0x0;
	s12 =	simm.s32 @!p4 $0x200;
	[sflag:s25] =	ssyncadd.s32 @!p2 $0xFFFFC000  }
0x85: {  	[tilespmem:s12], [sflag:$0x5] =	stream.linear.gather @!p4 [hbm4b:s19+s11], $0x80, $0x38;
	[tilespmem:$0x1C000] =	vst v63  }
0x86: {  	_ = 	snop  }
0x87: {  	[tilespmem:s29], [sflag:$0x5] =	stream.linear.gather @!p4 [hbm4b:s17+s11], $0x80, $0x38;
	[tilespmem:$0x1C000] =	vst v63  }
0x88: {  	_ =	swait.ge @!p0 [sflag:s16], $0x80  }
0x89: {  	[sflag:s16] =	ssyncset.done @!p0 $0x0  }
0x8a: {  	[sflag:s16] =	ssyncadd.s32 @!p0 $0xFFFFFF80  }
0x8b: {  	s13 =	sadd.s32 $0x7, s31;
	_ =	swait.ge @!p0 [sflag:s16], $0x80  }
0x8c: {  	p2 =	sge.u32 s13, s4;
	[sflag:s16] =	ssyncset.done @!p0 $0x0  }
0x8d: {  	s13 =	simm.s32 @!p0 $0x400;
	[sflag:s16] =	ssyncadd.s32 @!p0 $0xFFFFFF80;
	s16 =	simm.s32 @!p3 $0x2  }
0x8e: {  	[tilespmem:s13], [sflag:$0x1] =	stream.indirect.gather @!p0 [hbm4b:s18+s10], $0x80, s9, s10, $0xb8;
	[tilespmem:$0x1C000] =	vst v63  }
0x8f: {  	_ =	swait.ge @!p3 [sflag:s16], $0x4000  }
0x90: {  	s12 =	sadd.s32 @!p2 s30, s5;
	[sflag:s16] =	ssyncset.done @!p3 $0x0  }
0x91: {  	s9 =	simm.s32 @!p3 $0x380;
	s10 =	simm.s32 @!p3 $0x7;
	[sflag:s16] =	ssyncadd.s32 @!p3 $0xFFFFC000  }
0x92: {  	[spmem:s1] =	stream.indirect.scatter.add.f32 @!p3 [tilespmem:s14], [sflag:$0x7], $0x80, s9, s15, $0xb8;
	[tilespmem:$0x1C000] =	vst v63  }
0x93: {  	s12 =	sadd.s32 @!p2 $0x70, s12;
	s11 =	sadd.s32 @!p2 s30, s6;
	_ =	swait.ge @!p3 [sflag:s10], $0x4000  }
0x94: {  	s13 =	simm.s32 @!p2 $0x300;
	s17 =	rddreg [dreg:$0x3];
	[sflag:s10] =	ssyncset.done @!p3 $0x0  }
0x95: {  	s9 =	simm.s32 @!p2 $0x0;
	[sflag:s10] =	ssyncadd.s32 @!p3 $0xFFFFC000;
	p3 =	sge.u32 s8, s17  }
0x96: {  	[tilespmem:s13], [sflag:$0x6] =	stream.linear.gather @!p2 [hbm4b:s12+s9], $0x80, $0x38;
	[tilespmem:$0x1C000] =	vst v63  }
0x97: {  	s11 =	sadd.s32 @!p2 $0x70, s11;
	s10 =	simm.s32 @!p2 $0x380;
	s12 =	simm.s32 @!p3 $0x4  }
0x98: {  	[tilespmem:s10], [sflag:$0x6] =	stream.linear.gather @!p2 [hbm4b:s11+s9], $0x80, $0x38;
	[tilespmem:$0x1C000] =	vst v63  }
0x99: {  	_ =	swait.ge @!p3 [sflag:s12], $0x80  }
0x9a: {  	[sflag:s12] =	ssyncset.done @!p3 $0x0  }
0x9b: {  	s20 =	smov.u32 s7;
	[sflag:s12] =	ssyncadd.s32 @!p3 $0xFFFFFF80  }
0x9c: {  	s31 =	smov.u32 s8;
	p4 =	sge.u32 s8, s4;
	_ =	swait.ge @!p3 [sflag:s12], $0x80  }
0x9d: {  	s14 =	simm.s32 @!p3 $0x4400;
	s15 =	simm.s32 @!p3 $0x80;
	[sflag:s12] =	ssyncset.done @!p3 $0x0  }
0x9e: {  	s9 =	simm.s32 @!p4 $0x1;
	s10 =	simm.s32 @!p3 $0x100;
	[sflag:s12] =	ssyncadd.s32 @!p3 $0xFFFFFF80  }
0x9f: {  	[tilespmem:s14], [sflag:$0x2] =	stream.indirect.gather @!p3 [hbm4b:s18+s15], $0x80, s10, s15, $0xb8;
	[tilespmem:$0x1C000] =	vst v63  }
0xa0: {  	s30 =	smov.u32 s20;
	s8 =	sadd.s32 $0x4, s8;
	_ =	swait.ge @!p4 [sflag:s9], $0x4000  }
0xa1: {  	p0 =	sge.u32 s8, s4;
	s11 =	simm.s32 @!p4 $0x80;
	[sflag:s9] =	ssyncset.done @!p4 $0x0  }
0xa2: {  	s12 =	simm.s32 @!p4 $0x400;
	s10 =	simm.s32 @!p4 $0x7;
	[sflag:s9] =	ssyncadd.s32 @!p4 $0xFFFFC000  }
0xa3: {  	[spmem:s1] =	stream.indirect.scatter.add.f32 @!p4 [tilespmem:s12], [sflag:$0x7], $0x80, s11, s11, $0xb8;
	[tilespmem:$0x1C000] =	vst v63  }
0xa4: {  	s13 =	sadd.s32 @!p0 s30, s5;
	s16 =	sadd.s32 @!p0 s30, s6;
	_ =	swait.ge @!p4 [sflag:s10], $0x4000  }
0xa5: {  	s13 =	sadd.s32 @!p0 $0x40, s13;
	[sflag:s10] =	ssyncset.done @!p4 $0x0;
	s19 =	rddreg [dreg:$0x4]  }
0xa6: {  	s9 =	simm.s32 @!p0 $0x0;
	[sflag:s10] =	ssyncadd.s32 @!p4 $0xFFFFC000;
	p2 =	sge.u32 s31, s19  }
0xa7: {  	[tilespmem:s9], [sflag:$0x3] =	stream.linear.gather @!p0 [hbm4b:s13+s9], $0x80, $0x38;
	[tilespmem:$0x1C000] =	vst v63  }
0xa8: {  	s16 =	sadd.s32 @!p0 $0x40, s16;
	s10 =	simm.s32 @!p0 $0x80;
	s12 =	simm.s32 @!p2 $0x5  }
0xa9: {  	[tilespmem:s10], [sflag:$0x3] =	stream.linear.gather @!p0 [hbm4b:s16+s9], $0x80, $0x38;
	[tilespmem:$0x1C000] =	vst v63  }
0xaa: {  	_ =	swait.ge @!p2 [sflag:s12], $0x80  }
0xab: {  	[sflag:s12] =	ssyncset.done @!p2 $0x0  }
0xac: {  	[sflag:s12] =	ssyncadd.s32 @!p2 $0xFFFFFF80  }
0xad: {  	_ =	swait.ge @!p2 [sflag:s12], $0x80  }
0xae: {  	s11 =	simm.s32 @!p2 $0x400;
	s17 =	simm.s32 @!p2 $0x200;
	[sflag:s12] =	ssyncset.done @!p2 $0x0  }
0xaf: {  	s16 =	simm.s32 @!p3 $0x2;
	[sflag:s12] =	ssyncadd.s32 @!p2 $0xFFFFFF80;
	s12 =	simm.s32 @!p2 $0x80  }
0xb0: {  	[tilespmem:s11], [sflag:$0x1] =	stream.indirect.gather @!p2 [hbm4b:s18+s12], $0x80, s17, s12, $0xb8;
	[tilespmem:$0x1C000] =	vst v63  }
0xb1: {  	s25 =	sadd.s32 $0x5, s31;
	_ =	swait.ge @!p3 [sflag:s16], $0x4000  }
0xb2: {  	p5 =	sge.u32 s25, s4;
	[sflag:s16] =	ssyncset.done @!p3 $0x0  }
0xb3: {  	s17 =	simm.s32 @!p3 $0x7;
	[sflag:s16] =	ssyncadd.s32 @!p3 $0xFFFFC000;
	s16 =	simm.s32 @!p3 $0x180  }
0xb4: {  	[spmem:s1] =	stream.indirect.scatter.add.f32 @!p3 [tilespmem:s14], [sflag:$0x7], $0x80, s16, s15, $0xb8;
	[tilespmem:$0x1C000] =	vst v63  }
0xb5: {  	s14 =	simm.s32 @!p5 $0x0;
	s16 =	sadd.s32 @!p5 s30, s5;
	_ =	swait.ge @!p3 [sflag:s17], $0x4000  }
0xb6: {  	s15 =	simm.s32 @!p5 $0x100;
	s16 =	sadd.s32 @!p5 $0x50, s16;
	[sflag:s17] =	ssyncset.done @!p3 $0x0  }
0xb7: {  	s25 =	rddreg [dreg:$0x5];
	[sflag:s17] =	ssyncadd.s32 @!p3 $0xFFFFC000;
	s17 =	sadd.s32 @!p5 s30, s6  }
0xb8: {  	[tilespmem:s15], [sflag:$0x4] =	stream.linear.gather @!p5 [hbm4b:s16+s14], $0x80, $0x38;
	[tilespmem:$0x1C000] =	vst v63  }
0xb9: {  	p3 =	sge.u32 s31, s25;
	s15 =	sadd.s32 @!p5 $0x50, s17;
	s16 =	simm.s32 @!p5 $0x180  }
0xba: {  	[tilespmem:s16], [sflag:$0x4] =	stream.linear.gather @!p5 [hbm4b:s15+s14], $0x80, $0x38;
	[tilespmem:$0x1C000] =	vst v63  }
0xbb: {  	s7 =	sadd.s32 $0x40, s7;
	s16 =	simm.s32 @!p3 $0x6  }
0xbc: {  	p1 =	sne.s32 s7, $0x500;
	s20 =	sadd.s32 $0x6, s31;
	_ =	swait.ge @!p3 [sflag:s16], $0x80  }
0xbd: {  	p4 =	sge.u32 s20, s4;
	s25 =	simm.s32 @!p2 $0x1;
	[sflag:s16] =	ssyncset.done @!p3 $0x0  }
0xbe: {  	s20 =	simm.s32 @!p3 $0x300;
	s15 =	sadd.s32 @!p4 s30, s5;
	[sflag:s16] =	ssyncadd.s32 @!p3 $0xFFFFFF80  }
0xbf: {  	s14 =	sadd.s32 @!p4 s30, s6;
	s19 =	sadd.s32 @!p4 $0x60, s15;
	_ =	swait.ge @!p3 [sflag:s16], $0x80  }
.Ltmp0:
0xc0: {  	s17 =	sadd.s32 @!p4 $0x60, s14;
	[sflag:s16] =	ssyncset.done @!p3 $0x0;
	(pc) =	sbr.rel @p1 .LBB2_2-.Ltmp0, $4  }
0xc1: {  	s14 =	simm.s32 @!p3 $0x4400;
	s15 =	simm.s32 @!p3 $0x80;
	[sflag:s16] =	ssyncadd.s32 @!p3 $0xFFFFFF80  }
0xc2: {  	[tilespmem:s14], [sflag:$0x2] =	stream.indirect.gather @!p3 [hbm4b:s18+s15], $0x80, s20, s15, $0xb8;
	[tilespmem:$0x1C000] =	vst v63  }
0xc3: {  	s13 =	simm.s32 @!p2 $0x280;
	_ =	swait.ge @!p2 [sflag:s25], $0x4000  }
0xc4: {  	s29 =	simm.s32 @!p4 $0x280;
	s16 =	simm.s32 @!p0 $0x3;
	[sflag:s25] =	ssyncset.done @!p2 $0x0  }
0xc5: {  	[sflag:s25] =	ssyncadd.s32 @!p2 $0xFFFFC000;
	s7 =	simm.s32 @!p2 $0x7  }
0xc6: {  	[spmem:s1] =	stream.indirect.scatter.add.f32 @!p2 [tilespmem:s11], [sflag:$0x7], $0x80, s13, s12, $0xb8;
	[tilespmem:$0x1C000] =	vst v63  }
0xc7: {  	_ =	swait.ge @!p2 [sflag:s7], $0x4000  }
0xc8: {  	[sflag:s7] =	ssyncset.done @!p2 $0x0  }
0xc9: {  	s8 =	simm.s32 @!p4 $0x200;
	[sflag:s7] =	ssyncadd.s32 @!p2 $0xFFFFC000;
	s7 =	simm.s32 @!p4 $0x0  }
0xca: {  	[tilespmem:s8], [sflag:$0x5] =	stream.linear.gather @!p4 [hbm4b:s19+s7], $0x80, $0x38;
	[tilespmem:$0x1C000] =	vst v63  }
0xcb: {  	_ = 	snop  }
0xcc: {  	[tilespmem:s29], [sflag:$0x5] =	stream.linear.gather @!p4 [hbm4b:s17+s7], $0x80, $0x38;
	[tilespmem:$0x1C000] =	vst v63  }
0xcd: {  	_ =	swait.ge @!p0 [sflag:s16], $0x80  }
0xce: {  	[sflag:s16] =	ssyncset.done @!p0 $0x0  }
0xcf: {  	[sflag:s16] =	ssyncadd.s32 @!p0 $0xFFFFFF80  }
0xd0: {  	_ =	swait.ge @!p0 [sflag:s16], $0x80  }
0xd1: {  	[sflag:s16] =	ssyncset.done @!p0 $0x0  }
0xd2: {  	s7 =	simm.s32 @!p0 $0x400;
	[sflag:s16] =	ssyncadd.s32 @!p0 $0xFFFFFF80  }
0xd3: {  	[tilespmem:s7], [sflag:$0x1] =	stream.indirect.gather @!p0 [hbm4b:s18+s10], $0x80, s9, s10, $0xb8;
	[tilespmem:$0x1C000] =	vst v63  }
0xd4: {  	s7 =	simm.s32 @!p3 $0x2  }
0xd5: {  	_ =	swait.ge @!p3 [sflag:s7], $0x4000  }
0xd6: {  	[sflag:s7] =	ssyncset.done @!p3 $0x0  }
0xd7: {  	[sflag:s7] =	ssyncadd.s32 @!p3 $0xFFFFC000;
	s7 =	simm.s32 @!p3 $0x380  }
0xd8: {  	[spmem:s1] =	stream.indirect.scatter.add.f32 @!p3 [tilespmem:s14], [sflag:$0x7], $0x80, s7, s15, $0xb8;
	[tilespmem:$0x1C000] =	vst v63  }
0xd9: {  	s20 =	sadd.s32 $0x7, s31;
	s7 =	simm.s32 @!p3 $0x7  }
0xda: {  	p0 =	sge.u32 s20, s4;
	_ =	swait.ge @!p3 [sflag:s7], $0x4000  }
0xdb: {  	s8 =	sadd.s32 @!p0 s30, s5;
	s9 =	simm.s32 @!p0 $0x0;
	[sflag:s7] =	ssyncset.done @!p3 $0x0  }
0xdc: {  	s8 =	sadd.s32 @!p0 $0x70, s8;
	[sflag:s7] =	ssyncadd.s32 @!p3 $0xFFFFC000;
	s7 =	simm.s32 @!p0 $0x300  }
0xdd: {  	[tilespmem:s7], [sflag:$0x6] =	stream.linear.gather @!p0 [hbm4b:s8+s9], $0x80, $0x38;
	[tilespmem:$0x1C000] =	vst v63  }
0xde: {  	s7 =	sadd.s32 @!p0 s30, s6  }
0xdf: {  	s8 =	simm.s32 @!p0 $0x380;
	s7 =	sadd.s32 @!p0 $0x70, s7  }
0xe0: {  	[tilespmem:s8], [sflag:$0x6] =	stream.linear.gather @!p0 [hbm4b:s7+s9], $0x80, $0x38;
	[tilespmem:$0x1C000] =	vst v63  }
0xe1: {  	[bflag:$0x0] =	sbarrier.arrive $0xFFFF  }
0xe2: {  	[tilespmem:s26], [sflag:$0x7] =	stream.linear.gather [spmem:s21], $0x4000, $0x38;
	[tilespmem:$0x1C000] =	vst v63  }
0xe3: {  	_ =	swait.ge [sflag:s28], $0x4000  }
0xe4: {  	[sflag:s28] =	ssyncset.done $0x0  }
0xe5: {  	s8 =	smov.u32 s21;
	s21 =	rddreg [dreg:$0xc];
	[sflag:s28] =	ssyncadd.s32 $0xFFFFC000  }
0xe6: {  	[hbm4b:s21+s3] =	stream.linear.scatter [tilespmem:s26], [sflag:$0x7], $0x4000, $0x38;
	[tilespmem:$0x1C000] =	vst v63  }
0xe7: {  	_ =	swait.ge [sflag:s28], $0x4000  }
0xe8: {  	[sflag:s28] =	ssyncset.done $0x0  }
0xe9: {  	[sflag:s28] =	ssyncadd.s32 $0xFFFFC000  }
0xea: {  	[tilespmem:s26], [sflag:$0x7] =	stream.linear.gather [spmem:s22], $0x4000, $0x38;
	[tilespmem:$0x1C000] =	vst v63  }
0xeb: {  	_ =	swait.ge [sflag:s28], $0x4000  }
0xec: {  	[sflag:s28] =	ssyncset.done $0x0  }
0xed: {  	s9 =	smov.u32 s22;
	s22 =	rddreg [dreg:$0xd];
	[sflag:s28] =	ssyncadd.s32 $0xFFFFC000  }
0xee: {  	[hbm4b:s22+s3] =	stream.linear.scatter [tilespmem:s26], [sflag:$0x7], $0x4000, $0x38;
	[tilespmem:$0x1C000] =	vst v63  }
0xef: {  	_ =	swait.ge [sflag:s28], $0x4000  }
0xf0: {  	[sflag:s28] =	ssyncset.done $0x0  }
0xf1: {  	[sflag:s28] =	ssyncadd.s32 $0xFFFFC000  }
0xf2: {  	[tilespmem:s26], [sflag:$0x7] =	stream.linear.gather [spmem:s23], $0x4000, $0x38;
	[tilespmem:$0x1C000] =	vst v63  }
0xf3: {  	_ =	swait.ge [sflag:s28], $0x4000  }
0xf4: {  	[sflag:s28] =	ssyncset.done $0x0  }
0xf5: {  	s25 =	rddreg [dreg:$0xe];
	[sflag:s28] =	ssyncadd.s32 $0xFFFFC000  }
0xf6: {  	[hbm4b:s25+s3] =	stream.linear.scatter [tilespmem:s26], [sflag:$0x7], $0x4000, $0x38;
	[tilespmem:$0x1C000] =	vst v63  }
0xf7: {  	_ =	swait.ge [sflag:s28], $0x4000  }
0xf8: {  	[sflag:s28] =	ssyncset.done $0x0  }
0xf9: {  	[sflag:s28] =	ssyncadd.s32 $0xFFFFC000  }
0xfa: {  	[tilespmem:s26], [sflag:$0x7] =	stream.linear.gather [spmem:s24], $0x4000, $0x38;
	[tilespmem:$0x1C000] =	vst v63  }
0xfb: {  	_ =	swait.ge [sflag:s28], $0x4000  }
0xfc: {  	[sflag:s28] =	ssyncset.done $0x0  }
0xfd: {  	s29 =	rddreg [dreg:$0xf];
	[sflag:s28] =	ssyncadd.s32 $0xFFFFC000  }
0xfe: {  	[hbm4b:s29+s3] =	stream.linear.scatter [tilespmem:s26], [sflag:$0x7], $0x4000, $0x38;
	[tilespmem:$0x1C000] =	vst v63  }
0xff: {  	_ =	swait.ge [sflag:s28], $0x4000  }
0x100: {  	[sflag:s28] =	ssyncset.done $0x0  }
0x101: {  	s13 =	rddreg [dreg:$0x12];
	[sflag:s28] =	ssyncadd.s32 $0xFFFFC000  }
0x102: {  	[tilespmem:s26], [sflag:$0x7] =	stream.linear.gather [spmem:s13], $0x3C00, $0x38;
	[tilespmem:$0x1C000] =	vst v63  }
0x103: {  	_ =	swait.ge [sflag:s28], $0x3C00  }
0x104: {  	[sflag:s28] =	ssyncset.done $0x0  }
0x105: {  	s30 =	rddreg [dreg:$0x10];
	[sflag:s28] =	ssyncadd.s32 $0xFFFFC400  }
0x106: {  	[hbm4b:s30+s3] =	stream.linear.scatter [tilespmem:s26], [sflag:$0x7], $0x3C00, $0x38;
	[tilespmem:$0x1C000] =	vst v63  }
0x107: {  	_ =	swait.ge [sflag:s28], $0x3C00  }
0x108: {  	s2 =	sadd.s32 $0x1, s2;
	s31 =	rddreg [dreg:$0x13]  }
0x109: {  	p0 =	sne.s32 s2, s31  }
.Ltmp1:
0x10a: {  	_ = 	snop;
	(pc) =	sbr.rel @p0 .LBB2_1-.Ltmp1, $3  }
0x10b: {  	_ =	sdelay $0x1  }
0x10c: {  	[sflag:s28] =	ssyncset.done $0x0  }
0x10d: {  	s11 =	smov.u32 s24;
	s10 =	smov.u32 s23;
	[sflag:s28] =	ssyncadd.s32 $0xFFFFC400  }
0x10e: {  	_ =	sfence.sel $0x180000  }
0x10f: {  	[bflag:$0x0] =	sbarrier.arrive $0xFFFF  }
0x110: {  	_ =	strace $0x9000004D  }
0x111: {  	s0 =	stileid.u32;
	[bflag:$0x2] =	sbarrier.arrive $0xFFFF  }
0x112: {  	p0 =	sne.s32 s0, $0x0;
	s0 =	rddreg [dreg:$0x2]  }
0x113: {  	s0 =	sadd.s32 @!p0 $0x100000, s0  }
0x114: {  	[sflag:s0] =	ssyncadd.tile.s32 @!p0 $0x1;
	_ =	shalt  }
.Lfunc_end2:
_tile_overlayer_lowered:
.L_overlay_start_2:
0x115: {  	(tag) =	ssettag $0x2  }
0x116: {  	s0 =	rddreg [dreg:$0x0];
	s2 =	stileid.u32  }
0x117: {  	s1 =	rddreg [dreg:$0x1];
	p0 =	sne.s32 s2, $0x0  }
0x118: {  	s3 =	rddreg [dreg:$0x2];
	[bflag:$0x3] =	sbarrier.arrive $0xFFFF;
	s2 =	simm.s32 @!p0 $0x1C07  }
0x119: {  	[timem:s3], [sflag:s2] =	dma.local @!p0 [hbm:s0], s1  }
0x11a: {  	s0 =	simm.s32 @!p0 $0x7  }
0x11b: {  	_ =	swait.ge @!p0 [sflag:s0], s1  }
0x11c: {  	s1 =	ssub.s32 @!p0 $0x0, s1;
	[sflag:s0] =	ssyncset.done @!p0 $0x0  }
0x11d: {  	[sflag:s0] =	ssyncadd.s32 @!p0 s1  }
0x11e: {  	[bflag:$0x3] =	sbarrier.arrive $0xFFFF  }
0x11f: {  	_ =	shalt  }

// kernel: kernel.7.cloned.1.call-start
scs
__scs_entry_jumppad:
0x0: {  	(pc) =	sbr.rel $0x88, $3  }
0x1: {  	(tag) =	ssettag $0x0;
	lr =	simm.s32 $0x1  }
0x2: {  	[smem:$0x3F95] =	sst lr;
	_ =	strace $0xD0000000  }
0x3: {  	_ = 	snop  }
0x4: {  	_ = 	snop  }
0x5: {  	_ = 	snop  }
0x6: {  	_ = 	snop  }
0x7: {  	_ = 	snop  }
__scs_overlays_trampoline_lowered:
0x8: {  	[smem:$0x3FA4] =	sst s0  }
0x9: {  	[smem:$0x3FA5] =	sst s1  }
0xa: {  	[smem:$0x3FA6] =	sst s2  }
0xb: {  	[smem:$0x3FA7] =	sst s3  }
0xc: {  	[smem:$0x3FA8] =	sst s4  }
0xd: {  	[smem:$0x3FA9] =	sst s5  }
0xe: {  	[smem:$0x3FAA] =	sst s6  }
0xf: {  	[smem:$0x3FAB] =	sst s7  }
0x10: {  	[smem:$0x3FAC] =	sst s8  }
0x11: {  	[smem:$0x3FAD] =	sst s9;
	s0 =	simm.s32 @!p0 $0x0  }
0x12: {  	s1 =	sld [smem:$0x3F93];
	s0 =	simm.s32 @p0 $0x1  }
0x13: {  	[smem:$0x3FAE] =	sst s0;
	s0 =	simm.s32 @!p1 $0x0  }
0x14: {  	s2 =	sld [smem:$0x3F92];
	s0 =	simm.s32 @p1 $0x1  }
0x15: {  	[smem:$0x3FAF] =	sst s0;
	s0 =	simm.s32 @!p2 $0x0  }
0x16: {  	s3 =	sld [smem:$0x3FDB];
	s0 =	simm.s32 @p2 $0x1  }
0x17: {  	s4 =	simm.s32 $0x1BF5;
	[smem:$0x3FB1] =	sst s0  }
0x18: {  	s0 =	sld [smem:$0x3F94];
	_ =	swait.ge [sflag:s4], $0x0  }
0x19: {  	s7 =	sld [smem:$0x3F95]  }
0x1a: {  	s8 =	sadd.s32 $0xFFFFE003, lr  }
0x1b: {  	s9 =	sadd.s32 $0xFFFFFEF7, lr;
	s5 =	simm.s32 $0xFFFFFFFF;
	p2 =	slt.u32 s8, $0xFFFFF086  }
0x1c: {  	p1 =	slt.u32 s9, $0xF7A;
	s5 =	simm.s32 @!p2 $0x0  }
0x1d: {  	s5 =	simm.s32 @p1 $0x1;
	p0 =	seq.s32 s7, s2  }
0x1e: {  	s7 =	smul.u32 @!p0 $0xF7A, s2;
	p2 =	seq.s32 @!p0 s5, $0x0  }
0x1f: {  	s9 =	smul.u32 $0xF7A, s1;
	s8 =	simm.s32 @!p0 $0x1BF5;
	p2 =	por !p2, p0  }
0x20: {  	[sflag:s8] =	ssyncset.s32 @!p0 $0xFFFFF086;
	s6 =	sadd.s32 @!p0 s3, s7;
	s7 =	simm.s32 @!p0 $0x108  }
0x21: {  	s3 =	sadd.s32 s3, s9;
	s6 =	sadd.s32 @!p0 $0x88, s6;
	s7 =	simm.s32 @p2 $0x1082  }
0x22: {  	[simem:s7], [sflag:s8] =	dma.local @!p0 [hbm:s6], $0xF7A  }
0x23: {  	s9 =	sor.u32 $0xD0000000, s2;
	s6 =	simm.s32 $0x108;
	_ =	swait.ge @!p0 [sflag:s8], $0x0  }
0x24: {  	s3 =	sadd.s32 $0x88, s3;
	s6 =	simm.s32 @!p1 $0x1082;
	[sflag:s4] =	ssyncset.s32 $0xFFFFF086  }
0x25: {  	[simem:s6], [sflag:s4] =	dma.local [hbm:s3], $0xF7A  }
0x26: {  	[smem:$0x3F95] =	sst s1;
	(tag) =	ssettag s2;
	_ =	strace s9  }
0x27: {  	s1 =	sld [smem:$0x3FA5]  }
0x28: {  	s2 =	sld [smem:$0x3FA6]  }
0x29: {  	s4 =	sld [smem:$0x3FA8]  }
0x2a: {  	p0 =	seq.s32 s5, $0x0;
	s5 =	sld [smem:$0x3FA9]  }
0x2b: {  	s6 =	sld [smem:$0x3FAA]  }
0x2c: {  	s7 =	sld [smem:$0x3FAB]  }
0x2d: {  	s3 =	simm.s32 $0x108;
	s8 =	sld [smem:$0x3FAC]  }
0x2e: {  	s3 =	simm.s32 @!p0 $0x1082;
	s9 =	sld [smem:$0x3FAD]  }
0x2f: {  	lr =	sadd.s32 s0, s3;
	s0 =	sld [smem:$0x3FA4]  }
0x30: {  	s3 =	sld [smem:$0x3FA7]  }
0x31: {  	[smem:$0x3FB0] =	sst s10  }
0x32: {  	s10 =	sld [smem:$0x3FAE];
	_ =	sdelay $0x3  }
0x33: {  	p0 =	seq.s32 s10, $0x1;
	s10 =	sld [smem:$0x3FB0];
	_ =	sdelay $0x3  }
0x34: {  	[smem:$0x3FB0] =	sst s10  }
0x35: {  	s10 =	sld [smem:$0x3FAF];
	_ =	sdelay $0x3  }
0x36: {  	p1 =	seq.s32 s10, $0x1;
	s10 =	sld [smem:$0x3FB0];
	_ =	sdelay $0x3  }
0x37: {  	[smem:$0x3FB0] =	sst s10  }
0x38: {  	s10 =	sld [smem:$0x3FB1]  }
0x39: {  	_ = 	snop;
	(pc) =	sbr.ind lr, $3  }
0x3a: {  	_ = 	snop  }
0x3b: {  	_ = 	snop  }
0x3c: {  	p2 =	seq.s32 s10, $0x1;
	s10 =	sld [smem:$0x3FB0]  }
0x3d: {  	_ =	shalt  }
0x3e: {  	_ =	shalt  }
0x3f: {  	_ =	shalt  }
0x40: {  	_ =	shalt  }
0x41: {  	_ =	shalt  }
0x42: {  	_ =	shalt  }
0x43: {  	_ =	shalt  }
0x44: {  	_ =	shalt  }
0x45: {  	_ =	shalt  }
0x46: {  	_ =	shalt  }
0x47: {  	_ =	shalt  }
0x48: {  	_ =	shalt  }
0x49: {  	_ =	shalt  }
0x4a: {  	_ =	shalt  }
0x4b: {  	_ =	shalt  }
0x4c: {  	_ =	shalt  }
0x4d: {  	_ =	shalt  }
0x4e: {  	_ =	shalt  }
0x4f: {  	_ =	shalt  }
0x50: {  	_ =	shalt  }
0x51: {  	_ =	shalt  }
0x52: {  	_ =	shalt  }
0x53: {  	_ =	shalt  }
0x54: {  	_ =	shalt  }
0x55: {  	_ =	shalt  }
0x56: {  	_ =	shalt  }
0x57: {  	_ =	shalt  }
0x58: {  	_ =	shalt  }
0x59: {  	_ =	shalt  }
0x5a: {  	_ =	shalt  }
0x5b: {  	_ =	shalt  }
0x5c: {  	_ =	shalt  }
0x5d: {  	_ =	shalt  }
0x5e: {  	_ =	shalt  }
0x5f: {  	_ =	shalt  }
0x60: {  	_ =	shalt  }
0x61: {  	_ =	shalt  }
0x62: {  	_ =	shalt  }
0x63: {  	_ =	shalt  }
0x64: {  	_ =	shalt  }
0x65: {  	_ =	shalt  }
0x66: {  	_ =	shalt  }
0x67: {  	_ =	shalt  }
0x68: {  	_ =	shalt  }
0x69: {  	_ =	shalt  }
0x6a: {  	_ =	shalt  }
0x6b: {  	_ =	shalt  }
0x6c: {  	_ =	shalt  }
0x6d: {  	_ =	shalt  }
0x6e: {  	_ =	shalt  }
0x6f: {  	_ =	shalt  }
0x70: {  	_ =	shalt  }
0x71: {  	_ =	shalt  }
0x72: {  	_ =	shalt  }
0x73: {  	_ =	shalt  }
0x74: {  	_ =	shalt  }
0x75: {  	_ =	shalt  }
0x76: {  	_ =	shalt  }
0x77: {  	_ =	shalt  }
0x78: {  	_ =	shalt  }
0x79: {  	_ =	shalt  }
0x7a: {  	_ =	shalt  }
0x7b: {  	_ =	shalt  }
0x7c: {  	_ =	shalt  }
0x7d: {  	_ =	shalt  }
0x7e: {  	_ =	shalt  }
0x7f: {  	_ =	shalt  }
0x80: {  	_ =	shalt  }
0x81: {  	_ =	shalt  }
0x82: {  	_ =	shalt  }
0x83: {  	_ =	shalt  }
0x84: {  	_ =	shalt  }
0x85: {  	_ =	shalt  }
0x86: {  	_ =	shalt  }
0x87: {  	_ =	shalt  }
.Lfunc_end0:
.L_simem_size_0:
called_computation_lowered:
.L_overlay_start_0:
0x88: {  	s2 =	sld [smem:$0x3FD9]  }
0x89: {  	s3 =	sld [smem:$0x3FFE];
	_ =	sdelay $0x1  }
0x8a: {  	s1 =	srdreg.scid  }
0x8b: {  	s0 =	sand.u32 $0x1, s1  }
0x8c: {  	s17 =	sshll.u32 s0, $0xA;
	s2 =	sadd.s32 s3, s2  }
0x8d: {  	s2 =	sadd.s32 s2, s17  }
0x8e: {  	[smem:$0x3FBC] =	sst s2  }
0x8f: {  	_ = 	snop  }
0x90: {  	(tm) =	ssettm $0x1  }
0x91: {  	s18 =	sld [smem:$0x3FFB];
	_ =	sdelay $0x3  }
0x92: {  	_ =	strace s18  }
0x93: {  	s2 =	sld [smem:$0x3FFC];
	_ =	sdelay $0x3  }
0x94: {  	_ =	strace s2  }
0x95: {  	s2 =	sld [smem:$0x3FFD];
	_ =	sdelay $0x3  }
0x96: {  	_ =	strace s2  }
0x97: {  	_ =	strace $0x8FFFFFFF  }
0x98: {  	s19 =	sld [smem:$0x3FDB];
	_ =	sdelay $0x1  }
0x99: {  	s20 =	simm.s32 $_scs_section_size  }
0x9a: {  	s4 =	simm.s32 $_size__tile_overlayer_lowered;
	s5 =	simm.s32 $_tile_overlayer_lowered  }
0x9b: {  	s6 =	simm.s32 $0x1BFF;
	s21 =	sshll.u32 s5, $0x1;
	s3 =	sadd.s32 s20, s19  }
0x9c: {  	s22 =	simm.s32 $0x0;
	s4 =	sshll.u32 s4, $0x1;
	s5 =	sadd.s32 s21, s3  }
0x9d: {  	[timem:s22], [sflag:s6] =	dma.local [hbm:s5], s4  }
0x9e: {  	_ =	swait.ge [sflag:s6], s4  }
0x9f: {  	s4 =	ssub.s32 $0x0, s4;
	[sflag:s6] =	ssyncset.done $0x0  }
0xa0: {  	[sflag:s6] =	ssyncadd.s32 s4;
	_ =	sdelay $0x1  }
0xa1: {  	s23 =	simm.s32 $0x1B8B  }
0xa2: {  	_ =	swait.ge [sflag:s23], $0x1  }
0xa3: {  	[sflag:s23] =	ssyncset.done $0x0  }
0xa4: {  	[sflag:s23] =	ssyncadd.s32 $0xFFFFFFFF  }
0xa5: {  	s4 =	sld [smem:$0x0]  }
0xa6: {  	s5 =	sand.u32 $0xFFFFFFFE, s1  }
0xa7: {  	p0 =	sne.s32 s1, s5  }
0xa8: {  	s5 =	sshll.u32 @p0 s5, $0xE  }
0xa9: {  	s5 =	sadd.s32 @p0 $0x11B8D, s5;
	s6 =	sshll.u32 @p0 s4, $0x11  }
0xaa: {  	s5 =	sor.u32 @p0 s6, s5  }
0xab: {  	[sflag:s5] =	ssyncadd.remote.s32 @p0 $0x1;
	_ =	sdelay $0x1  }
0xac: {  	s5 =	simm.s32 @p0 $0x1B8D  }
0xad: {  	_ =	swait.eq @p0 [sflag:s5], $0x1  }
0xae: {  	[sflag:s5] =	ssyncadd.s32 @p0 $0xFFFFFFFF  }
0xaf: {  	s6 =	sshll.u32 @!p0 s1, $0xE  }
0xb0: {  	s6 =	sor.u32 @!p0 $0x4000, s6;
	s5 =	simm.s32 @!p0 $0x1B8D  }
0xb1: {  	s4 =	sshll.u32 @!p0 s4, $0x11;
	s6 =	sadd.s32 @!p0 $0x11B8D, s6;
	_ =	swait.eq @!p0 [sflag:s5], $0x1  }
0xb2: {  	s4 =	sor.u32 @!p0 s4, s6;
	[sflag:s5] =	ssyncadd.s32 @!p0 $0xFFFFFFFF  }
0xb3: {  	s25 =	simm.s32 $0x1B8E;
	s24 =	sld [smem:$0x3FFE];
	[sflag:s4] =	ssyncadd.remote.s32 @!p0 $0x1  }
0xb4: {  	s26 =	simm.s32 $execute0_lowered;
	[smem:$0x3FD2] =	sst s25  }
0xb5: {  	s5 =	sshll.u32 s26, $0x1;
	_ =	strace $0x80000049;
	[dreg:$0x1] =	wrdreg $0xFFFFFFFF  }
0xb6: {  	s28 =	simm.s32 $_size_execute0_lowered;
	s3 =	sadd.s32 s3, s5;
	[dreg:$0x0] =	wrdreg $0x0  }
0xb7: {  	s5 =	sshll.u32 s28, $0x1;
	[dreg:$0x2] =	wrdreg s3  }
0xb8: {  	[dreg:$0x3] =	wrdreg s5  }
0xb9: {  	[dreg:$0x4] =	wrdreg $0xC0  }
0xba: {  	_ =	task [dreg:s22], $0x5FFFF  }
0xbb: {  	[dreg:$0x1] =	wrdreg $0xFFFFFFFF  }
0xbc: {  	[dreg:$0x0] =	wrdreg $0x60  }
0xbd: {  	[dreg:$0x2] =	wrdreg s24  }
0xbe: {  	[dreg:$0x3] =	wrdreg $0x41000  }
0xbf: {  	[dreg:$0x4] =	wrdreg $0x9  }
0xc0: {  	_ =	task.clear_ibuf [dreg:s22], $0x5FFFF;
	_ =	strace $0x90000049  }
0xc1: {  	s29 =	simm.s32 $0x9;
	_ =	strace $0x8000004B  }
0xc2: {  	_ =	swait.ge [sflag:s29], $0x1  }
0xc3: {  	[sflag:s29] =	ssyncadd.s32 $0xFFFFFFFF  }
0xc4: {  	_ =	strace $0x9000004B  }
0xc5: {  	_ =	sfence  }
0xc6: {  	s30 =	sld [smem:$0x0];
	_ =	sdelay $0x2  }
0xc7: {  	s31 =	sshll.u32 s1, $0xD;
	s1 =	sshrl.u32 s1, $0x2  }
0xc8: {  	s4 =	sand.u32 $0x4000, s31;
	s1 =	sadd.s32 s1, s30  }
0xc9: {  	s0 =	sor.u32 s4, s0;
	s1 =	sshll.u32 s1, $0x11  }
0xca: {  	s0 =	sor.u32 s1, s0  }
0xcb: {  	s0 =	sadd.s32 $0x8F2B, s0  }
0xcc: {  	[sflag:s0] =	ssyncadd.remote.s32 $0x1  }
0xcd: {  	_ =	sfence.sel $0xFFFF  }
0xce: {  	[dreg:$0x0] =	wrdreg $0xFFFFFFFF;
	(pc) =	sbr.abs _section_cstart, $3  }
0xcf: {  	[dreg:$0x1] =	wrdreg $0xFFFFFFFF  }
0xd0: {  	_ =	task.clear_ibuf [dreg:s22], $0x2FFFF;
	_ =	strace $0x9FFFFFFF  }
0xd1: {  	(tm) =	ssettm $0x7FFFFFFF  }
tec
execute0_lowered:
.L_overlay_start_1:
0x0: {  	(tag) =	ssettag $0x1  }
0x1: {  	s6 =	rddreg [dreg:$0x0]  }
0x2: {  	s1 =	rddreg [dreg:$0x1]  }
0x3: {  	s2 =	simm.s32 $0x0;
	s7 =	srdreg.scid;
	s3 =	stileid.u32  }
0x4: {  	s10 =	simm.s32 $0x4F;
	s28 =	simm.s32 $0x0;
	[smem:$0x7FF] =	sst s2  }
0x5: {  	s17 =	sadd.s32 $0x3200, s6;
	s4 =	sadd.s32 $0x66600, s6;
	s5 =	sadd.s32 $0x16E00, s6  }
0x6: {  	s13 =	sand.u32 $0x1, s7;
	s18 =	sadd.s32 $0x66E00, s6;
	s23 =	smul.u32 $0x4F000, s3  }
0x7: {  	s14 =	smul.u32 $0x278, s3;
	_ =	strace $0x8000004A;
	s22 =	ssub.s32 $0x2, s13  }
0x8: {  	s9 =	sshll.u32 s13, $0x4;
	s0 =	smul.u32 $0x4E0, s13;
	s8 =	sshrl.u32 s22, $0x1  }
0x9: {  	s25 =	sor.u32 s3, s9;
	s24 =	sshrl.u32 s23, $0x2;
	s15 =	sadd.s32 $0x80, s14  }
0xa: {  	s16 =	sadd.s32 $0x100, s14;
	s20 =	sadd.s32 $0x180, s14;
	s21 =	sadd.s32 $0x200, s14  }
0xb: {  	s19 =	ssub.s32 s22, s8;
	s6 =	sadd.s32 s24, s1;
	s26 =	sshll.u32 s15, $0x7  }
0xc: {  	s29 =	sshll.u32 s16, $0x7;
	s30 =	sshll.u32 s20, $0x7;
	s11 =	smul.u32 $0x4E, s25  }
0xd: {  	s12 =	sshll.u32 s21, $0x7;
	p0 =	slt.u32 s25, $0x4;
	s22 =	smin.u32 s25, $0x4  }
0xe: {  	s24 =	smul.u32 $0x2780, s13;
	s7 =	sadd.s32 s26, s1;
	s8 =	sadd.s32 s29, s1  }
0xf: {  	s9 =	sadd.s32 s30, s1;
	s10 =	simm.s32 @!p0 $0x4E;
	s29 =	smul.u32 $0x4E, s3  }
0x10: {  	p0 =	sgt.u32 s25, $0x3;
	s25 =	simm.s32 $0x4;
	s23 =	sadd.s32 s22, s11  }
0x11: {  	s11 =	sadd.s32 s12, s1;
	s14 =	sadd.s32 s14, s24;
	s26 =	sadd.s32 s24, s15  }
0x12: {  	s16 =	sadd.s32 s24, s16;
	s30 =	sadd.s32 s24, s20;
	s21 =	sadd.s32 s24, s21  }
0x13: {  	s24 =	simm.s32 $0x1;
	s31 =	sshll.u32 s23, $0x4;
	s14 =	sshll.u32 s14, $0x4  }
0x14: {  	s16 =	sshll.u32 s16, $0x4;
	s23 =	sadd.s32 s29, s0;
	s21 =	sshll.u32 s21, $0x4  }
0x15: {  	s12 =	sadd.s32 s17, s31;
	s13 =	sadd.s32 s18, s14;
	s14 =	sshll.u32 s26, $0x4  }
0x16: {  	s15 =	sadd.s32 s18, s16;
	s31 =	sadd.s32 s22, s23;
	s16 =	sshll.u32 s30, $0x4  }
0x17: {  	s22 =	simm.s32 $0x3;
	s23 =	simm.s32 $0x80;
	s26 =	simm.s32 $0x2  }
0x18: {  	s14 =	sadd.s32 s18, s14;
	s20 =	sshll.u32 s31, $0x4;
	s16 =	sadd.s32 s18, s16  }
0x19: {  	s20 =	sadd.s32 s20, s17;
	s17 =	sadd.s32 s18, s21;
	s18 =	smax.u32 s19, $0x1  }
0x1a: {  	s21 =	simm.s32 $0x100;
	s19 =	sadd.s32 $0x10, s20;
	s20 =	sadd.s32 $0x20, s20  }
.LBB2_1:
0x1b: {  	[tilespmem:s21], [sflag:$0x3] =	stream.linear.gather [hbm4b:s5+s2], $0x4000, $0x38;
	[tilespmem:$0x17D00] =	vst v63  }
0x1c: {  	_ =	swait.ge [sflag:s22], $0x4000  }
0x1d: {  	[sflag:s22] =	ssyncset.done $0x0  }
0x1e: {  	[sflag:s22] =	ssyncadd.s32 $0xFFFFC000  }
0x1f: {  	[spmem:s6] =	stream.linear.scatter [tilespmem:s21], [sflag:$0x3], $0x4000, $0x38;
	[tilespmem:$0x17D00] =	vst v63  }
0x20: {  	_ =	swait.ge [sflag:s22], $0x4000  }
0x21: {  	[sflag:s22] =	ssyncset.done $0x0  }
0x22: {  	[sflag:s22] =	ssyncadd.s32 $0xFFFFC000  }
0x23: {  	[spmem:s7] =	stream.linear.scatter [tilespmem:s21], [sflag:$0x3], $0x4000, $0x38;
	[tilespmem:$0x17D00] =	vst v63  }
0x24: {  	_ =	swait.ge [sflag:s22], $0x4000  }
0x25: {  	[sflag:s22] =	ssyncset.done $0x0  }
0x26: {  	[sflag:s22] =	ssyncadd.s32 $0xFFFFC000  }
0x27: {  	[spmem:s8] =	stream.linear.scatter [tilespmem:s21], [sflag:$0x3], $0x4000, $0x38;
	[tilespmem:$0x17D00] =	vst v63  }
0x28: {  	_ =	swait.ge [sflag:s22], $0x4000  }
0x29: {  	[sflag:s22] =	ssyncset.done $0x0  }
0x2a: {  	[sflag:s22] =	ssyncadd.s32 $0xFFFFC000  }
0x2b: {  	[spmem:s9] =	stream.linear.scatter [tilespmem:s21], [sflag:$0x3], $0x4000, $0x38;
	[tilespmem:$0x17D00] =	vst v63  }
0x2c: {  	_ =	swait.ge [sflag:s22], $0x4000  }
0x2d: {  	[sflag:s22] =	ssyncset.done $0x0  }
0x2e: {  	[sflag:s22] =	ssyncadd.s32 $0xFFFFC000  }
0x2f: {  	[spmem:s11] =	stream.linear.scatter [tilespmem:s21], [sflag:$0x3], $0x3C00, $0x38;
	[tilespmem:$0x17D00] =	vst v63  }
0x30: {  	_ =	swait.ge [sflag:s22], $0x3C00  }
0x31: {  	[sflag:s22] =	ssyncset.done $0x0  }
0x32: {  	[sflag:s22] =	ssyncadd.s32 $0xFFFFC400  }
0x33: {  	[tilespmem:s21], [sflag:$0x3] =	stream.linear.gather [hbm4b:s4+s2], $0x4000, $0x38;
	[tilespmem:$0x17D00] =	vst v63  }
0x34: {  	_ =	swait.ge [sflag:s22], $0x4000  }
0x35: {  	[sflag:s22] =	ssyncset.done $0x0  }
0x36: {  	[sflag:s22] =	ssyncadd.s32 $0xFFFFC000  }
0x37: {  	[bflag:$0x0] =	sbarrier.arrive $0xFFFF  }
0x38: {  	[tilespmem:s2], [sflag:$0x1] =	stream.linear.gather [hbm4b:s12+s2], $0x80, $0x38;
	[tilespmem:$0x17D00] =	vst v63  }
0x39: {  	_ = 	snop  }
0x3a: {  	[tilespmem:s23], [sflag:$0x2] =	stream.linear.gather [hbm4b:s19+s2], $0x80, $0x38;
	[tilespmem:$0x17D00] =	vst v63  }
0x3b: {  	_ =	swait.ge [sflag:s24], $0x80  }
0x3c: {  	[sflag:s24] =	ssyncset.done $0x0  }
0x3d: {  	[sflag:s24] =	ssyncadd.s32 $0xFFFFFF80  }
0x3e: {  	[spmem:s1] =	stream.indirect.scatter.add.f32 [tilespmem:s21], [sflag:$0x4], $0x80, s2, s23, $0xb8;
	[tilespmem:$0x17D00] =	vst v63  }
0x3f: {  	_ =	swait.ge [sflag:s25], $0x4000  }
0x40: {  	p1 =	sle.u32 s10, $0x2;
	[sflag:s25] =	ssyncset.done $0x0  }
0x41: {  	s29 =	simm.s32 @!p1 $0x0;
	[sflag:s25] =	ssyncadd.s32 $0xFFFFC000  }
0x42: {  	[tilespmem:s29], [sflag:$0x1] =	stream.linear.gather @!p1 [hbm4b:s20+s29], $0x80, $0x38;
	[tilespmem:$0x17D00] =	vst v63  }
0x43: {  	_ =	swait.ge [sflag:s26], $0x80  }
0x44: {  	[sflag:s26] =	ssyncset.done $0x0  }
0x45: {  	[sflag:s26] =	ssyncadd.s32 $0xFFFFFF80  }
0x46: {  	[spmem:s1] =	stream.indirect.scatter.add.f32 [tilespmem:s21], [sflag:$0x3], $0x80, s23, s23, $0xb8;
	[tilespmem:$0x17D00] =	vst v63  }
0x47: {  	s30 =	sadd.s32 $0x20, s20;
	_ =	swait.ge [sflag:s22], $0x4000  }
0x48: {  	s31 =	smov.u32 s19;
	s29 =	simm.s32 $0x4;
	[sflag:s22] =	ssyncset.done $0x0  }
.LBB2_2:
0x49: {  	[sflag:s22] =	ssyncadd.s32 $0xFFFFC000  }
0x4a: {  	s31 =	sadd.s32 $0x20, s31;
	s0 =	smov.u32 s29;
	s29 =	sadd.s32 $0x2, s29  }
0x4b: {  	[tilespmem:s23], [sflag:$0x2] =	stream.linear.gather [hbm4b:s31+s2], $0x80, $0x38;
	[tilespmem:$0x17D00] =	vst v63  }
0x4c: {  	p1 =	sne.s32 s29, $0x50;
	_ =	swait.ge [sflag:s24], $0x80  }
0x4d: {  	[sflag:s24] =	ssyncset.done $0x0  }
0x4e: {  	[sflag:s24] =	ssyncadd.s32 $0xFFFFFF80  }
0x4f: {  	[spmem:s1] =	stream.indirect.scatter.add.f32 [tilespmem:s21], [sflag:$0x4], $0x80, s2, s23, $0xb8;
	[tilespmem:$0x17D00] =	vst v63  }
0x50: {  	_ =	swait.ge [sflag:s25], $0x4000  }
0x51: {  	p2 =	sge.u32 s0, s10;
	[sflag:s25] =	ssyncset.done $0x0  }
0x52: {  	s0 =	simm.s32 @!p2 $0x0;
	[sflag:s25] =	ssyncadd.s32 $0xFFFFC000  }
0x53: {  	[tilespmem:s0], [sflag:$0x1] =	stream.linear.gather @!p2 [hbm4b:s30+s0], $0x80, $0x38;
	[tilespmem:$0x17D00] =	vst v63  }
0x54: {  	_ =	swait.ge [sflag:s26], $0x80  }
.Ltmp0:
0x55: {  	[sflag:s26] =	ssyncset.done $0x0;
	(pc) =	sbr.rel @p1 .LBB2_2-.Ltmp0, $4  }
0x56: {  	[sflag:s26] =	ssyncadd.s32 $0xFFFFFF80  }
0x57: {  	[spmem:s1] =	stream.indirect.scatter.add.f32 [tilespmem:s21], [sflag:$0x3], $0x80, s23, s23, $0xb8;
	[tilespmem:$0x17D00] =	vst v63  }
0x58: {  	_ =	swait.ge [sflag:s22], $0x4000  }
0x59: {  	s30 =	sadd.s32 $0x20, s30;
	[sflag:s22] =	ssyncset.done $0x0  }
0x5a: {  	[sflag:s22] =	ssyncadd.s32 $0xFFFFC000;
	s0 =	simm.s32 @!p0 $0x1  }
0x5b: {  	_ =	swait.ge @!p0 [sflag:s0], $0x80  }
0x5c: {  	s29 =	simm.s32 @!p0 $0x0;
	[sflag:s0] =	ssyncset.done @!p0 $0x0  }
0x5d: {  	s30 =	simm.s32 @!p0 $0x100;
	[sflag:s0] =	ssyncadd.s32 @!p0 $0xFFFFFF80;
	s0 =	simm.s32 @!p0 $0x80  }
0x5e: {  	[spmem:s1] =	stream.indirect.scatter.add.f32 @!p0 [tilespmem:s30], [sflag:$0x4], $0x80, s29, s0, $0xb8;
	[tilespmem:$0x17D00] =	vst v63  }
0x5f: {  	s0 =	simm.s32 @!p0 $0x4  }
0x60: {  	_ =	swait.ge @!p0 [sflag:s0], $0x4000  }
0x61: {  	[sflag:s0] =	ssyncset.done @!p0 $0x0  }
0x62: {  	[sflag:s0] =	ssyncadd.s32 @!p0 $0xFFFFC000  }
0x63: {  	[bflag:$0x0] =	sbarrier.arrive $0xFFFF  }
0x64: {  	[tilespmem:s21], [sflag:$0x3] =	stream.linear.gather [spmem:s6], $0x4000, $0x38;
	[tilespmem:$0x17D00] =	vst v63  }
0x65: {  	_ =	swait.ge [sflag:s22], $0x4000  }
0x66: {  	[sflag:s22] =	ssyncset.done $0x0  }
0x67: {  	[sflag:s22] =	ssyncadd.s32 $0xFFFFC000  }
0x68: {  	[hbm4b:s13+s2] =	stream.linear.scatter [tilespmem:s21], [sflag:$0x3], $0x4000, $0x38;
	[tilespmem:$0x17D00] =	vst v63  }
0x69: {  	_ =	swait.ge [sflag:s22], $0x4000  }
0x6a: {  	[sflag:s22] =	ssyncset.done $0x0  }
0x6b: {  	[sflag:s22] =	ssyncadd.s32 $0xFFFFC000  }
0x6c: {  	[tilespmem:s21], [sflag:$0x3] =	stream.linear.gather [spmem:s7], $0x4000, $0x38;
	[tilespmem:$0x17D00] =	vst v63  }
0x6d: {  	_ =	swait.ge [sflag:s22], $0x4000  }
0x6e: {  	[sflag:s22] =	ssyncset.done $0x0  }
0x6f: {  	[sflag:s22] =	ssyncadd.s32 $0xFFFFC000  }
0x70: {  	[hbm4b:s14+s2] =	stream.linear.scatter [tilespmem:s21], [sflag:$0x3], $0x4000, $0x38;
	[tilespmem:$0x17D00] =	vst v63  }
0x71: {  	_ =	swait.ge [sflag:s22], $0x4000  }
0x72: {  	[sflag:s22] =	ssyncset.done $0x0  }
0x73: {  	[sflag:s22] =	ssyncadd.s32 $0xFFFFC000  }
0x74: {  	[tilespmem:s21], [sflag:$0x3] =	stream.linear.gather [spmem:s8], $0x4000, $0x38;
	[tilespmem:$0x17D00] =	vst v63  }
0x75: {  	_ =	swait.ge [sflag:s22], $0x4000  }
0x76: {  	[sflag:s22] =	ssyncset.done $0x0  }
0x77: {  	[sflag:s22] =	ssyncadd.s32 $0xFFFFC000  }
0x78: {  	[hbm4b:s15+s2] =	stream.linear.scatter [tilespmem:s21], [sflag:$0x3], $0x4000, $0x38;
	[tilespmem:$0x17D00] =	vst v63  }
0x79: {  	_ =	swait.ge [sflag:s22], $0x4000  }
0x7a: {  	[sflag:s22] =	ssyncset.done $0x0  }
0x7b: {  	[sflag:s22] =	ssyncadd.s32 $0xFFFFC000  }
0x7c: {  	[tilespmem:s21], [sflag:$0x3] =	stream.linear.gather [spmem:s9], $0x4000, $0x38;
	[tilespmem:$0x17D00] =	vst v63  }
0x7d: {  	_ =	swait.ge [sflag:s22], $0x4000  }
0x7e: {  	[sflag:s22] =	ssyncset.done $0x0  }
0x7f: {  	[sflag:s22] =	ssyncadd.s32 $0xFFFFC000  }
0x80: {  	[hbm4b:s16+s2] =	stream.linear.scatter [tilespmem:s21], [sflag:$0x3], $0x4000, $0x38;
	[tilespmem:$0x17D00] =	vst v63  }
0x81: {  	_ =	swait.ge [sflag:s22], $0x4000  }
0x82: {  	[sflag:s22] =	ssyncset.done $0x0  }
0x83: {  	[sflag:s22] =	ssyncadd.s32 $0xFFFFC000  }
0x84: {  	[tilespmem:s21], [sflag:$0x3] =	stream.linear.gather [spmem:s11], $0x3C00, $0x38;
	[tilespmem:$0x17D00] =	vst v63  }
0x85: {  	s28 =	sadd.s32 $0x1, s28;
	_ =	swait.ge [sflag:s22], $0x3C00  }
0x86: {  	p1 =	sne.s32 s28, s18;
	[sflag:s22] =	ssyncset.done $0x0  }
.Ltmp1:
0x87: {  	[sflag:s22] =	ssyncadd.s32 $0xFFFFC400;
	(pc) =	sbr.rel @p1 .LBB2_1-.Ltmp1, $4  }
0x88: {  	[hbm4b:s17+s2] =	stream.linear.scatter [tilespmem:s21], [sflag:$0x3], $0x3C00, $0x38;
	[tilespmem:$0x17D00] =	vst v63  }
0x89: {  	_ =	swait.ge [sflag:s22], $0x3C00  }
0x8a: {  	[sflag:s22] =	ssyncset.done $0x0  }
0x8b: {  	[sflag:s22] =	ssyncadd.s32 $0xFFFFC400  }
0x8c: {  	_ =	sfence.sel $0x180000  }
0x8d: {  	[bflag:$0x0] =	sbarrier.arrive $0xFFFF  }
0x8e: {  	_ =	strace $0x9000004A  }
0x8f: {  	[bflag:$0x2] =	sbarrier.arrive $0xFFFF  }
0x90: {  	p0 =	sne.s32 s3, $0x0;
	s0 =	rddreg [dreg:$0x2]  }
0x91: {  	s0 =	sadd.s32 @!p0 $0x100000, s0  }
0x92: {  	[sflag:s0] =	ssyncadd.tile.s32 @!p0 $0x1;
	_ =	shalt  }
.Lfunc_end2:
_tile_overlayer_lowered:
.L_overlay_start_2:
0x93: {  	(tag) =	ssettag $0x2  }
0x94: {  	s0 =	rddreg [dreg:$0x0];
	s2 =	stileid.u32  }
0x95: {  	s1 =	rddreg [dreg:$0x1];
	p0 =	sne.s32 s2, $0x0  }
0x96: {  	s3 =	rddreg [dreg:$0x2];
	[bflag:$0x3] =	sbarrier.arrive $0xFFFF;
	s2 =	simm.s32 @!p0 $0x1C03  }
0x97: {  	[timem:s3], [sflag:s2] =	dma.local @!p0 [hbm:s0], s1  }
0x98: {  	s0 =	simm.s32 @!p0 $0x3  }
0x99: {  	_ =	swait.ge @!p0 [sflag:s0], s1  }
0x9a: {  	s1 =	ssub.s32 @!p0 $0x0, s1;
	[sflag:s0] =	ssyncset.done @!p0 $0x0  }
0x9b: {  	[sflag:s0] =	ssyncadd.s32 @!p0 s1  }
0x9c: {  	[bflag:$0x3] =	sbarrier.arrive $0xFFFF  }
0x9d: {  	_ =	shalt  }

</sc_bundles>
